<compile_context>
chip_gen: v7x
topology: tpu7x:2x2x1
jax: 0.10.2.dev20260603
libtpu: 0.0.44.dev20260713+nightly
codegen_flags: <defaults>
</compile_context>

<pallas_src>
import functools

import jax
import jax.numpy as jnp
from jax import lax
from jax.experimental import pallas as pl
from jax.experimental.pallas import tpu as pltpu
from jax.experimental.pallas import tpu_sc as plsc

NSAMPLE = 32
LEAKY_RATE = 0.1
NB = 512
GRP = 8
NW = 32
INTMAX = 2**31 - 1
FMAX = 3.4028235e38


def _knn_kernel(xyz8_ref, pts_ref, w_ref, idx_ref, g_ref, *, n):
    i = pl.program_id(1)
    xcc = xyz8_ref[0, :, pl.ds(i * NB, NB)]
    xc = jnp.transpose(xcc)

    feat = jnp.concatenate([xcc[:3], pts_ref[0]], axis=0)
    gcols = jnp.dot(w_ref[...], feat, preferred_element_type=jnp.float32)
    g_ref[0] = jnp.transpose(gcols)

    sqc = jnp.sum(xc * xc, axis=1, keepdims=True)

    w = n // 8
    ks = []
    for j in range(8):
        xfj = xyz8_ref[0, :, pl.ds(j * w, w)]
        sqfj = jnp.sum(xfj * xfj, axis=0, keepdims=True)
        dj = sqc + sqfj - 2.0 * jnp.dot(xc, xfj,
                                        preferred_element_type=jnp.float32)
        d0j = jnp.maximum(dj, 0.0)
        iotaj = lax.broadcasted_iota(jnp.int32, (NB, w), 1) + jnp.int32(j * w)
        ks.append(lax.bitcast_convert_type(
            ((lax.bitcast_convert_type(d0j, jnp.int32) & jnp.int32(~4095))
             | iotaj) + jnp.int32(0x10000000),
            jnp.float32))

    mn, mx = jnp.minimum, jnp.maximum

    def merge22(p, q):
        c1 = mn(p[0], q[0])
        x = mx(p[0], q[0])
        y = mn(p[1], q[1])
        return c1, mn(x, y), mx(x, y)

    def merge33(p, q):
        c1 = mn(p[0], q[0])
        t1 = mx(p[0], q[0])
        u = mn(p[1], q[1])
        c2 = mn(t1, u)
        w1 = mx(t1, u)
        v = mx(p[1], q[1])
        w2 = mn(v, mn(p[2], q[2]))
        return c1, c2, mn(w1, w2)

    s2 = [(mn(ks[2 * j], ks[2 * j + 1]), mx(ks[2 * j], ks[2 * j + 1]))
          for j in range(4)]
    pool = jnp.concatenate(
        merge33(merge22(s2[0], s2[1]), merge22(s2[2], s2[3])), axis=1)

    w2 = pool.shape[1] // 6
    ps = [pool[:, j * w2:(j + 1) * w2] for j in range(6)]
    t2 = [(mn(ps[2 * j], ps[2 * j + 1]), mx(ps[2 * j], ps[2 * j + 1]))
          for j in range(3)]
    s3b = (t2[2][0], t2[2][1], jnp.full((NB, w2), FMAX, jnp.float32))
    pool = jnp.concatenate(merge33(merge22(t2[0], t2[1]), s3b), axis=1)

    w3 = pool.shape[1] // 6
    ps = [pool[:, j * w3:(j + 1) * w3] for j in range(6)]
    t3 = [(mn(ps[2 * j], ps[2 * j + 1]), mx(ps[2 * j], ps[2 * j + 1]))
          for j in range(3)]
    (a1, a2), (b1, b2) = t3[0], t3[1]
    t = mx(a1, b1)
    u = mn(a2, b2)
    s4 = (mn(a1, b1), mn(t, u), mx(t, u), mx(a2, b2))
    (a1, a2, a3, a4), (b1, b2) = s4, t3[2]
    pool = jnp.concatenate([
        mn(a1, b1),
        mn(mx(a1, b1), mn(a2, b2)),
        mn(a3, mn(mx(a2, b1), mx(a1, b2))),
        mn(a4, mn(mx(a3, b1), mx(a2, b2))),
    ], axis=1)

    ms = []
    for it in range(NSAMPLE):
        m = jnp.min(pool, axis=1, keepdims=True)
        if it + 1 < NSAMPLE:
            pool = jnp.where(pool == m, jnp.float32(FMAX), pool)
        ms.append(m)
    idx = lax.bitcast_convert_type(
        jnp.concatenate(ms, axis=1), jnp.int32) & jnp.int32(4095)
    idx_ref[0] = idx + pl.program_id(0) * n


def _sc_gmax(g_hbm, idx_hbm, out_hbm, idx_v, rows0, rows1, ostage, sem0, sem1,
             *, cpw, ngrp):
    k = NSAMPLE
    wid = lax.axis_index("s") * 2 + lax.axis_index("c")
    base_c = wid * cpw
    pltpu.sync_copy(idx_hbm.at[pl.ds(base_c * k, cpw * k)], idx_v)

    def fire(g, rows, sem):
        pltpu.async_copy(
            g_hbm.at[idx_v.at[pl.ds(g * (GRP * k), GRP * k)]], rows, sem)

    def wait(g, rows, sem):
        pltpu.make_async_copy(
            g_hbm.at[idx_v.at[pl.ds(g * (GRP * k), GRP * k)]], rows, sem).wait()

    def process(g, rows):
        for c8 in range(GRP):
            def rbody(j, accs, c8=c8):
                r = c8 * k + j
                return tuple(
                    jnp.maximum(accs[c], rows[r, pl.ds(c * 16, 16)])
                    for c in range(8))
            accs = tuple(rows[c8 * k, pl.ds(c * 16, 16)] for c in range(8))
            accs = lax.fori_loop(1, k, rbody, accs)
            for c in range(8):
                ostage[c8, pl.ds(c * 16, 16)] = accs[c]
        pltpu.sync_copy(ostage, out_hbm.at[pl.ds(base_c + g * GRP, GRP)])

    fire(0, rows0, sem0)

    def body(i2, carry):
        g0 = 2 * i2
        fire(g0 + 1, rows1, sem1)
        wait(g0, rows0, sem0)
        process(g0, rows0)

        @pl.when(g0 + 2 < ngrp)
        def _():
            fire(g0 + 2, rows0, sem0)

        wait(g0 + 1, rows1, sem1)
        process(g0 + 1, rows1)
        return carry

    lax.fori_loop(0, ngrp // 2, body, 0)


def _epi_kernel(maxf_ref, xyz8_ref, w38_ref, b_ref, out_ref):
    mft = jnp.transpose(maxf_ref[0])
    c = jnp.dot(w38_ref[...], xyz8_ref[0], preferred_element_type=jnp.float32)
    res = mft - c + b_ref[...]
    res = jnp.where(res > 0, res, LEAKY_RATE * res)
    out_ref[0] = res


def kernel(xyz, points, W, b):
    B, C, N = xyz.shape
    D = points.shape[1]
    OC = W.shape[0]
    BN = B * N
    f32 = jnp.float32

    xyz8 = jnp.concatenate([xyz, jnp.zeros((B, 5, N), f32)], axis=1)
    W38 = jnp.concatenate([W[:, :3], jnp.zeros((OC, 5), f32)], axis=1)
    b_col = b[:, None]

    idx, g_rows = pl.pallas_call(
        functools.partial(_knn_kernel, n=N),
        grid=(B, N // NB),
        in_specs=[
            pl.BlockSpec((1, 8, N), lambda bi, i: (bi, 0, 0)),
            pl.BlockSpec((1, D, NB), lambda bi, i: (bi, 0, i)),
            pl.BlockSpec((OC, C + D), lambda bi, i: (0, 0)),
        ],
        out_specs=[
            pl.BlockSpec((1, NB, NSAMPLE), lambda bi, i: (bi, i, 0)),
            pl.BlockSpec((1, NB, OC), lambda bi, i: (bi, i, 0)),
        ],
        out_shape=[
            jax.ShapeDtypeStruct((B, N, NSAMPLE), jnp.int32),
            jax.ShapeDtypeStruct((B, N, OC), f32),
        ],
    )(xyz8, points, W)

    g2 = jnp.reshape(g_rows, (BN, OC))
    idxflat = jnp.reshape(idx, (BN * NSAMPLE,))

    cpw = BN // NW
    ngrp = cpw // GRP
    mesh = plsc.VectorSubcoreMesh(core_axis_name="c", subcore_axis_name="s")
    maxf = pl.kernel(
        functools.partial(_sc_gmax, cpw=cpw, ngrp=ngrp),
        out_type=jax.ShapeDtypeStruct((BN, OC), f32),
        mesh=mesh,
        scratch_types=[
            pltpu.VMEM((cpw * NSAMPLE,), jnp.int32),
            pltpu.VMEM((GRP * NSAMPLE, OC), f32),
            pltpu.VMEM((GRP * NSAMPLE, OC), f32),
            pltpu.VMEM((GRP, OC), f32),
            pltpu.SemaphoreType.DMA,
            pltpu.SemaphoreType.DMA,
        ],
    )(g2, idxflat)

    out = pl.pallas_call(
        _epi_kernel,
        grid=(B, N // 512),
        in_specs=[
            pl.BlockSpec((1, 512, OC), lambda bi, i: (bi, i, 0)),
            pl.BlockSpec((1, 8, 512), lambda bi, i: (bi, 0, i)),
            pl.BlockSpec((OC, 8), lambda bi, i: (0, 0)),
            pl.BlockSpec((OC, 1), lambda bi, i: (0, 0)),
        ],
        out_specs=pl.BlockSpec((1, OC, 512), lambda bi, i: (bi, 0, i)),
        out_shape=jax.ShapeDtypeStruct((B, OC, N), f32),
    )(jnp.reshape(maxf, (B, N, OC)), xyz8, W38, b_col)
    return out

# --- scband reference (transcript-rebuilt; emitter-appended) ---
"""Pipeline reference for scband-point-conv2-9354438770940 (READ-ONLY COPY).

The authoritative reference and input builder live on the scoring server;
editing this copy changes nothing except your own understanding.
"""

import jax, jax.numpy as jnp
import numpy as np

NSAMPLE = 32
LEAKY_RATE = 0.1

def knn_idx(xyz_t, k):
    # xyz_t: [B, N, 3] -> idx [B, N, k] of k nearest neighbors (including self)
    sq = jnp.sum(xyz_t * xyz_t, axis=-1)  # [B, N]
    dist = sq[:, :, None] + sq[:, None, :] - 2.0 * jnp.einsum('bnc,bmc->bnm', xyz_t, xyz_t)
    _, idx = jax.lax.top_k(-dist, k)
    return idx

def group(feat, idx):
    # feat: [B, C, N], idx: [B, N, K] -> [B, C, N, K]
    return jax.vmap(lambda f, i: f[:, i])(feat, idx)

def setup_inputs(seed: int = 0) -> dict:
    key = jax.random.key(seed)
    k1, k2, k3, k4 = jax.random.split(key, 4)
    B, N = 4, 4096
    C, D = 3, 61
    in_ch, out_ch = C + D, 128
    xyz = jax.random.normal(k1, (B, C, N), dtype=jnp.float32)
    points = jax.random.normal(k2, (B, D, N), dtype=jnp.float32)
    W = jax.random.normal(k3, (out_ch, in_ch), dtype=jnp.float32) * 0.05
    b = jax.random.normal(k4, (out_ch,), dtype=jnp.float32) * 0.05
    return {"xyz": xyz, "points": points, "W": W, "b": b}

def reference(xyz, points, W, b):
    B, C, N = xyz.shape
    xyz_t = jnp.transpose(xyz, (0, 2, 1))  # [B, N, 3]
    idx = knn_idx(xyz_t, NSAMPLE)  # [B, N, K]
    grouped_xyz = group(xyz, idx)  # [B, 3, N, K]
    grouped_points = group(points, idx)  # [B, D, N, K]
    grouped_xyz_norm = grouped_xyz - xyz[:, :, :, None]
    new_points = jnp.concatenate([grouped_xyz_norm, grouped_points], axis=1)  # [B, C+D, N, K]
    # 1x1 Conv2d: [out_ch, in_ch] applied over channel dim
    new_points = jnp.einsum('oc,bcnk->bonk', W, new_points) + b[None, :, None, None]
    new_points = jnp.where(new_points > 0, new_points, LEAKY_RATE * new_points)
    new_points = jnp.max(new_points, axis=-1)  # [B, out_ch, N]
    return new_points

if __name__ == "__main__":
    import jax
    _d = setup_inputs()
    print(jax.jit(kernel)(*tuple(_d.values())))

</pallas_src>

<mosaic_0001>
#map = affine_map<(d0, d1) -> (0, 0)>
#map1 = affine_map<(d0, d1) -> (0)>
module attributes {stable_mosaic.version = 14 : i64} {
  func.func @_sc_gmax(%arg0: i32, %arg1: i32, %arg2: memref<16384x128xf32, #tpu.memory_space<hbm>>, %arg3: memref<524288xi32, #tpu.memory_space<hbm>>, %arg4: memref<16384x128xf32, #tpu.memory_space<hbm>>, %arg5: memref<16384xi32, #tpu.memory_space<vmem>>, %arg6: memref<256x128xf32, #tpu.memory_space<vmem>>, %arg7: memref<256x128xf32, #tpu.memory_space<vmem>>, %arg8: memref<8x128xf32, #tpu.memory_space<vmem>>, %arg9: memref<!tpu.dma_semaphore, #tpu.memory_space<semaphore_mem>>, %arg10: memref<!tpu.dma_semaphore, #tpu.memory_space<semaphore_mem>>) attributes {dimension_semantics = [#tpu.dimension_semantics<core_parallel>, #tpu.dimension_semantics<subcore_parallel>], iteration_bounds = array<i64: 2, 16>, scalar_prefetch = 0 : i64, scratch_operands = 6 : i64, tpu.core_type = #tpu.core_type<sc_vector_subcore>, window_params = [{transform_indices = #map}, {transform_indices = #map1}, {transform_indices = #map}]} {
    %mul3A = arith.constant 2 : i32
    %mul3A_0 = arith.muli %arg1, %mul3A : i32
    %add3A = arith.addi %mul3A_0, %arg0 : i32
    %mul3A_1 = arith.constant 512 : i32
    %mul3A_2 = arith.muli %add3A, %mul3A_1 : i32
    %mul3A_3 = arith.constant 32 : i32
    %mul3A_4 = arith.muli %mul3A_2, %mul3A_3 : i32
    "tpu.region"() ({
      %run_scoped3A = tpu.sem_alloc : memref<!tpu.dma_semaphore, #tpu.memory_space<semaphore_mem>>
      %dma_start3A_14 = tpu.memref_slice %arg3[%mul3A_4] : memref<524288xi32, #tpu.memory_space<hbm>> -> memref<16384xi32, #tpu.memory_space<hbm>>
      %dma_start3A_15 = tpu.memref_slice %arg3[%mul3A_4] : memref<524288xi32, #tpu.memory_space<hbm>> -> memref<16384xi32, #tpu.memory_space<hbm>>
      tpu.enqueue_dma source(%dma_start3A_15 : memref<16384xi32, #tpu.memory_space<hbm>>) target(%arg5 : memref<16384xi32, #tpu.memory_space<vmem>>) target_semaphore(%run_scoped3A : memref<!tpu.dma_semaphore, #tpu.memory_space<semaphore_mem>>)
      %dma_wait3A = tpu.memref_slice %arg3[%mul3A_4] : memref<524288xi32, #tpu.memory_space<hbm>> -> memref<16384xi32, #tpu.memory_space<hbm>>
      %dma_wait3A_16 = tpu.memref_slice %arg3[%mul3A_4] : memref<524288xi32, #tpu.memory_space<hbm>> -> memref<16384xi32, #tpu.memory_space<hbm>>
      tpu.wait_dma2 semaphore(%run_scoped3A : memref<!tpu.dma_semaphore, #tpu.memory_space<semaphore_mem>>) src(%dma_wait3A_16 : memref<16384xi32, #tpu.memory_space<hbm>>) dst(%arg5 : memref<16384xi32, #tpu.memory_space<vmem>>)
      tpu.yield
    }) : () -> ()
    %dma_start3A = arith.constant 0 : i32
    %dma_start3A_5 = tpu.memref_slice %arg5[%dma_start3A] : memref<16384xi32, #tpu.memory_space<vmem>> -> memref<256xi32, #tpu.memory_space<vmem>>
    %dma_start3A_6 = arith.constant 0 : i32
    %dma_start3A_7 = arith.constant 0 : i32
    %dma_start3A_8 = tpu.memref_slice %arg2[%dma_start3A_6, %dma_start3A_7] : memref<16384x128xf32, #tpu.memory_space<hbm>> -> memref<16384x128xf32, #tpu.memory_space<hbm>>
    tpu.enqueue_indirect_dma source(%dma_start3A_8 : memref<16384x128xf32, #tpu.memory_space<hbm>>) target(%arg6 : memref<256x128xf32, #tpu.memory_space<vmem>>) offsets(%dma_start3A_5 : memref<256xi32, #tpu.memory_space<vmem>>) semaphore(%arg9 : memref<!tpu.dma_semaphore, #tpu.memory_space<semaphore_mem>>)
    %scan3A = arith.constant 0 : i32
    %scan3A_9 = arith.constant 0 : i32
    %scan3A_10 = arith.constant 32 : i32
    %scan3A_11 = arith.addi %scan3A_9, %scan3A_10 : i32
    %scan3A_12 = arith.constant 1 : i32
    scf.for %scan3A_14 = %scan3A_9 to %scan3A_11 step %scan3A_12  : i32 {
      %mul3A_15 = arith.constant 2 : i32
      %mul3A_16 = arith.muli %mul3A_15, %scan3A_14 : i32
      %add3A_17 = arith.constant 1 : i32
      %add3A_18 = arith.addi %mul3A_16, %add3A_17 : i32
      %mul3A_19 = arith.constant 256 : i32
      %mul3A_20 = arith.muli %add3A_18, %mul3A_19 : i32
      %dma_start3A_21 = tpu.memref_slice %arg5[%mul3A_20] : memref<16384xi32, #tpu.memory_space<vmem>> -> memref<256xi32, #tpu.memory_space<vmem>>
      %dma_start3A_22 = arith.constant 0 : i32
      %dma_start3A_23 = arith.constant 0 : i32
      %dma_start3A_24 = tpu.memref_slice %arg2[%dma_start3A_22, %dma_start3A_23] : memref<16384x128xf32, #tpu.memory_space<hbm>> -> memref<16384x128xf32, #tpu.memory_space<hbm>>
      tpu.enqueue_indirect_dma source(%dma_start3A_24 : memref<16384x128xf32, #tpu.memory_space<hbm>>) target(%arg7 : memref<256x128xf32, #tpu.memory_space<vmem>>) offsets(%dma_start3A_21 : memref<256xi32, #tpu.memory_space<vmem>>) semaphore(%arg10 : memref<!tpu.dma_semaphore, #tpu.memory_space<semaphore_mem>>)
      %mul3A_25 = arith.constant 256 : i32
      %mul3A_26 = arith.muli %mul3A_16, %mul3A_25 : i32
      %dma_wait3A = tpu.memref_slice %arg5[%mul3A_26] : memref<16384xi32, #tpu.memory_space<vmem>> -> memref<256xi32, #tpu.memory_space<vmem>>
      %dma_wait3A_27 = arith.constant 0 : i32
      %dma_wait3A_28 = arith.constant 0 : i32
      %dma_wait3A_29 = tpu.memref_slice %arg2[%dma_wait3A_27, %dma_wait3A_28] : memref<16384x128xf32, #tpu.memory_space<hbm>> -> memref<16384x128xf32, #tpu.memory_space<hbm>>
      tpu.wait_indirect_dma semaphore(%arg9 : memref<!tpu.dma_semaphore, #tpu.memory_space<semaphore_mem>>) src(%dma_wait3A_29 : memref<16384x128xf32, #tpu.memory_space<hbm>>) dst(%arg6 : memref<256x128xf32, #tpu.memory_space<vmem>>)
      %get3A = arith.constant 0 : i32
      %get3A_30 = arith.index_cast %get3A : i32 to index
      %get3A_31 = arith.constant 0 : index
      %get3A_32 = tpu.vector_load %arg6[%get3A_30, %get3A_31] {strides = array<i32>} : memref<256x128xf32, #tpu.memory_space<vmem>>, vector<1x16xf32>,
      %get3A_33 = vector.shape_cast %get3A_32 : vector<1x16xf32> to vector<16xf32>
      %get3A_34 = arith.constant 0 : i32
      %get3A_35 = arith.index_cast %get3A_34 : i32 to index
      %get3A_36 = arith.constant 16 : index
      %get3A_37 = tpu.vector_load %arg6[%get3A_35, %get3A_36] {strides = array<i32>} : memref<256x128xf32, #tpu.memory_space<vmem>>, vector<1x16xf32>,
      %get3A_38 = vector.shape_cast %get3A_37 : vector<1x16xf32> to vector<16xf32>
      %get3A_39 = arith.constant 0 : i32
      %get3A_40 = arith.index_cast %get3A_39 : i32 to index
      %get3A_41 = arith.constant 32 : index
      %get3A_42 = tpu.vector_load %arg6[%get3A_40, %get3A_41] {strides = array<i32>} : memref<256x128xf32, #tpu.memory_space<vmem>>, vector<1x16xf32>,
      %get3A_43 = vector.shape_cast %get3A_42 : vector<1x16xf32> to vector<16xf32>
      %get3A_44 = arith.constant 0 : i32
      %get3A_45 = arith.index_cast %get3A_44 : i32 to index
      %get3A_46 = arith.constant 48 : index
      %get3A_47 = tpu.vector_load %arg6[%get3A_45, %get3A_46] {strides = array<i32>} : memref<256x128xf32, #tpu.memory_space<vmem>>, vector<1x16xf32>,
      %get3A_48 = vector.shape_cast %get3A_47 : vector<1x16xf32> to vector<16xf32>
      %get3A_49 = arith.constant 0 : i32
      %get3A_50 = arith.index_cast %get3A_49 : i32 to index
      %get3A_51 = arith.constant 64 : index
      %get3A_52 = tpu.vector_load %arg6[%get3A_50, %get3A_51] {strides = array<i32>} : memref<256x128xf32, #tpu.memory_space<vmem>>, vector<1x16xf32>,
      %get3A_53 = vector.shape_cast %get3A_52 : vector<1x16xf32> to vector<16xf32>
      %get3A_54 = arith.constant 0 : i32
      %get3A_55 = arith.index_cast %get3A_54 : i32 to index
      %get3A_56 = arith.constant 80 : index
      %get3A_57 = tpu.vector_load %arg6[%get3A_55, %get3A_56] {strides = array<i32>} : memref<256x128xf32, #tpu.memory_space<vmem>>, vector<1x16xf32>,
      %get3A_58 = vector.shape_cast %get3A_57 : vector<1x16xf32> to vector<16xf32>
      %get3A_59 = arith.constant 0 : i32
      %get3A_60 = arith.index_cast %get3A_59 : i32 to index
      %get3A_61 = arith.constant 96 : index
      %get3A_62 = tpu.vector_load %arg6[%get3A_60, %get3A_61] {strides = array<i32>} : memref<256x128xf32, #tpu.memory_space<vmem>>, vector<1x16xf32>,
      %get3A_63 = vector.shape_cast %get3A_62 : vector<1x16xf32> to vector<16xf32>
      %get3A_64 = arith.constant 0 : i32
      %get3A_65 = arith.index_cast %get3A_64 : i32 to index
      %get3A_66 = arith.constant 112 : index
      %get3A_67 = tpu.vector_load %arg6[%get3A_65, %get3A_66] {strides = array<i32>} : memref<256x128xf32, #tpu.memory_space<vmem>>, vector<1x16xf32>,
      %get3A_68 = vector.shape_cast %get3A_67 : vector<1x16xf32> to vector<16xf32>
      %scan3A_69 = arith.constant 1 : i32
      %scan3A_70 = arith.constant 31 : i32
      %scan3A_71 = arith.addi %scan3A_69, %scan3A_70 : i32
      %scan3A_72 = arith.constant 1 : i32
      %scan3A_73:8 = scf.for %scan3A_1552 = %scan3A_69 to %scan3A_71 step %scan3A_72 iter_args(%scan3A_1553 = %get3A_33, %scan3A_1554 = %get3A_38, %scan3A_1555 = %get3A_43, %scan3A_1556 = %get3A_48, %scan3A_1557 = %get3A_53, %scan3A_1558 = %get3A_58, %scan3A_1559 = %get3A_63, %scan3A_1560 = %get3A_68) -> (vector<16xf32>, vector<16xf32>, vector<16xf32>, vector<16xf32>, vector<16xf32>, vector<16xf32>, vector<16xf32>, vector<16xf32>)  : i32 {
        %add3A_1561 = arith.constant 0 : i32
        %add3A_1562 = arith.addi %add3A_1561, %scan3A_1552 : i32
        %get3A_1563 = arith.index_cast %add3A_1562 : i32 to index
        %get3A_1564 = arith.constant 0 : index
        %get3A_1565 = tpu.vector_load %arg6[%get3A_1563, %get3A_1564] {strides = array<i32>} : memref<256x128xf32, #tpu.memory_space<vmem>>, vector<1x16xf32>,
        %get3A_1566 = vector.shape_cast %get3A_1565 : vector<1x16xf32> to vector<16xf32>
        %max3A = arith.maximumf %scan3A_1553, %get3A_1566 : vector<16xf32>
        %get3A_1567 = arith.index_cast %add3A_1562 : i32 to index
        %get3A_1568 = arith.constant 16 : index
        %get3A_1569 = tpu.vector_load %arg6[%get3A_1567, %get3A_1568] {strides = array<i32>} : memref<256x128xf32, #tpu.memory_space<vmem>>, vector<1x16xf32>,
        %get3A_1570 = vector.shape_cast %get3A_1569 : vector<1x16xf32> to vector<16xf32>
        %max3A_1571 = arith.maximumf %scan3A_1554, %get3A_1570 : vector<16xf32>
        %get3A_1572 = arith.index_cast %add3A_1562 : i32 to index
        %get3A_1573 = arith.constant 32 : index
        %get3A_1574 = tpu.vector_load %arg6[%get3A_1572, %get3A_1573] {strides = array<i32>} : memref<256x128xf32, #tpu.memory_space<vmem>>, vector<1x16xf32>,
        %get3A_1575 = vector.shape_cast %get3A_1574 : vector<1x16xf32> to vector<16xf32>
        %max3A_1576 = arith.maximumf %scan3A_1555, %get3A_1575 : vector<16xf32>
        %get3A_1577 = arith.index_cast %add3A_1562 : i32 to index
        %get3A_1578 = arith.constant 48 : index
        %get3A_1579 = tpu.vector_load %arg6[%get3A_1577, %get3A_1578] {strides = array<i32>} : memref<256x128xf32, #tpu.memory_space<vmem>>, vector<1x16xf32>,
        %get3A_1580 = vector.shape_cast %get3A_1579 : vector<1x16xf32> to vector<16xf32>
        %max3A_1581 = arith.maximumf %scan3A_1556, %get3A_1580 : vector<16xf32>
        %get3A_1582 = arith.index_cast %add3A_1562 : i32 to index
        %get3A_1583 = arith.constant 64 : index
        %get3A_1584 = tpu.vector_load %arg6[%get3A_1582, %get3A_1583] {strides = array<i32>} : memref<256x128xf32, #tpu.memory_space<vmem>>, vector<1x16xf32>,
        %get3A_1585 = vector.shape_cast %get3A_1584 : vector<1x16xf32> to vector<16xf32>
        %max3A_1586 = arith.maximumf %scan3A_1557, %get3A_1585 : vector<16xf32>
        %get3A_1587 = arith.index_cast %add3A_1562 : i32 to index
        %get3A_1588 = arith.constant 80 : index
        %get3A_1589 = tpu.vector_load %arg6[%get3A_1587, %get3A_1588] {strides = array<i32>} : memref<256x128xf32, #tpu.memory_space<vmem>>, vector<1x16xf32>,
        %get3A_1590 = vector.shape_cast %get3A_1589 : vector<1x16xf32> to vector<16xf32>
        %max3A_1591 = arith.maximumf %scan3A_1558, %get3A_1590 : vector<16xf32>
        %get3A_1592 = arith.index_cast %add3A_1562 : i32 to index
        %get3A_1593 = arith.constant 96 : index
        %get3A_1594 = tpu.vector_load %arg6[%get3A_1592, %get3A_1593] {strides = array<i32>} : memref<256x128xf32, #tpu.memory_space<vmem>>, vector<1x16xf32>,
        %get3A_1595 = vector.shape_cast %get3A_1594 : vector<1x16xf32> to vector<16xf32>
        %max3A_1596 = arith.maximumf %scan3A_1559, %get3A_1595 : vector<16xf32>
        %get3A_1597 = arith.index_cast %add3A_1562 : i32 to index
        %get3A_1598 = arith.constant 112 : index
        %get3A_1599 = tpu.vector_load %arg6[%get3A_1597, %get3A_1598] {strides = array<i32>} : memref<256x128xf32, #tpu.memory_space<vmem>>, vector<1x16xf32>,
        %get3A_1600 = vector.shape_cast %get3A_1599 : vector<1x16xf32> to vector<16xf32>
        %max3A_1601 = arith.maximumf %scan3A_1560, %get3A_1600 : vector<16xf32>
        scf.yield %max3A, %max3A_1571, %max3A_1576, %max3A_1581, %max3A_1586, %max3A_1591, %max3A_1596, %max3A_1601 : vector<16xf32>, vector<16xf32>, vector<16xf32>, vector<16xf32>, vector<16xf32>, vector<16xf32>, vector<16xf32>, vector<16xf32>
      }
      %scan3A_74 = arith.constant 31 : i32
      %swap3A = arith.constant 0 : i32
      %swap3A_75 = arith.index_cast %swap3A : i32 to index
      %swap3A_76 = arith.constant 0 : index
      %swap3A_77 = tpu.vector_load %arg8[%swap3A_75, %swap3A_76] {strides = array<i32>} : memref<8x128xf32, #tpu.memory_space<vmem>>, vector<1x16xf32>,
      %swap3A_78 = vector.shape_cast %swap3A_77 : vector<1x16xf32> to vector<16xf32>
      %swap3A_79 = vector.shape_cast %scan3A_73#0 : vector<16xf32> to vector<1x16xf32>
      tpu.vector_store %arg8[%swap3A_75, %swap3A_76], %swap3A_79 {strides = array<i32>} : memref<8x128xf32, #tpu.memory_space<vmem>>, vector<1x16xf32>,
      %swap3A_80 = arith.constant 0 : i32
      %swap3A_81 = arith.index_cast %swap3A_80 : i32 to index
      %swap3A_82 = arith.constant 16 : index
      %swap3A_83 = tpu.vector_load %arg8[%swap3A_81, %swap3A_82] {strides = array<i32>} : memref<8x128xf32, #tpu.memory_space<vmem>>, vector<1x16xf32>,
      %swap3A_84 = vector.shape_cast %swap3A_83 : vector<1x16xf32> to vector<16xf32>
      %swap3A_85 = vector.shape_cast %scan3A_73#1 : vector<16xf32> to vector<1x16xf32>
      tpu.vector_store %arg8[%swap3A_81, %swap3A_82], %swap3A_85 {strides = array<i32>} : memref<8x128xf32, #tpu.memory_space<vmem>>, vector<1x16xf32>,
      %swap3A_86 = arith.constant 0 : i32
      %swap3A_87 = arith.index_cast %swap3A_86 : i32 to index
      %swap3A_88 = arith.constant 32 : index
      %swap3A_89 = tpu.vector_load %arg8[%swap3A_87, %swap3A_88] {strides = array<i32>} : memref<8x128xf32, #tpu.memory_space<vmem>>, vector<1x16xf32>,
      %swap3A_90 = vector.shape_cast %swap3A_89 : vector<1x16xf32> to vector<16xf32>
      %swap3A_91 = vector.shape_cast %scan3A_73#2 : vector<16xf32> to vector<1x16xf32>
      tpu.vector_store %arg8[%swap3A_87, %swap3A_88], %swap3A_91 {strides = array<i32>} : memref<8x128xf32, #tpu.memory_space<vmem>>, vector<1x16xf32>,
      %swap3A_92 = arith.constant 0 : i32
      %swap3A_93 = arith.index_cast %swap3A_92 : i32 to index
      %swap3A_94 = arith.constant 48 : index
      %swap3A_95 = tpu.vector_load %arg8[%swap3A_93, %swap3A_94] {strides = array<i32>} : memref<8x128xf32, #tpu.memory_space<vmem>>, vector<1x16xf32>,
      %swap3A_96 = vector.shape_cast %swap3A_95 : vector<1x16xf32> to vector<16xf32>
      %swap3A_97 = vector.shape_cast %scan3A_73#3 : vector<16xf32> to vector<1x16xf32>
      tpu.vector_store %arg8[%swap3A_93, %swap3A_94], %swap3A_97 {strides = array<i32>} : memref<8x128xf32, #tpu.memory_space<vmem>>, vector<1x16xf32>,
      %swap3A_98 = arith.constant 0 : i32
      %swap3A_99 = arith.index_cast %swap3A_98 : i32 to index
      %swap3A_100 = arith.constant 64 : index
      %swap3A_101 = tpu.vector_load %arg8[%swap3A_99, %swap3A_100] {strides = array<i32>} : memref<8x128xf32, #tpu.memory_space<vmem>>, vector<1x16xf32>,
      %swap3A_102 = vector.shape_cast %swap3A_101 : vector<1x16xf32> to vector<16xf32>
      %swap3A_103 = vector.shape_cast %scan3A_73#4 : vector<16xf32> to vector<1x16xf32>
      tpu.vector_store %arg8[%swap3A_99, %swap3A_100], %swap3A_103 {strides = array<i32>} : memref<8x128xf32, #tpu.memory_space<vmem>>, vector<1x16xf32>,
      %swap3A_104 = arith.constant 0 : i32
      %swap3A_105 = arith.index_cast %swap3A_104 : i32 to index
      %swap3A_106 = arith.constant 80 : index
      %swap3A_107 = tpu.vector_load %arg8[%swap3A_105, %swap3A_106] {strides = array<i32>} : memref<8x128xf32, #tpu.memory_space<vmem>>, vector<1x16xf32>,
      %swap3A_108 = vector.shape_cast %swap3A_107 : vector<1x16xf32> to vector<16xf32>
      %swap3A_109 = vector.shape_cast %scan3A_73#5 : vector<16xf32> to vector<1x16xf32>
      tpu.vector_store %arg8[%swap3A_105, %swap3A_106], %swap3A_109 {strides = array<i32>} : memref<8x128xf32, #tpu.memory_space<vmem>>, vector<1x16xf32>,
      %swap3A_110 = arith.constant 0 : i32
      %swap3A_111 = arith.index_cast %swap3A_110 : i32 to index
      %swap3A_112 = arith.constant 96 : index
      %swap3A_113 = tpu.vector_load %arg8[%swap3A_111, %swap3A_112] {strides = array<i32>} : memref<8x128xf32, #tpu.memory_space<vmem>>, vector<1x16xf32>,
      %swap3A_114 = vector.shape_cast %swap3A_113 : vector<1x16xf32> to vector<16xf32>
      %swap3A_115 = vector.shape_cast %scan3A_73#6 : vector<16xf32> to vector<1x16xf32>
      tpu.vector_store %arg8[%swap3A_111, %swap3A_112], %swap3A_115 {strides = array<i32>} : memref<8x128xf32, #tpu.memory_space<vmem>>, vector<1x16xf32>,
      %swap3A_116 = arith.constant 0 : i32
      %swap3A_117 = arith.index_cast %swap3A_116 : i32 to index
      %swap3A_118 = arith.constant 112 : index
      %swap3A_119 = tpu.vector_load %arg8[%swap3A_117, %swap3A_118] {strides = array<i32>} : memref<8x128xf32, #tpu.memory_space<vmem>>, vector<1x16xf32>,
      %swap3A_120 = vector.shape_cast %swap3A_119 : vector<1x16xf32> to vector<16xf32>
      %swap3A_121 = vector.shape_cast %scan3A_73#7 : vector<16xf32> to vector<1x16xf32>
      tpu.vector_store %arg8[%swap3A_117, %swap3A_118], %swap3A_121 {strides = array<i32>} : memref<8x128xf32, #tpu.memory_space<vmem>>, vector<1x16xf32>,
      %get3A_122 = arith.constant 32 : i32
      %get3A_123 = arith.index_cast %get3A_122 : i32 to index
      %get3A_124 = arith.constant 0 : index
      %get3A_125 = tpu.vector_load %arg6[%get3A_123, %get3A_124] {strides = array<i32>} : memref<256x128xf32, #tpu.memory_space<vmem>>, vector<1x16xf32>,
      %get3A_126 = vector.shape_cast %get3A_125 : vector<1x16xf32> to vector<16xf32>
      %get3A_127 = arith.constant 32 : i32
      %get3A_128 = arith.index_cast %get3A_127 : i32 to index
      %get3A_129 = arith.constant 16 : index
      %get3A_130 = tpu.vector_load %arg6[%get3A_128, %get3A_129] {strides = array<i32>} : memref<256x128xf32, #tpu.memory_space<vmem>>, vector<1x16xf32>,
      %get3A_131 = vector.shape_cast %get3A_130 : vector<1x16xf32> to vector<16xf32>
      %get3A_132 = arith.constant 32 : i32
      %get3A_133 = arith.index_cast %get3A_132 : i32 to index
      %get3A_134 = arith.constant 32 : index
      %get3A_135 = tpu.vector_load %arg6[%get3A_133, %get3A_134] {strides = array<i32>} : memref<256x128xf32, #tpu.memory_space<vmem>>, vector<1x16xf32>,
      %get3A_136 = vector.shape_cast %get3A_135 : vector<1x16xf32> to vector<16xf32>
      %get3A_137 = arith.constant 32 : i32
      %get3A_138 = arith.index_cast %get3A_137 : i32 to index
      %get3A_139 = arith.constant 48 : index
      %get3A_140 = tpu.vector_load %arg6[%get3A_138, %get3A_139] {strides = array<i32>} : memref<256x128xf32, #tpu.memory_space<vmem>>, vector<1x16xf32>,
      %get3A_141 = vector.shape_cast %get3A_140 : vector<1x16xf32> to vector<16xf32>
      %get3A_142 = arith.constant 32 : i32
      %get3A_143 = arith.index_cast %get3A_142 : i32 to index
      %get3A_144 = arith.constant 64 : index
      %get3A_145 = tpu.vector_load %arg6[%get3A_143, %get3A_144] {strides = array<i32>} : memref<256x128xf32, #tpu.memory_space<vmem>>, vector<1x16xf32>,
      %get3A_146 = vector.shape_cast %get3A_145 : vector<1x16xf32> to vector<16xf32>
      %get3A_147 = arith.constant 32 : i32
      %get3A_148 = arith.index_cast %get3A_147 : i32 to index
      %get3A_149 = arith.constant 80 : index
      %get3A_150 = tpu.vector_load %arg6[%get3A_148, %get3A_149] {strides = array<i32>} : memref<256x128xf32, #tpu.memory_space<vmem>>, vector<1x16xf32>,
      %get3A_151 = vector.shape_cast %get3A_150 : vector<1x16xf32> to vector<16xf32>
      %get3A_152 = arith.constant 32 : i32
      %get3A_153 = arith.index_cast %get3A_152 : i32 to index
      %get3A_154 = arith.constant 96 : index
      %get3A_155 = tpu.vector_load %arg6[%get3A_153, %get3A_154] {strides = array<i32>} : memref<256x128xf32, #tpu.memory_space<vmem>>, vector<1x16xf32>,
      %get3A_156 = vector.shape_cast %get3A_155 : vector<1x16xf32> to vector<16xf32>
      %get3A_157 = arith.constant 32 : i32
      %get3A_158 = arith.index_cast %get3A_157 : i32 to index
      %get3A_159 = arith.constant 112 : index
      %get3A_160 = tpu.vector_load %arg6[%get3A_158, %get3A_159] {strides = array<i32>} : memref<256x128xf32, #tpu.memory_space<vmem>>, vector<1x16xf32>,
      %get3A_161 = vector.shape_cast %get3A_160 : vector<1x16xf32> to vector<16xf32>
      %scan3A_162 = arith.constant 1 : i32
      %scan3A_163 = arith.constant 31 : i32
      %scan3A_164 = arith.addi %scan3A_162, %scan3A_163 : i32
      %scan3A_165 = arith.constant 1 : i32
      %scan3A_166:8 = scf.for %scan3A_1552 = %scan3A_162 to %scan3A_164 step %scan3A_165 iter_args(%scan3A_1553 = %get3A_126, %scan3A_1554 = %get3A_131, %scan3A_1555 = %get3A_136, %scan3A_1556 = %get3A_141, %scan3A_1557 = %get3A_146, %scan3A_1558 = %get3A_151, %scan3A_1559 = %get3A_156, %scan3A_1560 = %get3A_161) -> (vector<16xf32>, vector<16xf32>, vector<16xf32>, vector<16xf32>, vector<16xf32>, vector<16xf32>, vector<16xf32>, vector<16xf32>)  : i32 {
        %add3A_1561 = arith.constant 32 : i32
        %add3A_1562 = arith.addi %add3A_1561, %scan3A_1552 : i32
        %get3A_1563 = arith.index_cast %add3A_1562 : i32 to index
        %get3A_1564 = arith.constant 0 : index
        %get3A_1565 = tpu.vector_load %arg6[%get3A_1563, %get3A_1564] {strides = array<i32>} : memref<256x128xf32, #tpu.memory_space<vmem>>, vector<1x16xf32>,
        %get3A_1566 = vector.shape_cast %get3A_1565 : vector<1x16xf32> to vector<16xf32>
        %max3A = arith.maximumf %scan3A_1553, %get3A_1566 : vector<16xf32>
        %get3A_1567 = arith.index_cast %add3A_1562 : i32 to index
        %get3A_1568 = arith.constant 16 : index
        %get3A_1569 = tpu.vector_load %arg6[%get3A_1567, %get3A_1568] {strides = array<i32>} : memref<256x128xf32, #tpu.memory_space<vmem>>, vector<1x16xf32>,
        %get3A_1570 = vector.shape_cast %get3A_1569 : vector<1x16xf32> to vector<16xf32>
        %max3A_1571 = arith.maximumf %scan3A_1554, %get3A_1570 : vector<16xf32>
        %get3A_1572 = arith.index_cast %add3A_1562 : i32 to index
        %get3A_1573 = arith.constant 32 : index
        %get3A_1574 = tpu.vector_load %arg6[%get3A_1572, %get3A_1573] {strides = array<i32>} : memref<256x128xf32, #tpu.memory_space<vmem>>, vector<1x16xf32>,
        %get3A_1575 = vector.shape_cast %get3A_1574 : vector<1x16xf32> to vector<16xf32>
        %max3A_1576 = arith.maximumf %scan3A_1555, %get3A_1575 : vector<16xf32>
        %get3A_1577 = arith.index_cast %add3A_1562 : i32 to index
        %get3A_1578 = arith.constant 48 : index
        %get3A_1579 = tpu.vector_load %arg6[%get3A_1577, %get3A_1578] {strides = array<i32>} : memref<256x128xf32, #tpu.memory_space<vmem>>, vector<1x16xf32>,
        %get3A_1580 = vector.shape_cast %get3A_1579 : vector<1x16xf32> to vector<16xf32>
        %max3A_1581 = arith.maximumf %scan3A_1556, %get3A_1580 : vector<16xf32>
        %get3A_1582 = arith.index_cast %add3A_1562 : i32 to index
        %get3A_1583 = arith.constant 64 : index
        %get3A_1584 = tpu.vector_load %arg6[%get3A_1582, %get3A_1583] {strides = array<i32>} : memref<256x128xf32, #tpu.memory_space<vmem>>, vector<1x16xf32>,
        %get3A_1585 = vector.shape_cast %get3A_1584 : vector<1x16xf32> to vector<16xf32>
        %max3A_1586 = arith.maximumf %scan3A_1557, %get3A_1585 : vector<16xf32>
        %get3A_1587 = arith.index_cast %add3A_1562 : i32 to index
        %get3A_1588 = arith.constant 80 : index
        %get3A_1589 = tpu.vector_load %arg6[%get3A_1587, %get3A_1588] {strides = array<i32>} : memref<256x128xf32, #tpu.memory_space<vmem>>, vector<1x16xf32>,
        %get3A_1590 = vector.shape_cast %get3A_1589 : vector<1x16xf32> to vector<16xf32>
        %max3A_1591 = arith.maximumf %scan3A_1558, %get3A_1590 : vector<16xf32>
        %get3A_1592 = arith.index_cast %add3A_1562 : i32 to index
        %get3A_1593 = arith.constant 96 : index
        %get3A_1594 = tpu.vector_load %arg6[%get3A_1592, %get3A_1593] {strides = array<i32>} : memref<256x128xf32, #tpu.memory_space<vmem>>, vector<1x16xf32>,
        %get3A_1595 = vector.shape_cast %get3A_1594 : vector<1x16xf32> to vector<16xf32>
        %max3A_1596 = arith.maximumf %scan3A_1559, %get3A_1595 : vector<16xf32>
        %get3A_1597 = arith.index_cast %add3A_1562 : i32 to index
        %get3A_1598 = arith.constant 112 : index
        %get3A_1599 = tpu.vector_load %arg6[%get3A_1597, %get3A_1598] {strides = array<i32>} : memref<256x128xf32, #tpu.memory_space<vmem>>, vector<1x16xf32>,
        %get3A_1600 = vector.shape_cast %get3A_1599 : vector<1x16xf32> to vector<16xf32>
        %max3A_1601 = arith.maximumf %scan3A_1560, %get3A_1600 : vector<16xf32>
        scf.yield %max3A, %max3A_1571, %max3A_1576, %max3A_1581, %max3A_1586, %max3A_1591, %max3A_1596, %max3A_1601 : vector<16xf32>, vector<16xf32>, vector<16xf32>, vector<16xf32>, vector<16xf32>, vector<16xf32>, vector<16xf32>, vector<16xf32>
      }
      %scan3A_167 = arith.constant 31 : i32
      %swap3A_168 = arith.constant 1 : i32
      %swap3A_169 = arith.index_cast %swap3A_168 : i32 to index
      %swap3A_170 = arith.constant 0 : index
      %swap3A_171 = tpu.vector_load %arg8[%swap3A_169, %swap3A_170] {strides = array<i32>} : memref<8x128xf32, #tpu.memory_space<vmem>>, vector<1x16xf32>,
      %swap3A_172 = vector.shape_cast %swap3A_171 : vector<1x16xf32> to vector<16xf32>
      %swap3A_173 = vector.shape_cast %scan3A_166#0 : vector<16xf32> to vector<1x16xf32>
      tpu.vector_store %arg8[%swap3A_169, %swap3A_170], %swap3A_173 {strides = array<i32>} : memref<8x128xf32, #tpu.memory_space<vmem>>, vector<1x16xf32>,
      %swap3A_174 = arith.constant 1 : i32
      %swap3A_175 = arith.index_cast %swap3A_174 : i32 to index
      %swap3A_176 = arith.constant 16 : index
      %swap3A_177 = tpu.vector_load %arg8[%swap3A_175, %swap3A_176] {strides = array<i32>} : memref<8x128xf32, #tpu.memory_space<vmem>>, vector<1x16xf32>,
      %swap3A_178 = vector.shape_cast %swap3A_177 : vector<1x16xf32> to vector<16xf32>
      %swap3A_179 = vector.shape_cast %scan3A_166#1 : vector<16xf32> to vector<1x16xf32>
      tpu.vector_store %arg8[%swap3A_175, %swap3A_176], %swap3A_179 {strides = array<i32>} : memref<8x128xf32, #tpu.memory_space<vmem>>, vector<1x16xf32>,
      %swap3A_180 = arith.constant 1 : i32
      %swap3A_181 = arith.index_cast %swap3A_180 : i32 to index
      %swap3A_182 = arith.constant 32 : index
      %swap3A_183 = tpu.vector_load %arg8[%swap3A_181, %swap3A_182] {strides = array<i32>} : memref<8x128xf32, #tpu.memory_space<vmem>>, vector<1x16xf32>,
      %swap3A_184 = vector.shape_cast %swap3A_183 : vector<1x16xf32> to vector<16xf32>
      %swap3A_185 = vector.shape_cast %scan3A_166#2 : vector<16xf32> to vector<1x16xf32>
      tpu.vector_store %arg8[%swap3A_181, %swap3A_182], %swap3A_185 {strides = array<i32>} : memref<8x128xf32, #tpu.memory_space<vmem>>, vector<1x16xf32>,
      %swap3A_186 = arith.constant 1 : i32
      %swap3A_187 = arith.index_cast %swap3A_186 : i32 to index
      %swap3A_188 = arith.constant 48 : index
      %swap3A_189 = tpu.vector_load %arg8[%swap3A_187, %swap3A_188] {strides = array<i32>} : memref<8x128xf32, #tpu.memory_space<vmem>>, vector<1x16xf32>,
      %swap3A_190 = vector.shape_cast %swap3A_189 : vector<1x16xf32> to vector<16xf32>
      %swap3A_191 = vector.shape_cast %scan3A_166#3 : vector<16xf32> to vector<1x16xf32>
      tpu.vector_store %arg8[%swap3A_187, %swap3A_188], %swap3A_191 {strides = array<i32>} : memref<8x128xf32, #tpu.memory_space<vmem>>, vector<1x16xf32>,
      %swap3A_192 = arith.constant 1 : i32
      %swap3A_193 = arith.index_cast %swap3A_192 : i32 to index
      %swap3A_194 = arith.constant 64 : index
      %swap3A_195 = tpu.vector_load %arg8[%swap3A_193, %swap3A_194] {strides = array<i32>} : memref<8x128xf32, #tpu.memory_space<vmem>>, vector<1x16xf32>,
      %swap3A_196 = vector.shape_cast %swap3A_195 : vector<1x16xf32> to vector<16xf32>
      %swap3A_197 = vector.shape_cast %scan3A_166#4 : vector<16xf32> to vector<1x16xf32>
      tpu.vector_store %arg8[%swap3A_193, %swap3A_194], %swap3A_197 {strides = array<i32>} : memref<8x128xf32, #tpu.memory_space<vmem>>, vector<1x16xf32>,
      %swap3A_198 = arith.constant 1 : i32
      %swap3A_199 = arith.index_cast %swap3A_198 : i32 to index
      %swap3A_200 = arith.constant 80 : index
      %swap3A_201 = tpu.vector_load %arg8[%swap3A_199, %swap3A_200] {strides = array<i32>} : memref<8x128xf32, #tpu.memory_space<vmem>>, vector<1x16xf32>,
      %swap3A_202 = vector.shape_cast %swap3A_201 : vector<1x16xf32> to vector<16xf32>
      %swap3A_203 = vector.shape_cast %scan3A_166#5 : vector<16xf32> to vector<1x16xf32>
      tpu.vector_store %arg8[%swap3A_199, %swap3A_200], %swap3A_203 {strides = array<i32>} : memref<8x128xf32, #tpu.memory_space<vmem>>, vector<1x16xf32>,
      %swap3A_204 = arith.constant 1 : i32
      %swap3A_205 = arith.index_cast %swap3A_204 : i32 to index
      %swap3A_206 = arith.constant 96 : index
      %swap3A_207 = tpu.vector_load %arg8[%swap3A_205, %swap3A_206] {strides = array<i32>} : memref<8x128xf32, #tpu.memory_space<vmem>>, vector<1x16xf32>,
      %swap3A_208 = vector.shape_cast %swap3A_207 : vector<1x16xf32> to vector<16xf32>
      %swap3A_209 = vector.shape_cast %scan3A_166#6 : vector<16xf32> to vector<1x16xf32>
      tpu.vector_store %arg8[%swap3A_205, %swap3A_206], %swap3A_209 {strides = array<i32>} : memref<8x128xf32, #tpu.memory_space<vmem>>, vector<1x16xf32>,
      %swap3A_210 = arith.constant 1 : i32
      %swap3A_211 = arith.index_cast %swap3A_210 : i32 to index
      %swap3A_212 = arith.constant 112 : index
      %swap3A_213 = tpu.vector_load %arg8[%swap3A_211, %swap3A_212] {strides = array<i32>} : memref<8x128xf32, #tpu.memory_space<vmem>>, vector<1x16xf32>,
      %swap3A_214 = vector.shape_cast %swap3A_213 : vector<1x16xf32> to vector<16xf32>
      %swap3A_215 = vector.shape_cast %scan3A_166#7 : vector<16xf32> to vector<1x16xf32>
      tpu.vector_store %arg8[%swap3A_211, %swap3A_212], %swap3A_215 {strides = array<i32>} : memref<8x128xf32, #tpu.memory_space<vmem>>, vector<1x16xf32>,
      %get3A_216 = arith.constant 64 : i32
      %get3A_217 = arith.index_cast %get3A_216 : i32 to index
      %get3A_218 = arith.constant 0 : index
      %get3A_219 = tpu.vector_load %arg6[%get3A_217, %get3A_218] {strides = array<i32>} : memref<256x128xf32, #tpu.memory_space<vmem>>, vector<1x16xf32>,
      %get3A_220 = vector.shape_cast %get3A_219 : vector<1x16xf32> to vector<16xf32>
      %get3A_221 = arith.constant 64 : i32
      %get3A_222 = arith.index_cast %get3A_221 : i32 to index
      %get3A_223 = arith.constant 16 : index
      %get3A_224 = tpu.vector_load %arg6[%get3A_222, %get3A_223] {strides = array<i32>} : memref<256x128xf32, #tpu.memory_space<vmem>>, vector<1x16xf32>,
      %get3A_225 = vector.shape_cast %get3A_224 : vector<1x16xf32> to vector<16xf32>
      %get3A_226 = arith.constant 64 : i32
      %get3A_227 = arith.index_cast %get3A_226 : i32 to index
      %get3A_228 = arith.constant 32 : index
      %get3A_229 = tpu.vector_load %arg6[%get3A_227, %get3A_228] {strides = array<i32>} : memref<256x128xf32, #tpu.memory_space<vmem>>, vector<1x16xf32>,
      %get3A_230 = vector.shape_cast %get3A_229 : vector<1x16xf32> to vector<16xf32>
      %get3A_231 = arith.constant 64 : i32
      %get3A_232 = arith.index_cast %get3A_231 : i32 to index
      %get3A_233 = arith.constant 48 : index
      %get3A_234 = tpu.vector_load %arg6[%get3A_232, %get3A_233] {strides = array<i32>} : memref<256x128xf32, #tpu.memory_space<vmem>>, vector<1x16xf32>,
      %get3A_235 = vector.shape_cast %get3A_234 : vector<1x16xf32> to vector<16xf32>
      %get3A_236 = arith.constant 64 : i32
      %get3A_237 = arith.index_cast %get3A_236 : i32 to index
      %get3A_238 = arith.constant 64 : index
      %get3A_239 = tpu.vector_load %arg6[%get3A_237, %get3A_238] {strides = array<i32>} : memref<256x128xf32, #tpu.memory_space<vmem>>, vector<1x16xf32>,
      %get3A_240 = vector.shape_cast %get3A_239 : vector<1x16xf32> to vector<16xf32>
      %get3A_241 = arith.constant 64 : i32
      %get3A_242 = arith.index_cast %get3A_241 : i32 to index
      %get3A_243 = arith.constant 80 : index
      %get3A_244 = tpu.vector_load %arg6[%get3A_242, %get3A_243] {strides = array<i32>} : memref<256x128xf32, #tpu.memory_space<vmem>>, vector<1x16xf32>,
      %get3A_245 = vector.shape_cast %get3A_244 : vector<1x16xf32> to vector<16xf32>
      %get3A_246 = arith.constant 64 : i32
      %get3A_247 = arith.index_cast %get3A_246 : i32 to index
      %get3A_248 = arith.constant 96 : index
      %get3A_249 = tpu.vector_load %arg6[%get3A_247, %get3A_248] {strides = array<i32>} : memref<256x128xf32, #tpu.memory_space<vmem>>, vector<1x16xf32>,
      %get3A_250 = vector.shape_cast %get3A_249 : vector<1x16xf32> to vector<16xf32>
      %get3A_251 = arith.constant 64 : i32
      %get3A_252 = arith.index_cast %get3A_251 : i32 to index
      %get3A_253 = arith.constant 112 : index
      %get3A_254 = tpu.vector_load %arg6[%get3A_252, %get3A_253] {strides = array<i32>} : memref<256x128xf32, #tpu.memory_space<vmem>>, vector<1x16xf32>,
      %get3A_255 = vector.shape_cast %get3A_254 : vector<1x16xf32> to vector<16xf32>
      %scan3A_256 = arith.constant 1 : i32
      %scan3A_257 = arith.constant 31 : i32
      %scan3A_258 = arith.addi %scan3A_256, %scan3A_257 : i32
      %scan3A_259 = arith.constant 1 : i32
      %scan3A_260:8 = scf.for %scan3A_1552 = %scan3A_256 to %scan3A_258 step %scan3A_259 iter_args(%scan3A_1553 = %get3A_220, %scan3A_1554 = %get3A_225, %scan3A_1555 = %get3A_230, %scan3A_1556 = %get3A_235, %scan3A_1557 = %get3A_240, %scan3A_1558 = %get3A_245, %scan3A_1559 = %get3A_250, %scan3A_1560 = %get3A_255) -> (vector<16xf32>, vector<16xf32>, vector<16xf32>, vector<16xf32>, vector<16xf32>, vector<16xf32>, vector<16xf32>, vector<16xf32>)  : i32 {
        %add3A_1561 = arith.constant 64 : i32
        %add3A_1562 = arith.addi %add3A_1561, %scan3A_1552 : i32
        %get3A_1563 = arith.index_cast %add3A_1562 : i32 to index
        %get3A_1564 = arith.constant 0 : index
        %get3A_1565 = tpu.vector_load %arg6[%get3A_1563, %get3A_1564] {strides = array<i32>} : memref<256x128xf32, #tpu.memory_space<vmem>>, vector<1x16xf32>,
        %get3A_1566 = vector.shape_cast %get3A_1565 : vector<1x16xf32> to vector<16xf32>
        %max3A = arith.maximumf %scan3A_1553, %get3A_1566 : vector<16xf32>
        %get3A_1567 = arith.index_cast %add3A_1562 : i32 to index
        %get3A_1568 = arith.constant 16 : index
        %get3A_1569 = tpu.vector_load %arg6[%get3A_1567, %get3A_1568] {strides = array<i32>} : memref<256x128xf32, #tpu.memory_space<vmem>>, vector<1x16xf32>,
        %get3A_1570 = vector.shape_cast %get3A_1569 : vector<1x16xf32> to vector<16xf32>
        %max3A_1571 = arith.maximumf %scan3A_1554, %get3A_1570 : vector<16xf32>
        %get3A_1572 = arith.index_cast %add3A_1562 : i32 to index
        %get3A_1573 = arith.constant 32 : index
        %get3A_1574 = tpu.vector_load %arg6[%get3A_1572, %get3A_1573] {strides = array<i32>} : memref<256x128xf32, #tpu.memory_space<vmem>>, vector<1x16xf32>,
        %get3A_1575 = vector.shape_cast %get3A_1574 : vector<1x16xf32> to vector<16xf32>
        %max3A_1576 = arith.maximumf %scan3A_1555, %get3A_1575 : vector<16xf32>
        %get3A_1577 = arith.index_cast %add3A_1562 : i32 to index
        %get3A_1578 = arith.constant 48 : index
        %get3A_1579 = tpu.vector_load %arg6[%get3A_1577, %get3A_1578] {strides = array<i32>} : memref<256x128xf32, #tpu.memory_space<vmem>>, vector<1x16xf32>,
        %get3A_1580 = vector.shape_cast %get3A_1579 : vector<1x16xf32> to vector<16xf32>
        %max3A_1581 = arith.maximumf %scan3A_1556, %get3A_1580 : vector<16xf32>
        %get3A_1582 = arith.index_cast %add3A_1562 : i32 to index
        %get3A_1583 = arith.constant 64 : index
        %get3A_1584 = tpu.vector_load %arg6[%get3A_1582, %get3A_1583] {strides = array<i32>} : memref<256x128xf32, #tpu.memory_space<vmem>>, vector<1x16xf32>,
        %get3A_1585 = vector.shape_cast %get3A_1584 : vector<1x16xf32> to vector<16xf32>
        %max3A_1586 = arith.maximumf %scan3A_1557, %get3A_1585 : vector<16xf32>
        %get3A_1587 = arith.index_cast %add3A_1562 : i32 to index
        %get3A_1588 = arith.constant 80 : index
        %get3A_1589 = tpu.vector_load %arg6[%get3A_1587, %get3A_1588] {strides = array<i32>} : memref<256x128xf32, #tpu.memory_space<vmem>>, vector<1x16xf32>,
        %get3A_1590 = vector.shape_cast %get3A_1589 : vector<1x16xf32> to vector<16xf32>
        %max3A_1591 = arith.maximumf %scan3A_1558, %get3A_1590 : vector<16xf32>
        %get3A_1592 = arith.index_cast %add3A_1562 : i32 to index
        %get3A_1593 = arith.constant 96 : index
        %get3A_1594 = tpu.vector_load %arg6[%get3A_1592, %get3A_1593] {strides = array<i32>} : memref<256x128xf32, #tpu.memory_space<vmem>>, vector<1x16xf32>,
        %get3A_1595 = vector.shape_cast %get3A_1594 : vector<1x16xf32> to vector<16xf32>
        %max3A_1596 = arith.maximumf %scan3A_1559, %get3A_1595 : vector<16xf32>
        %get3A_1597 = arith.index_cast %add3A_1562 : i32 to index
        %get3A_1598 = arith.constant 112 : index
        %get3A_1599 = tpu.vector_load %arg6[%get3A_1597, %get3A_1598] {strides = array<i32>} : memref<256x128xf32, #tpu.memory_space<vmem>>, vector<1x16xf32>,
        %get3A_1600 = vector.shape_cast %get3A_1599 : vector<1x16xf32> to vector<16xf32>
        %max3A_1601 = arith.maximumf %scan3A_1560, %get3A_1600 : vector<16xf32>
        scf.yield %max3A, %max3A_1571, %max3A_1576, %max3A_1581, %max3A_1586, %max3A_1591, %max3A_1596, %max3A_1601 : vector<16xf32>, vector<16xf32>, vector<16xf32>, vector<16xf32>, vector<16xf32>, vector<16xf32>, vector<16xf32>, vector<16xf32>
      }
      %scan3A_261 = arith.constant 31 : i32
      %swap3A_262 = arith.constant 2 : i32
      %swap3A_263 = arith.index_cast %swap3A_262 : i32 to index
      %swap3A_264 = arith.constant 0 : index
      %swap3A_265 = tpu.vector_load %arg8[%swap3A_263, %swap3A_264] {strides = array<i32>} : memref<8x128xf32, #tpu.memory_space<vmem>>, vector<1x16xf32>,
      %swap3A_266 = vector.shape_cast %swap3A_265 : vector<1x16xf32> to vector<16xf32>
      %swap3A_267 = vector.shape_cast %scan3A_260#0 : vector<16xf32> to vector<1x16xf32>
      tpu.vector_store %arg8[%swap3A_263, %swap3A_264], %swap3A_267 {strides = array<i32>} : memref<8x128xf32, #tpu.memory_space<vmem>>, vector<1x16xf32>,
      %swap3A_268 = arith.constant 2 : i32
      %swap3A_269 = arith.index_cast %swap3A_268 : i32 to index
      %swap3A_270 = arith.constant 16 : index
      %swap3A_271 = tpu.vector_load %arg8[%swap3A_269, %swap3A_270] {strides = array<i32>} : memref<8x128xf32, #tpu.memory_space<vmem>>, vector<1x16xf32>,
      %swap3A_272 = vector.shape_cast %swap3A_271 : vector<1x16xf32> to vector<16xf32>
      %swap3A_273 = vector.shape_cast %scan3A_260#1 : vector<16xf32> to vector<1x16xf32>
      tpu.vector_store %arg8[%swap3A_269, %swap3A_270], %swap3A_273 {strides = array<i32>} : memref<8x128xf32, #tpu.memory_space<vmem>>, vector<1x16xf32>,
      %swap3A_274 = arith.constant 2 : i32
      %swap3A_275 = arith.index_cast %swap3A_274 : i32 to index
      %swap3A_276 = arith.constant 32 : index
      %swap3A_277 = tpu.vector_load %arg8[%swap3A_275, %swap3A_276] {strides = array<i32>} : memref<8x128xf32, #tpu.memory_space<vmem>>, vector<1x16xf32>,
      %swap3A_278 = vector.shape_cast %swap3A_277 : vector<1x16xf32> to vector<16xf32>
      %swap3A_279 = vector.shape_cast %scan3A_260#2 : vector<16xf32> to vector<1x16xf32>
      tpu.vector_store %arg8[%swap3A_275, %swap3A_276], %swap3A_279 {strides = array<i32>} : memref<8x128xf32, #tpu.memory_space<vmem>>, vector<1x16xf32>,
      %swap3A_280 = arith.constant 2 : i32
      %swap3A_281 = arith.index_cast %swap3A_280 : i32 to index
      %swap3A_282 = arith.constant 48 : index
      %swap3A_283 = tpu.vector_load %arg8[%swap3A_281, %swap3A_282] {strides = array<i32>} : memref<8x128xf32, #tpu.memory_space<vmem>>, vector<1x16xf32>,
      %swap3A_284 = vector.shape_cast %swap3A_283 : vector<1x16xf32> to vector<16xf32>
      %swap3A_285 = vector.shape_cast %scan3A_260#3 : vector<16xf32> to vector<1x16xf32>
      tpu.vector_store %arg8[%swap3A_281, %swap3A_282], %swap3A_285 {strides = array<i32>} : memref<8x128xf32, #tpu.memory_space<vmem>>, vector<1x16xf32>,
      %swap3A_286 = arith.constant 2 : i32
      %swap3A_287 = arith.index_cast %swap3A_286 : i32 to index
      %swap3A_288 = arith.constant 64 : index
      %swap3A_289 = tpu.vector_load %arg8[%swap3A_287, %swap3A_288] {strides = array<i32>} : memref<8x128xf32, #tpu.memory_space<vmem>>, vector<1x16xf32>,
      %swap3A_290 = vector.shape_cast %swap3A_289 : vector<1x16xf32> to vector<16xf32>
      %swap3A_291 = vector.shape_cast %scan3A_260#4 : vector<16xf32> to vector<1x16xf32>
      tpu.vector_store %arg8[%swap3A_287, %swap3A_288], %swap3A_291 {strides = array<i32>} : memref<8x128xf32, #tpu.memory_space<vmem>>, vector<1x16xf32>,
      %swap3A_292 = arith.constant 2 : i32
      %swap3A_293 = arith.index_cast %swap3A_292 : i32 to index
      %swap3A_294 = arith.constant 80 : index
      %swap3A_295 = tpu.vector_load %arg8[%swap3A_293, %swap3A_294] {strides = array<i32>} : memref<8x128xf32, #tpu.memory_space<vmem>>, vector<1x16xf32>,
      %swap3A_296 = vector.shape_cast %swap3A_295 : vector<1x16xf32> to vector<16xf32>
      %swap3A_297 = vector.shape_cast %scan3A_260#5 : vector<16xf32> to vector<1x16xf32>
      tpu.vector_store %arg8[%swap3A_293, %swap3A_294], %swap3A_297 {strides = array<i32>} : memref<8x128xf32, #tpu.memory_space<vmem>>, vector<1x16xf32>,
      %swap3A_298 = arith.constant 2 : i32
      %swap3A_299 = arith.index_cast %swap3A_298 : i32 to index
      %swap3A_300 = arith.constant 96 : index
      %swap3A_301 = tpu.vector_load %arg8[%swap3A_299, %swap3A_300] {strides = array<i32>} : memref<8x128xf32, #tpu.memory_space<vmem>>, vector<1x16xf32>,
      %swap3A_302 = vector.shape_cast %swap3A_301 : vector<1x16xf32> to vector<16xf32>
      %swap3A_303 = vector.shape_cast %scan3A_260#6 : vector<16xf32> to vector<1x16xf32>
      tpu.vector_store %arg8[%swap3A_299, %swap3A_300], %swap3A_303 {strides = array<i32>} : memref<8x128xf32, #tpu.memory_space<vmem>>, vector<1x16xf32>,
      %swap3A_304 = arith.constant 2 : i32
      %swap3A_305 = arith.index_cast %swap3A_304 : i32 to index
      %swap3A_306 = arith.constant 112 : index
      %swap3A_307 = tpu.vector_load %arg8[%swap3A_305, %swap3A_306] {strides = array<i32>} : memref<8x128xf32, #tpu.memory_space<vmem>>, vector<1x16xf32>,
      %swap3A_308 = vector.shape_cast %swap3A_307 : vector<1x16xf32> to vector<16xf32>
      %swap3A_309 = vector.shape_cast %scan3A_260#7 : vector<16xf32> to vector<1x16xf32>
      tpu.vector_store %arg8[%swap3A_305, %swap3A_306], %swap3A_309 {strides = array<i32>} : memref<8x128xf32, #tpu.memory_space<vmem>>, vector<1x16xf32>,
      %get3A_310 = arith.constant 96 : i32
      %get3A_311 = arith.index_cast %get3A_310 : i32 to index
      %get3A_312 = arith.constant 0 : index
      %get3A_313 = tpu.vector_load %arg6[%get3A_311, %get3A_312] {strides = array<i32>} : memref<256x128xf32, #tpu.memory_space<vmem>>, vector<1x16xf32>,
      %get3A_314 = vector.shape_cast %get3A_313 : vector<1x16xf32> to vector<16xf32>
      %get3A_315 = arith.constant 96 : i32
      %get3A_316 = arith.index_cast %get3A_315 : i32 to index
      %get3A_317 = arith.constant 16 : index
      %get3A_318 = tpu.vector_load %arg6[%get3A_316, %get3A_317] {strides = array<i32>} : memref<256x128xf32, #tpu.memory_space<vmem>>, vector<1x16xf32>,
      %get3A_319 = vector.shape_cast %get3A_318 : vector<1x16xf32> to vector<16xf32>
      %get3A_320 = arith.constant 96 : i32
      %get3A_321 = arith.index_cast %get3A_320 : i32 to index
      %get3A_322 = arith.constant 32 : index
      %get3A_323 = tpu.vector_load %arg6[%get3A_321, %get3A_322] {strides = array<i32>} : memref<256x128xf32, #tpu.memory_space<vmem>>, vector<1x16xf32>,
      %get3A_324 = vector.shape_cast %get3A_323 : vector<1x16xf32> to vector<16xf32>
      %get3A_325 = arith.constant 96 : i32
      %get3A_326 = arith.index_cast %get3A_325 : i32 to index
      %get3A_327 = arith.constant 48 : index
      %get3A_328 = tpu.vector_load %arg6[%get3A_326, %get3A_327] {strides = array<i32>} : memref<256x128xf32, #tpu.memory_space<vmem>>, vector<1x16xf32>,
      %get3A_329 = vector.shape_cast %get3A_328 : vector<1x16xf32> to vector<16xf32>
      %get3A_330 = arith.constant 96 : i32
      %get3A_331 = arith.index_cast %get3A_330 : i32 to index
      %get3A_332 = arith.constant 64 : index
      %get3A_333 = tpu.vector_load %arg6[%get3A_331, %get3A_332] {strides = array<i32>} : memref<256x128xf32, #tpu.memory_space<vmem>>, vector<1x16xf32>,
      %get3A_334 = vector.shape_cast %get3A_333 : vector<1x16xf32> to vector<16xf32>
      %get3A_335 = arith.constant 96 : i32
      %get3A_336 = arith.index_cast %get3A_335 : i32 to index
      %get3A_337 = arith.constant 80 : index
      %get3A_338 = tpu.vector_load %arg6[%get3A_336, %get3A_337] {strides = array<i32>} : memref<256x128xf32, #tpu.memory_space<vmem>>, vector<1x16xf32>,
      %get3A_339 = vector.shape_cast %get3A_338 : vector<1x16xf32> to vector<16xf32>
      %get3A_340 = arith.constant 96 : i32
      %get3A_341 = arith.index_cast %get3A_340 : i32 to index
      %get3A_342 = arith.constant 96 : index
      %get3A_343 = tpu.vector_load %arg6[%get3A_341, %get3A_342] {strides = array<i32>} : memref<256x128xf32, #tpu.memory_space<vmem>>, vector<1x16xf32>,
      %get3A_344 = vector.shape_cast %get3A_343 : vector<1x16xf32> to vector<16xf32>
      %get3A_345 = arith.constant 96 : i32
      %get3A_346 = arith.index_cast %get3A_345 : i32 to index
      %get3A_347 = arith.constant 112 : index
      %get3A_348 = tpu.vector_load %arg6[%get3A_346, %get3A_347] {strides = array<i32>} : memref<256x128xf32, #tpu.memory_space<vmem>>, vector<1x16xf32>,
      %get3A_349 = vector.shape_cast %get3A_348 : vector<1x16xf32> to vector<16xf32>
      %scan3A_350 = arith.constant 1 : i32
      %scan3A_351 = arith.constant 31 : i32
      %scan3A_352 = arith.addi %scan3A_350, %scan3A_351 : i32
      %scan3A_353 = arith.constant 1 : i32
      %scan3A_354:8 = scf.for %scan3A_1552 = %scan3A_350 to %scan3A_352 step %scan3A_353 iter_args(%scan3A_1553 = %get3A_314, %scan3A_1554 = %get3A_319, %scan3A_1555 = %get3A_324, %scan3A_1556 = %get3A_329, %scan3A_1557 = %get3A_334, %scan3A_1558 = %get3A_339, %scan3A_1559 = %get3A_344, %scan3A_1560 = %get3A_349) -> (vector<16xf32>, vector<16xf32>, vector<16xf32>, vector<16xf32>, vector<16xf32>, vector<16xf32>, vector<16xf32>, vector<16xf32>)  : i32 {
        %add3A_1561 = arith.constant 96 : i32
        %add3A_1562 = arith.addi %add3A_1561, %scan3A_1552 : i32
        %get3A_1563 = arith.index_cast %add3A_1562 : i32 to index
        %get3A_1564 = arith.constant 0 : index
        %get3A_1565 = tpu.vector_load %arg6[%get3A_1563, %get3A_1564] {strides = array<i32>} : memref<256x128xf32, #tpu.memory_space<vmem>>, vector<1x16xf32>,
        %get3A_1566 = vector.shape_cast %get3A_1565 : vector<1x16xf32> to vector<16xf32>
        %max3A = arith.maximumf %scan3A_1553, %get3A_1566 : vector<16xf32>
        %get3A_1567 = arith.index_cast %add3A_1562 : i32 to index
        %get3A_1568 = arith.constant 16 : index
        %get3A_1569 = tpu.vector_load %arg6[%get3A_1567, %get3A_1568] {strides = array<i32>} : memref<256x128xf32, #tpu.memory_space<vmem>>, vector<1x16xf32>,
        %get3A_1570 = vector.shape_cast %get3A_1569 : vector<1x16xf32> to vector<16xf32>
        %max3A_1571 = arith.maximumf %scan3A_1554, %get3A_1570 : vector<16xf32>
        %get3A_1572 = arith.index_cast %add3A_1562 : i32 to index
        %get3A_1573 = arith.constant 32 : index
        %get3A_1574 = tpu.vector_load %arg6[%get3A_1572, %get3A_1573] {strides = array<i32>} : memref<256x128xf32, #tpu.memory_space<vmem>>, vector<1x16xf32>,
        %get3A_1575 = vector.shape_cast %get3A_1574 : vector<1x16xf32> to vector<16xf32>
        %max3A_1576 = arith.maximumf %scan3A_1555, %get3A_1575 : vector<16xf32>
        %get3A_1577 = arith.index_cast %add3A_1562 : i32 to index
        %get3A_1578 = arith.constant 48 : index
        %get3A_1579 = tpu.vector_load %arg6[%get3A_1577, %get3A_1578] {strides = array<i32>} : memref<256x128xf32, #tpu.memory_space<vmem>>, vector<1x16xf32>,
        %get3A_1580 = vector.shape_cast %get3A_1579 : vector<1x16xf32> to vector<16xf32>
        %max3A_1581 = arith.maximumf %scan3A_1556, %get3A_1580 : vector<16xf32>
        %get3A_1582 = arith.index_cast %add3A_1562 : i32 to index
        %get3A_1583 = arith.constant 64 : index
        %get3A_1584 = tpu.vector_load %arg6[%get3A_1582, %get3A_1583] {strides = array<i32>} : memref<256x128xf32, #tpu.memory_space<vmem>>, vector<1x16xf32>,
        %get3A_1585 = vector.shape_cast %get3A_1584 : vector<1x16xf32> to vector<16xf32>
        %max3A_1586 = arith.maximumf %scan3A_1557, %get3A_1585 : vector<16xf32>
        %get3A_1587 = arith.index_cast %add3A_1562 : i32 to index
        %get3A_1588 = arith.constant 80 : index
        %get3A_1589 = tpu.vector_load %arg6[%get3A_1587, %get3A_1588] {strides = array<i32>} : memref<256x128xf32, #tpu.memory_space<vmem>>, vector<1x16xf32>,
        %get3A_1590 = vector.shape_cast %get3A_1589 : vector<1x16xf32> to vector<16xf32>
        %max3A_1591 = arith.maximumf %scan3A_1558, %get3A_1590 : vector<16xf32>
        %get3A_1592 = arith.index_cast %add3A_1562 : i32 to index
        %get3A_1593 = arith.constant 96 : index
        %get3A_1594 = tpu.vector_load %arg6[%get3A_1592, %get3A_1593] {strides = array<i32>} : memref<256x128xf32, #tpu.memory_space<vmem>>, vector<1x16xf32>,
        %get3A_1595 = vector.shape_cast %get3A_1594 : vector<1x16xf32> to vector<16xf32>
        %max3A_1596 = arith.maximumf %scan3A_1559, %get3A_1595 : vector<16xf32>
        %get3A_1597 = arith.index_cast %add3A_1562 : i32 to index
        %get3A_1598 = arith.constant 112 : index
        %get3A_1599 = tpu.vector_load %arg6[%get3A_1597, %get3A_1598] {strides = array<i32>} : memref<256x128xf32, #tpu.memory_space<vmem>>, vector<1x16xf32>,
        %get3A_1600 = vector.shape_cast %get3A_1599 : vector<1x16xf32> to vector<16xf32>
        %max3A_1601 = arith.maximumf %scan3A_1560, %get3A_1600 : vector<16xf32>
        scf.yield %max3A, %max3A_1571, %max3A_1576, %max3A_1581, %max3A_1586, %max3A_1591, %max3A_1596, %max3A_1601 : vector<16xf32>, vector<16xf32>, vector<16xf32>, vector<16xf32>, vector<16xf32>, vector<16xf32>, vector<16xf32>, vector<16xf32>
      }
      %scan3A_355 = arith.constant 31 : i32
      %swap3A_356 = arith.constant 3 : i32
      %swap3A_357 = arith.index_cast %swap3A_356 : i32 to index
      %swap3A_358 = arith.constant 0 : index
      %swap3A_359 = tpu.vector_load %arg8[%swap3A_357, %swap3A_358] {strides = array<i32>} : memref<8x128xf32, #tpu.memory_space<vmem>>, vector<1x16xf32>,
      %swap3A_360 = vector.shape_cast %swap3A_359 : vector<1x16xf32> to vector<16xf32>
      %swap3A_361 = vector.shape_cast %scan3A_354#0 : vector<16xf32> to vector<1x16xf32>
      tpu.vector_store %arg8[%swap3A_357, %swap3A_358], %swap3A_361 {strides = array<i32>} : memref<8x128xf32, #tpu.memory_space<vmem>>, vector<1x16xf32>,
      %swap3A_362 = arith.constant 3 : i32
      %swap3A_363 = arith.index_cast %swap3A_362 : i32 to index
      %swap3A_364 = arith.constant 16 : index
      %swap3A_365 = tpu.vector_load %arg8[%swap3A_363, %swap3A_364] {strides = array<i32>} : memref<8x128xf32, #tpu.memory_space<vmem>>, vector<1x16xf32>,
      %swap3A_366 = vector.shape_cast %swap3A_365 : vector<1x16xf32> to vector<16xf32>
      %swap3A_367 = vector.shape_cast %scan3A_354#1 : vector<16xf32> to vector<1x16xf32>
      tpu.vector_store %arg8[%swap3A_363, %swap3A_364], %swap3A_367 {strides = array<i32>} : memref<8x128xf32, #tpu.memory_space<vmem>>, vector<1x16xf32>,
      %swap3A_368 = arith.constant 3 : i32
      %swap3A_369 = arith.index_cast %swap3A_368 : i32 to index
      %swap3A_370 = arith.constant 32 : index
      %swap3A_371 = tpu.vector_load %arg8[%swap3A_369, %swap3A_370] {strides = array<i32>} : memref<8x128xf32, #tpu.memory_space<vmem>>, vector<1x16xf32>,
      %swap3A_372 = vector.shape_cast %swap3A_371 : vector<1x16xf32> to vector<16xf32>
      %swap3A_373 = vector.shape_cast %scan3A_354#2 : vector<16xf32> to vector<1x16xf32>
      tpu.vector_store %arg8[%swap3A_369, %swap3A_370], %swap3A_373 {strides = array<i32>} : memref<8x128xf32, #tpu.memory_space<vmem>>, vector<1x16xf32>,
      %swap3A_374 = arith.constant 3 : i32
      %swap3A_375 = arith.index_cast %swap3A_374 : i32 to index
      %swap3A_376 = arith.constant 48 : index
      %swap3A_377 = tpu.vector_load %arg8[%swap3A_375, %swap3A_376] {strides = array<i32>} : memref<8x128xf32, #tpu.memory_space<vmem>>, vector<1x16xf32>,
      %swap3A_378 = vector.shape_cast %swap3A_377 : vector<1x16xf32> to vector<16xf32>
      %swap3A_379 = vector.shape_cast %scan3A_354#3 : vector<16xf32> to vector<1x16xf32>
      tpu.vector_store %arg8[%swap3A_375, %swap3A_376], %swap3A_379 {strides = array<i32>} : memref<8x128xf32, #tpu.memory_space<vmem>>, vector<1x16xf32>,
      %swap3A_380 = arith.constant 3 : i32
      %swap3A_381 = arith.index_cast %swap3A_380 : i32 to index
      %swap3A_382 = arith.constant 64 : index
      %swap3A_383 = tpu.vector_load %arg8[%swap3A_381, %swap3A_382] {strides = array<i32>} : memref<8x128xf32, #tpu.memory_space<vmem>>, vector<1x16xf32>,
      %swap3A_384 = vector.shape_cast %swap3A_383 : vector<1x16xf32> to vector<16xf32>
      %swap3A_385 = vector.shape_cast %scan3A_354#4 : vector<16xf32> to vector<1x16xf32>
      tpu.vector_store %arg8[%swap3A_381, %swap3A_382], %swap3A_385 {strides = array<i32>} : memref<8x128xf32, #tpu.memory_space<vmem>>, vector<1x16xf32>,
      %swap3A_386 = arith.constant 3 : i32
      %swap3A_387 = arith.index_cast %swap3A_386 : i32 to index
      %swap3A_388 = arith.constant 80 : index
      %swap3A_389 = tpu.vector_load %arg8[%swap3A_387, %swap3A_388] {strides = array<i32>} : memref<8x128xf32, #tpu.memory_space<vmem>>, vector<1x16xf32>,
      %swap3A_390 = vector.shape_cast %swap3A_389 : vector<1x16xf32> to vector<16xf32>
      %swap3A_391 = vector.shape_cast %scan3A_354#5 : vector<16xf32> to vector<1x16xf32>
      tpu.vector_store %arg8[%swap3A_387, %swap3A_388], %swap3A_391 {strides = array<i32>} : memref<8x128xf32, #tpu.memory_space<vmem>>, vector<1x16xf32>,
      %swap3A_392 = arith.constant 3 : i32
      %swap3A_393 = arith.index_cast %swap3A_392 : i32 to index
      %swap3A_394 = arith.constant 96 : index
      %swap3A_395 = tpu.vector_load %arg8[%swap3A_393, %swap3A_394] {strides = array<i32>} : memref<8x128xf32, #tpu.memory_space<vmem>>, vector<1x16xf32>,
      %swap3A_396 = vector.shape_cast %swap3A_395 : vector<1x16xf32> to vector<16xf32>
      %swap3A_397 = vector.shape_cast %scan3A_354#6 : vector<16xf32> to vector<1x16xf32>
      tpu.vector_store %arg8[%swap3A_393, %swap3A_394], %swap3A_397 {strides = array<i32>} : memref<8x128xf32, #tpu.memory_space<vmem>>, vector<1x16xf32>,
      %swap3A_398 = arith.constant 3 : i32
      %swap3A_399 = arith.index_cast %swap3A_398 : i32 to index
      %swap3A_400 = arith.constant 112 : index
      %swap3A_401 = tpu.vector_load %arg8[%swap3A_399, %swap3A_400] {strides = array<i32>} : memref<8x128xf32, #tpu.memory_space<vmem>>, vector<1x16xf32>,
      %swap3A_402 = vector.shape_cast %swap3A_401 : vector<1x16xf32> to vector<16xf32>
      %swap3A_403 = vector.shape_cast %scan3A_354#7 : vector<16xf32> to vector<1x16xf32>
      tpu.vector_store %arg8[%swap3A_399, %swap3A_400], %swap3A_403 {strides = array<i32>} : memref<8x128xf32, #tpu.memory_space<vmem>>, vector<1x16xf32>,
      %get3A_404 = arith.constant 128 : i32
      %get3A_405 = arith.index_cast %get3A_404 : i32 to index
      %get3A_406 = arith.constant 0 : index
      %get3A_407 = tpu.vector_load %arg6[%get3A_405, %get3A_406] {strides = array<i32>} : memref<256x128xf32, #tpu.memory_space<vmem>>, vector<1x16xf32>,
      %get3A_408 = vector.shape_cast %get3A_407 : vector<1x16xf32> to vector<16xf32>
      %get3A_409 = arith.constant 128 : i32
      %get3A_410 = arith.index_cast %get3A_409 : i32 to index
      %get3A_411 = arith.constant 16 : index
      %get3A_412 = tpu.vector_load %arg6[%get3A_410, %get3A_411] {strides = array<i32>} : memref<256x128xf32, #tpu.memory_space<vmem>>, vector<1x16xf32>,
      %get3A_413 = vector.shape_cast %get3A_412 : vector<1x16xf32> to vector<16xf32>
      %get3A_414 = arith.constant 128 : i32
      %get3A_415 = arith.index_cast %get3A_414 : i32 to index
      %get3A_416 = arith.constant 32 : index
      %get3A_417 = tpu.vector_load %arg6[%get3A_415, %get3A_416] {strides = array<i32>} : memref<256x128xf32, #tpu.memory_space<vmem>>, vector<1x16xf32>,
      %get3A_418 = vector.shape_cast %get3A_417 : vector<1x16xf32> to vector<16xf32>
      %get3A_419 = arith.constant 128 : i32
      %get3A_420 = arith.index_cast %get3A_419 : i32 to index
      %get3A_421 = arith.constant 48 : index
      %get3A_422 = tpu.vector_load %arg6[%get3A_420, %get3A_421] {strides = array<i32>} : memref<256x128xf32, #tpu.memory_space<vmem>>, vector<1x16xf32>,
      %get3A_423 = vector.shape_cast %get3A_422 : vector<1x16xf32> to vector<16xf32>
      %get3A_424 = arith.constant 128 : i32
      %get3A_425 = arith.index_cast %get3A_424 : i32 to index
      %get3A_426 = arith.constant 64 : index
      %get3A_427 = tpu.vector_load %arg6[%get3A_425, %get3A_426] {strides = array<i32>} : memref<256x128xf32, #tpu.memory_space<vmem>>, vector<1x16xf32>,
      %get3A_428 = vector.shape_cast %get3A_427 : vector<1x16xf32> to vector<16xf32>
      %get3A_429 = arith.constant 128 : i32
      %get3A_430 = arith.index_cast %get3A_429 : i32 to index
      %get3A_431 = arith.constant 80 : index
      %get3A_432 = tpu.vector_load %arg6[%get3A_430, %get3A_431] {strides = array<i32>} : memref<256x128xf32, #tpu.memory_space<vmem>>, vector<1x16xf32>,
      %get3A_433 = vector.shape_cast %get3A_432 : vector<1x16xf32> to vector<16xf32>
      %get3A_434 = arith.constant 128 : i32
      %get3A_435 = arith.index_cast %get3A_434 : i32 to index
      %get3A_436 = arith.constant 96 : index
      %get3A_437 = tpu.vector_load %arg6[%get3A_435, %get3A_436] {strides = array<i32>} : memref<256x128xf32, #tpu.memory_space<vmem>>, vector<1x16xf32>,
      %get3A_438 = vector.shape_cast %get3A_437 : vector<1x16xf32> to vector<16xf32>
      %get3A_439 = arith.constant 128 : i32
      %get3A_440 = arith.index_cast %get3A_439 : i32 to index
      %get3A_441 = arith.constant 112 : index
      %get3A_442 = tpu.vector_load %arg6[%get3A_440, %get3A_441] {strides = array<i32>} : memref<256x128xf32, #tpu.memory_space<vmem>>, vector<1x16xf32>,
      %get3A_443 = vector.shape_cast %get3A_442 : vector<1x16xf32> to vector<16xf32>
      %scan3A_444 = arith.constant 1 : i32
      %scan3A_445 = arith.constant 31 : i32
      %scan3A_446 = arith.addi %scan3A_444, %scan3A_445 : i32
      %scan3A_447 = arith.constant 1 : i32
      %scan3A_448:8 = scf.for %scan3A_1552 = %scan3A_444 to %scan3A_446 step %scan3A_447 iter_args(%scan3A_1553 = %get3A_408, %scan3A_1554 = %get3A_413, %scan3A_1555 = %get3A_418, %scan3A_1556 = %get3A_423, %scan3A_1557 = %get3A_428, %scan3A_1558 = %get3A_433, %scan3A_1559 = %get3A_438, %scan3A_1560 = %get3A_443) -> (vector<16xf32>, vector<16xf32>, vector<16xf32>, vector<16xf32>, vector<16xf32>, vector<16xf32>, vector<16xf32>, vector<16xf32>)  : i32 {
        %add3A_1561 = arith.constant 128 : i32
        %add3A_1562 = arith.addi %add3A_1561, %scan3A_1552 : i32
        %get3A_1563 = arith.index_cast %add3A_1562 : i32 to index
        %get3A_1564 = arith.constant 0 : index
        %get3A_1565 = tpu.vector_load %arg6[%get3A_1563, %get3A_1564] {strides = array<i32>} : memref<256x128xf32, #tpu.memory_space<vmem>>, vector<1x16xf32>,
        %get3A_1566 = vector.shape_cast %get3A_1565 : vector<1x16xf32> to vector<16xf32>
        %max3A = arith.maximumf %scan3A_1553, %get3A_1566 : vector<16xf32>
        %get3A_1567 = arith.index_cast %add3A_1562 : i32 to index
        %get3A_1568 = arith.constant 16 : index
        %get3A_1569 = tpu.vector_load %arg6[%get3A_1567, %get3A_1568] {strides = array<i32>} : memref<256x128xf32, #tpu.memory_space<vmem>>, vector<1x16xf32>,
        %get3A_1570 = vector.shape_cast %get3A_1569 : vector<1x16xf32> to vector<16xf32>
        %max3A_1571 = arith.maximumf %scan3A_1554, %get3A_1570 : vector<16xf32>
        %get3A_1572 = arith.index_cast %add3A_1562 : i32 to index
        %get3A_1573 = arith.constant 32 : index
        %get3A_1574 = tpu.vector_load %arg6[%get3A_1572, %get3A_1573] {strides = array<i32>} : memref<256x128xf32, #tpu.memory_space<vmem>>, vector<1x16xf32>,
        %get3A_1575 = vector.shape_cast %get3A_1574 : vector<1x16xf32> to vector<16xf32>
        %max3A_1576 = arith.maximumf %scan3A_1555, %get3A_1575 : vector<16xf32>
        %get3A_1577 = arith.index_cast %add3A_1562 : i32 to index
        %get3A_1578 = arith.constant 48 : index
        %get3A_1579 = tpu.vector_load %arg6[%get3A_1577, %get3A_1578] {strides = array<i32>} : memref<256x128xf32, #tpu.memory_space<vmem>>, vector<1x16xf32>,
        %get3A_1580 = vector.shape_cast %get3A_1579 : vector<1x16xf32> to vector<16xf32>
        %max3A_1581 = arith.maximumf %scan3A_1556, %get3A_1580 : vector<16xf32>
        %get3A_1582 = arith.index_cast %add3A_1562 : i32 to index
        %get3A_1583 = arith.constant 64 : index
        %get3A_1584 = tpu.vector_load %arg6[%get3A_1582, %get3A_1583] {strides = array<i32>} : memref<256x128xf32, #tpu.memory_space<vmem>>, vector<1x16xf32>,
        %get3A_1585 = vector.shape_cast %get3A_1584 : vector<1x16xf32> to vector<16xf32>
        %max3A_1586 = arith.maximumf %scan3A_1557, %get3A_1585 : vector<16xf32>
        %get3A_1587 = arith.index_cast %add3A_1562 : i32 to index
        %get3A_1588 = arith.constant 80 : index
        %get3A_1589 = tpu.vector_load %arg6[%get3A_1587, %get3A_1588] {strides = array<i32>} : memref<256x128xf32, #tpu.memory_space<vmem>>, vector<1x16xf32>,
        %get3A_1590 = vector.shape_cast %get3A_1589 : vector<1x16xf32> to vector<16xf32>
        %max3A_1591 = arith.maximumf %scan3A_1558, %get3A_1590 : vector<16xf32>
        %get3A_1592 = arith.index_cast %add3A_1562 : i32 to index
        %get3A_1593 = arith.constant 96 : index
        %get3A_1594 = tpu.vector_load %arg6[%get3A_1592, %get3A_1593] {strides = array<i32>} : memref<256x128xf32, #tpu.memory_space<vmem>>, vector<1x16xf32>,
        %get3A_1595 = vector.shape_cast %get3A_1594 : vector<1x16xf32> to vector<16xf32>
        %max3A_1596 = arith.maximumf %scan3A_1559, %get3A_1595 : vector<16xf32>
        %get3A_1597 = arith.index_cast %add3A_1562 : i32 to index
        %get3A_1598 = arith.constant 112 : index
        %get3A_1599 = tpu.vector_load %arg6[%get3A_1597, %get3A_1598] {strides = array<i32>} : memref<256x128xf32, #tpu.memory_space<vmem>>, vector<1x16xf32>,
        %get3A_1600 = vector.shape_cast %get3A_1599 : vector<1x16xf32> to vector<16xf32>
        %max3A_1601 = arith.maximumf %scan3A_1560, %get3A_1600 : vector<16xf32>
        scf.yield %max3A, %max3A_1571, %max3A_1576, %max3A_1581, %max3A_1586, %max3A_1591, %max3A_1596, %max3A_1601 : vector<16xf32>, vector<16xf32>, vector<16xf32>, vector<16xf32>, vector<16xf32>, vector<16xf32>, vector<16xf32>, vector<16xf32>
      }
      %scan3A_449 = arith.constant 31 : i32
      %swap3A_450 = arith.constant 4 : i32
      %swap3A_451 = arith.index_cast %swap3A_450 : i32 to index
      %swap3A_452 = arith.constant 0 : index
      %swap3A_453 = tpu.vector_load %arg8[%swap3A_451, %swap3A_452] {strides = array<i32>} : memref<8x128xf32, #tpu.memory_space<vmem>>, vector<1x16xf32>,
      %swap3A_454 = vector.shape_cast %swap3A_453 : vector<1x16xf32> to vector<16xf32>
      %swap3A_455 = vector.shape_cast %scan3A_448#0 : vector<16xf32> to vector<1x16xf32>
      tpu.vector_store %arg8[%swap3A_451, %swap3A_452], %swap3A_455 {strides = array<i32>} : memref<8x128xf32, #tpu.memory_space<vmem>>, vector<1x16xf32>,
      %swap3A_456 = arith.constant 4 : i32
      %swap3A_457 = arith.index_cast %swap3A_456 : i32 to index
      %swap3A_458 = arith.constant 16 : index
      %swap3A_459 = tpu.vector_load %arg8[%swap3A_457, %swap3A_458] {strides = array<i32>} : memref<8x128xf32, #tpu.memory_space<vmem>>, vector<1x16xf32>,
      %swap3A_460 = vector.shape_cast %swap3A_459 : vector<1x16xf32> to vector<16xf32>
      %swap3A_461 = vector.shape_cast %scan3A_448#1 : vector<16xf32> to vector<1x16xf32>
      tpu.vector_store %arg8[%swap3A_457, %swap3A_458], %swap3A_461 {strides = array<i32>} : memref<8x128xf32, #tpu.memory_space<vmem>>, vector<1x16xf32>,
      %swap3A_462 = arith.constant 4 : i32
      %swap3A_463 = arith.index_cast %swap3A_462 : i32 to index
      %swap3A_464 = arith.constant 32 : index
      %swap3A_465 = tpu.vector_load %arg8[%swap3A_463, %swap3A_464] {strides = array<i32>} : memref<8x128xf32, #tpu.memory_space<vmem>>, vector<1x16xf32>,
      %swap3A_466 = vector.shape_cast %swap3A_465 : vector<1x16xf32> to vector<16xf32>
      %swap3A_467 = vector.shape_cast %scan3A_448#2 : vector<16xf32> to vector<1x16xf32>
      tpu.vector_store %arg8[%swap3A_463, %swap3A_464], %swap3A_467 {strides = array<i32>} : memref<8x128xf32, #tpu.memory_space<vmem>>, vector<1x16xf32>,
      %swap3A_468 = arith.constant 4 : i32
      %swap3A_469 = arith.index_cast %swap3A_468 : i32 to index
      %swap3A_470 = arith.constant 48 : index
      %swap3A_471 = tpu.vector_load %arg8[%swap3A_469, %swap3A_470] {strides = array<i32>} : memref<8x128xf32, #tpu.memory_space<vmem>>, vector<1x16xf32>,
      %swap3A_472 = vector.shape_cast %swap3A_471 : vector<1x16xf32> to vector<16xf32>
      %swap3A_473 = vector.shape_cast %scan3A_448#3 : vector<16xf32> to vector<1x16xf32>
      tpu.vector_store %arg8[%swap3A_469, %swap3A_470], %swap3A_473 {strides = array<i32>} : memref<8x128xf32, #tpu.memory_space<vmem>>, vector<1x16xf32>,
      %swap3A_474 = arith.constant 4 : i32
      %swap3A_475 = arith.index_cast %swap3A_474 : i32 to index
      %swap3A_476 = arith.constant 64 : index
      %swap3A_477 = tpu.vector_load %arg8[%swap3A_475, %swap3A_476] {strides = array<i32>} : memref<8x128xf32, #tpu.memory_space<vmem>>, vector<1x16xf32>,
      %swap3A_478 = vector.shape_cast %swap3A_477 : vector<1x16xf32> to vector<16xf32>
      %swap3A_479 = vector.shape_cast %scan3A_448#4 : vector<16xf32> to vector<1x16xf32>
      tpu.vector_store %arg8[%swap3A_475, %swap3A_476], %swap3A_479 {strides = array<i32>} : memref<8x128xf32, #tpu.memory_space<vmem>>, vector<1x16xf32>,
      %swap3A_480 = arith.constant 4 : i32
      %swap3A_481 = arith.index_cast %swap3A_480 : i32 to index
      %swap3A_482 = arith.constant 80 : index
      %swap3A_483 = tpu.vector_load %arg8[%swap3A_481, %swap3A_482] {strides = array<i32>} : memref<8x128xf32, #tpu.memory_space<vmem>>, vector<1x16xf32>,
      %swap3A_484 = vector.shape_cast %swap3A_483 : vector<1x16xf32> to vector<16xf32>
      %swap3A_485 = vector.shape_cast %scan3A_448#5 : vector<16xf32> to vector<1x16xf32>
      tpu.vector_store %arg8[%swap3A_481, %swap3A_482], %swap3A_485 {strides = array<i32>} : memref<8x128xf32, #tpu.memory_space<vmem>>, vector<1x16xf32>,
      %swap3A_486 = arith.constant 4 : i32
      %swap3A_487 = arith.index_cast %swap3A_486 : i32 to index
      %swap3A_488 = arith.constant 96 : index
      %swap3A_489 = tpu.vector_load %arg8[%swap3A_487, %swap3A_488] {strides = array<i32>} : memref<8x128xf32, #tpu.memory_space<vmem>>, vector<1x16xf32>,
      %swap3A_490 = vector.shape_cast %swap3A_489 : vector<1x16xf32> to vector<16xf32>
      %swap3A_491 = vector.shape_cast %scan3A_448#6 : vector<16xf32> to vector<1x16xf32>
      tpu.vector_store %arg8[%swap3A_487, %swap3A_488], %swap3A_491 {strides = array<i32>} : memref<8x128xf32, #tpu.memory_space<vmem>>, vector<1x16xf32>,
      %swap3A_492 = arith.constant 4 : i32
      %swap3A_493 = arith.index_cast %swap3A_492 : i32 to index
      %swap3A_494 = arith.constant 112 : index
      %swap3A_495 = tpu.vector_load %arg8[%swap3A_493, %swap3A_494] {strides = array<i32>} : memref<8x128xf32, #tpu.memory_space<vmem>>, vector<1x16xf32>,
      %swap3A_496 = vector.shape_cast %swap3A_495 : vector<1x16xf32> to vector<16xf32>
      %swap3A_497 = vector.shape_cast %scan3A_448#7 : vector<16xf32> to vector<1x16xf32>
      tpu.vector_store %arg8[%swap3A_493, %swap3A_494], %swap3A_497 {strides = array<i32>} : memref<8x128xf32, #tpu.memory_space<vmem>>, vector<1x16xf32>,
      %get3A_498 = arith.constant 160 : i32
      %get3A_499 = arith.index_cast %get3A_498 : i32 to index
      %get3A_500 = arith.constant 0 : index
      %get3A_501 = tpu.vector_load %arg6[%get3A_499, %get3A_500] {strides = array<i32>} : memref<256x128xf32, #tpu.memory_space<vmem>>, vector<1x16xf32>,
      %get3A_502 = vector.shape_cast %get3A_501 : vector<1x16xf32> to vector<16xf32>
      %get3A_503 = arith.constant 160 : i32
      %get3A_504 = arith.index_cast %get3A_503 : i32 to index
      %get3A_505 = arith.constant 16 : index
      %get3A_506 = tpu.vector_load %arg6[%get3A_504, %get3A_505] {strides = array<i32>} : memref<256x128xf32, #tpu.memory_space<vmem>>, vector<1x16xf32>,
      %get3A_507 = vector.shape_cast %get3A_506 : vector<1x16xf32> to vector<16xf32>
      %get3A_508 = arith.constant 160 : i32
      %get3A_509 = arith.index_cast %get3A_508 : i32 to index
      %get3A_510 = arith.constant 32 : index
      %get3A_511 = tpu.vector_load %arg6[%get3A_509, %get3A_510] {strides = array<i32>} : memref<256x128xf32, #tpu.memory_space<vmem>>, vector<1x16xf32>,
      %get3A_512 = vector.shape_cast %get3A_511 : vector<1x16xf32> to vector<16xf32>
      %get3A_513 = arith.constant 160 : i32
      %get3A_514 = arith.index_cast %get3A_513 : i32 to index
      %get3A_515 = arith.constant 48 : index
      %get3A_516 = tpu.vector_load %arg6[%get3A_514, %get3A_515] {strides = array<i32>} : memref<256x128xf32, #tpu.memory_space<vmem>>, vector<1x16xf32>,
      %get3A_517 = vector.shape_cast %get3A_516 : vector<1x16xf32> to vector<16xf32>
      %get3A_518 = arith.constant 160 : i32
      %get3A_519 = arith.index_cast %get3A_518 : i32 to index
      %get3A_520 = arith.constant 64 : index
      %get3A_521 = tpu.vector_load %arg6[%get3A_519, %get3A_520] {strides = array<i32>} : memref<256x128xf32, #tpu.memory_space<vmem>>, vector<1x16xf32>,
      %get3A_522 = vector.shape_cast %get3A_521 : vector<1x16xf32> to vector<16xf32>
      %get3A_523 = arith.constant 160 : i32
      %get3A_524 = arith.index_cast %get3A_523 : i32 to index
      %get3A_525 = arith.constant 80 : index
      %get3A_526 = tpu.vector_load %arg6[%get3A_524, %get3A_525] {strides = array<i32>} : memref<256x128xf32, #tpu.memory_space<vmem>>, vector<1x16xf32>,
      %get3A_527 = vector.shape_cast %get3A_526 : vector<1x16xf32> to vector<16xf32>
      %get3A_528 = arith.constant 160 : i32
      %get3A_529 = arith.index_cast %get3A_528 : i32 to index
      %get3A_530 = arith.constant 96 : index
      %get3A_531 = tpu.vector_load %arg6[%get3A_529, %get3A_530] {strides = array<i32>} : memref<256x128xf32, #tpu.memory_space<vmem>>, vector<1x16xf32>,
      %get3A_532 = vector.shape_cast %get3A_531 : vector<1x16xf32> to vector<16xf32>
      %get3A_533 = arith.constant 160 : i32
      %get3A_534 = arith.index_cast %get3A_533 : i32 to index
      %get3A_535 = arith.constant 112 : index
      %get3A_536 = tpu.vector_load %arg6[%get3A_534, %get3A_535] {strides = array<i32>} : memref<256x128xf32, #tpu.memory_space<vmem>>, vector<1x16xf32>,
      %get3A_537 = vector.shape_cast %get3A_536 : vector<1x16xf32> to vector<16xf32>
      %scan3A_538 = arith.constant 1 : i32
      %scan3A_539 = arith.constant 31 : i32
      %scan3A_540 = arith.addi %scan3A_538, %scan3A_539 : i32
      %scan3A_541 = arith.constant 1 : i32
      %scan3A_542:8 = scf.for %scan3A_1552 = %scan3A_538 to %scan3A_540 step %scan3A_541 iter_args(%scan3A_1553 = %get3A_502, %scan3A_1554 = %get3A_507, %scan3A_1555 = %get3A_512, %scan3A_1556 = %get3A_517, %scan3A_1557 = %get3A_522, %scan3A_1558 = %get3A_527, %scan3A_1559 = %get3A_532, %scan3A_1560 = %get3A_537) -> (vector<16xf32>, vector<16xf32>, vector<16xf32>, vector<16xf32>, vector<16xf32>, vector<16xf32>, vector<16xf32>, vector<16xf32>)  : i32 {
        %add3A_1561 = arith.constant 160 : i32
        %add3A_1562 = arith.addi %add3A_1561, %scan3A_1552 : i32
        %get3A_1563 = arith.index_cast %add3A_1562 : i32 to index
        %get3A_1564 = arith.constant 0 : index
        %get3A_1565 = tpu.vector_load %arg6[%get3A_1563, %get3A_1564] {strides = array<i32>} : memref<256x128xf32, #tpu.memory_space<vmem>>, vector<1x16xf32>,
        %get3A_1566 = vector.shape_cast %get3A_1565 : vector<1x16xf32> to vector<16xf32>
        %max3A = arith.maximumf %scan3A_1553, %get3A_1566 : vector<16xf32>
        %get3A_1567 = arith.index_cast %add3A_1562 : i32 to index
        %get3A_1568 = arith.constant 16 : index
        %get3A_1569 = tpu.vector_load %arg6[%get3A_1567, %get3A_1568] {strides = array<i32>} : memref<256x128xf32, #tpu.memory_space<vmem>>, vector<1x16xf32>,
        %get3A_1570 = vector.shape_cast %get3A_1569 : vector<1x16xf32> to vector<16xf32>
        %max3A_1571 = arith.maximumf %scan3A_1554, %get3A_1570 : vector<16xf32>
        %get3A_1572 = arith.index_cast %add3A_1562 : i32 to index
        %get3A_1573 = arith.constant 32 : index
        %get3A_1574 = tpu.vector_load %arg6[%get3A_1572, %get3A_1573] {strides = array<i32>} : memref<256x128xf32, #tpu.memory_space<vmem>>, vector<1x16xf32>,
        %get3A_1575 = vector.shape_cast %get3A_1574 : vector<1x16xf32> to vector<16xf32>
        %max3A_1576 = arith.maximumf %scan3A_1555, %get3A_1575 : vector<16xf32>
        %get3A_1577 = arith.index_cast %add3A_1562 : i32 to index
        %get3A_1578 = arith.constant 48 : index
        %get3A_1579 = tpu.vector_load %arg6[%get3A_1577, %get3A_1578] {strides = array<i32>} : memref<256x128xf32, #tpu.memory_space<vmem>>, vector<1x16xf32>,
        %get3A_1580 = vector.shape_cast %get3A_1579 : vector<1x16xf32> to vector<16xf32>
        %max3A_1581 = arith.maximumf %scan3A_1556, %get3A_1580 : vector<16xf32>
        %get3A_1582 = arith.index_cast %add3A_1562 : i32 to index
        %get3A_1583 = arith.constant 64 : index
        %get3A_1584 = tpu.vector_load %arg6[%get3A_1582, %get3A_1583] {strides = array<i32>} : memref<256x128xf32, #tpu.memory_space<vmem>>, vector<1x16xf32>,
        %get3A_1585 = vector.shape_cast %get3A_1584 : vector<1x16xf32> to vector<16xf32>
        %max3A_1586 = arith.maximumf %scan3A_1557, %get3A_1585 : vector<16xf32>
        %get3A_1587 = arith.index_cast %add3A_1562 : i32 to index
        %get3A_1588 = arith.constant 80 : index
        %get3A_1589 = tpu.vector_load %arg6[%get3A_1587, %get3A_1588] {strides = array<i32>} : memref<256x128xf32, #tpu.memory_space<vmem>>, vector<1x16xf32>,
        %get3A_1590 = vector.shape_cast %get3A_1589 : vector<1x16xf32> to vector<16xf32>
        %max3A_1591 = arith.maximumf %scan3A_1558, %get3A_1590 : vector<16xf32>
        %get3A_1592 = arith.index_cast %add3A_1562 : i32 to index
        %get3A_1593 = arith.constant 96 : index
        %get3A_1594 = tpu.vector_load %arg6[%get3A_1592, %get3A_1593] {strides = array<i32>} : memref<256x128xf32, #tpu.memory_space<vmem>>, vector<1x16xf32>,
        %get3A_1595 = vector.shape_cast %get3A_1594 : vector<1x16xf32> to vector<16xf32>
        %max3A_1596 = arith.maximumf %scan3A_1559, %get3A_1595 : vector<16xf32>
        %get3A_1597 = arith.index_cast %add3A_1562 : i32 to index
        %get3A_1598 = arith.constant 112 : index
        %get3A_1599 = tpu.vector_load %arg6[%get3A_1597, %get3A_1598] {strides = array<i32>} : memref<256x128xf32, #tpu.memory_space<vmem>>, vector<1x16xf32>,
        %get3A_1600 = vector.shape_cast %get3A_1599 : vector<1x16xf32> to vector<16xf32>
        %max3A_1601 = arith.maximumf %scan3A_1560, %get3A_1600 : vector<16xf32>
        scf.yield %max3A, %max3A_1571, %max3A_1576, %max3A_1581, %max3A_1586, %max3A_1591, %max3A_1596, %max3A_1601 : vector<16xf32>, vector<16xf32>, vector<16xf32>, vector<16xf32>, vector<16xf32>, vector<16xf32>, vector<16xf32>, vector<16xf32>
      }
      %scan3A_543 = arith.constant 31 : i32
      %swap3A_544 = arith.constant 5 : i32
      %swap3A_545 = arith.index_cast %swap3A_544 : i32 to index
      %swap3A_546 = arith.constant 0 : index
      %swap3A_547 = tpu.vector_load %arg8[%swap3A_545, %swap3A_546] {strides = array<i32>} : memref<8x128xf32, #tpu.memory_space<vmem>>, vector<1x16xf32>,
      %swap3A_548 = vector.shape_cast %swap3A_547 : vector<1x16xf32> to vector<16xf32>
      %swap3A_549 = vector.shape_cast %scan3A_542#0 : vector<16xf32> to vector<1x16xf32>
      tpu.vector_store %arg8[%swap3A_545, %swap3A_546], %swap3A_549 {strides = array<i32>} : memref<8x128xf32, #tpu.memory_space<vmem>>, vector<1x16xf32>,
      %swap3A_550 = arith.constant 5 : i32
      %swap3A_551 = arith.index_cast %swap3A_550 : i32 to index
      %swap3A_552 = arith.constant 16 : index
      %swap3A_553 = tpu.vector_load %arg8[%swap3A_551, %swap3A_552] {strides = array<i32>} : memref<8x128xf32, #tpu.memory_space<vmem>>, vector<1x16xf32>,
      %swap3A_554 = vector.shape_cast %swap3A_553 : vector<1x16xf32> to vector<16xf32>
      %swap3A_555 = vector.shape_cast %scan3A_542#1 : vector<16xf32> to vector<1x16xf32>
      tpu.vector_store %arg8[%swap3A_551, %swap3A_552], %swap3A_555 {strides = array<i32>} : memref<8x128xf32, #tpu.memory_space<vmem>>, vector<1x16xf32>,
      %swap3A_556 = arith.constant 5 : i32
      %swap3A_557 = arith.index_cast %swap3A_556 : i32 to index
      %swap3A_558 = arith.constant 32 : index
      %swap3A_559 = tpu.vector_load %arg8[%swap3A_557, %swap3A_558] {strides = array<i32>} : memref<8x128xf32, #tpu.memory_space<vmem>>, vector<1x16xf32>,
      %swap3A_560 = vector.shape_cast %swap3A_559 : vector<1x16xf32> to vector<16xf32>
      %swap3A_561 = vector.shape_cast %scan3A_542#2 : vector<16xf32> to vector<1x16xf32>
      tpu.vector_store %arg8[%swap3A_557, %swap3A_558], %swap3A_561 {strides = array<i32>} : memref<8x128xf32, #tpu.memory_space<vmem>>, vector<1x16xf32>,
      %swap3A_562 = arith.constant 5 : i32
      %swap3A_563 = arith.index_cast %swap3A_562 : i32 to index
      %swap3A_564 = arith.constant 48 : index
      %swap3A_565 = tpu.vector_load %arg8[%swap3A_563, %swap3A_564] {strides = array<i32>} : memref<8x128xf32, #tpu.memory_space<vmem>>, vector<1x16xf32>,
      %swap3A_566 = vector.shape_cast %swap3A_565 : vector<1x16xf32> to vector<16xf32>
      %swap3A_567 = vector.shape_cast %scan3A_542#3 : vector<16xf32> to vector<1x16xf32>
      tpu.vector_store %arg8[%swap3A_563, %swap3A_564], %swap3A_567 {strides = array<i32>} : memref<8x128xf32, #tpu.memory_space<vmem>>, vector<1x16xf32>,
      %swap3A_568 = arith.constant 5 : i32
      %swap3A_569 = arith.index_cast %swap3A_568 : i32 to index
      %swap3A_570 = arith.constant 64 : index
      %swap3A_571 = tpu.vector_load %arg8[%swap3A_569, %swap3A_570] {strides = array<i32>} : memref<8x128xf32, #tpu.memory_space<vmem>>, vector<1x16xf32>,
      %swap3A_572 = vector.shape_cast %swap3A_571 : vector<1x16xf32> to vector<16xf32>
      %swap3A_573 = vector.shape_cast %scan3A_542#4 : vector<16xf32> to vector<1x16xf32>
      tpu.vector_store %arg8[%swap3A_569, %swap3A_570], %swap3A_573 {strides = array<i32>} : memref<8x128xf32, #tpu.memory_space<vmem>>, vector<1x16xf32>,
      %swap3A_574 = arith.constant 5 : i32
      %swap3A_575 = arith.index_cast %swap3A_574 : i32 to index
      %swap3A_576 = arith.constant 80 : index
      %swap3A_577 = tpu.vector_load %arg8[%swap3A_575, %swap3A_576] {strides = array<i32>} : memref<8x128xf32, #tpu.memory_space<vmem>>, vector<1x16xf32>,
      %swap3A_578 = vector.shape_cast %swap3A_577 : vector<1x16xf32> to vector<16xf32>
      %swap3A_579 = vector.shape_cast %scan3A_542#5 : vector<16xf32> to vector<1x16xf32>
      tpu.vector_store %arg8[%swap3A_575, %swap3A_576], %swap3A_579 {strides = array<i32>} : memref<8x128xf32, #tpu.memory_space<vmem>>, vector<1x16xf32>,
      %swap3A_580 = arith.constant 5 : i32
      %swap3A_581 = arith.index_cast %swap3A_580 : i32 to index
      %swap3A_582 = arith.constant 96 : index
      %swap3A_583 = tpu.vector_load %arg8[%swap3A_581, %swap3A_582] {strides = array<i32>} : memref<8x128xf32, #tpu.memory_space<vmem>>, vector<1x16xf32>,
      %swap3A_584 = vector.shape_cast %swap3A_583 : vector<1x16xf32> to vector<16xf32>
      %swap3A_585 = vector.shape_cast %scan3A_542#6 : vector<16xf32> to vector<1x16xf32>
      tpu.vector_store %arg8[%swap3A_581, %swap3A_582], %swap3A_585 {strides = array<i32>} : memref<8x128xf32, #tpu.memory_space<vmem>>, vector<1x16xf32>,
      %swap3A_586 = arith.constant 5 : i32
      %swap3A_587 = arith.index_cast %swap3A_586 : i32 to index
      %swap3A_588 = arith.constant 112 : index
      %swap3A_589 = tpu.vector_load %arg8[%swap3A_587, %swap3A_588] {strides = array<i32>} : memref<8x128xf32, #tpu.memory_space<vmem>>, vector<1x16xf32>,
      %swap3A_590 = vector.shape_cast %swap3A_589 : vector<1x16xf32> to vector<16xf32>
      %swap3A_591 = vector.shape_cast %scan3A_542#7 : vector<16xf32> to vector<1x16xf32>
      tpu.vector_store %arg8[%swap3A_587, %swap3A_588], %swap3A_591 {strides = array<i32>} : memref<8x128xf32, #tpu.memory_space<vmem>>, vector<1x16xf32>,
      %get3A_592 = arith.constant 192 : i32
      %get3A_593 = arith.index_cast %get3A_592 : i32 to index
      %get3A_594 = arith.constant 0 : index
      %get3A_595 = tpu.vector_load %arg6[%get3A_593, %get3A_594] {strides = array<i32>} : memref<256x128xf32, #tpu.memory_space<vmem>>, vector<1x16xf32>,
      %get3A_596 = vector.shape_cast %get3A_595 : vector<1x16xf32> to vector<16xf32>
      %get3A_597 = arith.constant 192 : i32
      %get3A_598 = arith.index_cast %get3A_597 : i32 to index
      %get3A_599 = arith.constant 16 : index
      %get3A_600 = tpu.vector_load %arg6[%get3A_598, %get3A_599] {strides = array<i32>} : memref<256x128xf32, #tpu.memory_space<vmem>>, vector<1x16xf32>,
      %get3A_601 = vector.shape_cast %get3A_600 : vector<1x16xf32> to vector<16xf32>
      %get3A_602 = arith.constant 192 : i32
      %get3A_603 = arith.index_cast %get3A_602 : i32 to index
      %get3A_604 = arith.constant 32 : index
      %get3A_605 = tpu.vector_load %arg6[%get3A_603, %get3A_604] {strides = array<i32>} : memref<256x128xf32, #tpu.memory_space<vmem>>, vector<1x16xf32>,
      %get3A_606 = vector.shape_cast %get3A_605 : vector<1x16xf32> to vector<16xf32>
      %get3A_607 = arith.constant 192 : i32
      %get3A_608 = arith.index_cast %get3A_607 : i32 to index
      %get3A_609 = arith.constant 48 : index
      %get3A_610 = tpu.vector_load %arg6[%get3A_608, %get3A_609] {strides = array<i32>} : memref<256x128xf32, #tpu.memory_space<vmem>>, vector<1x16xf32>,
      %get3A_611 = vector.shape_cast %get3A_610 : vector<1x16xf32> to vector<16xf32>
      %get3A_612 = arith.constant 192 : i32
      %get3A_613 = arith.index_cast %get3A_612 : i32 to index
      %get3A_614 = arith.constant 64 : index
      %get3A_615 = tpu.vector_load %arg6[%get3A_613, %get3A_614] {strides = array<i32>} : memref<256x128xf32, #tpu.memory_space<vmem>>, vector<1x16xf32>,
      %get3A_616 = vector.shape_cast %get3A_615 : vector<1x16xf32> to vector<16xf32>
      %get3A_617 = arith.constant 192 : i32
      %get3A_618 = arith.index_cast %get3A_617 : i32 to index
      %get3A_619 = arith.constant 80 : index
      %get3A_620 = tpu.vector_load %arg6[%get3A_618, %get3A_619] {strides = array<i32>} : memref<256x128xf32, #tpu.memory_space<vmem>>, vector<1x16xf32>,
      %get3A_621 = vector.shape_cast %get3A_620 : vector<1x16xf32> to vector<16xf32>
      %get3A_622 = arith.constant 192 : i32
      %get3A_623 = arith.index_cast %get3A_622 : i32 to index
      %get3A_624 = arith.constant 96 : index
      %get3A_625 = tpu.vector_load %arg6[%get3A_623, %get3A_624] {strides = array<i32>} : memref<256x128xf32, #tpu.memory_space<vmem>>, vector<1x16xf32>,
      %get3A_626 = vector.shape_cast %get3A_625 : vector<1x16xf32> to vector<16xf32>
      %get3A_627 = arith.constant 192 : i32
      %get3A_628 = arith.index_cast %get3A_627 : i32 to index
      %get3A_629 = arith.constant 112 : index
      %get3A_630 = tpu.vector_load %arg6[%get3A_628, %get3A_629] {strides = array<i32>} : memref<256x128xf32, #tpu.memory_space<vmem>>, vector<1x16xf32>,
      %get3A_631 = vector.shape_cast %get3A_630 : vector<1x16xf32> to vector<16xf32>
      %scan3A_632 = arith.constant 1 : i32
      %scan3A_633 = arith.constant 31 : i32
      %scan3A_634 = arith.addi %scan3A_632, %scan3A_633 : i32
      %scan3A_635 = arith.constant 1 : i32
      %scan3A_636:8 = scf.for %scan3A_1552 = %scan3A_632 to %scan3A_634 step %scan3A_635 iter_args(%scan3A_1553 = %get3A_596, %scan3A_1554 = %get3A_601, %scan3A_1555 = %get3A_606, %scan3A_1556 = %get3A_611, %scan3A_1557 = %get3A_616, %scan3A_1558 = %get3A_621, %scan3A_1559 = %get3A_626, %scan3A_1560 = %get3A_631) -> (vector<16xf32>, vector<16xf32>, vector<16xf32>, vector<16xf32>, vector<16xf32>, vector<16xf32>, vector<16xf32>, vector<16xf32>)  : i32 {
        %add3A_1561 = arith.constant 192 : i32
        %add3A_1562 = arith.addi %add3A_1561, %scan3A_1552 : i32
        %get3A_1563 = arith.index_cast %add3A_1562 : i32 to index
        %get3A_1564 = arith.constant 0 : index
        %get3A_1565 = tpu.vector_load %arg6[%get3A_1563, %get3A_1564] {strides = array<i32>} : memref<256x128xf32, #tpu.memory_space<vmem>>, vector<1x16xf32>,
        %get3A_1566 = vector.shape_cast %get3A_1565 : vector<1x16xf32> to vector<16xf32>
        %max3A = arith.maximumf %scan3A_1553, %get3A_1566 : vector<16xf32>
        %get3A_1567 = arith.index_cast %add3A_1562 : i32 to index
        %get3A_1568 = arith.constant 16 : index
        %get3A_1569 = tpu.vector_load %arg6[%get3A_1567, %get3A_1568] {strides = array<i32>} : memref<256x128xf32, #tpu.memory_space<vmem>>, vector<1x16xf32>,
        %get3A_1570 = vector.shape_cast %get3A_1569 : vector<1x16xf32> to vector<16xf32>
        %max3A_1571 = arith.maximumf %scan3A_1554, %get3A_1570 : vector<16xf32>
        %get3A_1572 = arith.index_cast %add3A_1562 : i32 to index
        %get3A_1573 = arith.constant 32 : index
        %get3A_1574 = tpu.vector_load %arg6[%get3A_1572, %get3A_1573] {strides = array<i32>} : memref<256x128xf32, #tpu.memory_space<vmem>>, vector<1x16xf32>,
        %get3A_1575 = vector.shape_cast %get3A_1574 : vector<1x16xf32> to vector<16xf32>
        %max3A_1576 = arith.maximumf %scan3A_1555, %get3A_1575 : vector<16xf32>
        %get3A_1577 = arith.index_cast %add3A_1562 : i32 to index
        %get3A_1578 = arith.constant 48 : index
        %get3A_1579 = tpu.vector_load %arg6[%get3A_1577, %get3A_1578] {strides = array<i32>} : memref<256x128xf32, #tpu.memory_space<vmem>>, vector<1x16xf32>,
        %get3A_1580 = vector.shape_cast %get3A_1579 : vector<1x16xf32> to vector<16xf32>
        %max3A_1581 = arith.maximumf %scan3A_1556, %get3A_1580 : vector<16xf32>
        %get3A_1582 = arith.index_cast %add3A_1562 : i32 to index
        %get3A_1583 = arith.constant 64 : index
        %get3A_1584 = tpu.vector_load %arg6[%get3A_1582, %get3A_1583] {strides = array<i32>} : memref<256x128xf32, #tpu.memory_space<vmem>>, vector<1x16xf32>,
        %get3A_1585 = vector.shape_cast %get3A_1584 : vector<1x16xf32> to vector<16xf32>
        %max3A_1586 = arith.maximumf %scan3A_1557, %get3A_1585 : vector<16xf32>
        %get3A_1587 = arith.index_cast %add3A_1562 : i32 to index
        %get3A_1588 = arith.constant 80 : index
        %get3A_1589 = tpu.vector_load %arg6[%get3A_1587, %get3A_1588] {strides = array<i32>} : memref<256x128xf32, #tpu.memory_space<vmem>>, vector<1x16xf32>,
        %get3A_1590 = vector.shape_cast %get3A_1589 : vector<1x16xf32> to vector<16xf32>
        %max3A_1591 = arith.maximumf %scan3A_1558, %get3A_1590 : vector<16xf32>
        %get3A_1592 = arith.index_cast %add3A_1562 : i32 to index
        %get3A_1593 = arith.constant 96 : index
        %get3A_1594 = tpu.vector_load %arg6[%get3A_1592, %get3A_1593] {strides = array<i32>} : memref<256x128xf32, #tpu.memory_space<vmem>>, vector<1x16xf32>,
        %get3A_1595 = vector.shape_cast %get3A_1594 : vector<1x16xf32> to vector<16xf32>
        %max3A_1596 = arith.maximumf %scan3A_1559, %get3A_1595 : vector<16xf32>
        %get3A_1597 = arith.index_cast %add3A_1562 : i32 to index
        %get3A_1598 = arith.constant 112 : index
        %get3A_1599 = tpu.vector_load %arg6[%get3A_1597, %get3A_1598] {strides = array<i32>} : memref<256x128xf32, #tpu.memory_space<vmem>>, vector<1x16xf32>,
        %get3A_1600 = vector.shape_cast %get3A_1599 : vector<1x16xf32> to vector<16xf32>
        %max3A_1601 = arith.maximumf %scan3A_1560, %get3A_1600 : vector<16xf32>
        scf.yield %max3A, %max3A_1571, %max3A_1576, %max3A_1581, %max3A_1586, %max3A_1591, %max3A_1596, %max3A_1601 : vector<16xf32>, vector<16xf32>, vector<16xf32>, vector<16xf32>, vector<16xf32>, vector<16xf32>, vector<16xf32>, vector<16xf32>
      }
      %scan3A_637 = arith.constant 31 : i32
      %swap3A_638 = arith.constant 6 : i32
      %swap3A_639 = arith.index_cast %swap3A_638 : i32 to index
      %swap3A_640 = arith.constant 0 : index
      %swap3A_641 = tpu.vector_load %arg8[%swap3A_639, %swap3A_640] {strides = array<i32>} : memref<8x128xf32, #tpu.memory_space<vmem>>, vector<1x16xf32>,
      %swap3A_642 = vector.shape_cast %swap3A_641 : vector<1x16xf32> to vector<16xf32>
      %swap3A_643 = vector.shape_cast %scan3A_636#0 : vector<16xf32> to vector<1x16xf32>
      tpu.vector_store %arg8[%swap3A_639, %swap3A_640], %swap3A_643 {strides = array<i32>} : memref<8x128xf32, #tpu.memory_space<vmem>>, vector<1x16xf32>,
      %swap3A_644 = arith.constant 6 : i32
      %swap3A_645 = arith.index_cast %swap3A_644 : i32 to index
      %swap3A_646 = arith.constant 16 : index
      %swap3A_647 = tpu.vector_load %arg8[%swap3A_645, %swap3A_646] {strides = array<i32>} : memref<8x128xf32, #tpu.memory_space<vmem>>, vector<1x16xf32>,
      %swap3A_648 = vector.shape_cast %swap3A_647 : vector<1x16xf32> to vector<16xf32>
      %swap3A_649 = vector.shape_cast %scan3A_636#1 : vector<16xf32> to vector<1x16xf32>
      tpu.vector_store %arg8[%swap3A_645, %swap3A_646], %swap3A_649 {strides = array<i32>} : memref<8x128xf32, #tpu.memory_space<vmem>>, vector<1x16xf32>,
      %swap3A_650 = arith.constant 6 : i32
      %swap3A_651 = arith.index_cast %swap3A_650 : i32 to index
      %swap3A_652 = arith.constant 32 : index
      %swap3A_653 = tpu.vector_load %arg8[%swap3A_651, %swap3A_652] {strides = array<i32>} : memref<8x128xf32, #tpu.memory_space<vmem>>, vector<1x16xf32>,
      %swap3A_654 = vector.shape_cast %swap3A_653 : vector<1x16xf32> to vector<16xf32>
      %swap3A_655 = vector.shape_cast %scan3A_636#2 : vector<16xf32> to vector<1x16xf32>
      tpu.vector_store %arg8[%swap3A_651, %swap3A_652], %swap3A_655 {strides = array<i32>} : memref<8x128xf32, #tpu.memory_space<vmem>>, vector<1x16xf32>,
      %swap3A_656 = arith.constant 6 : i32
      %swap3A_657 = arith.index_cast %swap3A_656 : i32 to index
      %swap3A_658 = arith.constant 48 : index
      %swap3A_659 = tpu.vector_load %arg8[%swap3A_657, %swap3A_658] {strides = array<i32>} : memref<8x128xf32, #tpu.memory_space<vmem>>, vector<1x16xf32>,
      %swap3A_660 = vector.shape_cast %swap3A_659 : vector<1x16xf32> to vector<16xf32>
      %swap3A_661 = vector.shape_cast %scan3A_636#3 : vector<16xf32> to vector<1x16xf32>
      tpu.vector_store %arg8[%swap3A_657, %swap3A_658], %swap3A_661 {strides = array<i32>} : memref<8x128xf32, #tpu.memory_space<vmem>>, vector<1x16xf32>,
      %swap3A_662 = arith.constant 6 : i32
      %swap3A_663 = arith.index_cast %swap3A_662 : i32 to index
      %swap3A_664 = arith.constant 64 : index
      %swap3A_665 = tpu.vector_load %arg8[%swap3A_663, %swap3A_664] {strides = array<i32>} : memref<8x128xf32, #tpu.memory_space<vmem>>, vector<1x16xf32>,
      %swap3A_666 = vector.shape_cast %swap3A_665 : vector<1x16xf32> to vector<16xf32>
      %swap3A_667 = vector.shape_cast %scan3A_636#4 : vector<16xf32> to vector<1x16xf32>
      tpu.vector_store %arg8[%swap3A_663, %swap3A_664], %swap3A_667 {strides = array<i32>} : memref<8x128xf32, #tpu.memory_space<vmem>>, vector<1x16xf32>,
      %swap3A_668 = arith.constant 6 : i32
      %swap3A_669 = arith.index_cast %swap3A_668 : i32 to index
      %swap3A_670 = arith.constant 80 : index
      %swap3A_671 = tpu.vector_load %arg8[%swap3A_669, %swap3A_670] {strides = array<i32>} : memref<8x128xf32, #tpu.memory_space<vmem>>, vector<1x16xf32>,
      %swap3A_672 = vector.shape_cast %swap3A_671 : vector<1x16xf32> to vector<16xf32>
      %swap3A_673 = vector.shape_cast %scan3A_636#5 : vector<16xf32> to vector<1x16xf32>
      tpu.vector_store %arg8[%swap3A_669, %swap3A_670], %swap3A_673 {strides = array<i32>} : memref<8x128xf32, #tpu.memory_space<vmem>>, vector<1x16xf32>,
      %swap3A_674 = arith.constant 6 : i32
      %swap3A_675 = arith.index_cast %swap3A_674 : i32 to index
      %swap3A_676 = arith.constant 96 : index
      %swap3A_677 = tpu.vector_load %arg8[%swap3A_675, %swap3A_676] {strides = array<i32>} : memref<8x128xf32, #tpu.memory_space<vmem>>, vector<1x16xf32>,
      %swap3A_678 = vector.shape_cast %swap3A_677 : vector<1x16xf32> to vector<16xf32>
      %swap3A_679 = vector.shape_cast %scan3A_636#6 : vector<16xf32> to vector<1x16xf32>
      tpu.vector_store %arg8[%swap3A_675, %swap3A_676], %swap3A_679 {strides = array<i32>} : memref<8x128xf32, #tpu.memory_space<vmem>>, vector<1x16xf32>,
      %swap3A_680 = arith.constant 6 : i32
      %swap3A_681 = arith.index_cast %swap3A_680 : i32 to index
      %swap3A_682 = arith.constant 112 : index
      %swap3A_683 = tpu.vector_load %arg8[%swap3A_681, %swap3A_682] {strides = array<i32>} : memref<8x128xf32, #tpu.memory_space<vmem>>, vector<1x16xf32>,
      %swap3A_684 = vector.shape_cast %swap3A_683 : vector<1x16xf32> to vector<16xf32>
      %swap3A_685 = vector.shape_cast %scan3A_636#7 : vector<16xf32> to vector<1x16xf32>
      tpu.vector_store %arg8[%swap3A_681, %swap3A_682], %swap3A_685 {strides = array<i32>} : memref<8x128xf32, #tpu.memory_space<vmem>>, vector<1x16xf32>,
      %get3A_686 = arith.constant 224 : i32
      %get3A_687 = arith.index_cast %get3A_686 : i32 to index
      %get3A_688 = arith.constant 0 : index
      %get3A_689 = tpu.vector_load %arg6[%get3A_687, %get3A_688] {strides = array<i32>} : memref<256x128xf32, #tpu.memory_space<vmem>>, vector<1x16xf32>,
      %get3A_690 = vector.shape_cast %get3A_689 : vector<1x16xf32> to vector<16xf32>
      %get3A_691 = arith.constant 224 : i32
      %get3A_692 = arith.index_cast %get3A_691 : i32 to index
      %get3A_693 = arith.constant 16 : index
      %get3A_694 = tpu.vector_load %arg6[%get3A_692, %get3A_693] {strides = array<i32>} : memref<256x128xf32, #tpu.memory_space<vmem>>, vector<1x16xf32>,
      %get3A_695 = vector.shape_cast %get3A_694 : vector<1x16xf32> to vector<16xf32>
      %get3A_696 = arith.constant 224 : i32
      %get3A_697 = arith.index_cast %get3A_696 : i32 to index
      %get3A_698 = arith.constant 32 : index
      %get3A_699 = tpu.vector_load %arg6[%get3A_697, %get3A_698] {strides = array<i32>} : memref<256x128xf32, #tpu.memory_space<vmem>>, vector<1x16xf32>,
      %get3A_700 = vector.shape_cast %get3A_699 : vector<1x16xf32> to vector<16xf32>
      %get3A_701 = arith.constant 224 : i32
      %get3A_702 = arith.index_cast %get3A_701 : i32 to index
      %get3A_703 = arith.constant 48 : index
      %get3A_704 = tpu.vector_load %arg6[%get3A_702, %get3A_703] {strides = array<i32>} : memref<256x128xf32, #tpu.memory_space<vmem>>, vector<1x16xf32>,
      %get3A_705 = vector.shape_cast %get3A_704 : vector<1x16xf32> to vector<16xf32>
      %get3A_706 = arith.constant 224 : i32
      %get3A_707 = arith.index_cast %get3A_706 : i32 to index
      %get3A_708 = arith.constant 64 : index
      %get3A_709 = tpu.vector_load %arg6[%get3A_707, %get3A_708] {strides = array<i32>} : memref<256x128xf32, #tpu.memory_space<vmem>>, vector<1x16xf32>,
      %get3A_710 = vector.shape_cast %get3A_709 : vector<1x16xf32> to vector<16xf32>
      %get3A_711 = arith.constant 224 : i32
      %get3A_712 = arith.index_cast %get3A_711 : i32 to index
      %get3A_713 = arith.constant 80 : index
      %get3A_714 = tpu.vector_load %arg6[%get3A_712, %get3A_713] {strides = array<i32>} : memref<256x128xf32, #tpu.memory_space<vmem>>, vector<1x16xf32>,
      %get3A_715 = vector.shape_cast %get3A_714 : vector<1x16xf32> to vector<16xf32>
      %get3A_716 = arith.constant 224 : i32
      %get3A_717 = arith.index_cast %get3A_716 : i32 to index
      %get3A_718 = arith.constant 96 : index
      %get3A_719 = tpu.vector_load %arg6[%get3A_717, %get3A_718] {strides = array<i32>} : memref<256x128xf32, #tpu.memory_space<vmem>>, vector<1x16xf32>,
      %get3A_720 = vector.shape_cast %get3A_719 : vector<1x16xf32> to vector<16xf32>
      %get3A_721 = arith.constant 224 : i32
      %get3A_722 = arith.index_cast %get3A_721 : i32 to index
      %get3A_723 = arith.constant 112 : index
      %get3A_724 = tpu.vector_load %arg6[%get3A_722, %get3A_723] {strides = array<i32>} : memref<256x128xf32, #tpu.memory_space<vmem>>, vector<1x16xf32>,
      %get3A_725 = vector.shape_cast %get3A_724 : vector<1x16xf32> to vector<16xf32>
      %scan3A_726 = arith.constant 1 : i32
      %scan3A_727 = arith.constant 31 : i32
      %scan3A_728 = arith.addi %scan3A_726, %scan3A_727 : i32
      %scan3A_729 = arith.constant 1 : i32
      %scan3A_730:8 = scf.for %scan3A_1552 = %scan3A_726 to %scan3A_728 step %scan3A_729 iter_args(%scan3A_1553 = %get3A_690, %scan3A_1554 = %get3A_695, %scan3A_1555 = %get3A_700, %scan3A_1556 = %get3A_705, %scan3A_1557 = %get3A_710, %scan3A_1558 = %get3A_715, %scan3A_1559 = %get3A_720, %scan3A_1560 = %get3A_725) -> (vector<16xf32>, vector<16xf32>, vector<16xf32>, vector<16xf32>, vector<16xf32>, vector<16xf32>, vector<16xf32>, vector<16xf32>)  : i32 {
        %add3A_1561 = arith.constant 224 : i32
        %add3A_1562 = arith.addi %add3A_1561, %scan3A_1552 : i32
        %get3A_1563 = arith.index_cast %add3A_1562 : i32 to index
        %get3A_1564 = arith.constant 0 : index
        %get3A_1565 = tpu.vector_load %arg6[%get3A_1563, %get3A_1564] {strides = array<i32>} : memref<256x128xf32, #tpu.memory_space<vmem>>, vector<1x16xf32>,
        %get3A_1566 = vector.shape_cast %get3A_1565 : vector<1x16xf32> to vector<16xf32>
        %max3A = arith.maximumf %scan3A_1553, %get3A_1566 : vector<16xf32>
        %get3A_1567 = arith.index_cast %add3A_1562 : i32 to index
        %get3A_1568 = arith.constant 16 : index
        %get3A_1569 = tpu.vector_load %arg6[%get3A_1567, %get3A_1568] {strides = array<i32>} : memref<256x128xf32, #tpu.memory_space<vmem>>, vector<1x16xf32>,
        %get3A_1570 = vector.shape_cast %get3A_1569 : vector<1x16xf32> to vector<16xf32>
        %max3A_1571 = arith.maximumf %scan3A_1554, %get3A_1570 : vector<16xf32>
        %get3A_1572 = arith.index_cast %add3A_1562 : i32 to index
        %get3A_1573 = arith.constant 32 : index
        %get3A_1574 = tpu.vector_load %arg6[%get3A_1572, %get3A_1573] {strides = array<i32>} : memref<256x128xf32, #tpu.memory_space<vmem>>, vector<1x16xf32>,
        %get3A_1575 = vector.shape_cast %get3A_1574 : vector<1x16xf32> to vector<16xf32>
        %max3A_1576 = arith.maximumf %scan3A_1555, %get3A_1575 : vector<16xf32>
        %get3A_1577 = arith.index_cast %add3A_1562 : i32 to index
        %get3A_1578 = arith.constant 48 : index
        %get3A_1579 = tpu.vector_load %arg6[%get3A_1577, %get3A_1578] {strides = array<i32>} : memref<256x128xf32, #tpu.memory_space<vmem>>, vector<1x16xf32>,
        %get3A_1580 = vector.shape_cast %get3A_1579 : vector<1x16xf32> to vector<16xf32>
        %max3A_1581 = arith.maximumf %scan3A_1556, %get3A_1580 : vector<16xf32>
        %get3A_1582 = arith.index_cast %add3A_1562 : i32 to index
        %get3A_1583 = arith.constant 64 : index
        %get3A_1584 = tpu.vector_load %arg6[%get3A_1582, %get3A_1583] {strides = array<i32>} : memref<256x128xf32, #tpu.memory_space<vmem>>, vector<1x16xf32>,
        %get3A_1585 = vector.shape_cast %get3A_1584 : vector<1x16xf32> to vector<16xf32>
        %max3A_1586 = arith.maximumf %scan3A_1557, %get3A_1585 : vector<16xf32>
        %get3A_1587 = arith.index_cast %add3A_1562 : i32 to index
        %get3A_1588 = arith.constant 80 : index
        %get3A_1589 = tpu.vector_load %arg6[%get3A_1587, %get3A_1588] {strides = array<i32>} : memref<256x128xf32, #tpu.memory_space<vmem>>, vector<1x16xf32>,
        %get3A_1590 = vector.shape_cast %get3A_1589 : vector<1x16xf32> to vector<16xf32>
        %max3A_1591 = arith.maximumf %scan3A_1558, %get3A_1590 : vector<16xf32>
        %get3A_1592 = arith.index_cast %add3A_1562 : i32 to index
        %get3A_1593 = arith.constant 96 : index
        %get3A_1594 = tpu.vector_load %arg6[%get3A_1592, %get3A_1593] {strides = array<i32>} : memref<256x128xf32, #tpu.memory_space<vmem>>, vector<1x16xf32>,
        %get3A_1595 = vector.shape_cast %get3A_1594 : vector<1x16xf32> to vector<16xf32>
        %max3A_1596 = arith.maximumf %scan3A_1559, %get3A_1595 : vector<16xf32>
        %get3A_1597 = arith.index_cast %add3A_1562 : i32 to index
        %get3A_1598 = arith.constant 112 : index
        %get3A_1599 = tpu.vector_load %arg6[%get3A_1597, %get3A_1598] {strides = array<i32>} : memref<256x128xf32, #tpu.memory_space<vmem>>, vector<1x16xf32>,
        %get3A_1600 = vector.shape_cast %get3A_1599 : vector<1x16xf32> to vector<16xf32>
        %max3A_1601 = arith.maximumf %scan3A_1560, %get3A_1600 : vector<16xf32>
        scf.yield %max3A, %max3A_1571, %max3A_1576, %max3A_1581, %max3A_1586, %max3A_1591, %max3A_1596, %max3A_1601 : vector<16xf32>, vector<16xf32>, vector<16xf32>, vector<16xf32>, vector<16xf32>, vector<16xf32>, vector<16xf32>, vector<16xf32>
      }
      %scan3A_731 = arith.constant 31 : i32
      %swap3A_732 = arith.constant 7 : i32
      %swap3A_733 = arith.index_cast %swap3A_732 : i32 to index
      %swap3A_734 = arith.constant 0 : index
      %swap3A_735 = tpu.vector_load %arg8[%swap3A_733, %swap3A_734] {strides = array<i32>} : memref<8x128xf32, #tpu.memory_space<vmem>>, vector<1x16xf32>,
      %swap3A_736 = vector.shape_cast %swap3A_735 : vector<1x16xf32> to vector<16xf32>
      %swap3A_737 = vector.shape_cast %scan3A_730#0 : vector<16xf32> to vector<1x16xf32>
      tpu.vector_store %arg8[%swap3A_733, %swap3A_734], %swap3A_737 {strides = array<i32>} : memref<8x128xf32, #tpu.memory_space<vmem>>, vector<1x16xf32>,
      %swap3A_738 = arith.constant 7 : i32
      %swap3A_739 = arith.index_cast %swap3A_738 : i32 to index
      %swap3A_740 = arith.constant 16 : index
      %swap3A_741 = tpu.vector_load %arg8[%swap3A_739, %swap3A_740] {strides = array<i32>} : memref<8x128xf32, #tpu.memory_space<vmem>>, vector<1x16xf32>,
      %swap3A_742 = vector.shape_cast %swap3A_741 : vector<1x16xf32> to vector<16xf32>
      %swap3A_743 = vector.shape_cast %scan3A_730#1 : vector<16xf32> to vector<1x16xf32>
      tpu.vector_store %arg8[%swap3A_739, %swap3A_740], %swap3A_743 {strides = array<i32>} : memref<8x128xf32, #tpu.memory_space<vmem>>, vector<1x16xf32>,
      %swap3A_744 = arith.constant 7 : i32
      %swap3A_745 = arith.index_cast %swap3A_744 : i32 to index
      %swap3A_746 = arith.constant 32 : index
      %swap3A_747 = tpu.vector_load %arg8[%swap3A_745, %swap3A_746] {strides = array<i32>} : memref<8x128xf32, #tpu.memory_space<vmem>>, vector<1x16xf32>,
      %swap3A_748 = vector.shape_cast %swap3A_747 : vector<1x16xf32> to vector<16xf32>
      %swap3A_749 = vector.shape_cast %scan3A_730#2 : vector<16xf32> to vector<1x16xf32>
      tpu.vector_store %arg8[%swap3A_745, %swap3A_746], %swap3A_749 {strides = array<i32>} : memref<8x128xf32, #tpu.memory_space<vmem>>, vector<1x16xf32>,
      %swap3A_750 = arith.constant 7 : i32
      %swap3A_751 = arith.index_cast %swap3A_750 : i32 to index
      %swap3A_752 = arith.constant 48 : index
      %swap3A_753 = tpu.vector_load %arg8[%swap3A_751, %swap3A_752] {strides = array<i32>} : memref<8x128xf32, #tpu.memory_space<vmem>>, vector<1x16xf32>,
      %swap3A_754 = vector.shape_cast %swap3A_753 : vector<1x16xf32> to vector<16xf32>
      %swap3A_755 = vector.shape_cast %scan3A_730#3 : vector<16xf32> to vector<1x16xf32>
      tpu.vector_store %arg8[%swap3A_751, %swap3A_752], %swap3A_755 {strides = array<i32>} : memref<8x128xf32, #tpu.memory_space<vmem>>, vector<1x16xf32>,
      %swap3A_756 = arith.constant 7 : i32
      %swap3A_757 = arith.index_cast %swap3A_756 : i32 to index
      %swap3A_758 = arith.constant 64 : index
      %swap3A_759 = tpu.vector_load %arg8[%swap3A_757, %swap3A_758] {strides = array<i32>} : memref<8x128xf32, #tpu.memory_space<vmem>>, vector<1x16xf32>,
      %swap3A_760 = vector.shape_cast %swap3A_759 : vector<1x16xf32> to vector<16xf32>
      %swap3A_761 = vector.shape_cast %scan3A_730#4 : vector<16xf32> to vector<1x16xf32>
      tpu.vector_store %arg8[%swap3A_757, %swap3A_758], %swap3A_761 {strides = array<i32>} : memref<8x128xf32, #tpu.memory_space<vmem>>, vector<1x16xf32>,
      %swap3A_762 = arith.constant 7 : i32
      %swap3A_763 = arith.index_cast %swap3A_762 : i32 to index
      %swap3A_764 = arith.constant 80 : index
      %swap3A_765 = tpu.vector_load %arg8[%swap3A_763, %swap3A_764] {strides = array<i32>} : memref<8x128xf32, #tpu.memory_space<vmem>>, vector<1x16xf32>,
      %swap3A_766 = vector.shape_cast %swap3A_765 : vector<1x16xf32> to vector<16xf32>
      %swap3A_767 = vector.shape_cast %scan3A_730#5 : vector<16xf32> to vector<1x16xf32>
      tpu.vector_store %arg8[%swap3A_763, %swap3A_764], %swap3A_767 {strides = array<i32>} : memref<8x128xf32, #tpu.memory_space<vmem>>, vector<1x16xf32>,
      %swap3A_768 = arith.constant 7 : i32
      %swap3A_769 = arith.index_cast %swap3A_768 : i32 to index
      %swap3A_770 = arith.constant 96 : index
      %swap3A_771 = tpu.vector_load %arg8[%swap3A_769, %swap3A_770] {strides = array<i32>} : memref<8x128xf32, #tpu.memory_space<vmem>>, vector<1x16xf32>,
      %swap3A_772 = vector.shape_cast %swap3A_771 : vector<1x16xf32> to vector<16xf32>
      %swap3A_773 = vector.shape_cast %scan3A_730#6 : vector<16xf32> to vector<1x16xf32>
      tpu.vector_store %arg8[%swap3A_769, %swap3A_770], %swap3A_773 {strides = array<i32>} : memref<8x128xf32, #tpu.memory_space<vmem>>, vector<1x16xf32>,
      %swap3A_774 = arith.constant 7 : i32
      %swap3A_775 = arith.index_cast %swap3A_774 : i32 to index
      %swap3A_776 = arith.constant 112 : index
      %swap3A_777 = tpu.vector_load %arg8[%swap3A_775, %swap3A_776] {strides = array<i32>} : memref<8x128xf32, #tpu.memory_space<vmem>>, vector<1x16xf32>,
      %swap3A_778 = vector.shape_cast %swap3A_777 : vector<1x16xf32> to vector<16xf32>
      %swap3A_779 = vector.shape_cast %scan3A_730#7 : vector<16xf32> to vector<1x16xf32>
      tpu.vector_store %arg8[%swap3A_775, %swap3A_776], %swap3A_779 {strides = array<i32>} : memref<8x128xf32, #tpu.memory_space<vmem>>, vector<1x16xf32>,
      %mul3A_780 = arith.constant 8 : i32
      %mul3A_781 = arith.muli %mul3A_16, %mul3A_780 : i32
      %add3A_782 = arith.addi %mul3A_2, %mul3A_781 : i32
      "tpu.region"() ({
        %run_scoped3A = tpu.sem_alloc : memref<!tpu.dma_semaphore, #tpu.memory_space<semaphore_mem>>
        %dma_start3A_1552 = arith.constant 0 : i32
        %dma_start3A_1553 = tpu.memref_slice %arg4[%add3A_782, %dma_start3A_1552] : memref<16384x128xf32, #tpu.memory_space<hbm>> -> memref<8x128xf32, #tpu.memory_space<hbm>>
        %dma_start3A_1554 = arith.constant 0 : i32
        %dma_start3A_1555 = tpu.memref_slice %arg4[%add3A_782, %dma_start3A_1554] : memref<16384x128xf32, #tpu.memory_space<hbm>> -> memref<8x128xf32, #tpu.memory_space<hbm>>
        tpu.enqueue_dma source(%arg8 : memref<8x128xf32, #tpu.memory_space<vmem>>) target(%dma_start3A_1555 : memref<8x128xf32, #tpu.memory_space<hbm>>) target_semaphore(%run_scoped3A : memref<!tpu.dma_semaphore, #tpu.memory_space<semaphore_mem>>)
        %dma_wait3A_1556 = arith.constant 0 : i32
        %dma_wait3A_1557 = tpu.memref_slice %arg4[%add3A_782, %dma_wait3A_1556] : memref<16384x128xf32, #tpu.memory_space<hbm>> -> memref<8x128xf32, #tpu.memory_space<hbm>>
        %dma_wait3A_1558 = arith.constant 0 : i32
        %dma_wait3A_1559 = tpu.memref_slice %arg4[%add3A_782, %dma_wait3A_1558] : memref<16384x128xf32, #tpu.memory_space<hbm>> -> memref<8x128xf32, #tpu.memory_space<hbm>>
        tpu.wait_dma2 semaphore(%run_scoped3A : memref<!tpu.dma_semaphore, #tpu.memory_space<semaphore_mem>>) src(%arg8 : memref<8x128xf32, #tpu.memory_space<vmem>>) dst(%dma_wait3A_1559 : memref<8x128xf32, #tpu.memory_space<hbm>>)
        tpu.yield
      }) : () -> ()
      %add3A_783 = arith.constant 2 : i32
      %add3A_784 = arith.addi %mul3A_16, %add3A_783 : i32
      %lt3A = arith.constant 64 : i32
      %lt3A_785 = arith.cmpi slt, %add3A_784, %lt3A : i32
      %convert_element_type3A = arith.extui %lt3A_785 : i1 to i32
      %cond3A = arith.constant 0 : i32
      %cond3A_786 = arith.cmpi ne, %convert_element_type3A, %cond3A : i32
      scf.if %cond3A_786 {
        %add3A_1552 = arith.constant 2 : i32
        %add3A_1553 = arith.addi %mul3A_16, %add3A_1552 : i32
        %mul3A_1554 = arith.constant 256 : i32
        %mul3A_1555 = arith.muli %add3A_1553, %mul3A_1554 : i32
        %dma_start3A_1556 = tpu.memref_slice %arg5[%mul3A_1555] : memref<16384xi32, #tpu.memory_space<vmem>> -> memref<256xi32, #tpu.memory_space<vmem>>
        %dma_start3A_1557 = arith.constant 0 : i32
        %dma_start3A_1558 = arith.constant 0 : i32
        %dma_start3A_1559 = tpu.memref_slice %arg2[%dma_start3A_1557, %dma_start3A_1558] : memref<16384x128xf32, #tpu.memory_space<hbm>> -> memref<16384x128xf32, #tpu.memory_space<hbm>>
        tpu.enqueue_indirect_dma source(%dma_start3A_1559 : memref<16384x128xf32, #tpu.memory_space<hbm>>) target(%arg6 : memref<256x128xf32, #tpu.memory_space<vmem>>) offsets(%dma_start3A_1556 : memref<256xi32, #tpu.memory_space<vmem>>) semaphore(%arg9 : memref<!tpu.dma_semaphore, #tpu.memory_space<semaphore_mem>>)
      } else {
      }
      %add3A_787 = arith.constant 1 : i32
      %add3A_788 = arith.addi %mul3A_16, %add3A_787 : i32
      %mul3A_789 = arith.constant 256 : i32
      %mul3A_790 = arith.muli %add3A_788, %mul3A_789 : i32
      %dma_wait3A_791 = tpu.memref_slice %arg5[%mul3A_790] : memref<16384xi32, #tpu.memory_space<vmem>> -> memref<256xi32, #tpu.memory_space<vmem>>
      %dma_wait3A_792 = arith.constant 0 : i32
      %dma_wait3A_793 = arith.constant 0 : i32
      %dma_wait3A_794 = tpu.memref_slice %arg2[%dma_wait3A_792, %dma_wait3A_793] : memref<16384x128xf32, #tpu.memory_space<hbm>> -> memref<16384x128xf32, #tpu.memory_space<hbm>>
      tpu.wait_indirect_dma semaphore(%arg10 : memref<!tpu.dma_semaphore, #tpu.memory_space<semaphore_mem>>) src(%dma_wait3A_794 : memref<16384x128xf32, #tpu.memory_space<hbm>>) dst(%arg7 : memref<256x128xf32, #tpu.memory_space<vmem>>)
      %add3A_795 = arith.constant 1 : i32
      %add3A_796 = arith.addi %mul3A_16, %add3A_795 : i32
      %get3A_797 = arith.constant 0 : i32
      %get3A_798 = arith.index_cast %get3A_797 : i32 to index
      %get3A_799 = arith.constant 0 : index
      %get3A_800 = tpu.vector_load %arg7[%get3A_798, %get3A_799] {strides = array<i32>} : memref<256x128xf32, #tpu.memory_space<vmem>>, vector<1x16xf32>,
      %get3A_801 = vector.shape_cast %get3A_800 : vector<1x16xf32> to vector<16xf32>
      %get3A_802 = arith.constant 0 : i32
      %get3A_803 = arith.index_cast %get3A_802 : i32 to index
      %get3A_804 = arith.constant 16 : index
      %get3A_805 = tpu.vector_load %arg7[%get3A_803, %get3A_804] {strides = array<i32>} : memref<256x128xf32, #tpu.memory_space<vmem>>, vector<1x16xf32>,
      %get3A_806 = vector.shape_cast %get3A_805 : vector<1x16xf32> to vector<16xf32>
      %get3A_807 = arith.constant 0 : i32
      %get3A_808 = arith.index_cast %get3A_807 : i32 to index
      %get3A_809 = arith.constant 32 : index
      %get3A_810 = tpu.vector_load %arg7[%get3A_808, %get3A_809] {strides = array<i32>} : memref<256x128xf32, #tpu.memory_space<vmem>>, vector<1x16xf32>,
      %get3A_811 = vector.shape_cast %get3A_810 : vector<1x16xf32> to vector<16xf32>
      %get3A_812 = arith.constant 0 : i32
      %get3A_813 = arith.index_cast %get3A_812 : i32 to index
      %get3A_814 = arith.constant 48 : index
      %get3A_815 = tpu.vector_load %arg7[%get3A_813, %get3A_814] {strides = array<i32>} : memref<256x128xf32, #tpu.memory_space<vmem>>, vector<1x16xf32>,
      %get3A_816 = vector.shape_cast %get3A_815 : vector<1x16xf32> to vector<16xf32>
      %get3A_817 = arith.constant 0 : i32
      %get3A_818 = arith.index_cast %get3A_817 : i32 to index
      %get3A_819 = arith.constant 64 : index
      %get3A_820 = tpu.vector_load %arg7[%get3A_818, %get3A_819] {strides = array<i32>} : memref<256x128xf32, #tpu.memory_space<vmem>>, vector<1x16xf32>,
      %get3A_821 = vector.shape_cast %get3A_820 : vector<1x16xf32> to vector<16xf32>
      %get3A_822 = arith.constant 0 : i32
      %get3A_823 = arith.index_cast %get3A_822 : i32 to index
      %get3A_824 = arith.constant 80 : index
      %get3A_825 = tpu.vector_load %arg7[%get3A_823, %get3A_824] {strides = array<i32>} : memref<256x128xf32, #tpu.memory_space<vmem>>, vector<1x16xf32>,
      %get3A_826 = vector.shape_cast %get3A_825 : vector<1x16xf32> to vector<16xf32>
      %get3A_827 = arith.constant 0 : i32
      %get3A_828 = arith.index_cast %get3A_827 : i32 to index
      %get3A_829 = arith.constant 96 : index
      %get3A_830 = tpu.vector_load %arg7[%get3A_828, %get3A_829] {strides = array<i32>} : memref<256x128xf32, #tpu.memory_space<vmem>>, vector<1x16xf32>,
      %get3A_831 = vector.shape_cast %get3A_830 : vector<1x16xf32> to vector<16xf32>
      %get3A_832 = arith.constant 0 : i32
      %get3A_833 = arith.index_cast %get3A_832 : i32 to index
      %get3A_834 = arith.constant 112 : index
      %get3A_835 = tpu.vector_load %arg7[%get3A_833, %get3A_834] {strides = array<i32>} : memref<256x128xf32, #tpu.memory_space<vmem>>, vector<1x16xf32>,
      %get3A_836 = vector.shape_cast %get3A_835 : vector<1x16xf32> to vector<16xf32>
      %scan3A_837 = arith.constant 1 : i32
      %scan3A_838 = arith.constant 31 : i32
      %scan3A_839 = arith.addi %scan3A_837, %scan3A_838 : i32
      %scan3A_840 = arith.constant 1 : i32
      %scan3A_841:8 = scf.for %scan3A_1552 = %scan3A_837 to %scan3A_839 step %scan3A_840 iter_args(%scan3A_1553 = %get3A_801, %scan3A_1554 = %get3A_806, %scan3A_1555 = %get3A_811, %scan3A_1556 = %get3A_816, %scan3A_1557 = %get3A_821, %scan3A_1558 = %get3A_826, %scan3A_1559 = %get3A_831, %scan3A_1560 = %get3A_836) -> (vector<16xf32>, vector<16xf32>, vector<16xf32>, vector<16xf32>, vector<16xf32>, vector<16xf32>, vector<16xf32>, vector<16xf32>)  : i32 {
        %add3A_1561 = arith.constant 0 : i32
        %add3A_1562 = arith.addi %add3A_1561, %scan3A_1552 : i32
        %get3A_1563 = arith.index_cast %add3A_1562 : i32 to index
        %get3A_1564 = arith.constant 0 : index
        %get3A_1565 = tpu.vector_load %arg7[%get3A_1563, %get3A_1564] {strides = array<i32>} : memref<256x128xf32, #tpu.memory_space<vmem>>, vector<1x16xf32>,
        %get3A_1566 = vector.shape_cast %get3A_1565 : vector<1x16xf32> to vector<16xf32>
        %max3A = arith.maximumf %scan3A_1553, %get3A_1566 : vector<16xf32>
        %get3A_1567 = arith.index_cast %add3A_1562 : i32 to index
        %get3A_1568 = arith.constant 16 : index
        %get3A_1569 = tpu.vector_load %arg7[%get3A_1567, %get3A_1568] {strides = array<i32>} : memref<256x128xf32, #tpu.memory_space<vmem>>, vector<1x16xf32>,
        %get3A_1570 = vector.shape_cast %get3A_1569 : vector<1x16xf32> to vector<16xf32>
        %max3A_1571 = arith.maximumf %scan3A_1554, %get3A_1570 : vector<16xf32>
        %get3A_1572 = arith.index_cast %add3A_1562 : i32 to index
        %get3A_1573 = arith.constant 32 : index
        %get3A_1574 = tpu.vector_load %arg7[%get3A_1572, %get3A_1573] {strides = array<i32>} : memref<256x128xf32, #tpu.memory_space<vmem>>, vector<1x16xf32>,
        %get3A_1575 = vector.shape_cast %get3A_1574 : vector<1x16xf32> to vector<16xf32>
        %max3A_1576 = arith.maximumf %scan3A_1555, %get3A_1575 : vector<16xf32>
        %get3A_1577 = arith.index_cast %add3A_1562 : i32 to index
        %get3A_1578 = arith.constant 48 : index
        %get3A_1579 = tpu.vector_load %arg7[%get3A_1577, %get3A_1578] {strides = array<i32>} : memref<256x128xf32, #tpu.memory_space<vmem>>, vector<1x16xf32>,
        %get3A_1580 = vector.shape_cast %get3A_1579 : vector<1x16xf32> to vector<16xf32>
        %max3A_1581 = arith.maximumf %scan3A_1556, %get3A_1580 : vector<16xf32>
        %get3A_1582 = arith.index_cast %add3A_1562 : i32 to index
        %get3A_1583 = arith.constant 64 : index
        %get3A_1584 = tpu.vector_load %arg7[%get3A_1582, %get3A_1583] {strides = array<i32>} : memref<256x128xf32, #tpu.memory_space<vmem>>, vector<1x16xf32>,
        %get3A_1585 = vector.shape_cast %get3A_1584 : vector<1x16xf32> to vector<16xf32>
        %max3A_1586 = arith.maximumf %scan3A_1557, %get3A_1585 : vector<16xf32>
        %get3A_1587 = arith.index_cast %add3A_1562 : i32 to index
        %get3A_1588 = arith.constant 80 : index
        %get3A_1589 = tpu.vector_load %arg7[%get3A_1587, %get3A_1588] {strides = array<i32>} : memref<256x128xf32, #tpu.memory_space<vmem>>, vector<1x16xf32>,
        %get3A_1590 = vector.shape_cast %get3A_1589 : vector<1x16xf32> to vector<16xf32>
        %max3A_1591 = arith.maximumf %scan3A_1558, %get3A_1590 : vector<16xf32>
        %get3A_1592 = arith.index_cast %add3A_1562 : i32 to index
        %get3A_1593 = arith.constant 96 : index
        %get3A_1594 = tpu.vector_load %arg7[%get3A_1592, %get3A_1593] {strides = array<i32>} : memref<256x128xf32, #tpu.memory_space<vmem>>, vector<1x16xf32>,
        %get3A_1595 = vector.shape_cast %get3A_1594 : vector<1x16xf32> to vector<16xf32>
        %max3A_1596 = arith.maximumf %scan3A_1559, %get3A_1595 : vector<16xf32>
        %get3A_1597 = arith.index_cast %add3A_1562 : i32 to index
        %get3A_1598 = arith.constant 112 : index
        %get3A_1599 = tpu.vector_load %arg7[%get3A_1597, %get3A_1598] {strides = array<i32>} : memref<256x128xf32, #tpu.memory_space<vmem>>, vector<1x16xf32>,
        %get3A_1600 = vector.shape_cast %get3A_1599 : vector<1x16xf32> to vector<16xf32>
        %max3A_1601 = arith.maximumf %scan3A_1560, %get3A_1600 : vector<16xf32>
        scf.yield %max3A, %max3A_1571, %max3A_1576, %max3A_1581, %max3A_1586, %max3A_1591, %max3A_1596, %max3A_1601 : vector<16xf32>, vector<16xf32>, vector<16xf32>, vector<16xf32>, vector<16xf32>, vector<16xf32>, vector<16xf32>, vector<16xf32>
      }
      %scan3A_842 = arith.constant 31 : i32
      %swap3A_843 = arith.constant 0 : i32
      %swap3A_844 = arith.index_cast %swap3A_843 : i32 to index
      %swap3A_845 = arith.constant 0 : index
      %swap3A_846 = tpu.vector_load %arg8[%swap3A_844, %swap3A_845] {strides = array<i32>} : memref<8x128xf32, #tpu.memory_space<vmem>>, vector<1x16xf32>,
      %swap3A_847 = vector.shape_cast %swap3A_846 : vector<1x16xf32> to vector<16xf32>
      %swap3A_848 = vector.shape_cast %scan3A_841#0 : vector<16xf32> to vector<1x16xf32>
      tpu.vector_store %arg8[%swap3A_844, %swap3A_845], %swap3A_848 {strides = array<i32>} : memref<8x128xf32, #tpu.memory_space<vmem>>, vector<1x16xf32>,
      %swap3A_849 = arith.constant 0 : i32
      %swap3A_850 = arith.index_cast %swap3A_849 : i32 to index
      %swap3A_851 = arith.constant 16 : index
      %swap3A_852 = tpu.vector_load %arg8[%swap3A_850, %swap3A_851] {strides = array<i32>} : memref<8x128xf32, #tpu.memory_space<vmem>>, vector<1x16xf32>,
      %swap3A_853 = vector.shape_cast %swap3A_852 : vector<1x16xf32> to vector<16xf32>
      %swap3A_854 = vector.shape_cast %scan3A_841#1 : vector<16xf32> to vector<1x16xf32>
      tpu.vector_store %arg8[%swap3A_850, %swap3A_851], %swap3A_854 {strides = array<i32>} : memref<8x128xf32, #tpu.memory_space<vmem>>, vector<1x16xf32>,
      %swap3A_855 = arith.constant 0 : i32
      %swap3A_856 = arith.index_cast %swap3A_855 : i32 to index
      %swap3A_857 = arith.constant 32 : index
      %swap3A_858 = tpu.vector_load %arg8[%swap3A_856, %swap3A_857] {strides = array<i32>} : memref<8x128xf32, #tpu.memory_space<vmem>>, vector<1x16xf32>,
      %swap3A_859 = vector.shape_cast %swap3A_858 : vector<1x16xf32> to vector<16xf32>
      %swap3A_860 = vector.shape_cast %scan3A_841#2 : vector<16xf32> to vector<1x16xf32>
      tpu.vector_store %arg8[%swap3A_856, %swap3A_857], %swap3A_860 {strides = array<i32>} : memref<8x128xf32, #tpu.memory_space<vmem>>, vector<1x16xf32>,
      %swap3A_861 = arith.constant 0 : i32
      %swap3A_862 = arith.index_cast %swap3A_861 : i32 to index
      %swap3A_863 = arith.constant 48 : index
      %swap3A_864 = tpu.vector_load %arg8[%swap3A_862, %swap3A_863] {strides = array<i32>} : memref<8x128xf32, #tpu.memory_space<vmem>>, vector<1x16xf32>,
      %swap3A_865 = vector.shape_cast %swap3A_864 : vector<1x16xf32> to vector<16xf32>
      %swap3A_866 = vector.shape_cast %scan3A_841#3 : vector<16xf32> to vector<1x16xf32>
      tpu.vector_store %arg8[%swap3A_862, %swap3A_863], %swap3A_866 {strides = array<i32>} : memref<8x128xf32, #tpu.memory_space<vmem>>, vector<1x16xf32>,
      %swap3A_867 = arith.constant 0 : i32
      %swap3A_868 = arith.index_cast %swap3A_867 : i32 to index
      %swap3A_869 = arith.constant 64 : index
      %swap3A_870 = tpu.vector_load %arg8[%swap3A_868, %swap3A_869] {strides = array<i32>} : memref<8x128xf32, #tpu.memory_space<vmem>>, vector<1x16xf32>,
      %swap3A_871 = vector.shape_cast %swap3A_870 : vector<1x16xf32> to vector<16xf32>
      %swap3A_872 = vector.shape_cast %scan3A_841#4 : vector<16xf32> to vector<1x16xf32>
      tpu.vector_store %arg8[%swap3A_868, %swap3A_869], %swap3A_872 {strides = array<i32>} : memref<8x128xf32, #tpu.memory_space<vmem>>, vector<1x16xf32>,
      %swap3A_873 = arith.constant 0 : i32
      %swap3A_874 = arith.index_cast %swap3A_873 : i32 to index
      %swap3A_875 = arith.constant 80 : index
      %swap3A_876 = tpu.vector_load %arg8[%swap3A_874, %swap3A_875] {strides = array<i32>} : memref<8x128xf32, #tpu.memory_space<vmem>>, vector<1x16xf32>,
      %swap3A_877 = vector.shape_cast %swap3A_876 : vector<1x16xf32> to vector<16xf32>
      %swap3A_878 = vector.shape_cast %scan3A_841#5 : vector<16xf32> to vector<1x16xf32>
      tpu.vector_store %arg8[%swap3A_874, %swap3A_875], %swap3A_878 {strides = array<i32>} : memref<8x128xf32, #tpu.memory_space<vmem>>, vector<1x16xf32>,
      %swap3A_879 = arith.constant 0 : i32
      %swap3A_880 = arith.index_cast %swap3A_879 : i32 to index
      %swap3A_881 = arith.constant 96 : index
      %swap3A_882 = tpu.vector_load %arg8[%swap3A_880, %swap3A_881] {strides = array<i32>} : memref<8x128xf32, #tpu.memory_space<vmem>>, vector<1x16xf32>,
      %swap3A_883 = vector.shape_cast %swap3A_882 : vector<1x16xf32> to vector<16xf32>
      %swap3A_884 = vector.shape_cast %scan3A_841#6 : vector<16xf32> to vector<1x16xf32>
      tpu.vector_store %arg8[%swap3A_880, %swap3A_881], %swap3A_884 {strides = array<i32>} : memref<8x128xf32, #tpu.memory_space<vmem>>, vector<1x16xf32>,
      %swap3A_885 = arith.constant 0 : i32
      %swap3A_886 = arith.index_cast %swap3A_885 : i32 to index
      %swap3A_887 = arith.constant 112 : index
      %swap3A_888 = tpu.vector_load %arg8[%swap3A_886, %swap3A_887] {strides = array<i32>} : memref<8x128xf32, #tpu.memory_space<vmem>>, vector<1x16xf32>,
      %swap3A_889 = vector.shape_cast %swap3A_888 : vector<1x16xf32> to vector<16xf32>
      %swap3A_890 = vector.shape_cast %scan3A_841#7 : vector<16xf32> to vector<1x16xf32>
      tpu.vector_store %arg8[%swap3A_886, %swap3A_887], %swap3A_890 {strides = array<i32>} : memref<8x128xf32, #tpu.memory_space<vmem>>, vector<1x16xf32>,
      %get3A_891 = arith.constant 32 : i32
      %get3A_892 = arith.index_cast %get3A_891 : i32 to index
      %get3A_893 = arith.constant 0 : index
      %get3A_894 = tpu.vector_load %arg7[%get3A_892, %get3A_893] {strides = array<i32>} : memref<256x128xf32, #tpu.memory_space<vmem>>, vector<1x16xf32>,
      %get3A_895 = vector.shape_cast %get3A_894 : vector<1x16xf32> to vector<16xf32>
      %get3A_896 = arith.constant 32 : i32
      %get3A_897 = arith.index_cast %get3A_896 : i32 to index
      %get3A_898 = arith.constant 16 : index
      %get3A_899 = tpu.vector_load %arg7[%get3A_897, %get3A_898] {strides = array<i32>} : memref<256x128xf32, #tpu.memory_space<vmem>>, vector<1x16xf32>,
      %get3A_900 = vector.shape_cast %get3A_899 : vector<1x16xf32> to vector<16xf32>
      %get3A_901 = arith.constant 32 : i32
      %get3A_902 = arith.index_cast %get3A_901 : i32 to index
      %get3A_903 = arith.constant 32 : index
      %get3A_904 = tpu.vector_load %arg7[%get3A_902, %get3A_903] {strides = array<i32>} : memref<256x128xf32, #tpu.memory_space<vmem>>, vector<1x16xf32>,
      %get3A_905 = vector.shape_cast %get3A_904 : vector<1x16xf32> to vector<16xf32>
      %get3A_906 = arith.constant 32 : i32
      %get3A_907 = arith.index_cast %get3A_906 : i32 to index
      %get3A_908 = arith.constant 48 : index
      %get3A_909 = tpu.vector_load %arg7[%get3A_907, %get3A_908] {strides = array<i32>} : memref<256x128xf32, #tpu.memory_space<vmem>>, vector<1x16xf32>,
      %get3A_910 = vector.shape_cast %get3A_909 : vector<1x16xf32> to vector<16xf32>
      %get3A_911 = arith.constant 32 : i32
      %get3A_912 = arith.index_cast %get3A_911 : i32 to index
      %get3A_913 = arith.constant 64 : index
      %get3A_914 = tpu.vector_load %arg7[%get3A_912, %get3A_913] {strides = array<i32>} : memref<256x128xf32, #tpu.memory_space<vmem>>, vector<1x16xf32>,
      %get3A_915 = vector.shape_cast %get3A_914 : vector<1x16xf32> to vector<16xf32>
      %get3A_916 = arith.constant 32 : i32
      %get3A_917 = arith.index_cast %get3A_916 : i32 to index
      %get3A_918 = arith.constant 80 : index
      %get3A_919 = tpu.vector_load %arg7[%get3A_917, %get3A_918] {strides = array<i32>} : memref<256x128xf32, #tpu.memory_space<vmem>>, vector<1x16xf32>,
      %get3A_920 = vector.shape_cast %get3A_919 : vector<1x16xf32> to vector<16xf32>
      %get3A_921 = arith.constant 32 : i32
      %get3A_922 = arith.index_cast %get3A_921 : i32 to index
      %get3A_923 = arith.constant 96 : index
      %get3A_924 = tpu.vector_load %arg7[%get3A_922, %get3A_923] {strides = array<i32>} : memref<256x128xf32, #tpu.memory_space<vmem>>, vector<1x16xf32>,
      %get3A_925 = vector.shape_cast %get3A_924 : vector<1x16xf32> to vector<16xf32>
      %get3A_926 = arith.constant 32 : i32
      %get3A_927 = arith.index_cast %get3A_926 : i32 to index
      %get3A_928 = arith.constant 112 : index
      %get3A_929 = tpu.vector_load %arg7[%get3A_927, %get3A_928] {strides = array<i32>} : memref<256x128xf32, #tpu.memory_space<vmem>>, vector<1x16xf32>,
      %get3A_930 = vector.shape_cast %get3A_929 : vector<1x16xf32> to vector<16xf32>
      %scan3A_931 = arith.constant 1 : i32
      %scan3A_932 = arith.constant 31 : i32
      %scan3A_933 = arith.addi %scan3A_931, %scan3A_932 : i32
      %scan3A_934 = arith.constant 1 : i32
      %scan3A_935:8 = scf.for %scan3A_1552 = %scan3A_931 to %scan3A_933 step %scan3A_934 iter_args(%scan3A_1553 = %get3A_895, %scan3A_1554 = %get3A_900, %scan3A_1555 = %get3A_905, %scan3A_1556 = %get3A_910, %scan3A_1557 = %get3A_915, %scan3A_1558 = %get3A_920, %scan3A_1559 = %get3A_925, %scan3A_1560 = %get3A_930) -> (vector<16xf32>, vector<16xf32>, vector<16xf32>, vector<16xf32>, vector<16xf32>, vector<16xf32>, vector<16xf32>, vector<16xf32>)  : i32 {
        %add3A_1561 = arith.constant 32 : i32
        %add3A_1562 = arith.addi %add3A_1561, %scan3A_1552 : i32
        %get3A_1563 = arith.index_cast %add3A_1562 : i32 to index
        %get3A_1564 = arith.constant 0 : index
        %get3A_1565 = tpu.vector_load %arg7[%get3A_1563, %get3A_1564] {strides = array<i32>} : memref<256x128xf32, #tpu.memory_space<vmem>>, vector<1x16xf32>,
        %get3A_1566 = vector.shape_cast %get3A_1565 : vector<1x16xf32> to vector<16xf32>
        %max3A = arith.maximumf %scan3A_1553, %get3A_1566 : vector<16xf32>
        %get3A_1567 = arith.index_cast %add3A_1562 : i32 to index
        %get3A_1568 = arith.constant 16 : index
        %get3A_1569 = tpu.vector_load %arg7[%get3A_1567, %get3A_1568] {strides = array<i32>} : memref<256x128xf32, #tpu.memory_space<vmem>>, vector<1x16xf32>,
        %get3A_1570 = vector.shape_cast %get3A_1569 : vector<1x16xf32> to vector<16xf32>
        %max3A_1571 = arith.maximumf %scan3A_1554, %get3A_1570 : vector<16xf32>
        %get3A_1572 = arith.index_cast %add3A_1562 : i32 to index
        %get3A_1573 = arith.constant 32 : index
        %get3A_1574 = tpu.vector_load %arg7[%get3A_1572, %get3A_1573] {strides = array<i32>} : memref<256x128xf32, #tpu.memory_space<vmem>>, vector<1x16xf32>,
        %get3A_1575 = vector.shape_cast %get3A_1574 : vector<1x16xf32> to vector<16xf32>
        %max3A_1576 = arith.maximumf %scan3A_1555, %get3A_1575 : vector<16xf32>
        %get3A_1577 = arith.index_cast %add3A_1562 : i32 to index
        %get3A_1578 = arith.constant 48 : index
        %get3A_1579 = tpu.vector_load %arg7[%get3A_1577, %get3A_1578] {strides = array<i32>} : memref<256x128xf32, #tpu.memory_space<vmem>>, vector<1x16xf32>,
        %get3A_1580 = vector.shape_cast %get3A_1579 : vector<1x16xf32> to vector<16xf32>
        %max3A_1581 = arith.maximumf %scan3A_1556, %get3A_1580 : vector<16xf32>
        %get3A_1582 = arith.index_cast %add3A_1562 : i32 to index
        %get3A_1583 = arith.constant 64 : index
        %get3A_1584 = tpu.vector_load %arg7[%get3A_1582, %get3A_1583] {strides = array<i32>} : memref<256x128xf32, #tpu.memory_space<vmem>>, vector<1x16xf32>,
        %get3A_1585 = vector.shape_cast %get3A_1584 : vector<1x16xf32> to vector<16xf32>
        %max3A_1586 = arith.maximumf %scan3A_1557, %get3A_1585 : vector<16xf32>
        %get3A_1587 = arith.index_cast %add3A_1562 : i32 to index
        %get3A_1588 = arith.constant 80 : index
        %get3A_1589 = tpu.vector_load %arg7[%get3A_1587, %get3A_1588] {strides = array<i32>} : memref<256x128xf32, #tpu.memory_space<vmem>>, vector<1x16xf32>,
        %get3A_1590 = vector.shape_cast %get3A_1589 : vector<1x16xf32> to vector<16xf32>
        %max3A_1591 = arith.maximumf %scan3A_1558, %get3A_1590 : vector<16xf32>
        %get3A_1592 = arith.index_cast %add3A_1562 : i32 to index
        %get3A_1593 = arith.constant 96 : index
        %get3A_1594 = tpu.vector_load %arg7[%get3A_1592, %get3A_1593] {strides = array<i32>} : memref<256x128xf32, #tpu.memory_space<vmem>>, vector<1x16xf32>,
        %get3A_1595 = vector.shape_cast %get3A_1594 : vector<1x16xf32> to vector<16xf32>
        %max3A_1596 = arith.maximumf %scan3A_1559, %get3A_1595 : vector<16xf32>
        %get3A_1597 = arith.index_cast %add3A_1562 : i32 to index
        %get3A_1598 = arith.constant 112 : index
        %get3A_1599 = tpu.vector_load %arg7[%get3A_1597, %get3A_1598] {strides = array<i32>} : memref<256x128xf32, #tpu.memory_space<vmem>>, vector<1x16xf32>,
        %get3A_1600 = vector.shape_cast %get3A_1599 : vector<1x16xf32> to vector<16xf32>
        %max3A_1601 = arith.maximumf %scan3A_1560, %get3A_1600 : vector<16xf32>
        scf.yield %max3A, %max3A_1571, %max3A_1576, %max3A_1581, %max3A_1586, %max3A_1591, %max3A_1596, %max3A_1601 : vector<16xf32>, vector<16xf32>, vector<16xf32>, vector<16xf32>, vector<16xf32>, vector<16xf32>, vector<16xf32>, vector<16xf32>
      }
      %scan3A_936 = arith.constant 31 : i32
      %swap3A_937 = arith.constant 1 : i32
      %swap3A_938 = arith.index_cast %swap3A_937 : i32 to index
      %swap3A_939 = arith.constant 0 : index
      %swap3A_940 = tpu.vector_load %arg8[%swap3A_938, %swap3A_939] {strides = array<i32>} : memref<8x128xf32, #tpu.memory_space<vmem>>, vector<1x16xf32>,
      %swap3A_941 = vector.shape_cast %swap3A_940 : vector<1x16xf32> to vector<16xf32>
      %swap3A_942 = vector.shape_cast %scan3A_935#0 : vector<16xf32> to vector<1x16xf32>
      tpu.vector_store %arg8[%swap3A_938, %swap3A_939], %swap3A_942 {strides = array<i32>} : memref<8x128xf32, #tpu.memory_space<vmem>>, vector<1x16xf32>,
      %swap3A_943 = arith.constant 1 : i32
      %swap3A_944 = arith.index_cast %swap3A_943 : i32 to index
      %swap3A_945 = arith.constant 16 : index
      %swap3A_946 = tpu.vector_load %arg8[%swap3A_944, %swap3A_945] {strides = array<i32>} : memref<8x128xf32, #tpu.memory_space<vmem>>, vector<1x16xf32>,
      %swap3A_947 = vector.shape_cast %swap3A_946 : vector<1x16xf32> to vector<16xf32>
      %swap3A_948 = vector.shape_cast %scan3A_935#1 : vector<16xf32> to vector<1x16xf32>
      tpu.vector_store %arg8[%swap3A_944, %swap3A_945], %swap3A_948 {strides = array<i32>} : memref<8x128xf32, #tpu.memory_space<vmem>>, vector<1x16xf32>,
      %swap3A_949 = arith.constant 1 : i32
      %swap3A_950 = arith.index_cast %swap3A_949 : i32 to index
      %swap3A_951 = arith.constant 32 : index
      %swap3A_952 = tpu.vector_load %arg8[%swap3A_950, %swap3A_951] {strides = array<i32>} : memref<8x128xf32, #tpu.memory_space<vmem>>, vector<1x16xf32>,
      %swap3A_953 = vector.shape_cast %swap3A_952 : vector<1x16xf32> to vector<16xf32>
      %swap3A_954 = vector.shape_cast %scan3A_935#2 : vector<16xf32> to vector<1x16xf32>
      tpu.vector_store %arg8[%swap3A_950, %swap3A_951], %swap3A_954 {strides = array<i32>} : memref<8x128xf32, #tpu.memory_space<vmem>>, vector<1x16xf32>,
      %swap3A_955 = arith.constant 1 : i32
      %swap3A_956 = arith.index_cast %swap3A_955 : i32 to index
      %swap3A_957 = arith.constant 48 : index
      %swap3A_958 = tpu.vector_load %arg8[%swap3A_956, %swap3A_957] {strides = array<i32>} : memref<8x128xf32, #tpu.memory_space<vmem>>, vector<1x16xf32>,
      %swap3A_959 = vector.shape_cast %swap3A_958 : vector<1x16xf32> to vector<16xf32>
      %swap3A_960 = vector.shape_cast %scan3A_935#3 : vector<16xf32> to vector<1x16xf32>
      tpu.vector_store %arg8[%swap3A_956, %swap3A_957], %swap3A_960 {strides = array<i32>} : memref<8x128xf32, #tpu.memory_space<vmem>>, vector<1x16xf32>,
      %swap3A_961 = arith.constant 1 : i32
      %swap3A_962 = arith.index_cast %swap3A_961 : i32 to index
      %swap3A_963 = arith.constant 64 : index
      %swap3A_964 = tpu.vector_load %arg8[%swap3A_962, %swap3A_963] {strides = array<i32>} : memref<8x128xf32, #tpu.memory_space<vmem>>, vector<1x16xf32>,
      %swap3A_965 = vector.shape_cast %swap3A_964 : vector<1x16xf32> to vector<16xf32>
      %swap3A_966 = vector.shape_cast %scan3A_935#4 : vector<16xf32> to vector<1x16xf32>
      tpu.vector_store %arg8[%swap3A_962, %swap3A_963], %swap3A_966 {strides = array<i32>} : memref<8x128xf32, #tpu.memory_space<vmem>>, vector<1x16xf32>,
      %swap3A_967 = arith.constant 1 : i32
      %swap3A_968 = arith.index_cast %swap3A_967 : i32 to index
      %swap3A_969 = arith.constant 80 : index
      %swap3A_970 = tpu.vector_load %arg8[%swap3A_968, %swap3A_969] {strides = array<i32>} : memref<8x128xf32, #tpu.memory_space<vmem>>, vector<1x16xf32>,
      %swap3A_971 = vector.shape_cast %swap3A_970 : vector<1x16xf32> to vector<16xf32>
      %swap3A_972 = vector.shape_cast %scan3A_935#5 : vector<16xf32> to vector<1x16xf32>
      tpu.vector_store %arg8[%swap3A_968, %swap3A_969], %swap3A_972 {strides = array<i32>} : memref<8x128xf32, #tpu.memory_space<vmem>>, vector<1x16xf32>,
      %swap3A_973 = arith.constant 1 : i32
      %swap3A_974 = arith.index_cast %swap3A_973 : i32 to index
      %swap3A_975 = arith.constant 96 : index
      %swap3A_976 = tpu.vector_load %arg8[%swap3A_974, %swap3A_975] {strides = array<i32>} : memref<8x128xf32, #tpu.memory_space<vmem>>, vector<1x16xf32>,
      %swap3A_977 = vector.shape_cast %swap3A_976 : vector<1x16xf32> to vector<16xf32>
      %swap3A_978 = vector.shape_cast %scan3A_935#6 : vector<16xf32> to vector<1x16xf32>
      tpu.vector_store %arg8[%swap3A_974, %swap3A_975], %swap3A_978 {strides = array<i32>} : memref<8x128xf32, #tpu.memory_space<vmem>>, vector<1x16xf32>,
      %swap3A_979 = arith.constant 1 : i32
      %swap3A_980 = arith.index_cast %swap3A_979 : i32 to index
      %swap3A_981 = arith.constant 112 : index
      %swap3A_982 = tpu.vector_load %arg8[%swap3A_980, %swap3A_981] {strides = array<i32>} : memref<8x128xf32, #tpu.memory_space<vmem>>, vector<1x16xf32>,
      %swap3A_983 = vector.shape_cast %swap3A_982 : vector<1x16xf32> to vector<16xf32>
      %swap3A_984 = vector.shape_cast %scan3A_935#7 : vector<16xf32> to vector<1x16xf32>
      tpu.vector_store %arg8[%swap3A_980, %swap3A_981], %swap3A_984 {strides = array<i32>} : memref<8x128xf32, #tpu.memory_space<vmem>>, vector<1x16xf32>,
      %get3A_985 = arith.constant 64 : i32
      %get3A_986 = arith.index_cast %get3A_985 : i32 to index
      %get3A_987 = arith.constant 0 : index
      %get3A_988 = tpu.vector_load %arg7[%get3A_986, %get3A_987] {strides = array<i32>} : memref<256x128xf32, #tpu.memory_space<vmem>>, vector<1x16xf32>,
      %get3A_989 = vector.shape_cast %get3A_988 : vector<1x16xf32> to vector<16xf32>
      %get3A_990 = arith.constant 64 : i32
      %get3A_991 = arith.index_cast %get3A_990 : i32 to index
      %get3A_992 = arith.constant 16 : index
      %get3A_993 = tpu.vector_load %arg7[%get3A_991, %get3A_992] {strides = array<i32>} : memref<256x128xf32, #tpu.memory_space<vmem>>, vector<1x16xf32>,
      %get3A_994 = vector.shape_cast %get3A_993 : vector<1x16xf32> to vector<16xf32>
      %get3A_995 = arith.constant 64 : i32
      %get3A_996 = arith.index_cast %get3A_995 : i32 to index
      %get3A_997 = arith.constant 32 : index
      %get3A_998 = tpu.vector_load %arg7[%get3A_996, %get3A_997] {strides = array<i32>} : memref<256x128xf32, #tpu.memory_space<vmem>>, vector<1x16xf32>,
      %get3A_999 = vector.shape_cast %get3A_998 : vector<1x16xf32> to vector<16xf32>
      %get3A_1000 = arith.constant 64 : i32
      %get3A_1001 = arith.index_cast %get3A_1000 : i32 to index
      %get3A_1002 = arith.constant 48 : index
      %get3A_1003 = tpu.vector_load %arg7[%get3A_1001, %get3A_1002] {strides = array<i32>} : memref<256x128xf32, #tpu.memory_space<vmem>>, vector<1x16xf32>,
      %get3A_1004 = vector.shape_cast %get3A_1003 : vector<1x16xf32> to vector<16xf32>
      %get3A_1005 = arith.constant 64 : i32
      %get3A_1006 = arith.index_cast %get3A_1005 : i32 to index
      %get3A_1007 = arith.constant 64 : index
      %get3A_1008 = tpu.vector_load %arg7[%get3A_1006, %get3A_1007] {strides = array<i32>} : memref<256x128xf32, #tpu.memory_space<vmem>>, vector<1x16xf32>,
      %get3A_1009 = vector.shape_cast %get3A_1008 : vector<1x16xf32> to vector<16xf32>
      %get3A_1010 = arith.constant 64 : i32
      %get3A_1011 = arith.index_cast %get3A_1010 : i32 to index
      %get3A_1012 = arith.constant 80 : index
      %get3A_1013 = tpu.vector_load %arg7[%get3A_1011, %get3A_1012] {strides = array<i32>} : memref<256x128xf32, #tpu.memory_space<vmem>>, vector<1x16xf32>,
      %get3A_1014 = vector.shape_cast %get3A_1013 : vector<1x16xf32> to vector<16xf32>
      %get3A_1015 = arith.constant 64 : i32
      %get3A_1016 = arith.index_cast %get3A_1015 : i32 to index
      %get3A_1017 = arith.constant 96 : index
      %get3A_1018 = tpu.vector_load %arg7[%get3A_1016, %get3A_1017] {strides = array<i32>} : memref<256x128xf32, #tpu.memory_space<vmem>>, vector<1x16xf32>,
      %get3A_1019 = vector.shape_cast %get3A_1018 : vector<1x16xf32> to vector<16xf32>
      %get3A_1020 = arith.constant 64 : i32
      %get3A_1021 = arith.index_cast %get3A_1020 : i32 to index
      %get3A_1022 = arith.constant 112 : index
      %get3A_1023 = tpu.vector_load %arg7[%get3A_1021, %get3A_1022] {strides = array<i32>} : memref<256x128xf32, #tpu.memory_space<vmem>>, vector<1x16xf32>,
      %get3A_1024 = vector.shape_cast %get3A_1023 : vector<1x16xf32> to vector<16xf32>
      %scan3A_1025 = arith.constant 1 : i32
      %scan3A_1026 = arith.constant 31 : i32
      %scan3A_1027 = arith.addi %scan3A_1025, %scan3A_1026 : i32
      %scan3A_1028 = arith.constant 1 : i32
      %scan3A_1029:8 = scf.for %scan3A_1552 = %scan3A_1025 to %scan3A_1027 step %scan3A_1028 iter_args(%scan3A_1553 = %get3A_989, %scan3A_1554 = %get3A_994, %scan3A_1555 = %get3A_999, %scan3A_1556 = %get3A_1004, %scan3A_1557 = %get3A_1009, %scan3A_1558 = %get3A_1014, %scan3A_1559 = %get3A_1019, %scan3A_1560 = %get3A_1024) -> (vector<16xf32>, vector<16xf32>, vector<16xf32>, vector<16xf32>, vector<16xf32>, vector<16xf32>, vector<16xf32>, vector<16xf32>)  : i32 {
        %add3A_1561 = arith.constant 64 : i32
        %add3A_1562 = arith.addi %add3A_1561, %scan3A_1552 : i32
        %get3A_1563 = arith.index_cast %add3A_1562 : i32 to index
        %get3A_1564 = arith.constant 0 : index
        %get3A_1565 = tpu.vector_load %arg7[%get3A_1563, %get3A_1564] {strides = array<i32>} : memref<256x128xf32, #tpu.memory_space<vmem>>, vector<1x16xf32>,
        %get3A_1566 = vector.shape_cast %get3A_1565 : vector<1x16xf32> to vector<16xf32>
        %max3A = arith.maximumf %scan3A_1553, %get3A_1566 : vector<16xf32>
        %get3A_1567 = arith.index_cast %add3A_1562 : i32 to index
        %get3A_1568 = arith.constant 16 : index
        %get3A_1569 = tpu.vector_load %arg7[%get3A_1567, %get3A_1568] {strides = array<i32>} : memref<256x128xf32, #tpu.memory_space<vmem>>, vector<1x16xf32>,
        %get3A_1570 = vector.shape_cast %get3A_1569 : vector<1x16xf32> to vector<16xf32>
        %max3A_1571 = arith.maximumf %scan3A_1554, %get3A_1570 : vector<16xf32>
        %get3A_1572 = arith.index_cast %add3A_1562 : i32 to index
        %get3A_1573 = arith.constant 32 : index
        %get3A_1574 = tpu.vector_load %arg7[%get3A_1572, %get3A_1573] {strides = array<i32>} : memref<256x128xf32, #tpu.memory_space<vmem>>, vector<1x16xf32>,
        %get3A_1575 = vector.shape_cast %get3A_1574 : vector<1x16xf32> to vector<16xf32>
        %max3A_1576 = arith.maximumf %scan3A_1555, %get3A_1575 : vector<16xf32>
        %get3A_1577 = arith.index_cast %add3A_1562 : i32 to index
        %get3A_1578 = arith.constant 48 : index
        %get3A_1579 = tpu.vector_load %arg7[%get3A_1577, %get3A_1578] {strides = array<i32>} : memref<256x128xf32, #tpu.memory_space<vmem>>, vector<1x16xf32>,
        %get3A_1580 = vector.shape_cast %get3A_1579 : vector<1x16xf32> to vector<16xf32>
        %max3A_1581 = arith.maximumf %scan3A_1556, %get3A_1580 : vector<16xf32>
        %get3A_1582 = arith.index_cast %add3A_1562 : i32 to index
        %get3A_1583 = arith.constant 64 : index
        %get3A_1584 = tpu.vector_load %arg7[%get3A_1582, %get3A_1583] {strides = array<i32>} : memref<256x128xf32, #tpu.memory_space<vmem>>, vector<1x16xf32>,
        %get3A_1585 = vector.shape_cast %get3A_1584 : vector<1x16xf32> to vector<16xf32>
        %max3A_1586 = arith.maximumf %scan3A_1557, %get3A_1585 : vector<16xf32>
        %get3A_1587 = arith.index_cast %add3A_1562 : i32 to index
        %get3A_1588 = arith.constant 80 : index
        %get3A_1589 = tpu.vector_load %arg7[%get3A_1587, %get3A_1588] {strides = array<i32>} : memref<256x128xf32, #tpu.memory_space<vmem>>, vector<1x16xf32>,
        %get3A_1590 = vector.shape_cast %get3A_1589 : vector<1x16xf32> to vector<16xf32>
        %max3A_1591 = arith.maximumf %scan3A_1558, %get3A_1590 : vector<16xf32>
        %get3A_1592 = arith.index_cast %add3A_1562 : i32 to index
        %get3A_1593 = arith.constant 96 : index
        %get3A_1594 = tpu.vector_load %arg7[%get3A_1592, %get3A_1593] {strides = array<i32>} : memref<256x128xf32, #tpu.memory_space<vmem>>, vector<1x16xf32>,
        %get3A_1595 = vector.shape_cast %get3A_1594 : vector<1x16xf32> to vector<16xf32>
        %max3A_1596 = arith.maximumf %scan3A_1559, %get3A_1595 : vector<16xf32>
        %get3A_1597 = arith.index_cast %add3A_1562 : i32 to index
        %get3A_1598 = arith.constant 112 : index
        %get3A_1599 = tpu.vector_load %arg7[%get3A_1597, %get3A_1598] {strides = array<i32>} : memref<256x128xf32, #tpu.memory_space<vmem>>, vector<1x16xf32>,
        %get3A_1600 = vector.shape_cast %get3A_1599 : vector<1x16xf32> to vector<16xf32>
        %max3A_1601 = arith.maximumf %scan3A_1560, %get3A_1600 : vector<16xf32>
        scf.yield %max3A, %max3A_1571, %max3A_1576, %max3A_1581, %max3A_1586, %max3A_1591, %max3A_1596, %max3A_1601 : vector<16xf32>, vector<16xf32>, vector<16xf32>, vector<16xf32>, vector<16xf32>, vector<16xf32>, vector<16xf32>, vector<16xf32>
      }
      %scan3A_1030 = arith.constant 31 : i32
      %swap3A_1031 = arith.constant 2 : i32
      %swap3A_1032 = arith.index_cast %swap3A_1031 : i32 to index
      %swap3A_1033 = arith.constant 0 : index
      %swap3A_1034 = tpu.vector_load %arg8[%swap3A_1032, %swap3A_1033] {strides = array<i32>} : memref<8x128xf32, #tpu.memory_space<vmem>>, vector<1x16xf32>,
      %swap3A_1035 = vector.shape_cast %swap3A_1034 : vector<1x16xf32> to vector<16xf32>
      %swap3A_1036 = vector.shape_cast %scan3A_1029#0 : vector<16xf32> to vector<1x16xf32>
      tpu.vector_store %arg8[%swap3A_1032, %swap3A_1033], %swap3A_1036 {strides = array<i32>} : memref<8x128xf32, #tpu.memory_space<vmem>>, vector<1x16xf32>,
      %swap3A_1037 = arith.constant 2 : i32
      %swap3A_1038 = arith.index_cast %swap3A_1037 : i32 to index
      %swap3A_1039 = arith.constant 16 : index
      %swap3A_1040 = tpu.vector_load %arg8[%swap3A_1038, %swap3A_1039] {strides = array<i32>} : memref<8x128xf32, #tpu.memory_space<vmem>>, vector<1x16xf32>,
      %swap3A_1041 = vector.shape_cast %swap3A_1040 : vector<1x16xf32> to vector<16xf32>
      %swap3A_1042 = vector.shape_cast %scan3A_1029#1 : vector<16xf32> to vector<1x16xf32>
      tpu.vector_store %arg8[%swap3A_1038, %swap3A_1039], %swap3A_1042 {strides = array<i32>} : memref<8x128xf32, #tpu.memory_space<vmem>>, vector<1x16xf32>,
      %swap3A_1043 = arith.constant 2 : i32
      %swap3A_1044 = arith.index_cast %swap3A_1043 : i32 to index
      %swap3A_1045 = arith.constant 32 : index
      %swap3A_1046 = tpu.vector_load %arg8[%swap3A_1044, %swap3A_1045] {strides = array<i32>} : memref<8x128xf32, #tpu.memory_space<vmem>>, vector<1x16xf32>,
      %swap3A_1047 = vector.shape_cast %swap3A_1046 : vector<1x16xf32> to vector<16xf32>
      %swap3A_1048 = vector.shape_cast %scan3A_1029#2 : vector<16xf32> to vector<1x16xf32>
      tpu.vector_store %arg8[%swap3A_1044, %swap3A_1045], %swap3A_1048 {strides = array<i32>} : memref<8x128xf32, #tpu.memory_space<vmem>>, vector<1x16xf32>,
      %swap3A_1049 = arith.constant 2 : i32
      %swap3A_1050 = arith.index_cast %swap3A_1049 : i32 to index
      %swap3A_1051 = arith.constant 48 : index
      %swap3A_1052 = tpu.vector_load %arg8[%swap3A_1050, %swap3A_1051] {strides = array<i32>} : memref<8x128xf32, #tpu.memory_space<vmem>>, vector<1x16xf32>,
      %swap3A_1053 = vector.shape_cast %swap3A_1052 : vector<1x16xf32> to vector<16xf32>
      %swap3A_1054 = vector.shape_cast %scan3A_1029#3 : vector<16xf32> to vector<1x16xf32>
      tpu.vector_store %arg8[%swap3A_1050, %swap3A_1051], %swap3A_1054 {strides = array<i32>} : memref<8x128xf32, #tpu.memory_space<vmem>>, vector<1x16xf32>,
      %swap3A_1055 = arith.constant 2 : i32
      %swap3A_1056 = arith.index_cast %swap3A_1055 : i32 to index
      %swap3A_1057 = arith.constant 64 : index
      %swap3A_1058 = tpu.vector_load %arg8[%swap3A_1056, %swap3A_1057] {strides = array<i32>} : memref<8x128xf32, #tpu.memory_space<vmem>>, vector<1x16xf32>,
      %swap3A_1059 = vector.shape_cast %swap3A_1058 : vector<1x16xf32> to vector<16xf32>
      %swap3A_1060 = vector.shape_cast %scan3A_1029#4 : vector<16xf32> to vector<1x16xf32>
      tpu.vector_store %arg8[%swap3A_1056, %swap3A_1057], %swap3A_1060 {strides = array<i32>} : memref<8x128xf32, #tpu.memory_space<vmem>>, vector<1x16xf32>,
      %swap3A_1061 = arith.constant 2 : i32
      %swap3A_1062 = arith.index_cast %swap3A_1061 : i32 to index
      %swap3A_1063 = arith.constant 80 : index
      %swap3A_1064 = tpu.vector_load %arg8[%swap3A_1062, %swap3A_1063] {strides = array<i32>} : memref<8x128xf32, #tpu.memory_space<vmem>>, vector<1x16xf32>,
      %swap3A_1065 = vector.shape_cast %swap3A_1064 : vector<1x16xf32> to vector<16xf32>
      %swap3A_1066 = vector.shape_cast %scan3A_1029#5 : vector<16xf32> to vector<1x16xf32>
      tpu.vector_store %arg8[%swap3A_1062, %swap3A_1063], %swap3A_1066 {strides = array<i32>} : memref<8x128xf32, #tpu.memory_space<vmem>>, vector<1x16xf32>,
      %swap3A_1067 = arith.constant 2 : i32
      %swap3A_1068 = arith.index_cast %swap3A_1067 : i32 to index
      %swap3A_1069 = arith.constant 96 : index
      %swap3A_1070 = tpu.vector_load %arg8[%swap3A_1068, %swap3A_1069] {strides = array<i32>} : memref<8x128xf32, #tpu.memory_space<vmem>>, vector<1x16xf32>,
      %swap3A_1071 = vector.shape_cast %swap3A_1070 : vector<1x16xf32> to vector<16xf32>
      %swap3A_1072 = vector.shape_cast %scan3A_1029#6 : vector<16xf32> to vector<1x16xf32>
      tpu.vector_store %arg8[%swap3A_1068, %swap3A_1069], %swap3A_1072 {strides = array<i32>} : memref<8x128xf32, #tpu.memory_space<vmem>>, vector<1x16xf32>,
      %swap3A_1073 = arith.constant 2 : i32
      %swap3A_1074 = arith.index_cast %swap3A_1073 : i32 to index
      %swap3A_1075 = arith.constant 112 : index
      %swap3A_1076 = tpu.vector_load %arg8[%swap3A_1074, %swap3A_1075] {strides = array<i32>} : memref<8x128xf32, #tpu.memory_space<vmem>>, vector<1x16xf32>,
      %swap3A_1077 = vector.shape_cast %swap3A_1076 : vector<1x16xf32> to vector<16xf32>
      %swap3A_1078 = vector.shape_cast %scan3A_1029#7 : vector<16xf32> to vector<1x16xf32>
      tpu.vector_store %arg8[%swap3A_1074, %swap3A_1075], %swap3A_1078 {strides = array<i32>} : memref<8x128xf32, #tpu.memory_space<vmem>>, vector<1x16xf32>,
      %get3A_1079 = arith.constant 96 : i32
      %get3A_1080 = arith.index_cast %get3A_1079 : i32 to index
      %get3A_1081 = arith.constant 0 : index
      %get3A_1082 = tpu.vector_load %arg7[%get3A_1080, %get3A_1081] {strides = array<i32>} : memref<256x128xf32, #tpu.memory_space<vmem>>, vector<1x16xf32>,
      %get3A_1083 = vector.shape_cast %get3A_1082 : vector<1x16xf32> to vector<16xf32>
      %get3A_1084 = arith.constant 96 : i32
      %get3A_1085 = arith.index_cast %get3A_1084 : i32 to index
      %get3A_1086 = arith.constant 16 : index
      %get3A_1087 = tpu.vector_load %arg7[%get3A_1085, %get3A_1086] {strides = array<i32>} : memref<256x128xf32, #tpu.memory_space<vmem>>, vector<1x16xf32>,
      %get3A_1088 = vector.shape_cast %get3A_1087 : vector<1x16xf32> to vector<16xf32>
      %get3A_1089 = arith.constant 96 : i32
      %get3A_1090 = arith.index_cast %get3A_1089 : i32 to index
      %get3A_1091 = arith.constant 32 : index
      %get3A_1092 = tpu.vector_load %arg7[%get3A_1090, %get3A_1091] {strides = array<i32>} : memref<256x128xf32, #tpu.memory_space<vmem>>, vector<1x16xf32>,
      %get3A_1093 = vector.shape_cast %get3A_1092 : vector<1x16xf32> to vector<16xf32>
      %get3A_1094 = arith.constant 96 : i32
      %get3A_1095 = arith.index_cast %get3A_1094 : i32 to index
      %get3A_1096 = arith.constant 48 : index
      %get3A_1097 = tpu.vector_load %arg7[%get3A_1095, %get3A_1096] {strides = array<i32>} : memref<256x128xf32, #tpu.memory_space<vmem>>, vector<1x16xf32>,
      %get3A_1098 = vector.shape_cast %get3A_1097 : vector<1x16xf32> to vector<16xf32>
      %get3A_1099 = arith.constant 96 : i32
      %get3A_1100 = arith.index_cast %get3A_1099 : i32 to index
      %get3A_1101 = arith.constant 64 : index
      %get3A_1102 = tpu.vector_load %arg7[%get3A_1100, %get3A_1101] {strides = array<i32>} : memref<256x128xf32, #tpu.memory_space<vmem>>, vector<1x16xf32>,
      %get3A_1103 = vector.shape_cast %get3A_1102 : vector<1x16xf32> to vector<16xf32>
      %get3A_1104 = arith.constant 96 : i32
      %get3A_1105 = arith.index_cast %get3A_1104 : i32 to index
      %get3A_1106 = arith.constant 80 : index
      %get3A_1107 = tpu.vector_load %arg7[%get3A_1105, %get3A_1106] {strides = array<i32>} : memref<256x128xf32, #tpu.memory_space<vmem>>, vector<1x16xf32>,
      %get3A_1108 = vector.shape_cast %get3A_1107 : vector<1x16xf32> to vector<16xf32>
      %get3A_1109 = arith.constant 96 : i32
      %get3A_1110 = arith.index_cast %get3A_1109 : i32 to index
      %get3A_1111 = arith.constant 96 : index
      %get3A_1112 = tpu.vector_load %arg7[%get3A_1110, %get3A_1111] {strides = array<i32>} : memref<256x128xf32, #tpu.memory_space<vmem>>, vector<1x16xf32>,
      %get3A_1113 = vector.shape_cast %get3A_1112 : vector<1x16xf32> to vector<16xf32>
      %get3A_1114 = arith.constant 96 : i32
      %get3A_1115 = arith.index_cast %get3A_1114 : i32 to index
      %get3A_1116 = arith.constant 112 : index
      %get3A_1117 = tpu.vector_load %arg7[%get3A_1115, %get3A_1116] {strides = array<i32>} : memref<256x128xf32, #tpu.memory_space<vmem>>, vector<1x16xf32>,
      %get3A_1118 = vector.shape_cast %get3A_1117 : vector<1x16xf32> to vector<16xf32>
      %scan3A_1119 = arith.constant 1 : i32
      %scan3A_1120 = arith.constant 31 : i32
      %scan3A_1121 = arith.addi %scan3A_1119, %scan3A_1120 : i32
      %scan3A_1122 = arith.constant 1 : i32
      %scan3A_1123:8 = scf.for %scan3A_1552 = %scan3A_1119 to %scan3A_1121 step %scan3A_1122 iter_args(%scan3A_1553 = %get3A_1083, %scan3A_1554 = %get3A_1088, %scan3A_1555 = %get3A_1093, %scan3A_1556 = %get3A_1098, %scan3A_1557 = %get3A_1103, %scan3A_1558 = %get3A_1108, %scan3A_1559 = %get3A_1113, %scan3A_1560 = %get3A_1118) -> (vector<16xf32>, vector<16xf32>, vector<16xf32>, vector<16xf32>, vector<16xf32>, vector<16xf32>, vector<16xf32>, vector<16xf32>)  : i32 {
        %add3A_1561 = arith.constant 96 : i32
        %add3A_1562 = arith.addi %add3A_1561, %scan3A_1552 : i32
        %get3A_1563 = arith.index_cast %add3A_1562 : i32 to index
        %get3A_1564 = arith.constant 0 : index
        %get3A_1565 = tpu.vector_load %arg7[%get3A_1563, %get3A_1564] {strides = array<i32>} : memref<256x128xf32, #tpu.memory_space<vmem>>, vector<1x16xf32>,
        %get3A_1566 = vector.shape_cast %get3A_1565 : vector<1x16xf32> to vector<16xf32>
        %max3A = arith.maximumf %scan3A_1553, %get3A_1566 : vector<16xf32>
        %get3A_1567 = arith.index_cast %add3A_1562 : i32 to index
        %get3A_1568 = arith.constant 16 : index
        %get3A_1569 = tpu.vector_load %arg7[%get3A_1567, %get3A_1568] {strides = array<i32>} : memref<256x128xf32, #tpu.memory_space<vmem>>, vector<1x16xf32>,
        %get3A_1570 = vector.shape_cast %get3A_1569 : vector<1x16xf32> to vector<16xf32>
        %max3A_1571 = arith.maximumf %scan3A_1554, %get3A_1570 : vector<16xf32>
        %get3A_1572 = arith.index_cast %add3A_1562 : i32 to index
        %get3A_1573 = arith.constant 32 : index
        %get3A_1574 = tpu.vector_load %arg7[%get3A_1572, %get3A_1573] {strides = array<i32>} : memref<256x128xf32, #tpu.memory_space<vmem>>, vector<1x16xf32>,
        %get3A_1575 = vector.shape_cast %get3A_1574 : vector<1x16xf32> to vector<16xf32>
        %max3A_1576 = arith.maximumf %scan3A_1555, %get3A_1575 : vector<16xf32>
        %get3A_1577 = arith.index_cast %add3A_1562 : i32 to index
        %get3A_1578 = arith.constant 48 : index
        %get3A_1579 = tpu.vector_load %arg7[%get3A_1577, %get3A_1578] {strides = array<i32>} : memref<256x128xf32, #tpu.memory_space<vmem>>, vector<1x16xf32>,
        %get3A_1580 = vector.shape_cast %get3A_1579 : vector<1x16xf32> to vector<16xf32>
        %max3A_1581 = arith.maximumf %scan3A_1556, %get3A_1580 : vector<16xf32>
        %get3A_1582 = arith.index_cast %add3A_1562 : i32 to index
        %get3A_1583 = arith.constant 64 : index
        %get3A_1584 = tpu.vector_load %arg7[%get3A_1582, %get3A_1583] {strides = array<i32>} : memref<256x128xf32, #tpu.memory_space<vmem>>, vector<1x16xf32>,
        %get3A_1585 = vector.shape_cast %get3A_1584 : vector<1x16xf32> to vector<16xf32>
        %max3A_1586 = arith.maximumf %scan3A_1557, %get3A_1585 : vector<16xf32>
        %get3A_1587 = arith.index_cast %add3A_1562 : i32 to index
        %get3A_1588 = arith.constant 80 : index
        %get3A_1589 = tpu.vector_load %arg7[%get3A_1587, %get3A_1588] {strides = array<i32>} : memref<256x128xf32, #tpu.memory_space<vmem>>, vector<1x16xf32>,
        %get3A_1590 = vector.shape_cast %get3A_1589 : vector<1x16xf32> to vector<16xf32>
        %max3A_1591 = arith.maximumf %scan3A_1558, %get3A_1590 : vector<16xf32>
        %get3A_1592 = arith.index_cast %add3A_1562 : i32 to index
        %get3A_1593 = arith.constant 96 : index
        %get3A_1594 = tpu.vector_load %arg7[%get3A_1592, %get3A_1593] {strides = array<i32>} : memref<256x128xf32, #tpu.memory_space<vmem>>, vector<1x16xf32>,
        %get3A_1595 = vector.shape_cast %get3A_1594 : vector<1x16xf32> to vector<16xf32>
        %max3A_1596 = arith.maximumf %scan3A_1559, %get3A_1595 : vector<16xf32>
        %get3A_1597 = arith.index_cast %add3A_1562 : i32 to index
        %get3A_1598 = arith.constant 112 : index
        %get3A_1599 = tpu.vector_load %arg7[%get3A_1597, %get3A_1598] {strides = array<i32>} : memref<256x128xf32, #tpu.memory_space<vmem>>, vector<1x16xf32>,
        %get3A_1600 = vector.shape_cast %get3A_1599 : vector<1x16xf32> to vector<16xf32>
        %max3A_1601 = arith.maximumf %scan3A_1560, %get3A_1600 : vector<16xf32>
        scf.yield %max3A, %max3A_1571, %max3A_1576, %max3A_1581, %max3A_1586, %max3A_1591, %max3A_1596, %max3A_1601 : vector<16xf32>, vector<16xf32>, vector<16xf32>, vector<16xf32>, vector<16xf32>, vector<16xf32>, vector<16xf32>, vector<16xf32>
      }
      %scan3A_1124 = arith.constant 31 : i32
      %swap3A_1125 = arith.constant 3 : i32
      %swap3A_1126 = arith.index_cast %swap3A_1125 : i32 to index
      %swap3A_1127 = arith.constant 0 : index
      %swap3A_1128 = tpu.vector_load %arg8[%swap3A_1126, %swap3A_1127] {strides = array<i32>} : memref<8x128xf32, #tpu.memory_space<vmem>>, vector<1x16xf32>,
      %swap3A_1129 = vector.shape_cast %swap3A_1128 : vector<1x16xf32> to vector<16xf32>
      %swap3A_1130 = vector.shape_cast %scan3A_1123#0 : vector<16xf32> to vector<1x16xf32>
      tpu.vector_store %arg8[%swap3A_1126, %swap3A_1127], %swap3A_1130 {strides = array<i32>} : memref<8x128xf32, #tpu.memory_space<vmem>>, vector<1x16xf32>,
      %swap3A_1131 = arith.constant 3 : i32
      %swap3A_1132 = arith.index_cast %swap3A_1131 : i32 to index
      %swap3A_1133 = arith.constant 16 : index
      %swap3A_1134 = tpu.vector_load %arg8[%swap3A_1132, %swap3A_1133] {strides = array<i32>} : memref<8x128xf32, #tpu.memory_space<vmem>>, vector<1x16xf32>,
      %swap3A_1135 = vector.shape_cast %swap3A_1134 : vector<1x16xf32> to vector<16xf32>
      %swap3A_1136 = vector.shape_cast %scan3A_1123#1 : vector<16xf32> to vector<1x16xf32>
      tpu.vector_store %arg8[%swap3A_1132, %swap3A_1133], %swap3A_1136 {strides = array<i32>} : memref<8x128xf32, #tpu.memory_space<vmem>>, vector<1x16xf32>,
      %swap3A_1137 = arith.constant 3 : i32
      %swap3A_1138 = arith.index_cast %swap3A_1137 : i32 to index
      %swap3A_1139 = arith.constant 32 : index
      %swap3A_1140 = tpu.vector_load %arg8[%swap3A_1138, %swap3A_1139] {strides = array<i32>} : memref<8x128xf32, #tpu.memory_space<vmem>>, vector<1x16xf32>,
      %swap3A_1141 = vector.shape_cast %swap3A_1140 : vector<1x16xf32> to vector<16xf32>
      %swap3A_1142 = vector.shape_cast %scan3A_1123#2 : vector<16xf32> to vector<1x16xf32>
      tpu.vector_store %arg8[%swap3A_1138, %swap3A_1139], %swap3A_1142 {strides = array<i32>} : memref<8x128xf32, #tpu.memory_space<vmem>>, vector<1x16xf32>,
      %swap3A_1143 = arith.constant 3 : i32
      %swap3A_1144 = arith.index_cast %swap3A_1143 : i32 to index
      %swap3A_1145 = arith.constant 48 : index
      %swap3A_1146 = tpu.vector_load %arg8[%swap3A_1144, %swap3A_1145] {strides = array<i32>} : memref<8x128xf32, #tpu.memory_space<vmem>>, vector<1x16xf32>,
      %swap3A_1147 = vector.shape_cast %swap3A_1146 : vector<1x16xf32> to vector<16xf32>
      %swap3A_1148 = vector.shape_cast %scan3A_1123#3 : vector<16xf32> to vector<1x16xf32>
      tpu.vector_store %arg8[%swap3A_1144, %swap3A_1145], %swap3A_1148 {strides = array<i32>} : memref<8x128xf32, #tpu.memory_space<vmem>>, vector<1x16xf32>,
      %swap3A_1149 = arith.constant 3 : i32
      %swap3A_1150 = arith.index_cast %swap3A_1149 : i32 to index
      %swap3A_1151 = arith.constant 64 : index
      %swap3A_1152 = tpu.vector_load %arg8[%swap3A_1150, %swap3A_1151] {strides = array<i32>} : memref<8x128xf32, #tpu.memory_space<vmem>>, vector<1x16xf32>,
      %swap3A_1153 = vector.shape_cast %swap3A_1152 : vector<1x16xf32> to vector<16xf32>
      %swap3A_1154 = vector.shape_cast %scan3A_1123#4 : vector<16xf32> to vector<1x16xf32>
      tpu.vector_store %arg8[%swap3A_1150, %swap3A_1151], %swap3A_1154 {strides = array<i32>} : memref<8x128xf32, #tpu.memory_space<vmem>>, vector<1x16xf32>,
      %swap3A_1155 = arith.constant 3 : i32
      %swap3A_1156 = arith.index_cast %swap3A_1155 : i32 to index
      %swap3A_1157 = arith.constant 80 : index
      %swap3A_1158 = tpu.vector_load %arg8[%swap3A_1156, %swap3A_1157] {strides = array<i32>} : memref<8x128xf32, #tpu.memory_space<vmem>>, vector<1x16xf32>,
      %swap3A_1159 = vector.shape_cast %swap3A_1158 : vector<1x16xf32> to vector<16xf32>
      %swap3A_1160 = vector.shape_cast %scan3A_1123#5 : vector<16xf32> to vector<1x16xf32>
      tpu.vector_store %arg8[%swap3A_1156, %swap3A_1157], %swap3A_1160 {strides = array<i32>} : memref<8x128xf32, #tpu.memory_space<vmem>>, vector<1x16xf32>,
      %swap3A_1161 = arith.constant 3 : i32
      %swap3A_1162 = arith.index_cast %swap3A_1161 : i32 to index
      %swap3A_1163 = arith.constant 96 : index
      %swap3A_1164 = tpu.vector_load %arg8[%swap3A_1162, %swap3A_1163] {strides = array<i32>} : memref<8x128xf32, #tpu.memory_space<vmem>>, vector<1x16xf32>,
      %swap3A_1165 = vector.shape_cast %swap3A_1164 : vector<1x16xf32> to vector<16xf32>
      %swap3A_1166 = vector.shape_cast %scan3A_1123#6 : vector<16xf32> to vector<1x16xf32>
      tpu.vector_store %arg8[%swap3A_1162, %swap3A_1163], %swap3A_1166 {strides = array<i32>} : memref<8x128xf32, #tpu.memory_space<vmem>>, vector<1x16xf32>,
      %swap3A_1167 = arith.constant 3 : i32
      %swap3A_1168 = arith.index_cast %swap3A_1167 : i32 to index
      %swap3A_1169 = arith.constant 112 : index
      %swap3A_1170 = tpu.vector_load %arg8[%swap3A_1168, %swap3A_1169] {strides = array<i32>} : memref<8x128xf32, #tpu.memory_space<vmem>>, vector<1x16xf32>,
      %swap3A_1171 = vector.shape_cast %swap3A_1170 : vector<1x16xf32> to vector<16xf32>
      %swap3A_1172 = vector.shape_cast %scan3A_1123#7 : vector<16xf32> to vector<1x16xf32>
      tpu.vector_store %arg8[%swap3A_1168, %swap3A_1169], %swap3A_1172 {strides = array<i32>} : memref<8x128xf32, #tpu.memory_space<vmem>>, vector<1x16xf32>,
      %get3A_1173 = arith.constant 128 : i32
      %get3A_1174 = arith.index_cast %get3A_1173 : i32 to index
      %get3A_1175 = arith.constant 0 : index
      %get3A_1176 = tpu.vector_load %arg7[%get3A_1174, %get3A_1175] {strides = array<i32>} : memref<256x128xf32, #tpu.memory_space<vmem>>, vector<1x16xf32>,
      %get3A_1177 = vector.shape_cast %get3A_1176 : vector<1x16xf32> to vector<16xf32>
      %get3A_1178 = arith.constant 128 : i32
      %get3A_1179 = arith.index_cast %get3A_1178 : i32 to index
      %get3A_1180 = arith.constant 16 : index
      %get3A_1181 = tpu.vector_load %arg7[%get3A_1179, %get3A_1180] {strides = array<i32>} : memref<256x128xf32, #tpu.memory_space<vmem>>, vector<1x16xf32>,
      %get3A_1182 = vector.shape_cast %get3A_1181 : vector<1x16xf32> to vector<16xf32>
      %get3A_1183 = arith.constant 128 : i32
      %get3A_1184 = arith.index_cast %get3A_1183 : i32 to index
      %get3A_1185 = arith.constant 32 : index
      %get3A_1186 = tpu.vector_load %arg7[%get3A_1184, %get3A_1185] {strides = array<i32>} : memref<256x128xf32, #tpu.memory_space<vmem>>, vector<1x16xf32>,
      %get3A_1187 = vector.shape_cast %get3A_1186 : vector<1x16xf32> to vector<16xf32>
      %get3A_1188 = arith.constant 128 : i32
      %get3A_1189 = arith.index_cast %get3A_1188 : i32 to index
      %get3A_1190 = arith.constant 48 : index
      %get3A_1191 = tpu.vector_load %arg7[%get3A_1189, %get3A_1190] {strides = array<i32>} : memref<256x128xf32, #tpu.memory_space<vmem>>, vector<1x16xf32>,
      %get3A_1192 = vector.shape_cast %get3A_1191 : vector<1x16xf32> to vector<16xf32>
      %get3A_1193 = arith.constant 128 : i32
      %get3A_1194 = arith.index_cast %get3A_1193 : i32 to index
      %get3A_1195 = arith.constant 64 : index
      %get3A_1196 = tpu.vector_load %arg7[%get3A_1194, %get3A_1195] {strides = array<i32>} : memref<256x128xf32, #tpu.memory_space<vmem>>, vector<1x16xf32>,
      %get3A_1197 = vector.shape_cast %get3A_1196 : vector<1x16xf32> to vector<16xf32>
      %get3A_1198 = arith.constant 128 : i32
      %get3A_1199 = arith.index_cast %get3A_1198 : i32 to index
      %get3A_1200 = arith.constant 80 : index
      %get3A_1201 = tpu.vector_load %arg7[%get3A_1199, %get3A_1200] {strides = array<i32>} : memref<256x128xf32, #tpu.memory_space<vmem>>, vector<1x16xf32>,
      %get3A_1202 = vector.shape_cast %get3A_1201 : vector<1x16xf32> to vector<16xf32>
      %get3A_1203 = arith.constant 128 : i32
      %get3A_1204 = arith.index_cast %get3A_1203 : i32 to index
      %get3A_1205 = arith.constant 96 : index
      %get3A_1206 = tpu.vector_load %arg7[%get3A_1204, %get3A_1205] {strides = array<i32>} : memref<256x128xf32, #tpu.memory_space<vmem>>, vector<1x16xf32>,
      %get3A_1207 = vector.shape_cast %get3A_1206 : vector<1x16xf32> to vector<16xf32>
      %get3A_1208 = arith.constant 128 : i32
      %get3A_1209 = arith.index_cast %get3A_1208 : i32 to index
      %get3A_1210 = arith.constant 112 : index
      %get3A_1211 = tpu.vector_load %arg7[%get3A_1209, %get3A_1210] {strides = array<i32>} : memref<256x128xf32, #tpu.memory_space<vmem>>, vector<1x16xf32>,
      %get3A_1212 = vector.shape_cast %get3A_1211 : vector<1x16xf32> to vector<16xf32>
      %scan3A_1213 = arith.constant 1 : i32
      %scan3A_1214 = arith.constant 31 : i32
      %scan3A_1215 = arith.addi %scan3A_1213, %scan3A_1214 : i32
      %scan3A_1216 = arith.constant 1 : i32
      %scan3A_1217:8 = scf.for %scan3A_1552 = %scan3A_1213 to %scan3A_1215 step %scan3A_1216 iter_args(%scan3A_1553 = %get3A_1177, %scan3A_1554 = %get3A_1182, %scan3A_1555 = %get3A_1187, %scan3A_1556 = %get3A_1192, %scan3A_1557 = %get3A_1197, %scan3A_1558 = %get3A_1202, %scan3A_1559 = %get3A_1207, %scan3A_1560 = %get3A_1212) -> (vector<16xf32>, vector<16xf32>, vector<16xf32>, vector<16xf32>, vector<16xf32>, vector<16xf32>, vector<16xf32>, vector<16xf32>)  : i32 {
        %add3A_1561 = arith.constant 128 : i32
        %add3A_1562 = arith.addi %add3A_1561, %scan3A_1552 : i32
        %get3A_1563 = arith.index_cast %add3A_1562 : i32 to index
        %get3A_1564 = arith.constant 0 : index
        %get3A_1565 = tpu.vector_load %arg7[%get3A_1563, %get3A_1564] {strides = array<i32>} : memref<256x128xf32, #tpu.memory_space<vmem>>, vector<1x16xf32>,
        %get3A_1566 = vector.shape_cast %get3A_1565 : vector<1x16xf32> to vector<16xf32>
        %max3A = arith.maximumf %scan3A_1553, %get3A_1566 : vector<16xf32>
        %get3A_1567 = arith.index_cast %add3A_1562 : i32 to index
        %get3A_1568 = arith.constant 16 : index
        %get3A_1569 = tpu.vector_load %arg7[%get3A_1567, %get3A_1568] {strides = array<i32>} : memref<256x128xf32, #tpu.memory_space<vmem>>, vector<1x16xf32>,
        %get3A_1570 = vector.shape_cast %get3A_1569 : vector<1x16xf32> to vector<16xf32>
        %max3A_1571 = arith.maximumf %scan3A_1554, %get3A_1570 : vector<16xf32>
        %get3A_1572 = arith.index_cast %add3A_1562 : i32 to index
        %get3A_1573 = arith.constant 32 : index
        %get3A_1574 = tpu.vector_load %arg7[%get3A_1572, %get3A_1573] {strides = array<i32>} : memref<256x128xf32, #tpu.memory_space<vmem>>, vector<1x16xf32>,
        %get3A_1575 = vector.shape_cast %get3A_1574 : vector<1x16xf32> to vector<16xf32>
        %max3A_1576 = arith.maximumf %scan3A_1555, %get3A_1575 : vector<16xf32>
        %get3A_1577 = arith.index_cast %add3A_1562 : i32 to index
        %get3A_1578 = arith.constant 48 : index
        %get3A_1579 = tpu.vector_load %arg7[%get3A_1577, %get3A_1578] {strides = array<i32>} : memref<256x128xf32, #tpu.memory_space<vmem>>, vector<1x16xf32>,
        %get3A_1580 = vector.shape_cast %get3A_1579 : vector<1x16xf32> to vector<16xf32>
        %max3A_1581 = arith.maximumf %scan3A_1556, %get3A_1580 : vector<16xf32>
        %get3A_1582 = arith.index_cast %add3A_1562 : i32 to index
        %get3A_1583 = arith.constant 64 : index
        %get3A_1584 = tpu.vector_load %arg7[%get3A_1582, %get3A_1583] {strides = array<i32>} : memref<256x128xf32, #tpu.memory_space<vmem>>, vector<1x16xf32>,
        %get3A_1585 = vector.shape_cast %get3A_1584 : vector<1x16xf32> to vector<16xf32>
        %max3A_1586 = arith.maximumf %scan3A_1557, %get3A_1585 : vector<16xf32>
        %get3A_1587 = arith.index_cast %add3A_1562 : i32 to index
        %get3A_1588 = arith.constant 80 : index
        %get3A_1589 = tpu.vector_load %arg7[%get3A_1587, %get3A_1588] {strides = array<i32>} : memref<256x128xf32, #tpu.memory_space<vmem>>, vector<1x16xf32>,
        %get3A_1590 = vector.shape_cast %get3A_1589 : vector<1x16xf32> to vector<16xf32>
        %max3A_1591 = arith.maximumf %scan3A_1558, %get3A_1590 : vector<16xf32>
        %get3A_1592 = arith.index_cast %add3A_1562 : i32 to index
        %get3A_1593 = arith.constant 96 : index
        %get3A_1594 = tpu.vector_load %arg7[%get3A_1592, %get3A_1593] {strides = array<i32>} : memref<256x128xf32, #tpu.memory_space<vmem>>, vector<1x16xf32>,
        %get3A_1595 = vector.shape_cast %get3A_1594 : vector<1x16xf32> to vector<16xf32>
        %max3A_1596 = arith.maximumf %scan3A_1559, %get3A_1595 : vector<16xf32>
        %get3A_1597 = arith.index_cast %add3A_1562 : i32 to index
        %get3A_1598 = arith.constant 112 : index
        %get3A_1599 = tpu.vector_load %arg7[%get3A_1597, %get3A_1598] {strides = array<i32>} : memref<256x128xf32, #tpu.memory_space<vmem>>, vector<1x16xf32>,
        %get3A_1600 = vector.shape_cast %get3A_1599 : vector<1x16xf32> to vector<16xf32>
        %max3A_1601 = arith.maximumf %scan3A_1560, %get3A_1600 : vector<16xf32>
        scf.yield %max3A, %max3A_1571, %max3A_1576, %max3A_1581, %max3A_1586, %max3A_1591, %max3A_1596, %max3A_1601 : vector<16xf32>, vector<16xf32>, vector<16xf32>, vector<16xf32>, vector<16xf32>, vector<16xf32>, vector<16xf32>, vector<16xf32>
      }
      %scan3A_1218 = arith.constant 31 : i32
      %swap3A_1219 = arith.constant 4 : i32
      %swap3A_1220 = arith.index_cast %swap3A_1219 : i32 to index
      %swap3A_1221 = arith.constant 0 : index
      %swap3A_1222 = tpu.vector_load %arg8[%swap3A_1220, %swap3A_1221] {strides = array<i32>} : memref<8x128xf32, #tpu.memory_space<vmem>>, vector<1x16xf32>,
      %swap3A_1223 = vector.shape_cast %swap3A_1222 : vector<1x16xf32> to vector<16xf32>
      %swap3A_1224 = vector.shape_cast %scan3A_1217#0 : vector<16xf32> to vector<1x16xf32>
      tpu.vector_store %arg8[%swap3A_1220, %swap3A_1221], %swap3A_1224 {strides = array<i32>} : memref<8x128xf32, #tpu.memory_space<vmem>>, vector<1x16xf32>,
      %swap3A_1225 = arith.constant 4 : i32
      %swap3A_1226 = arith.index_cast %swap3A_1225 : i32 to index
      %swap3A_1227 = arith.constant 16 : index
      %swap3A_1228 = tpu.vector_load %arg8[%swap3A_1226, %swap3A_1227] {strides = array<i32>} : memref<8x128xf32, #tpu.memory_space<vmem>>, vector<1x16xf32>,
      %swap3A_1229 = vector.shape_cast %swap3A_1228 : vector<1x16xf32> to vector<16xf32>
      %swap3A_1230 = vector.shape_cast %scan3A_1217#1 : vector<16xf32> to vector<1x16xf32>
      tpu.vector_store %arg8[%swap3A_1226, %swap3A_1227], %swap3A_1230 {strides = array<i32>} : memref<8x128xf32, #tpu.memory_space<vmem>>, vector<1x16xf32>,
      %swap3A_1231 = arith.constant 4 : i32
      %swap3A_1232 = arith.index_cast %swap3A_1231 : i32 to index
      %swap3A_1233 = arith.constant 32 : index
      %swap3A_1234 = tpu.vector_load %arg8[%swap3A_1232, %swap3A_1233] {strides = array<i32>} : memref<8x128xf32, #tpu.memory_space<vmem>>, vector<1x16xf32>,
      %swap3A_1235 = vector.shape_cast %swap3A_1234 : vector<1x16xf32> to vector<16xf32>
      %swap3A_1236 = vector.shape_cast %scan3A_1217#2 : vector<16xf32> to vector<1x16xf32>
      tpu.vector_store %arg8[%swap3A_1232, %swap3A_1233], %swap3A_1236 {strides = array<i32>} : memref<8x128xf32, #tpu.memory_space<vmem>>, vector<1x16xf32>,
      %swap3A_1237 = arith.constant 4 : i32
      %swap3A_1238 = arith.index_cast %swap3A_1237 : i32 to index
      %swap3A_1239 = arith.constant 48 : index
      %swap3A_1240 = tpu.vector_load %arg8[%swap3A_1238, %swap3A_1239] {strides = array<i32>} : memref<8x128xf32, #tpu.memory_space<vmem>>, vector<1x16xf32>,
      %swap3A_1241 = vector.shape_cast %swap3A_1240 : vector<1x16xf32> to vector<16xf32>
      %swap3A_1242 = vector.shape_cast %scan3A_1217#3 : vector<16xf32> to vector<1x16xf32>
      tpu.vector_store %arg8[%swap3A_1238, %swap3A_1239], %swap3A_1242 {strides = array<i32>} : memref<8x128xf32, #tpu.memory_space<vmem>>, vector<1x16xf32>,
      %swap3A_1243 = arith.constant 4 : i32
      %swap3A_1244 = arith.index_cast %swap3A_1243 : i32 to index
      %swap3A_1245 = arith.constant 64 : index
      %swap3A_1246 = tpu.vector_load %arg8[%swap3A_1244, %swap3A_1245] {strides = array<i32>} : memref<8x128xf32, #tpu.memory_space<vmem>>, vector<1x16xf32>,
      %swap3A_1247 = vector.shape_cast %swap3A_1246 : vector<1x16xf32> to vector<16xf32>
      %swap3A_1248 = vector.shape_cast %scan3A_1217#4 : vector<16xf32> to vector<1x16xf32>
      tpu.vector_store %arg8[%swap3A_1244, %swap3A_1245], %swap3A_1248 {strides = array<i32>} : memref<8x128xf32, #tpu.memory_space<vmem>>, vector<1x16xf32>,
      %swap3A_1249 = arith.constant 4 : i32
      %swap3A_1250 = arith.index_cast %swap3A_1249 : i32 to index
      %swap3A_1251 = arith.constant 80 : index
      %swap3A_1252 = tpu.vector_load %arg8[%swap3A_1250, %swap3A_1251] {strides = array<i32>} : memref<8x128xf32, #tpu.memory_space<vmem>>, vector<1x16xf32>,
      %swap3A_1253 = vector.shape_cast %swap3A_1252 : vector<1x16xf32> to vector<16xf32>
      %swap3A_1254 = vector.shape_cast %scan3A_1217#5 : vector<16xf32> to vector<1x16xf32>
      tpu.vector_store %arg8[%swap3A_1250, %swap3A_1251], %swap3A_1254 {strides = array<i32>} : memref<8x128xf32, #tpu.memory_space<vmem>>, vector<1x16xf32>,
      %swap3A_1255 = arith.constant 4 : i32
      %swap3A_1256 = arith.index_cast %swap3A_1255 : i32 to index
      %swap3A_1257 = arith.constant 96 : index
      %swap3A_1258 = tpu.vector_load %arg8[%swap3A_1256, %swap3A_1257] {strides = array<i32>} : memref<8x128xf32, #tpu.memory_space<vmem>>, vector<1x16xf32>,
      %swap3A_1259 = vector.shape_cast %swap3A_1258 : vector<1x16xf32> to vector<16xf32>
      %swap3A_1260 = vector.shape_cast %scan3A_1217#6 : vector<16xf32> to vector<1x16xf32>
      tpu.vector_store %arg8[%swap3A_1256, %swap3A_1257], %swap3A_1260 {strides = array<i32>} : memref<8x128xf32, #tpu.memory_space<vmem>>, vector<1x16xf32>,
      %swap3A_1261 = arith.constant 4 : i32
      %swap3A_1262 = arith.index_cast %swap3A_1261 : i32 to index
      %swap3A_1263 = arith.constant 112 : index
      %swap3A_1264 = tpu.vector_load %arg8[%swap3A_1262, %swap3A_1263] {strides = array<i32>} : memref<8x128xf32, #tpu.memory_space<vmem>>, vector<1x16xf32>,
      %swap3A_1265 = vector.shape_cast %swap3A_1264 : vector<1x16xf32> to vector<16xf32>
      %swap3A_1266 = vector.shape_cast %scan3A_1217#7 : vector<16xf32> to vector<1x16xf32>
      tpu.vector_store %arg8[%swap3A_1262, %swap3A_1263], %swap3A_1266 {strides = array<i32>} : memref<8x128xf32, #tpu.memory_space<vmem>>, vector<1x16xf32>,
      %get3A_1267 = arith.constant 160 : i32
      %get3A_1268 = arith.index_cast %get3A_1267 : i32 to index
      %get3A_1269 = arith.constant 0 : index
      %get3A_1270 = tpu.vector_load %arg7[%get3A_1268, %get3A_1269] {strides = array<i32>} : memref<256x128xf32, #tpu.memory_space<vmem>>, vector<1x16xf32>,
      %get3A_1271 = vector.shape_cast %get3A_1270 : vector<1x16xf32> to vector<16xf32>
      %get3A_1272 = arith.constant 160 : i32
      %get3A_1273 = arith.index_cast %get3A_1272 : i32 to index
      %get3A_1274 = arith.constant 16 : index
      %get3A_1275 = tpu.vector_load %arg7[%get3A_1273, %get3A_1274] {strides = array<i32>} : memref<256x128xf32, #tpu.memory_space<vmem>>, vector<1x16xf32>,
      %get3A_1276 = vector.shape_cast %get3A_1275 : vector<1x16xf32> to vector<16xf32>
      %get3A_1277 = arith.constant 160 : i32
      %get3A_1278 = arith.index_cast %get3A_1277 : i32 to index
      %get3A_1279 = arith.constant 32 : index
      %get3A_1280 = tpu.vector_load %arg7[%get3A_1278, %get3A_1279] {strides = array<i32>} : memref<256x128xf32, #tpu.memory_space<vmem>>, vector<1x16xf32>,
      %get3A_1281 = vector.shape_cast %get3A_1280 : vector<1x16xf32> to vector<16xf32>
      %get3A_1282 = arith.constant 160 : i32
      %get3A_1283 = arith.index_cast %get3A_1282 : i32 to index
      %get3A_1284 = arith.constant 48 : index
      %get3A_1285 = tpu.vector_load %arg7[%get3A_1283, %get3A_1284] {strides = array<i32>} : memref<256x128xf32, #tpu.memory_space<vmem>>, vector<1x16xf32>,
      %get3A_1286 = vector.shape_cast %get3A_1285 : vector<1x16xf32> to vector<16xf32>
      %get3A_1287 = arith.constant 160 : i32
      %get3A_1288 = arith.index_cast %get3A_1287 : i32 to index
      %get3A_1289 = arith.constant 64 : index
      %get3A_1290 = tpu.vector_load %arg7[%get3A_1288, %get3A_1289] {strides = array<i32>} : memref<256x128xf32, #tpu.memory_space<vmem>>, vector<1x16xf32>,
      %get3A_1291 = vector.shape_cast %get3A_1290 : vector<1x16xf32> to vector<16xf32>
      %get3A_1292 = arith.constant 160 : i32
      %get3A_1293 = arith.index_cast %get3A_1292 : i32 to index
      %get3A_1294 = arith.constant 80 : index
      %get3A_1295 = tpu.vector_load %arg7[%get3A_1293, %get3A_1294] {strides = array<i32>} : memref<256x128xf32, #tpu.memory_space<vmem>>, vector<1x16xf32>,
      %get3A_1296 = vector.shape_cast %get3A_1295 : vector<1x16xf32> to vector<16xf32>
      %get3A_1297 = arith.constant 160 : i32
      %get3A_1298 = arith.index_cast %get3A_1297 : i32 to index
      %get3A_1299 = arith.constant 96 : index
      %get3A_1300 = tpu.vector_load %arg7[%get3A_1298, %get3A_1299] {strides = array<i32>} : memref<256x128xf32, #tpu.memory_space<vmem>>, vector<1x16xf32>,
      %get3A_1301 = vector.shape_cast %get3A_1300 : vector<1x16xf32> to vector<16xf32>
      %get3A_1302 = arith.constant 160 : i32
      %get3A_1303 = arith.index_cast %get3A_1302 : i32 to index
      %get3A_1304 = arith.constant 112 : index
      %get3A_1305 = tpu.vector_load %arg7[%get3A_1303, %get3A_1304] {strides = array<i32>} : memref<256x128xf32, #tpu.memory_space<vmem>>, vector<1x16xf32>,
      %get3A_1306 = vector.shape_cast %get3A_1305 : vector<1x16xf32> to vector<16xf32>
      %scan3A_1307 = arith.constant 1 : i32
      %scan3A_1308 = arith.constant 31 : i32
      %scan3A_1309 = arith.addi %scan3A_1307, %scan3A_1308 : i32
      %scan3A_1310 = arith.constant 1 : i32
      %scan3A_1311:8 = scf.for %scan3A_1552 = %scan3A_1307 to %scan3A_1309 step %scan3A_1310 iter_args(%scan3A_1553 = %get3A_1271, %scan3A_1554 = %get3A_1276, %scan3A_1555 = %get3A_1281, %scan3A_1556 = %get3A_1286, %scan3A_1557 = %get3A_1291, %scan3A_1558 = %get3A_1296, %scan3A_1559 = %get3A_1301, %scan3A_1560 = %get3A_1306) -> (vector<16xf32>, vector<16xf32>, vector<16xf32>, vector<16xf32>, vector<16xf32>, vector<16xf32>, vector<16xf32>, vector<16xf32>)  : i32 {
        %add3A_1561 = arith.constant 160 : i32
        %add3A_1562 = arith.addi %add3A_1561, %scan3A_1552 : i32
        %get3A_1563 = arith.index_cast %add3A_1562 : i32 to index
        %get3A_1564 = arith.constant 0 : index
        %get3A_1565 = tpu.vector_load %arg7[%get3A_1563, %get3A_1564] {strides = array<i32>} : memref<256x128xf32, #tpu.memory_space<vmem>>, vector<1x16xf32>,
        %get3A_1566 = vector.shape_cast %get3A_1565 : vector<1x16xf32> to vector<16xf32>
        %max3A = arith.maximumf %scan3A_1553, %get3A_1566 : vector<16xf32>
        %get3A_1567 = arith.index_cast %add3A_1562 : i32 to index
        %get3A_1568 = arith.constant 16 : index
        %get3A_1569 = tpu.vector_load %arg7[%get3A_1567, %get3A_1568] {strides = array<i32>} : memref<256x128xf32, #tpu.memory_space<vmem>>, vector<1x16xf32>,
        %get3A_1570 = vector.shape_cast %get3A_1569 : vector<1x16xf32> to vector<16xf32>
        %max3A_1571 = arith.maximumf %scan3A_1554, %get3A_1570 : vector<16xf32>
        %get3A_1572 = arith.index_cast %add3A_1562 : i32 to index
        %get3A_1573 = arith.constant 32 : index
        %get3A_1574 = tpu.vector_load %arg7[%get3A_1572, %get3A_1573] {strides = array<i32>} : memref<256x128xf32, #tpu.memory_space<vmem>>, vector<1x16xf32>,
        %get3A_1575 = vector.shape_cast %get3A_1574 : vector<1x16xf32> to vector<16xf32>
        %max3A_1576 = arith.maximumf %scan3A_1555, %get3A_1575 : vector<16xf32>
        %get3A_1577 = arith.index_cast %add3A_1562 : i32 to index
        %get3A_1578 = arith.constant 48 : index
        %get3A_1579 = tpu.vector_load %arg7[%get3A_1577, %get3A_1578] {strides = array<i32>} : memref<256x128xf32, #tpu.memory_space<vmem>>, vector<1x16xf32>,
        %get3A_1580 = vector.shape_cast %get3A_1579 : vector<1x16xf32> to vector<16xf32>
        %max3A_1581 = arith.maximumf %scan3A_1556, %get3A_1580 : vector<16xf32>
        %get3A_1582 = arith.index_cast %add3A_1562 : i32 to index
        %get3A_1583 = arith.constant 64 : index
        %get3A_1584 = tpu.vector_load %arg7[%get3A_1582, %get3A_1583] {strides = array<i32>} : memref<256x128xf32, #tpu.memory_space<vmem>>, vector<1x16xf32>,
        %get3A_1585 = vector.shape_cast %get3A_1584 : vector<1x16xf32> to vector<16xf32>
        %max3A_1586 = arith.maximumf %scan3A_1557, %get3A_1585 : vector<16xf32>
        %get3A_1587 = arith.index_cast %add3A_1562 : i32 to index
        %get3A_1588 = arith.constant 80 : index
        %get3A_1589 = tpu.vector_load %arg7[%get3A_1587, %get3A_1588] {strides = array<i32>} : memref<256x128xf32, #tpu.memory_space<vmem>>, vector<1x16xf32>,
        %get3A_1590 = vector.shape_cast %get3A_1589 : vector<1x16xf32> to vector<16xf32>
        %max3A_1591 = arith.maximumf %scan3A_1558, %get3A_1590 : vector<16xf32>
        %get3A_1592 = arith.index_cast %add3A_1562 : i32 to index
        %get3A_1593 = arith.constant 96 : index
        %get3A_1594 = tpu.vector_load %arg7[%get3A_1592, %get3A_1593] {strides = array<i32>} : memref<256x128xf32, #tpu.memory_space<vmem>>, vector<1x16xf32>,
        %get3A_1595 = vector.shape_cast %get3A_1594 : vector<1x16xf32> to vector<16xf32>
        %max3A_1596 = arith.maximumf %scan3A_1559, %get3A_1595 : vector<16xf32>
        %get3A_1597 = arith.index_cast %add3A_1562 : i32 to index
        %get3A_1598 = arith.constant 112 : index
        %get3A_1599 = tpu.vector_load %arg7[%get3A_1597, %get3A_1598] {strides = array<i32>} : memref<256x128xf32, #tpu.memory_space<vmem>>, vector<1x16xf32>,
        %get3A_1600 = vector.shape_cast %get3A_1599 : vector<1x16xf32> to vector<16xf32>
        %max3A_1601 = arith.maximumf %scan3A_1560, %get3A_1600 : vector<16xf32>
        scf.yield %max3A, %max3A_1571, %max3A_1576, %max3A_1581, %max3A_1586, %max3A_1591, %max3A_1596, %max3A_1601 : vector<16xf32>, vector<16xf32>, vector<16xf32>, vector<16xf32>, vector<16xf32>, vector<16xf32>, vector<16xf32>, vector<16xf32>
      }
      %scan3A_1312 = arith.constant 31 : i32
      %swap3A_1313 = arith.constant 5 : i32
      %swap3A_1314 = arith.index_cast %swap3A_1313 : i32 to index
      %swap3A_1315 = arith.constant 0 : index
      %swap3A_1316 = tpu.vector_load %arg8[%swap3A_1314, %swap3A_1315] {strides = array<i32>} : memref<8x128xf32, #tpu.memory_space<vmem>>, vector<1x16xf32>,
      %swap3A_1317 = vector.shape_cast %swap3A_1316 : vector<1x16xf32> to vector<16xf32>
      %swap3A_1318 = vector.shape_cast %scan3A_1311#0 : vector<16xf32> to vector<1x16xf32>
      tpu.vector_store %arg8[%swap3A_1314, %swap3A_1315], %swap3A_1318 {strides = array<i32>} : memref<8x128xf32, #tpu.memory_space<vmem>>, vector<1x16xf32>,
      %swap3A_1319 = arith.constant 5 : i32
      %swap3A_1320 = arith.index_cast %swap3A_1319 : i32 to index
      %swap3A_1321 = arith.constant 16 : index
      %swap3A_1322 = tpu.vector_load %arg8[%swap3A_1320, %swap3A_1321] {strides = array<i32>} : memref<8x128xf32, #tpu.memory_space<vmem>>, vector<1x16xf32>,
      %swap3A_1323 = vector.shape_cast %swap3A_1322 : vector<1x16xf32> to vector<16xf32>
      %swap3A_1324 = vector.shape_cast %scan3A_1311#1 : vector<16xf32> to vector<1x16xf32>
      tpu.vector_store %arg8[%swap3A_1320, %swap3A_1321], %swap3A_1324 {strides = array<i32>} : memref<8x128xf32, #tpu.memory_space<vmem>>, vector<1x16xf32>,
      %swap3A_1325 = arith.constant 5 : i32
      %swap3A_1326 = arith.index_cast %swap3A_1325 : i32 to index
      %swap3A_1327 = arith.constant 32 : index
      %swap3A_1328 = tpu.vector_load %arg8[%swap3A_1326, %swap3A_1327] {strides = array<i32>} : memref<8x128xf32, #tpu.memory_space<vmem>>, vector<1x16xf32>,
      %swap3A_1329 = vector.shape_cast %swap3A_1328 : vector<1x16xf32> to vector<16xf32>
      %swap3A_1330 = vector.shape_cast %scan3A_1311#2 : vector<16xf32> to vector<1x16xf32>
      tpu.vector_store %arg8[%swap3A_1326, %swap3A_1327], %swap3A_1330 {strides = array<i32>} : memref<8x128xf32, #tpu.memory_space<vmem>>, vector<1x16xf32>,
      %swap3A_1331 = arith.constant 5 : i32
      %swap3A_1332 = arith.index_cast %swap3A_1331 : i32 to index
      %swap3A_1333 = arith.constant 48 : index
      %swap3A_1334 = tpu.vector_load %arg8[%swap3A_1332, %swap3A_1333] {strides = array<i32>} : memref<8x128xf32, #tpu.memory_space<vmem>>, vector<1x16xf32>,
      %swap3A_1335 = vector.shape_cast %swap3A_1334 : vector<1x16xf32> to vector<16xf32>
      %swap3A_1336 = vector.shape_cast %scan3A_1311#3 : vector<16xf32> to vector<1x16xf32>
      tpu.vector_store %arg8[%swap3A_1332, %swap3A_1333], %swap3A_1336 {strides = array<i32>} : memref<8x128xf32, #tpu.memory_space<vmem>>, vector<1x16xf32>,
      %swap3A_1337 = arith.constant 5 : i32
      %swap3A_1338 = arith.index_cast %swap3A_1337 : i32 to index
      %swap3A_1339 = arith.constant 64 : index
      %swap3A_1340 = tpu.vector_load %arg8[%swap3A_1338, %swap3A_1339] {strides = array<i32>} : memref<8x128xf32, #tpu.memory_space<vmem>>, vector<1x16xf32>,
      %swap3A_1341 = vector.shape_cast %swap3A_1340 : vector<1x16xf32> to vector<16xf32>
      %swap3A_1342 = vector.shape_cast %scan3A_1311#4 : vector<16xf32> to vector<1x16xf32>
      tpu.vector_store %arg8[%swap3A_1338, %swap3A_1339], %swap3A_1342 {strides = array<i32>} : memref<8x128xf32, #tpu.memory_space<vmem>>, vector<1x16xf32>,
      %swap3A_1343 = arith.constant 5 : i32
      %swap3A_1344 = arith.index_cast %swap3A_1343 : i32 to index
      %swap3A_1345 = arith.constant 80 : index
      %swap3A_1346 = tpu.vector_load %arg8[%swap3A_1344, %swap3A_1345] {strides = array<i32>} : memref<8x128xf32, #tpu.memory_space<vmem>>, vector<1x16xf32>,
      %swap3A_1347 = vector.shape_cast %swap3A_1346 : vector<1x16xf32> to vector<16xf32>
      %swap3A_1348 = vector.shape_cast %scan3A_1311#5 : vector<16xf32> to vector<1x16xf32>
      tpu.vector_store %arg8[%swap3A_1344, %swap3A_1345], %swap3A_1348 {strides = array<i32>} : memref<8x128xf32, #tpu.memory_space<vmem>>, vector<1x16xf32>,
      %swap3A_1349 = arith.constant 5 : i32
      %swap3A_1350 = arith.index_cast %swap3A_1349 : i32 to index
      %swap3A_1351 = arith.constant 96 : index
      %swap3A_1352 = tpu.vector_load %arg8[%swap3A_1350, %swap3A_1351] {strides = array<i32>} : memref<8x128xf32, #tpu.memory_space<vmem>>, vector<1x16xf32>,
      %swap3A_1353 = vector.shape_cast %swap3A_1352 : vector<1x16xf32> to vector<16xf32>
      %swap3A_1354 = vector.shape_cast %scan3A_1311#6 : vector<16xf32> to vector<1x16xf32>
      tpu.vector_store %arg8[%swap3A_1350, %swap3A_1351], %swap3A_1354 {strides = array<i32>} : memref<8x128xf32, #tpu.memory_space<vmem>>, vector<1x16xf32>,
      %swap3A_1355 = arith.constant 5 : i32
      %swap3A_1356 = arith.index_cast %swap3A_1355 : i32 to index
      %swap3A_1357 = arith.constant 112 : index
      %swap3A_1358 = tpu.vector_load %arg8[%swap3A_1356, %swap3A_1357] {strides = array<i32>} : memref<8x128xf32, #tpu.memory_space<vmem>>, vector<1x16xf32>,
      %swap3A_1359 = vector.shape_cast %swap3A_1358 : vector<1x16xf32> to vector<16xf32>
      %swap3A_1360 = vector.shape_cast %scan3A_1311#7 : vector<16xf32> to vector<1x16xf32>
      tpu.vector_store %arg8[%swap3A_1356, %swap3A_1357], %swap3A_1360 {strides = array<i32>} : memref<8x128xf32, #tpu.memory_space<vmem>>, vector<1x16xf32>,
      %get3A_1361 = arith.constant 192 : i32
      %get3A_1362 = arith.index_cast %get3A_1361 : i32 to index
      %get3A_1363 = arith.constant 0 : index
      %get3A_1364 = tpu.vector_load %arg7[%get3A_1362, %get3A_1363] {strides = array<i32>} : memref<256x128xf32, #tpu.memory_space<vmem>>, vector<1x16xf32>,
      %get3A_1365 = vector.shape_cast %get3A_1364 : vector<1x16xf32> to vector<16xf32>
      %get3A_1366 = arith.constant 192 : i32
      %get3A_1367 = arith.index_cast %get3A_1366 : i32 to index
      %get3A_1368 = arith.constant 16 : index
      %get3A_1369 = tpu.vector_load %arg7[%get3A_1367, %get3A_1368] {strides = array<i32>} : memref<256x128xf32, #tpu.memory_space<vmem>>, vector<1x16xf32>,
      %get3A_1370 = vector.shape_cast %get3A_1369 : vector<1x16xf32> to vector<16xf32>
      %get3A_1371 = arith.constant 192 : i32
      %get3A_1372 = arith.index_cast %get3A_1371 : i32 to index
      %get3A_1373 = arith.constant 32 : index
      %get3A_1374 = tpu.vector_load %arg7[%get3A_1372, %get3A_1373] {strides = array<i32>} : memref<256x128xf32, #tpu.memory_space<vmem>>, vector<1x16xf32>,
      %get3A_1375 = vector.shape_cast %get3A_1374 : vector<1x16xf32> to vector<16xf32>
      %get3A_1376 = arith.constant 192 : i32
      %get3A_1377 = arith.index_cast %get3A_1376 : i32 to index
      %get3A_1378 = arith.constant 48 : index
      %get3A_1379 = tpu.vector_load %arg7[%get3A_1377, %get3A_1378] {strides = array<i32>} : memref<256x128xf32, #tpu.memory_space<vmem>>, vector<1x16xf32>,
      %get3A_1380 = vector.shape_cast %get3A_1379 : vector<1x16xf32> to vector<16xf32>
      %get3A_1381 = arith.constant 192 : i32
      %get3A_1382 = arith.index_cast %get3A_1381 : i32 to index
      %get3A_1383 = arith.constant 64 : index
      %get3A_1384 = tpu.vector_load %arg7[%get3A_1382, %get3A_1383] {strides = array<i32>} : memref<256x128xf32, #tpu.memory_space<vmem>>, vector<1x16xf32>,
      %get3A_1385 = vector.shape_cast %get3A_1384 : vector<1x16xf32> to vector<16xf32>
      %get3A_1386 = arith.constant 192 : i32
      %get3A_1387 = arith.index_cast %get3A_1386 : i32 to index
      %get3A_1388 = arith.constant 80 : index
      %get3A_1389 = tpu.vector_load %arg7[%get3A_1387, %get3A_1388] {strides = array<i32>} : memref<256x128xf32, #tpu.memory_space<vmem>>, vector<1x16xf32>,
      %get3A_1390 = vector.shape_cast %get3A_1389 : vector<1x16xf32> to vector<16xf32>
      %get3A_1391 = arith.constant 192 : i32
      %get3A_1392 = arith.index_cast %get3A_1391 : i32 to index
      %get3A_1393 = arith.constant 96 : index
      %get3A_1394 = tpu.vector_load %arg7[%get3A_1392, %get3A_1393] {strides = array<i32>} : memref<256x128xf32, #tpu.memory_space<vmem>>, vector<1x16xf32>,
      %get3A_1395 = vector.shape_cast %get3A_1394 : vector<1x16xf32> to vector<16xf32>
      %get3A_1396 = arith.constant 192 : i32
      %get3A_1397 = arith.index_cast %get3A_1396 : i32 to index
      %get3A_1398 = arith.constant 112 : index
      %get3A_1399 = tpu.vector_load %arg7[%get3A_1397, %get3A_1398] {strides = array<i32>} : memref<256x128xf32, #tpu.memory_space<vmem>>, vector<1x16xf32>,
      %get3A_1400 = vector.shape_cast %get3A_1399 : vector<1x16xf32> to vector<16xf32>
      %scan3A_1401 = arith.constant 1 : i32
      %scan3A_1402 = arith.constant 31 : i32
      %scan3A_1403 = arith.addi %scan3A_1401, %scan3A_1402 : i32
      %scan3A_1404 = arith.constant 1 : i32
      %scan3A_1405:8 = scf.for %scan3A_1552 = %scan3A_1401 to %scan3A_1403 step %scan3A_1404 iter_args(%scan3A_1553 = %get3A_1365, %scan3A_1554 = %get3A_1370, %scan3A_1555 = %get3A_1375, %scan3A_1556 = %get3A_1380, %scan3A_1557 = %get3A_1385, %scan3A_1558 = %get3A_1390, %scan3A_1559 = %get3A_1395, %scan3A_1560 = %get3A_1400) -> (vector<16xf32>, vector<16xf32>, vector<16xf32>, vector<16xf32>, vector<16xf32>, vector<16xf32>, vector<16xf32>, vector<16xf32>)  : i32 {
        %add3A_1561 = arith.constant 192 : i32
        %add3A_1562 = arith.addi %add3A_1561, %scan3A_1552 : i32
        %get3A_1563 = arith.index_cast %add3A_1562 : i32 to index
        %get3A_1564 = arith.constant 0 : index
        %get3A_1565 = tpu.vector_load %arg7[%get3A_1563, %get3A_1564] {strides = array<i32>} : memref<256x128xf32, #tpu.memory_space<vmem>>, vector<1x16xf32>,
        %get3A_1566 = vector.shape_cast %get3A_1565 : vector<1x16xf32> to vector<16xf32>
        %max3A = arith.maximumf %scan3A_1553, %get3A_1566 : vector<16xf32>
        %get3A_1567 = arith.index_cast %add3A_1562 : i32 to index
        %get3A_1568 = arith.constant 16 : index
        %get3A_1569 = tpu.vector_load %arg7[%get3A_1567, %get3A_1568] {strides = array<i32>} : memref<256x128xf32, #tpu.memory_space<vmem>>, vector<1x16xf32>,
        %get3A_1570 = vector.shape_cast %get3A_1569 : vector<1x16xf32> to vector<16xf32>
        %max3A_1571 = arith.maximumf %scan3A_1554, %get3A_1570 : vector<16xf32>
        %get3A_1572 = arith.index_cast %add3A_1562 : i32 to index
        %get3A_1573 = arith.constant 32 : index
        %get3A_1574 = tpu.vector_load %arg7[%get3A_1572, %get3A_1573] {strides = array<i32>} : memref<256x128xf32, #tpu.memory_space<vmem>>, vector<1x16xf32>,
        %get3A_1575 = vector.shape_cast %get3A_1574 : vector<1x16xf32> to vector<16xf32>
        %max3A_1576 = arith.maximumf %scan3A_1555, %get3A_1575 : vector<16xf32>
        %get3A_1577 = arith.index_cast %add3A_1562 : i32 to index
        %get3A_1578 = arith.constant 48 : index
        %get3A_1579 = tpu.vector_load %arg7[%get3A_1577, %get3A_1578] {strides = array<i32>} : memref<256x128xf32, #tpu.memory_space<vmem>>, vector<1x16xf32>,
        %get3A_1580 = vector.shape_cast %get3A_1579 : vector<1x16xf32> to vector<16xf32>
        %max3A_1581 = arith.maximumf %scan3A_1556, %get3A_1580 : vector<16xf32>
        %get3A_1582 = arith.index_cast %add3A_1562 : i32 to index
        %get3A_1583 = arith.constant 64 : index
        %get3A_1584 = tpu.vector_load %arg7[%get3A_1582, %get3A_1583] {strides = array<i32>} : memref<256x128xf32, #tpu.memory_space<vmem>>, vector<1x16xf32>,
        %get3A_1585 = vector.shape_cast %get3A_1584 : vector<1x16xf32> to vector<16xf32>
        %max3A_1586 = arith.maximumf %scan3A_1557, %get3A_1585 : vector<16xf32>
        %get3A_1587 = arith.index_cast %add3A_1562 : i32 to index
        %get3A_1588 = arith.constant 80 : index
        %get3A_1589 = tpu.vector_load %arg7[%get3A_1587, %get3A_1588] {strides = array<i32>} : memref<256x128xf32, #tpu.memory_space<vmem>>, vector<1x16xf32>,
        %get3A_1590 = vector.shape_cast %get3A_1589 : vector<1x16xf32> to vector<16xf32>
        %max3A_1591 = arith.maximumf %scan3A_1558, %get3A_1590 : vector<16xf32>
        %get3A_1592 = arith.index_cast %add3A_1562 : i32 to index
        %get3A_1593 = arith.constant 96 : index
        %get3A_1594 = tpu.vector_load %arg7[%get3A_1592, %get3A_1593] {strides = array<i32>} : memref<256x128xf32, #tpu.memory_space<vmem>>, vector<1x16xf32>,
        %get3A_1595 = vector.shape_cast %get3A_1594 : vector<1x16xf32> to vector<16xf32>
        %max3A_1596 = arith.maximumf %scan3A_1559, %get3A_1595 : vector<16xf32>
        %get3A_1597 = arith.index_cast %add3A_1562 : i32 to index
        %get3A_1598 = arith.constant 112 : index
        %get3A_1599 = tpu.vector_load %arg7[%get3A_1597, %get3A_1598] {strides = array<i32>} : memref<256x128xf32, #tpu.memory_space<vmem>>, vector<1x16xf32>,
        %get3A_1600 = vector.shape_cast %get3A_1599 : vector<1x16xf32> to vector<16xf32>
        %max3A_1601 = arith.maximumf %scan3A_1560, %get3A_1600 : vector<16xf32>
        scf.yield %max3A, %max3A_1571, %max3A_1576, %max3A_1581, %max3A_1586, %max3A_1591, %max3A_1596, %max3A_1601 : vector<16xf32>, vector<16xf32>, vector<16xf32>, vector<16xf32>, vector<16xf32>, vector<16xf32>, vector<16xf32>, vector<16xf32>
      }
      %scan3A_1406 = arith.constant 31 : i32
      %swap3A_1407 = arith.constant 6 : i32
      %swap3A_1408 = arith.index_cast %swap3A_1407 : i32 to index
      %swap3A_1409 = arith.constant 0 : index
      %swap3A_1410 = tpu.vector_load %arg8[%swap3A_1408, %swap3A_1409] {strides = array<i32>} : memref<8x128xf32, #tpu.memory_space<vmem>>, vector<1x16xf32>,
      %swap3A_1411 = vector.shape_cast %swap3A_1410 : vector<1x16xf32> to vector<16xf32>
      %swap3A_1412 = vector.shape_cast %scan3A_1405#0 : vector<16xf32> to vector<1x16xf32>
      tpu.vector_store %arg8[%swap3A_1408, %swap3A_1409], %swap3A_1412 {strides = array<i32>} : memref<8x128xf32, #tpu.memory_space<vmem>>, vector<1x16xf32>,
      %swap3A_1413 = arith.constant 6 : i32
      %swap3A_1414 = arith.index_cast %swap3A_1413 : i32 to index
      %swap3A_1415 = arith.constant 16 : index
      %swap3A_1416 = tpu.vector_load %arg8[%swap3A_1414, %swap3A_1415] {strides = array<i32>} : memref<8x128xf32, #tpu.memory_space<vmem>>, vector<1x16xf32>,
      %swap3A_1417 = vector.shape_cast %swap3A_1416 : vector<1x16xf32> to vector<16xf32>
      %swap3A_1418 = vector.shape_cast %scan3A_1405#1 : vector<16xf32> to vector<1x16xf32>
      tpu.vector_store %arg8[%swap3A_1414, %swap3A_1415], %swap3A_1418 {strides = array<i32>} : memref<8x128xf32, #tpu.memory_space<vmem>>, vector<1x16xf32>,
      %swap3A_1419 = arith.constant 6 : i32
      %swap3A_1420 = arith.index_cast %swap3A_1419 : i32 to index
      %swap3A_1421 = arith.constant 32 : index
      %swap3A_1422 = tpu.vector_load %arg8[%swap3A_1420, %swap3A_1421] {strides = array<i32>} : memref<8x128xf32, #tpu.memory_space<vmem>>, vector<1x16xf32>,
      %swap3A_1423 = vector.shape_cast %swap3A_1422 : vector<1x16xf32> to vector<16xf32>
      %swap3A_1424 = vector.shape_cast %scan3A_1405#2 : vector<16xf32> to vector<1x16xf32>
      tpu.vector_store %arg8[%swap3A_1420, %swap3A_1421], %swap3A_1424 {strides = array<i32>} : memref<8x128xf32, #tpu.memory_space<vmem>>, vector<1x16xf32>,
      %swap3A_1425 = arith.constant 6 : i32
      %swap3A_1426 = arith.index_cast %swap3A_1425 : i32 to index
      %swap3A_1427 = arith.constant 48 : index
      %swap3A_1428 = tpu.vector_load %arg8[%swap3A_1426, %swap3A_1427] {strides = array<i32>} : memref<8x128xf32, #tpu.memory_space<vmem>>, vector<1x16xf32>,
      %swap3A_1429 = vector.shape_cast %swap3A_1428 : vector<1x16xf32> to vector<16xf32>
      %swap3A_1430 = vector.shape_cast %scan3A_1405#3 : vector<16xf32> to vector<1x16xf32>
      tpu.vector_store %arg8[%swap3A_1426, %swap3A_1427], %swap3A_1430 {strides = array<i32>} : memref<8x128xf32, #tpu.memory_space<vmem>>, vector<1x16xf32>,
      %swap3A_1431 = arith.constant 6 : i32
      %swap3A_1432 = arith.index_cast %swap3A_1431 : i32 to index
      %swap3A_1433 = arith.constant 64 : index
      %swap3A_1434 = tpu.vector_load %arg8[%swap3A_1432, %swap3A_1433] {strides = array<i32>} : memref<8x128xf32, #tpu.memory_space<vmem>>, vector<1x16xf32>,
      %swap3A_1435 = vector.shape_cast %swap3A_1434 : vector<1x16xf32> to vector<16xf32>
      %swap3A_1436 = vector.shape_cast %scan3A_1405#4 : vector<16xf32> to vector<1x16xf32>
      tpu.vector_store %arg8[%swap3A_1432, %swap3A_1433], %swap3A_1436 {strides = array<i32>} : memref<8x128xf32, #tpu.memory_space<vmem>>, vector<1x16xf32>,
      %swap3A_1437 = arith.constant 6 : i32
      %swap3A_1438 = arith.index_cast %swap3A_1437 : i32 to index
      %swap3A_1439 = arith.constant 80 : index
      %swap3A_1440 = tpu.vector_load %arg8[%swap3A_1438, %swap3A_1439] {strides = array<i32>} : memref<8x128xf32, #tpu.memory_space<vmem>>, vector<1x16xf32>,
      %swap3A_1441 = vector.shape_cast %swap3A_1440 : vector<1x16xf32> to vector<16xf32>
      %swap3A_1442 = vector.shape_cast %scan3A_1405#5 : vector<16xf32> to vector<1x16xf32>
      tpu.vector_store %arg8[%swap3A_1438, %swap3A_1439], %swap3A_1442 {strides = array<i32>} : memref<8x128xf32, #tpu.memory_space<vmem>>, vector<1x16xf32>,
      %swap3A_1443 = arith.constant 6 : i32
      %swap3A_1444 = arith.index_cast %swap3A_1443 : i32 to index
      %swap3A_1445 = arith.constant 96 : index
      %swap3A_1446 = tpu.vector_load %arg8[%swap3A_1444, %swap3A_1445] {strides = array<i32>} : memref<8x128xf32, #tpu.memory_space<vmem>>, vector<1x16xf32>,
      %swap3A_1447 = vector.shape_cast %swap3A_1446 : vector<1x16xf32> to vector<16xf32>
      %swap3A_1448 = vector.shape_cast %scan3A_1405#6 : vector<16xf32> to vector<1x16xf32>
      tpu.vector_store %arg8[%swap3A_1444, %swap3A_1445], %swap3A_1448 {strides = array<i32>} : memref<8x128xf32, #tpu.memory_space<vmem>>, vector<1x16xf32>,
      %swap3A_1449 = arith.constant 6 : i32
      %swap3A_1450 = arith.index_cast %swap3A_1449 : i32 to index
      %swap3A_1451 = arith.constant 112 : index
      %swap3A_1452 = tpu.vector_load %arg8[%swap3A_1450, %swap3A_1451] {strides = array<i32>} : memref<8x128xf32, #tpu.memory_space<vmem>>, vector<1x16xf32>,
      %swap3A_1453 = vector.shape_cast %swap3A_1452 : vector<1x16xf32> to vector<16xf32>
      %swap3A_1454 = vector.shape_cast %scan3A_1405#7 : vector<16xf32> to vector<1x16xf32>
      tpu.vector_store %arg8[%swap3A_1450, %swap3A_1451], %swap3A_1454 {strides = array<i32>} : memref<8x128xf32, #tpu.memory_space<vmem>>, vector<1x16xf32>,
      %get3A_1455 = arith.constant 224 : i32
      %get3A_1456 = arith.index_cast %get3A_1455 : i32 to index
      %get3A_1457 = arith.constant 0 : index
      %get3A_1458 = tpu.vector_load %arg7[%get3A_1456, %get3A_1457] {strides = array<i32>} : memref<256x128xf32, #tpu.memory_space<vmem>>, vector<1x16xf32>,
      %get3A_1459 = vector.shape_cast %get3A_1458 : vector<1x16xf32> to vector<16xf32>
      %get3A_1460 = arith.constant 224 : i32
      %get3A_1461 = arith.index_cast %get3A_1460 : i32 to index
      %get3A_1462 = arith.constant 16 : index
      %get3A_1463 = tpu.vector_load %arg7[%get3A_1461, %get3A_1462] {strides = array<i32>} : memref<256x128xf32, #tpu.memory_space<vmem>>, vector<1x16xf32>,
      %get3A_1464 = vector.shape_cast %get3A_1463 : vector<1x16xf32> to vector<16xf32>
      %get3A_1465 = arith.constant 224 : i32
      %get3A_1466 = arith.index_cast %get3A_1465 : i32 to index
      %get3A_1467 = arith.constant 32 : index
      %get3A_1468 = tpu.vector_load %arg7[%get3A_1466, %get3A_1467] {strides = array<i32>} : memref<256x128xf32, #tpu.memory_space<vmem>>, vector<1x16xf32>,
      %get3A_1469 = vector.shape_cast %get3A_1468 : vector<1x16xf32> to vector<16xf32>
      %get3A_1470 = arith.constant 224 : i32
      %get3A_1471 = arith.index_cast %get3A_1470 : i32 to index
      %get3A_1472 = arith.constant 48 : index
      %get3A_1473 = tpu.vector_load %arg7[%get3A_1471, %get3A_1472] {strides = array<i32>} : memref<256x128xf32, #tpu.memory_space<vmem>>, vector<1x16xf32>,
      %get3A_1474 = vector.shape_cast %get3A_1473 : vector<1x16xf32> to vector<16xf32>
      %get3A_1475 = arith.constant 224 : i32
      %get3A_1476 = arith.index_cast %get3A_1475 : i32 to index
      %get3A_1477 = arith.constant 64 : index
      %get3A_1478 = tpu.vector_load %arg7[%get3A_1476, %get3A_1477] {strides = array<i32>} : memref<256x128xf32, #tpu.memory_space<vmem>>, vector<1x16xf32>,
      %get3A_1479 = vector.shape_cast %get3A_1478 : vector<1x16xf32> to vector<16xf32>
      %get3A_1480 = arith.constant 224 : i32
      %get3A_1481 = arith.index_cast %get3A_1480 : i32 to index
      %get3A_1482 = arith.constant 80 : index
      %get3A_1483 = tpu.vector_load %arg7[%get3A_1481, %get3A_1482] {strides = array<i32>} : memref<256x128xf32, #tpu.memory_space<vmem>>, vector<1x16xf32>,
      %get3A_1484 = vector.shape_cast %get3A_1483 : vector<1x16xf32> to vector<16xf32>
      %get3A_1485 = arith.constant 224 : i32
      %get3A_1486 = arith.index_cast %get3A_1485 : i32 to index
      %get3A_1487 = arith.constant 96 : index
      %get3A_1488 = tpu.vector_load %arg7[%get3A_1486, %get3A_1487] {strides = array<i32>} : memref<256x128xf32, #tpu.memory_space<vmem>>, vector<1x16xf32>,
      %get3A_1489 = vector.shape_cast %get3A_1488 : vector<1x16xf32> to vector<16xf32>
      %get3A_1490 = arith.constant 224 : i32
      %get3A_1491 = arith.index_cast %get3A_1490 : i32 to index
      %get3A_1492 = arith.constant 112 : index
      %get3A_1493 = tpu.vector_load %arg7[%get3A_1491, %get3A_1492] {strides = array<i32>} : memref<256x128xf32, #tpu.memory_space<vmem>>, vector<1x16xf32>,
      %get3A_1494 = vector.shape_cast %get3A_1493 : vector<1x16xf32> to vector<16xf32>
      %scan3A_1495 = arith.constant 1 : i32
      %scan3A_1496 = arith.constant 31 : i32
      %scan3A_1497 = arith.addi %scan3A_1495, %scan3A_1496 : i32
      %scan3A_1498 = arith.constant 1 : i32
      %scan3A_1499:8 = scf.for %scan3A_1552 = %scan3A_1495 to %scan3A_1497 step %scan3A_1498 iter_args(%scan3A_1553 = %get3A_1459, %scan3A_1554 = %get3A_1464, %scan3A_1555 = %get3A_1469, %scan3A_1556 = %get3A_1474, %scan3A_1557 = %get3A_1479, %scan3A_1558 = %get3A_1484, %scan3A_1559 = %get3A_1489, %scan3A_1560 = %get3A_1494) -> (vector<16xf32>, vector<16xf32>, vector<16xf32>, vector<16xf32>, vector<16xf32>, vector<16xf32>, vector<16xf32>, vector<16xf32>)  : i32 {
        %add3A_1561 = arith.constant 224 : i32
        %add3A_1562 = arith.addi %add3A_1561, %scan3A_1552 : i32
        %get3A_1563 = arith.index_cast %add3A_1562 : i32 to index
        %get3A_1564 = arith.constant 0 : index
        %get3A_1565 = tpu.vector_load %arg7[%get3A_1563, %get3A_1564] {strides = array<i32>} : memref<256x128xf32, #tpu.memory_space<vmem>>, vector<1x16xf32>,
        %get3A_1566 = vector.shape_cast %get3A_1565 : vector<1x16xf32> to vector<16xf32>
        %max3A = arith.maximumf %scan3A_1553, %get3A_1566 : vector<16xf32>
        %get3A_1567 = arith.index_cast %add3A_1562 : i32 to index
        %get3A_1568 = arith.constant 16 : index
        %get3A_1569 = tpu.vector_load %arg7[%get3A_1567, %get3A_1568] {strides = array<i32>} : memref<256x128xf32, #tpu.memory_space<vmem>>, vector<1x16xf32>,
        %get3A_1570 = vector.shape_cast %get3A_1569 : vector<1x16xf32> to vector<16xf32>
        %max3A_1571 = arith.maximumf %scan3A_1554, %get3A_1570 : vector<16xf32>
        %get3A_1572 = arith.index_cast %add3A_1562 : i32 to index
        %get3A_1573 = arith.constant 32 : index
        %get3A_1574 = tpu.vector_load %arg7[%get3A_1572, %get3A_1573] {strides = array<i32>} : memref<256x128xf32, #tpu.memory_space<vmem>>, vector<1x16xf32>,
        %get3A_1575 = vector.shape_cast %get3A_1574 : vector<1x16xf32> to vector<16xf32>
        %max3A_1576 = arith.maximumf %scan3A_1555, %get3A_1575 : vector<16xf32>
        %get3A_1577 = arith.index_cast %add3A_1562 : i32 to index
        %get3A_1578 = arith.constant 48 : index
        %get3A_1579 = tpu.vector_load %arg7[%get3A_1577, %get3A_1578] {strides = array<i32>} : memref<256x128xf32, #tpu.memory_space<vmem>>, vector<1x16xf32>,
        %get3A_1580 = vector.shape_cast %get3A_1579 : vector<1x16xf32> to vector<16xf32>
        %max3A_1581 = arith.maximumf %scan3A_1556, %get3A_1580 : vector<16xf32>
        %get3A_1582 = arith.index_cast %add3A_1562 : i32 to index
        %get3A_1583 = arith.constant 64 : index
        %get3A_1584 = tpu.vector_load %arg7[%get3A_1582, %get3A_1583] {strides = array<i32>} : memref<256x128xf32, #tpu.memory_space<vmem>>, vector<1x16xf32>,
        %get3A_1585 = vector.shape_cast %get3A_1584 : vector<1x16xf32> to vector<16xf32>
        %max3A_1586 = arith.maximumf %scan3A_1557, %get3A_1585 : vector<16xf32>
        %get3A_1587 = arith.index_cast %add3A_1562 : i32 to index
        %get3A_1588 = arith.constant 80 : index
        %get3A_1589 = tpu.vector_load %arg7[%get3A_1587, %get3A_1588] {strides = array<i32>} : memref<256x128xf32, #tpu.memory_space<vmem>>, vector<1x16xf32>,
        %get3A_1590 = vector.shape_cast %get3A_1589 : vector<1x16xf32> to vector<16xf32>
        %max3A_1591 = arith.maximumf %scan3A_1558, %get3A_1590 : vector<16xf32>
        %get3A_1592 = arith.index_cast %add3A_1562 : i32 to index
        %get3A_1593 = arith.constant 96 : index
        %get3A_1594 = tpu.vector_load %arg7[%get3A_1592, %get3A_1593] {strides = array<i32>} : memref<256x128xf32, #tpu.memory_space<vmem>>, vector<1x16xf32>,
        %get3A_1595 = vector.shape_cast %get3A_1594 : vector<1x16xf32> to vector<16xf32>
        %max3A_1596 = arith.maximumf %scan3A_1559, %get3A_1595 : vector<16xf32>
        %get3A_1597 = arith.index_cast %add3A_1562 : i32 to index
        %get3A_1598 = arith.constant 112 : index
        %get3A_1599 = tpu.vector_load %arg7[%get3A_1597, %get3A_1598] {strides = array<i32>} : memref<256x128xf32, #tpu.memory_space<vmem>>, vector<1x16xf32>,
        %get3A_1600 = vector.shape_cast %get3A_1599 : vector<1x16xf32> to vector<16xf32>
        %max3A_1601 = arith.maximumf %scan3A_1560, %get3A_1600 : vector<16xf32>
        scf.yield %max3A, %max3A_1571, %max3A_1576, %max3A_1581, %max3A_1586, %max3A_1591, %max3A_1596, %max3A_1601 : vector<16xf32>, vector<16xf32>, vector<16xf32>, vector<16xf32>, vector<16xf32>, vector<16xf32>, vector<16xf32>, vector<16xf32>
      }
      %scan3A_1500 = arith.constant 31 : i32
      %swap3A_1501 = arith.constant 7 : i32
      %swap3A_1502 = arith.index_cast %swap3A_1501 : i32 to index
      %swap3A_1503 = arith.constant 0 : index
      %swap3A_1504 = tpu.vector_load %arg8[%swap3A_1502, %swap3A_1503] {strides = array<i32>} : memref<8x128xf32, #tpu.memory_space<vmem>>, vector<1x16xf32>,
      %swap3A_1505 = vector.shape_cast %swap3A_1504 : vector<1x16xf32> to vector<16xf32>
      %swap3A_1506 = vector.shape_cast %scan3A_1499#0 : vector<16xf32> to vector<1x16xf32>
      tpu.vector_store %arg8[%swap3A_1502, %swap3A_1503], %swap3A_1506 {strides = array<i32>} : memref<8x128xf32, #tpu.memory_space<vmem>>, vector<1x16xf32>,
      %swap3A_1507 = arith.constant 7 : i32
      %swap3A_1508 = arith.index_cast %swap3A_1507 : i32 to index
      %swap3A_1509 = arith.constant 16 : index
      %swap3A_1510 = tpu.vector_load %arg8[%swap3A_1508, %swap3A_1509] {strides = array<i32>} : memref<8x128xf32, #tpu.memory_space<vmem>>, vector<1x16xf32>,
      %swap3A_1511 = vector.shape_cast %swap3A_1510 : vector<1x16xf32> to vector<16xf32>
      %swap3A_1512 = vector.shape_cast %scan3A_1499#1 : vector<16xf32> to vector<1x16xf32>
      tpu.vector_store %arg8[%swap3A_1508, %swap3A_1509], %swap3A_1512 {strides = array<i32>} : memref<8x128xf32, #tpu.memory_space<vmem>>, vector<1x16xf32>,
      %swap3A_1513 = arith.constant 7 : i32
      %swap3A_1514 = arith.index_cast %swap3A_1513 : i32 to index
      %swap3A_1515 = arith.constant 32 : index
      %swap3A_1516 = tpu.vector_load %arg8[%swap3A_1514, %swap3A_1515] {strides = array<i32>} : memref<8x128xf32, #tpu.memory_space<vmem>>, vector<1x16xf32>,
      %swap3A_1517 = vector.shape_cast %swap3A_1516 : vector<1x16xf32> to vector<16xf32>
      %swap3A_1518 = vector.shape_cast %scan3A_1499#2 : vector<16xf32> to vector<1x16xf32>
      tpu.vector_store %arg8[%swap3A_1514, %swap3A_1515], %swap3A_1518 {strides = array<i32>} : memref<8x128xf32, #tpu.memory_space<vmem>>, vector<1x16xf32>,
      %swap3A_1519 = arith.constant 7 : i32
      %swap3A_1520 = arith.index_cast %swap3A_1519 : i32 to index
      %swap3A_1521 = arith.constant 48 : index
      %swap3A_1522 = tpu.vector_load %arg8[%swap3A_1520, %swap3A_1521] {strides = array<i32>} : memref<8x128xf32, #tpu.memory_space<vmem>>, vector<1x16xf32>,
      %swap3A_1523 = vector.shape_cast %swap3A_1522 : vector<1x16xf32> to vector<16xf32>
      %swap3A_1524 = vector.shape_cast %scan3A_1499#3 : vector<16xf32> to vector<1x16xf32>
      tpu.vector_store %arg8[%swap3A_1520, %swap3A_1521], %swap3A_1524 {strides = array<i32>} : memref<8x128xf32, #tpu.memory_space<vmem>>, vector<1x16xf32>,
      %swap3A_1525 = arith.constant 7 : i32
      %swap3A_1526 = arith.index_cast %swap3A_1525 : i32 to index
      %swap3A_1527 = arith.constant 64 : index
      %swap3A_1528 = tpu.vector_load %arg8[%swap3A_1526, %swap3A_1527] {strides = array<i32>} : memref<8x128xf32, #tpu.memory_space<vmem>>, vector<1x16xf32>,
      %swap3A_1529 = vector.shape_cast %swap3A_1528 : vector<1x16xf32> to vector<16xf32>
      %swap3A_1530 = vector.shape_cast %scan3A_1499#4 : vector<16xf32> to vector<1x16xf32>
      tpu.vector_store %arg8[%swap3A_1526, %swap3A_1527], %swap3A_1530 {strides = array<i32>} : memref<8x128xf32, #tpu.memory_space<vmem>>, vector<1x16xf32>,
      %swap3A_1531 = arith.constant 7 : i32
      %swap3A_1532 = arith.index_cast %swap3A_1531 : i32 to index
      %swap3A_1533 = arith.constant 80 : index
      %swap3A_1534 = tpu.vector_load %arg8[%swap3A_1532, %swap3A_1533] {strides = array<i32>} : memref<8x128xf32, #tpu.memory_space<vmem>>, vector<1x16xf32>,
      %swap3A_1535 = vector.shape_cast %swap3A_1534 : vector<1x16xf32> to vector<16xf32>
      %swap3A_1536 = vector.shape_cast %scan3A_1499#5 : vector<16xf32> to vector<1x16xf32>
      tpu.vector_store %arg8[%swap3A_1532, %swap3A_1533], %swap3A_1536 {strides = array<i32>} : memref<8x128xf32, #tpu.memory_space<vmem>>, vector<1x16xf32>,
      %swap3A_1537 = arith.constant 7 : i32
      %swap3A_1538 = arith.index_cast %swap3A_1537 : i32 to index
      %swap3A_1539 = arith.constant 96 : index
      %swap3A_1540 = tpu.vector_load %arg8[%swap3A_1538, %swap3A_1539] {strides = array<i32>} : memref<8x128xf32, #tpu.memory_space<vmem>>, vector<1x16xf32>,
      %swap3A_1541 = vector.shape_cast %swap3A_1540 : vector<1x16xf32> to vector<16xf32>
      %swap3A_1542 = vector.shape_cast %scan3A_1499#6 : vector<16xf32> to vector<1x16xf32>
      tpu.vector_store %arg8[%swap3A_1538, %swap3A_1539], %swap3A_1542 {strides = array<i32>} : memref<8x128xf32, #tpu.memory_space<vmem>>, vector<1x16xf32>,
      %swap3A_1543 = arith.constant 7 : i32
      %swap3A_1544 = arith.index_cast %swap3A_1543 : i32 to index
      %swap3A_1545 = arith.constant 112 : index
      %swap3A_1546 = tpu.vector_load %arg8[%swap3A_1544, %swap3A_1545] {strides = array<i32>} : memref<8x128xf32, #tpu.memory_space<vmem>>, vector<1x16xf32>,
      %swap3A_1547 = vector.shape_cast %swap3A_1546 : vector<1x16xf32> to vector<16xf32>
      %swap3A_1548 = vector.shape_cast %scan3A_1499#7 : vector<16xf32> to vector<1x16xf32>
      tpu.vector_store %arg8[%swap3A_1544, %swap3A_1545], %swap3A_1548 {strides = array<i32>} : memref<8x128xf32, #tpu.memory_space<vmem>>, vector<1x16xf32>,
      %mul3A_1549 = arith.constant 8 : i32
      %mul3A_1550 = arith.muli %add3A_796, %mul3A_1549 : i32
      %add3A_1551 = arith.addi %mul3A_2, %mul3A_1550 : i32
      "tpu.region"() ({
        %run_scoped3A = tpu.sem_alloc : memref<!tpu.dma_semaphore, #tpu.memory_space<semaphore_mem>>
        %dma_start3A_1552 = arith.constant 0 : i32
        %dma_start3A_1553 = tpu.memref_slice %arg4[%add3A_1551, %dma_start3A_1552] : memref<16384x128xf32, #tpu.memory_space<hbm>> -> memref<8x128xf32, #tpu.memory_space<hbm>>
        %dma_start3A_1554 = arith.constant 0 : i32
        %dma_start3A_1555 = tpu.memref_slice %arg4[%add3A_1551, %dma_start3A_1554] : memref<16384x128xf32, #tpu.memory_space<hbm>> -> memref<8x128xf32, #tpu.memory_space<hbm>>
        tpu.enqueue_dma source(%arg8 : memref<8x128xf32, #tpu.memory_space<vmem>>) target(%dma_start3A_1555 : memref<8x128xf32, #tpu.memory_space<hbm>>) target_semaphore(%run_scoped3A : memref<!tpu.dma_semaphore, #tpu.memory_space<semaphore_mem>>)
        %dma_wait3A_1556 = arith.constant 0 : i32
        %dma_wait3A_1557 = tpu.memref_slice %arg4[%add3A_1551, %dma_wait3A_1556] : memref<16384x128xf32, #tpu.memory_space<hbm>> -> memref<8x128xf32, #tpu.memory_space<hbm>>
        %dma_wait3A_1558 = arith.constant 0 : i32
        %dma_wait3A_1559 = tpu.memref_slice %arg4[%add3A_1551, %dma_wait3A_1558] : memref<16384x128xf32, #tpu.memory_space<hbm>> -> memref<8x128xf32, #tpu.memory_space<hbm>>
        tpu.wait_dma2 semaphore(%run_scoped3A : memref<!tpu.dma_semaphore, #tpu.memory_space<semaphore_mem>>) src(%arg8 : memref<8x128xf32, #tpu.memory_space<vmem>>) dst(%dma_wait3A_1559 : memref<8x128xf32, #tpu.memory_space<hbm>>)
        tpu.yield
      }) : () -> ()
    }
    %scan3A_13 = arith.constant 32 : i32
    return
  }
}

module attributes {stable_mosaic.version = 14 : i64} {
  func.func @_epi_kernel(%arg0: i32, %arg1: i32, %arg2: memref<1x512x128xf32, #tpu.memory_space<vmem>>, %arg3: memref<1x8x512xf32, #tpu.memory_space<vmem>>, %arg4: memref<128x8xf32, #tpu.memory_space<vmem>>, %arg5: memref<128x1xf32, #tpu.memory_space<vmem>>, %arg6: memref<1x128x512xf32, #tpu.memory_space<vmem>>) attributes {dimension_semantics = [#tpu.dimension_semantics<arbitrary>, #tpu.dimension_semantics<arbitrary>], iteration_bounds = array<i64: 4, 8>, scalar_prefetch = 0 : i64, scratch_operands = 0 : i64, tpu.core_type = #tpu.core_type<tc>, window_params = [{transform_indices = @transform_0, window_bounds = array<i64: 1, 512, 128>}, {transform_indices = @transform_1, window_bounds = array<i64: 1, 8, 512>}, {pipeline_mode = #tpu.pipeline_mode<synchronous>, transform_indices = @transform_2, window_bounds = array<i64: 128, 8>}, {pipeline_mode = #tpu.pipeline_mode<synchronous>, transform_indices = @transform_3, window_bounds = array<i64: 128, 1>}, {transform_indices = @transform_4, window_bounds = array<i64: 1, 128, 512>}]} {
    %get3A = arith.constant 0 : index
    %get3A_0 = arith.constant 0 : index
    %get3A_1 = arith.constant 0 : index
    %get3A_2 = vector.load %arg2[%get3A, %get3A_0, %get3A_1] : memref<1x512x128xf32, #tpu.memory_space<vmem>>, vector<1x512x128xf32>
    %get3A_3 = vector.shape_cast %get3A_2 : vector<1x512x128xf32> to vector<512x128xf32>
    %transpose3A = tpu.transpose %get3A_3, [1, 0] : vector<512x128xf32> -> vector<128x512xf32>
    %get3A_4 = arith.constant 0 : index
    %get3A_5 = arith.constant 0 : index
    %get3A_6 = vector.load %arg4[%get3A_4, %get3A_5] : memref<128x8xf32, #tpu.memory_space<vmem>>, vector<128x8xf32>
    %get3A_7 = arith.constant 0 : index
    %get3A_8 = arith.constant 0 : index
    %get3A_9 = arith.constant 0 : index
    %get3A_10 = vector.load %arg3[%get3A_7, %get3A_8, %get3A_9] : memref<1x8x512xf32, #tpu.memory_space<vmem>>, vector<1x8x512xf32>
    %get3A_11 = vector.shape_cast %get3A_10 : vector<1x8x512xf32> to vector<8x512xf32>
    %dot_general3A = arith.constant dense<0.000000e+00> : vector<128x512xf32>
    %dot_general3A_12 = tpu.matmul %get3A_6, %get3A_11, %dot_general3A {dimension_numbers = #tpu.dot_dimension_numbers<[1], [0], [0], [1], [0, 0, 1, 1], [], []>, transpose_lhs_hint = false} : vector<128x8xf32>, vector<8x512xf32>, vector<128x512xf32> -> vector<128x512xf32>
    %sub3A = arith.subf %transpose3A, %dot_general3A_12 : vector<128x512xf32>
    %get3A_13 = arith.constant 0 : index
    %get3A_14 = arith.constant 0 : index
    %get3A_15 = vector.load %arg5[%get3A_13, %get3A_14] : memref<128x1xf32, #tpu.memory_space<vmem>>, vector<128x1xf32>
    %add3A = vector.broadcast %get3A_15 : vector<128x1xf32> to vector<128x512xf32>
    %add3A_16 = arith.addf %sub3A, %add3A : vector<128x512xf32>
    %gt3A = arith.constant 0.000000e+00 : f32
    %gt3A_17 = vector.broadcast %gt3A : f32 to vector<128x512xf32>
    %gt3A_18 = arith.cmpf ogt, %add3A_16, %gt3A_17 : vector<128x512xf32>
    %mul3A = arith.constant 1.000000e-01 : f32
    %mul3A_19 = vector.broadcast %mul3A : f32 to vector<128x512xf32>
    %mul3A_20 = arith.mulf %mul3A_19, %add3A_16 : vector<128x512xf32>
    %select_n3A = arith.select %gt3A_18, %add3A_16, %mul3A_20 : vector<128x512xi1>, vector<128x512xf32>
    %swap3A = arith.constant 0 : index
    %swap3A_21 = arith.constant 0 : index
    %swap3A_22 = arith.constant 0 : index
    %swap3A_23 = vector.load %arg6[%swap3A, %swap3A_21, %swap3A_22] : memref<1x128x512xf32, #tpu.memory_space<vmem>>, vector<1x128x512xf32>
    %swap3A_24 = vector.shape_cast %swap3A_23 : vector<1x128x512xf32> to vector<128x512xf32>
    %swap3A_25 = vector.shape_cast %select_n3A : vector<128x512xf32> to vector<1x128x512xf32>
    tpu.vector_store %arg6[%swap3A, %swap3A_21, %swap3A_22], %swap3A_25 {strides = array<i32>} : memref<1x128x512xf32, #tpu.memory_space<vmem>>, vector<1x128x512xf32>,
    return
  }
  func.func @transform_0(%arg0: i32, %arg1: i32) -> (i32, i32, i32) {
    %c0_i32 = arith.constant 0 : i32
    %c0_i32_0 = arith.constant 0 : i32
    return %arg0, %arg1, %c0_i32 : i32, i32, i32
  }
  func.func @transform_1(%arg0: i32, %arg1: i32) -> (i32, i32, i32) {
    %c0_i32 = arith.constant 0 : i32
    %c0_i32_0 = arith.constant 0 : i32
    return %arg0, %c0_i32, %arg1 : i32, i32, i32
  }
  func.func @transform_2(%arg0: i32, %arg1: i32) -> (i32, i32) {
    %c0_i32 = arith.constant 0 : i32
    %c0_i32_0 = arith.constant 0 : i32
    %c0_i32_1 = arith.constant 0 : i32
    return %c0_i32, %c0_i32_0 : i32, i32
  }
  func.func @transform_3(%arg0: i32, %arg1: i32) -> (i32, i32) {
    %c0_i32 = arith.constant 0 : i32
    %c0_i32_0 = arith.constant 0 : i32
    %c0_i32_1 = arith.constant 0 : i32
    return %c0_i32, %c0_i32_0 : i32, i32
  }
  func.func @transform_4(%arg0: i32, %arg1: i32) -> (i32, i32, i32) {
    %c0_i32 = arith.constant 0 : i32
    %c0_i32_0 = arith.constant 0 : i32
    return %arg0, %c0_i32, %arg1 : i32, i32, i32
  }
}

module attributes {stable_mosaic.version = 14 : i64} {
  func.func @_knn_kernel(%arg0: i32, %arg1: i32, %arg2: memref<1x8x4096xf32, #tpu.memory_space<vmem>>, %arg3: memref<1x61x512xf32, #tpu.memory_space<vmem>>, %arg4: memref<128x64xf32, #tpu.memory_space<vmem>>, %arg5: memref<1x512x32xi32, #tpu.memory_space<vmem>>, %arg6: memref<1x512x128xf32, #tpu.memory_space<vmem>>) attributes {dimension_semantics = [#tpu.dimension_semantics<arbitrary>, #tpu.dimension_semantics<arbitrary>], iteration_bounds = array<i64: 4, 8>, scalar_prefetch = 0 : i64, scratch_operands = 0 : i64, tpu.core_type = #tpu.core_type<tc>, window_params = [{transform_indices = @transform_0, window_bounds = array<i64: 1, 8, 4096>}, {transform_indices = @transform_1, window_bounds = array<i64: 1, 61, 512>}, {pipeline_mode = #tpu.pipeline_mode<synchronous>, transform_indices = @transform_2, window_bounds = array<i64: 128, 64>}, {transform_indices = @transform_3, window_bounds = array<i64: 1, 512, 32>}, {transform_indices = @transform_4, window_bounds = array<i64: 1, 512, 128>}]} {
    %mul3A = arith.constant 512 : i32
    %mul3A_0 = arith.muli %arg1, %mul3A : i32
    %get3A = arith.constant 0 : index
    %get3A_1 = arith.constant 0 : index
    %get3A_2 = arith.index_cast %mul3A_0 : i32 to index
    %get3A_3 = vector.load %arg2[%get3A, %get3A_1, %get3A_2] : memref<1x8x4096xf32, #tpu.memory_space<vmem>>, vector<1x8x512xf32>
    %get3A_4 = vector.shape_cast %get3A_3 : vector<1x8x512xf32> to vector<8x512xf32>
    %transpose3A = tpu.transpose %get3A_4, [1, 0] : vector<8x512xf32> -> vector<512x8xf32>
    %slice3A = vector.extract_strided_slice %get3A_4 {offsets = [0, 0], sizes = [3, 512], strides = [1, 1]} : vector<8x512xf32> to vector<3x512xf32>
    %get3A_5 = arith.constant 0 : index
    %get3A_6 = arith.constant 0 : index
    %get3A_7 = arith.constant 0 : index
    %get3A_8 = vector.load %arg3[%get3A_5, %get3A_6, %get3A_7] : memref<1x61x512xf32, #tpu.memory_space<vmem>>, vector<1x61x512xf32>
    %get3A_9 = vector.shape_cast %get3A_8 : vector<1x61x512xf32> to vector<61x512xf32>
    %concatenate3A = tpu.concatenate %slice3A, %get3A_9 in 0 : vector<3x512xf32>, vector<61x512xf32> -> vector<64x512xf32>
    %get3A_10 = arith.constant 0 : index
    %get3A_11 = arith.constant 0 : index
    %get3A_12 = vector.load %arg4[%get3A_10, %get3A_11] : memref<128x64xf32, #tpu.memory_space<vmem>>, vector<128x64xf32>
    %dot_general3A = arith.constant dense<0.000000e+00> : vector<128x512xf32>
    %dot_general3A_13 = tpu.matmul %get3A_12, %concatenate3A, %dot_general3A {dimension_numbers = #tpu.dot_dimension_numbers<[1], [0], [0], [1], [0, 0, 1, 1], [], []>, transpose_lhs_hint = false} : vector<128x64xf32>, vector<64x512xf32>, vector<128x512xf32> -> vector<128x512xf32>
    %transpose3A_14 = tpu.transpose %dot_general3A_13, [1, 0] : vector<128x512xf32> -> vector<512x128xf32>
    %swap3A = arith.constant 0 : index
    %swap3A_15 = arith.constant 0 : index
    %swap3A_16 = arith.constant 0 : index
    %swap3A_17 = vector.load %arg6[%swap3A, %swap3A_15, %swap3A_16] : memref<1x512x128xf32, #tpu.memory_space<vmem>>, vector<1x512x128xf32>
    %swap3A_18 = vector.shape_cast %swap3A_17 : vector<1x512x128xf32> to vector<512x128xf32>
    %swap3A_19 = vector.shape_cast %transpose3A_14 : vector<512x128xf32> to vector<1x512x128xf32>
    tpu.vector_store %arg6[%swap3A, %swap3A_15, %swap3A_16], %swap3A_19 {strides = array<i32>} : memref<1x512x128xf32, #tpu.memory_space<vmem>>, vector<1x512x128xf32>,
    %mul3A_20 = arith.mulf %transpose3A, %transpose3A : vector<512x8xf32>
    %reduce_sum3A = arith.constant dense<0.000000e+00> : vector<512xf32>
    %reduce_sum3A_21 = vector.multi_reduction <add>, %mul3A_20, %reduce_sum3A [1] : vector<512x8xf32> to vector<512xf32>
    %broadcast_in_dim3A = vector.shape_cast %reduce_sum3A_21 : vector<512xf32> to vector<512x1xf32>
    %get3A_22 = arith.constant 0 : index
    %get3A_23 = arith.constant 0 : index
    %get3A_24 = arith.constant 0 : index
    %get3A_25 = vector.load %arg2[%get3A_22, %get3A_23, %get3A_24] : memref<1x8x4096xf32, #tpu.memory_space<vmem>>, vector<1x8x512xf32>
    %get3A_26 = vector.shape_cast %get3A_25 : vector<1x8x512xf32> to vector<8x512xf32>
    %mul3A_27 = arith.mulf %get3A_26, %get3A_26 : vector<8x512xf32>
    %reduce_sum3A_28 = arith.constant dense<0.000000e+00> : vector<512xf32>
    %reduce_sum3A_29 = vector.multi_reduction <add>, %mul3A_27, %reduce_sum3A_28 [0] : vector<8x512xf32> to vector<512xf32>
    %broadcast_in_dim3A_30 = vector.shape_cast %reduce_sum3A_29 : vector<512xf32> to vector<1x512xf32>
    %add3A = vector.broadcast %broadcast_in_dim3A : vector<512x1xf32> to vector<512x512xf32>
    %add3A_31 = vector.broadcast %broadcast_in_dim3A_30 : vector<1x512xf32> to vector<512x512xf32>
    %add3A_32 = arith.addf %add3A, %add3A_31 : vector<512x512xf32>
    %dot_general3A_33 = arith.constant dense<0.000000e+00> : vector<512x512xf32>
    %dot_general3A_34 = tpu.matmul %transpose3A, %get3A_26, %dot_general3A_33 {dimension_numbers = #tpu.dot_dimension_numbers<[1], [0], [0], [1], [0, 0, 1, 1], [], []>, transpose_lhs_hint = false} : vector<512x8xf32>, vector<8x512xf32>, vector<512x512xf32> -> vector<512x512xf32>
    %mul3A_35 = arith.constant 2.000000e+00 : f32
    %mul3A_36 = vector.broadcast %mul3A_35 : f32 to vector<512x512xf32>
    %mul3A_37 = arith.mulf %mul3A_36, %dot_general3A_34 : vector<512x512xf32>
    %sub3A = arith.subf %add3A_32, %mul3A_37 : vector<512x512xf32>
    %max3A = arith.constant 0.000000e+00 : f32
    %max3A_38 = vector.broadcast %max3A : f32 to vector<512x512xf32>
    %max3A_39 = arith.maximumf %sub3A, %max3A_38 : vector<512x512xf32>
    %iota3A = tpu.iota {dimensions = array<i32: 1>} : vector<512x512xi32>
    %add3A_40 = arith.constant 0 : i32
    %add3A_41 = vector.broadcast %add3A_40 : i32 to vector<512x512xi32>
    %add3A_42 = arith.addi %iota3A, %add3A_41 : vector<512x512xi32>
    %bitcast_convert_type3A = tpu.bitcast %max3A_39 : vector<512x512xf32> -> vector<512x512xi32>
    %and3A = arith.constant -4096 : i32
    %and3A_43 = vector.broadcast %and3A : i32 to vector<512x512xi32>
    %and3A_44 = arith.andi %bitcast_convert_type3A, %and3A_43 : vector<512x512xi32>
    %or3A = arith.ori %and3A_44, %add3A_42 : vector<512x512xi32>
    %add3A_45 = arith.constant 268435456 : i32
    %add3A_46 = vector.broadcast %add3A_45 : i32 to vector<512x512xi32>
    %add3A_47 = arith.addi %or3A, %add3A_46 : vector<512x512xi32>
    %bitcast_convert_type3A_48 = tpu.bitcast %add3A_47 : vector<512x512xi32> -> vector<512x512xf32>
    %get3A_49 = arith.constant 0 : index
    %get3A_50 = arith.constant 0 : index
    %get3A_51 = arith.constant 512 : index
    %get3A_52 = vector.load %arg2[%get3A_49, %get3A_50, %get3A_51] : memref<1x8x4096xf32, #tpu.memory_space<vmem>>, vector<1x8x512xf32>
    %get3A_53 = vector.shape_cast %get3A_52 : vector<1x8x512xf32> to vector<8x512xf32>
    %mul3A_54 = arith.mulf %get3A_53, %get3A_53 : vector<8x512xf32>
    %reduce_sum3A_55 = arith.constant dense<0.000000e+00> : vector<512xf32>
    %reduce_sum3A_56 = vector.multi_reduction <add>, %mul3A_54, %reduce_sum3A_55 [0] : vector<8x512xf32> to vector<512xf32>
    %broadcast_in_dim3A_57 = vector.shape_cast %reduce_sum3A_56 : vector<512xf32> to vector<1x512xf32>
    %add3A_58 = vector.broadcast %broadcast_in_dim3A : vector<512x1xf32> to vector<512x512xf32>
    %add3A_59 = vector.broadcast %broadcast_in_dim3A_57 : vector<1x512xf32> to vector<512x512xf32>
    %add3A_60 = arith.addf %add3A_58, %add3A_59 : vector<512x512xf32>
    %dot_general3A_61 = arith.constant dense<0.000000e+00> : vector<512x512xf32>
    %dot_general3A_62 = tpu.matmul %transpose3A, %get3A_53, %dot_general3A_61 {dimension_numbers = #tpu.dot_dimension_numbers<[1], [0], [0], [1], [0, 0, 1, 1], [], []>, transpose_lhs_hint = false} : vector<512x8xf32>, vector<8x512xf32>, vector<512x512xf32> -> vector<512x512xf32>
    %mul3A_63 = arith.constant 2.000000e+00 : f32
    %mul3A_64 = vector.broadcast %mul3A_63 : f32 to vector<512x512xf32>
    %mul3A_65 = arith.mulf %mul3A_64, %dot_general3A_62 : vector<512x512xf32>
    %sub3A_66 = arith.subf %add3A_60, %mul3A_65 : vector<512x512xf32>
    %max3A_67 = arith.constant 0.000000e+00 : f32
    %max3A_68 = vector.broadcast %max3A_67 : f32 to vector<512x512xf32>
    %max3A_69 = arith.maximumf %sub3A_66, %max3A_68 : vector<512x512xf32>
    %iota3A_70 = tpu.iota {dimensions = array<i32: 1>} : vector<512x512xi32>
    %add3A_71 = arith.constant 512 : i32
    %add3A_72 = vector.broadcast %add3A_71 : i32 to vector<512x512xi32>
    %add3A_73 = arith.addi %iota3A_70, %add3A_72 : vector<512x512xi32>
    %bitcast_convert_type3A_74 = tpu.bitcast %max3A_69 : vector<512x512xf32> -> vector<512x512xi32>
    %and3A_75 = arith.constant -4096 : i32
    %and3A_76 = vector.broadcast %and3A_75 : i32 to vector<512x512xi32>
    %and3A_77 = arith.andi %bitcast_convert_type3A_74, %and3A_76 : vector<512x512xi32>
    %or3A_78 = arith.ori %and3A_77, %add3A_73 : vector<512x512xi32>
    %add3A_79 = arith.constant 268435456 : i32
    %add3A_80 = vector.broadcast %add3A_79 : i32 to vector<512x512xi32>
    %add3A_81 = arith.addi %or3A_78, %add3A_80 : vector<512x512xi32>
    %bitcast_convert_type3A_82 = tpu.bitcast %add3A_81 : vector<512x512xi32> -> vector<512x512xf32>
    %get3A_83 = arith.constant 0 : index
    %get3A_84 = arith.constant 0 : index
    %get3A_85 = arith.constant 1024 : index
    %get3A_86 = vector.load %arg2[%get3A_83, %get3A_84, %get3A_85] : memref<1x8x4096xf32, #tpu.memory_space<vmem>>, vector<1x8x512xf32>
    %get3A_87 = vector.shape_cast %get3A_86 : vector<1x8x512xf32> to vector<8x512xf32>
    %mul3A_88 = arith.mulf %get3A_87, %get3A_87 : vector<8x512xf32>
    %reduce_sum3A_89 = arith.constant dense<0.000000e+00> : vector<512xf32>
    %reduce_sum3A_90 = vector.multi_reduction <add>, %mul3A_88, %reduce_sum3A_89 [0] : vector<8x512xf32> to vector<512xf32>
    %broadcast_in_dim3A_91 = vector.shape_cast %reduce_sum3A_90 : vector<512xf32> to vector<1x512xf32>
    %add3A_92 = vector.broadcast %broadcast_in_dim3A : vector<512x1xf32> to vector<512x512xf32>
    %add3A_93 = vector.broadcast %broadcast_in_dim3A_91 : vector<1x512xf32> to vector<512x512xf32>
    %add3A_94 = arith.addf %add3A_92, %add3A_93 : vector<512x512xf32>
    %dot_general3A_95 = arith.constant dense<0.000000e+00> : vector<512x512xf32>
    %dot_general3A_96 = tpu.matmul %transpose3A, %get3A_87, %dot_general3A_95 {dimension_numbers = #tpu.dot_dimension_numbers<[1], [0], [0], [1], [0, 0, 1, 1], [], []>, transpose_lhs_hint = false} : vector<512x8xf32>, vector<8x512xf32>, vector<512x512xf32> -> vector<512x512xf32>
    %mul3A_97 = arith.constant 2.000000e+00 : f32
    %mul3A_98 = vector.broadcast %mul3A_97 : f32 to vector<512x512xf32>
    %mul3A_99 = arith.mulf %mul3A_98, %dot_general3A_96 : vector<512x512xf32>
    %sub3A_100 = arith.subf %add3A_94, %mul3A_99 : vector<512x512xf32>
    %max3A_101 = arith.constant 0.000000e+00 : f32
    %max3A_102 = vector.broadcast %max3A_101 : f32 to vector<512x512xf32>
    %max3A_103 = arith.maximumf %sub3A_100, %max3A_102 : vector<512x512xf32>
    %iota3A_104 = tpu.iota {dimensions = array<i32: 1>} : vector<512x512xi32>
    %add3A_105 = arith.constant 1024 : i32
    %add3A_106 = vector.broadcast %add3A_105 : i32 to vector<512x512xi32>
    %add3A_107 = arith.addi %iota3A_104, %add3A_106 : vector<512x512xi32>
    %bitcast_convert_type3A_108 = tpu.bitcast %max3A_103 : vector<512x512xf32> -> vector<512x512xi32>
    %and3A_109 = arith.constant -4096 : i32
    %and3A_110 = vector.broadcast %and3A_109 : i32 to vector<512x512xi32>
    %and3A_111 = arith.andi %bitcast_convert_type3A_108, %and3A_110 : vector<512x512xi32>
    %or3A_112 = arith.ori %and3A_111, %add3A_107 : vector<512x512xi32>
    %add3A_113 = arith.constant 268435456 : i32
    %add3A_114 = vector.broadcast %add3A_113 : i32 to vector<512x512xi32>
    %add3A_115 = arith.addi %or3A_112, %add3A_114 : vector<512x512xi32>
    %bitcast_convert_type3A_116 = tpu.bitcast %add3A_115 : vector<512x512xi32> -> vector<512x512xf32>
    %get3A_117 = arith.constant 0 : index
    %get3A_118 = arith.constant 0 : index
    %get3A_119 = arith.constant 1536 : index
    %get3A_120 = vector.load %arg2[%get3A_117, %get3A_118, %get3A_119] : memref<1x8x4096xf32, #tpu.memory_space<vmem>>, vector<1x8x512xf32>
    %get3A_121 = vector.shape_cast %get3A_120 : vector<1x8x512xf32> to vector<8x512xf32>
    %mul3A_122 = arith.mulf %get3A_121, %get3A_121 : vector<8x512xf32>
    %reduce_sum3A_123 = arith.constant dense<0.000000e+00> : vector<512xf32>
    %reduce_sum3A_124 = vector.multi_reduction <add>, %mul3A_122, %reduce_sum3A_123 [0] : vector<8x512xf32> to vector<512xf32>
    %broadcast_in_dim3A_125 = vector.shape_cast %reduce_sum3A_124 : vector<512xf32> to vector<1x512xf32>
    %add3A_126 = vector.broadcast %broadcast_in_dim3A : vector<512x1xf32> to vector<512x512xf32>
    %add3A_127 = vector.broadcast %broadcast_in_dim3A_125 : vector<1x512xf32> to vector<512x512xf32>
    %add3A_128 = arith.addf %add3A_126, %add3A_127 : vector<512x512xf32>
    %dot_general3A_129 = arith.constant dense<0.000000e+00> : vector<512x512xf32>
    %dot_general3A_130 = tpu.matmul %transpose3A, %get3A_121, %dot_general3A_129 {dimension_numbers = #tpu.dot_dimension_numbers<[1], [0], [0], [1], [0, 0, 1, 1], [], []>, transpose_lhs_hint = false} : vector<512x8xf32>, vector<8x512xf32>, vector<512x512xf32> -> vector<512x512xf32>
    %mul3A_131 = arith.constant 2.000000e+00 : f32
    %mul3A_132 = vector.broadcast %mul3A_131 : f32 to vector<512x512xf32>
    %mul3A_133 = arith.mulf %mul3A_132, %dot_general3A_130 : vector<512x512xf32>
    %sub3A_134 = arith.subf %add3A_128, %mul3A_133 : vector<512x512xf32>
    %max3A_135 = arith.constant 0.000000e+00 : f32
    %max3A_136 = vector.broadcast %max3A_135 : f32 to vector<512x512xf32>
    %max3A_137 = arith.maximumf %sub3A_134, %max3A_136 : vector<512x512xf32>
    %iota3A_138 = tpu.iota {dimensions = array<i32: 1>} : vector<512x512xi32>
    %add3A_139 = arith.constant 1536 : i32
    %add3A_140 = vector.broadcast %add3A_139 : i32 to vector<512x512xi32>
    %add3A_141 = arith.addi %iota3A_138, %add3A_140 : vector<512x512xi32>
    %bitcast_convert_type3A_142 = tpu.bitcast %max3A_137 : vector<512x512xf32> -> vector<512x512xi32>
    %and3A_143 = arith.constant -4096 : i32
    %and3A_144 = vector.broadcast %and3A_143 : i32 to vector<512x512xi32>
    %and3A_145 = arith.andi %bitcast_convert_type3A_142, %and3A_144 : vector<512x512xi32>
    %or3A_146 = arith.ori %and3A_145, %add3A_141 : vector<512x512xi32>
    %add3A_147 = arith.constant 268435456 : i32
    %add3A_148 = vector.broadcast %add3A_147 : i32 to vector<512x512xi32>
    %add3A_149 = arith.addi %or3A_146, %add3A_148 : vector<512x512xi32>
    %bitcast_convert_type3A_150 = tpu.bitcast %add3A_149 : vector<512x512xi32> -> vector<512x512xf32>
    %get3A_151 = arith.constant 0 : index
    %get3A_152 = arith.constant 0 : index
    %get3A_153 = arith.constant 2048 : index
    %get3A_154 = vector.load %arg2[%get3A_151, %get3A_152, %get3A_153] : memref<1x8x4096xf32, #tpu.memory_space<vmem>>, vector<1x8x512xf32>
    %get3A_155 = vector.shape_cast %get3A_154 : vector<1x8x512xf32> to vector<8x512xf32>
    %mul3A_156 = arith.mulf %get3A_155, %get3A_155 : vector<8x512xf32>
    %reduce_sum3A_157 = arith.constant dense<0.000000e+00> : vector<512xf32>
    %reduce_sum3A_158 = vector.multi_reduction <add>, %mul3A_156, %reduce_sum3A_157 [0] : vector<8x512xf32> to vector<512xf32>
    %broadcast_in_dim3A_159 = vector.shape_cast %reduce_sum3A_158 : vector<512xf32> to vector<1x512xf32>
    %add3A_160 = vector.broadcast %broadcast_in_dim3A : vector<512x1xf32> to vector<512x512xf32>
    %add3A_161 = vector.broadcast %broadcast_in_dim3A_159 : vector<1x512xf32> to vector<512x512xf32>
    %add3A_162 = arith.addf %add3A_160, %add3A_161 : vector<512x512xf32>
    %dot_general3A_163 = arith.constant dense<0.000000e+00> : vector<512x512xf32>
    %dot_general3A_164 = tpu.matmul %transpose3A, %get3A_155, %dot_general3A_163 {dimension_numbers = #tpu.dot_dimension_numbers<[1], [0], [0], [1], [0, 0, 1, 1], [], []>, transpose_lhs_hint = false} : vector<512x8xf32>, vector<8x512xf32>, vector<512x512xf32> -> vector<512x512xf32>
    %mul3A_165 = arith.constant 2.000000e+00 : f32
    %mul3A_166 = vector.broadcast %mul3A_165 : f32 to vector<512x512xf32>
    %mul3A_167 = arith.mulf %mul3A_166, %dot_general3A_164 : vector<512x512xf32>
    %sub3A_168 = arith.subf %add3A_162, %mul3A_167 : vector<512x512xf32>
    %max3A_169 = arith.constant 0.000000e+00 : f32
    %max3A_170 = vector.broadcast %max3A_169 : f32 to vector<512x512xf32>
    %max3A_171 = arith.maximumf %sub3A_168, %max3A_170 : vector<512x512xf32>
    %iota3A_172 = tpu.iota {dimensions = array<i32: 1>} : vector<512x512xi32>
    %add3A_173 = arith.constant 2048 : i32
    %add3A_174 = vector.broadcast %add3A_173 : i32 to vector<512x512xi32>
    %add3A_175 = arith.addi %iota3A_172, %add3A_174 : vector<512x512xi32>
    %bitcast_convert_type3A_176 = tpu.bitcast %max3A_171 : vector<512x512xf32> -> vector<512x512xi32>
    %and3A_177 = arith.constant -4096 : i32
    %and3A_178 = vector.broadcast %and3A_177 : i32 to vector<512x512xi32>
    %and3A_179 = arith.andi %bitcast_convert_type3A_176, %and3A_178 : vector<512x512xi32>
    %or3A_180 = arith.ori %and3A_179, %add3A_175 : vector<512x512xi32>
    %add3A_181 = arith.constant 268435456 : i32
    %add3A_182 = vector.broadcast %add3A_181 : i32 to vector<512x512xi32>
    %add3A_183 = arith.addi %or3A_180, %add3A_182 : vector<512x512xi32>
    %bitcast_convert_type3A_184 = tpu.bitcast %add3A_183 : vector<512x512xi32> -> vector<512x512xf32>
    %get3A_185 = arith.constant 0 : index
    %get3A_186 = arith.constant 0 : index
    %get3A_187 = arith.constant 2560 : index
    %get3A_188 = vector.load %arg2[%get3A_185, %get3A_186, %get3A_187] : memref<1x8x4096xf32, #tpu.memory_space<vmem>>, vector<1x8x512xf32>
    %get3A_189 = vector.shape_cast %get3A_188 : vector<1x8x512xf32> to vector<8x512xf32>
    %mul3A_190 = arith.mulf %get3A_189, %get3A_189 : vector<8x512xf32>
    %reduce_sum3A_191 = arith.constant dense<0.000000e+00> : vector<512xf32>
    %reduce_sum3A_192 = vector.multi_reduction <add>, %mul3A_190, %reduce_sum3A_191 [0] : vector<8x512xf32> to vector<512xf32>
    %broadcast_in_dim3A_193 = vector.shape_cast %reduce_sum3A_192 : vector<512xf32> to vector<1x512xf32>
    %add3A_194 = vector.broadcast %broadcast_in_dim3A : vector<512x1xf32> to vector<512x512xf32>
    %add3A_195 = vector.broadcast %broadcast_in_dim3A_193 : vector<1x512xf32> to vector<512x512xf32>
    %add3A_196 = arith.addf %add3A_194, %add3A_195 : vector<512x512xf32>
    %dot_general3A_197 = arith.constant dense<0.000000e+00> : vector<512x512xf32>
    %dot_general3A_198 = tpu.matmul %transpose3A, %get3A_189, %dot_general3A_197 {dimension_numbers = #tpu.dot_dimension_numbers<[1], [0], [0], [1], [0, 0, 1, 1], [], []>, transpose_lhs_hint = false} : vector<512x8xf32>, vector<8x512xf32>, vector<512x512xf32> -> vector<512x512xf32>
    %mul3A_199 = arith.constant 2.000000e+00 : f32
    %mul3A_200 = vector.broadcast %mul3A_199 : f32 to vector<512x512xf32>
    %mul3A_201 = arith.mulf %mul3A_200, %dot_general3A_198 : vector<512x512xf32>
    %sub3A_202 = arith.subf %add3A_196, %mul3A_201 : vector<512x512xf32>
    %max3A_203 = arith.constant 0.000000e+00 : f32
    %max3A_204 = vector.broadcast %max3A_203 : f32 to vector<512x512xf32>
    %max3A_205 = arith.maximumf %sub3A_202, %max3A_204 : vector<512x512xf32>
    %iota3A_206 = tpu.iota {dimensions = array<i32: 1>} : vector<512x512xi32>
    %add3A_207 = arith.constant 2560 : i32
    %add3A_208 = vector.broadcast %add3A_207 : i32 to vector<512x512xi32>
    %add3A_209 = arith.addi %iota3A_206, %add3A_208 : vector<512x512xi32>
    %bitcast_convert_type3A_210 = tpu.bitcast %max3A_205 : vector<512x512xf32> -> vector<512x512xi32>
    %and3A_211 = arith.constant -4096 : i32
    %and3A_212 = vector.broadcast %and3A_211 : i32 to vector<512x512xi32>
    %and3A_213 = arith.andi %bitcast_convert_type3A_210, %and3A_212 : vector<512x512xi32>
    %or3A_214 = arith.ori %and3A_213, %add3A_209 : vector<512x512xi32>
    %add3A_215 = arith.constant 268435456 : i32
    %add3A_216 = vector.broadcast %add3A_215 : i32 to vector<512x512xi32>
    %add3A_217 = arith.addi %or3A_214, %add3A_216 : vector<512x512xi32>
    %bitcast_convert_type3A_218 = tpu.bitcast %add3A_217 : vector<512x512xi32> -> vector<512x512xf32>
    %get3A_219 = arith.constant 0 : index
    %get3A_220 = arith.constant 0 : index
    %get3A_221 = arith.constant 3072 : index
    %get3A_222 = vector.load %arg2[%get3A_219, %get3A_220, %get3A_221] : memref<1x8x4096xf32, #tpu.memory_space<vmem>>, vector<1x8x512xf32>
    %get3A_223 = vector.shape_cast %get3A_222 : vector<1x8x512xf32> to vector<8x512xf32>
    %mul3A_224 = arith.mulf %get3A_223, %get3A_223 : vector<8x512xf32>
    %reduce_sum3A_225 = arith.constant dense<0.000000e+00> : vector<512xf32>
    %reduce_sum3A_226 = vector.multi_reduction <add>, %mul3A_224, %reduce_sum3A_225 [0] : vector<8x512xf32> to vector<512xf32>
    %broadcast_in_dim3A_227 = vector.shape_cast %reduce_sum3A_226 : vector<512xf32> to vector<1x512xf32>
    %add3A_228 = vector.broadcast %broadcast_in_dim3A : vector<512x1xf32> to vector<512x512xf32>
    %add3A_229 = vector.broadcast %broadcast_in_dim3A_227 : vector<1x512xf32> to vector<512x512xf32>
    %add3A_230 = arith.addf %add3A_228, %add3A_229 : vector<512x512xf32>
    %dot_general3A_231 = arith.constant dense<0.000000e+00> : vector<512x512xf32>
    %dot_general3A_232 = tpu.matmul %transpose3A, %get3A_223, %dot_general3A_231 {dimension_numbers = #tpu.dot_dimension_numbers<[1], [0], [0], [1], [0, 0, 1, 1], [], []>, transpose_lhs_hint = false} : vector<512x8xf32>, vector<8x512xf32>, vector<512x512xf32> -> vector<512x512xf32>
    %mul3A_233 = arith.constant 2.000000e+00 : f32
    %mul3A_234 = vector.broadcast %mul3A_233 : f32 to vector<512x512xf32>
    %mul3A_235 = arith.mulf %mul3A_234, %dot_general3A_232 : vector<512x512xf32>
    %sub3A_236 = arith.subf %add3A_230, %mul3A_235 : vector<512x512xf32>
    %max3A_237 = arith.constant 0.000000e+00 : f32
    %max3A_238 = vector.broadcast %max3A_237 : f32 to vector<512x512xf32>
    %max3A_239 = arith.maximumf %sub3A_236, %max3A_238 : vector<512x512xf32>
    %iota3A_240 = tpu.iota {dimensions = array<i32: 1>} : vector<512x512xi32>
    %add3A_241 = arith.constant 3072 : i32
    %add3A_242 = vector.broadcast %add3A_241 : i32 to vector<512x512xi32>
    %add3A_243 = arith.addi %iota3A_240, %add3A_242 : vector<512x512xi32>
    %bitcast_convert_type3A_244 = tpu.bitcast %max3A_239 : vector<512x512xf32> -> vector<512x512xi32>
    %and3A_245 = arith.constant -4096 : i32
    %and3A_246 = vector.broadcast %and3A_245 : i32 to vector<512x512xi32>
    %and3A_247 = arith.andi %bitcast_convert_type3A_244, %and3A_246 : vector<512x512xi32>
    %or3A_248 = arith.ori %and3A_247, %add3A_243 : vector<512x512xi32>
    %add3A_249 = arith.constant 268435456 : i32
    %add3A_250 = vector.broadcast %add3A_249 : i32 to vector<512x512xi32>
    %add3A_251 = arith.addi %or3A_248, %add3A_250 : vector<512x512xi32>
    %bitcast_convert_type3A_252 = tpu.bitcast %add3A_251 : vector<512x512xi32> -> vector<512x512xf32>
    %get3A_253 = arith.constant 0 : index
    %get3A_254 = arith.constant 0 : index
    %get3A_255 = arith.constant 3584 : index
    %get3A_256 = vector.load %arg2[%get3A_253, %get3A_254, %get3A_255] : memref<1x8x4096xf32, #tpu.memory_space<vmem>>, vector<1x8x512xf32>
    %get3A_257 = vector.shape_cast %get3A_256 : vector<1x8x512xf32> to vector<8x512xf32>
    %mul3A_258 = arith.mulf %get3A_257, %get3A_257 : vector<8x512xf32>
    %reduce_sum3A_259 = arith.constant dense<0.000000e+00> : vector<512xf32>
    %reduce_sum3A_260 = vector.multi_reduction <add>, %mul3A_258, %reduce_sum3A_259 [0] : vector<8x512xf32> to vector<512xf32>
    %broadcast_in_dim3A_261 = vector.shape_cast %reduce_sum3A_260 : vector<512xf32> to vector<1x512xf32>
    %add3A_262 = vector.broadcast %broadcast_in_dim3A : vector<512x1xf32> to vector<512x512xf32>
    %add3A_263 = vector.broadcast %broadcast_in_dim3A_261 : vector<1x512xf32> to vector<512x512xf32>
    %add3A_264 = arith.addf %add3A_262, %add3A_263 : vector<512x512xf32>
    %dot_general3A_265 = arith.constant dense<0.000000e+00> : vector<512x512xf32>
    %dot_general3A_266 = tpu.matmul %transpose3A, %get3A_257, %dot_general3A_265 {dimension_numbers = #tpu.dot_dimension_numbers<[1], [0], [0], [1], [0, 0, 1, 1], [], []>, transpose_lhs_hint = false} : vector<512x8xf32>, vector<8x512xf32>, vector<512x512xf32> -> vector<512x512xf32>
    %mul3A_267 = arith.constant 2.000000e+00 : f32
    %mul3A_268 = vector.broadcast %mul3A_267 : f32 to vector<512x512xf32>
    %mul3A_269 = arith.mulf %mul3A_268, %dot_general3A_266 : vector<512x512xf32>
    %sub3A_270 = arith.subf %add3A_264, %mul3A_269 : vector<512x512xf32>
    %max3A_271 = arith.constant 0.000000e+00 : f32
    %max3A_272 = vector.broadcast %max3A_271 : f32 to vector<512x512xf32>
    %max3A_273 = arith.maximumf %sub3A_270, %max3A_272 : vector<512x512xf32>
    %iota3A_274 = tpu.iota {dimensions = array<i32: 1>} : vector<512x512xi32>
    %add3A_275 = arith.constant 3584 : i32
    %add3A_276 = vector.broadcast %add3A_275 : i32 to vector<512x512xi32>
    %add3A_277 = arith.addi %iota3A_274, %add3A_276 : vector<512x512xi32>
    %bitcast_convert_type3A_278 = tpu.bitcast %max3A_273 : vector<512x512xf32> -> vector<512x512xi32>
    %and3A_279 = arith.constant -4096 : i32
    %and3A_280 = vector.broadcast %and3A_279 : i32 to vector<512x512xi32>
    %and3A_281 = arith.andi %bitcast_convert_type3A_278, %and3A_280 : vector<512x512xi32>
    %or3A_282 = arith.ori %and3A_281, %add3A_277 : vector<512x512xi32>
    %add3A_283 = arith.constant 268435456 : i32
    %add3A_284 = vector.broadcast %add3A_283 : i32 to vector<512x512xi32>
    %add3A_285 = arith.addi %or3A_282, %add3A_284 : vector<512x512xi32>
    %bitcast_convert_type3A_286 = tpu.bitcast %add3A_285 : vector<512x512xi32> -> vector<512x512xf32>
    %min3A = arith.minimumf %bitcast_convert_type3A_48, %bitcast_convert_type3A_82 : vector<512x512xf32>
    %max3A_287 = arith.maximumf %bitcast_convert_type3A_48, %bitcast_convert_type3A_82 : vector<512x512xf32>
    %min3A_288 = arith.minimumf %bitcast_convert_type3A_116, %bitcast_convert_type3A_150 : vector<512x512xf32>
    %max3A_289 = arith.maximumf %bitcast_convert_type3A_116, %bitcast_convert_type3A_150 : vector<512x512xf32>
    %min3A_290 = arith.minimumf %bitcast_convert_type3A_184, %bitcast_convert_type3A_218 : vector<512x512xf32>
    %max3A_291 = arith.maximumf %bitcast_convert_type3A_184, %bitcast_convert_type3A_218 : vector<512x512xf32>
    %min3A_292 = arith.minimumf %bitcast_convert_type3A_252, %bitcast_convert_type3A_286 : vector<512x512xf32>
    %max3A_293 = arith.maximumf %bitcast_convert_type3A_252, %bitcast_convert_type3A_286 : vector<512x512xf32>
    %min3A_294 = arith.minimumf %min3A, %min3A_288 : vector<512x512xf32>
    %max3A_295 = arith.maximumf %min3A, %min3A_288 : vector<512x512xf32>
    %min3A_296 = arith.minimumf %max3A_287, %max3A_289 : vector<512x512xf32>
    %min3A_297 = arith.minimumf %max3A_295, %min3A_296 : vector<512x512xf32>
    %max3A_298 = arith.maximumf %max3A_295, %min3A_296 : vector<512x512xf32>
    %min3A_299 = arith.minimumf %min3A_290, %min3A_292 : vector<512x512xf32>
    %max3A_300 = arith.maximumf %min3A_290, %min3A_292 : vector<512x512xf32>
    %min3A_301 = arith.minimumf %max3A_291, %max3A_293 : vector<512x512xf32>
    %min3A_302 = arith.minimumf %max3A_300, %min3A_301 : vector<512x512xf32>
    %max3A_303 = arith.maximumf %max3A_300, %min3A_301 : vector<512x512xf32>
    %min3A_304 = arith.minimumf %min3A_294, %min3A_299 : vector<512x512xf32>
    %max3A_305 = arith.maximumf %min3A_294, %min3A_299 : vector<512x512xf32>
    %min3A_306 = arith.minimumf %min3A_297, %min3A_302 : vector<512x512xf32>
    %min3A_307 = arith.minimumf %max3A_305, %min3A_306 : vector<512x512xf32>
    %max3A_308 = arith.maximumf %max3A_305, %min3A_306 : vector<512x512xf32>
    %max3A_309 = arith.maximumf %min3A_297, %min3A_302 : vector<512x512xf32>
    %min3A_310 = arith.minimumf %max3A_298, %max3A_303 : vector<512x512xf32>
    %min3A_311 = arith.minimumf %max3A_309, %min3A_310 : vector<512x512xf32>
    %min3A_312 = arith.minimumf %max3A_308, %min3A_311 : vector<512x512xf32>
    %concatenate3A_313 = tpu.concatenate %min3A_304, %min3A_307, %min3A_312 in 1 : vector<512x512xf32>, vector<512x512xf32>, vector<512x512xf32> -> vector<512x1536xf32>
    %slice3A_314 = vector.extract_strided_slice %concatenate3A_313 {offsets = [0, 0], sizes = [512, 256], strides = [1, 1]} : vector<512x1536xf32> to vector<512x256xf32>
    %slice3A_315 = vector.extract_strided_slice %concatenate3A_313 {offsets = [0, 256], sizes = [512, 256], strides = [1, 1]} : vector<512x1536xf32> to vector<512x256xf32>
    %slice3A_316 = vector.extract_strided_slice %concatenate3A_313 {offsets = [0, 512], sizes = [512, 256], strides = [1, 1]} : vector<512x1536xf32> to vector<512x256xf32>
    %slice3A_317 = vector.extract_strided_slice %concatenate3A_313 {offsets = [0, 768], sizes = [512, 256], strides = [1, 1]} : vector<512x1536xf32> to vector<512x256xf32>
    %slice3A_318 = vector.extract_strided_slice %concatenate3A_313 {offsets = [0, 1024], sizes = [512, 256], strides = [1, 1]} : vector<512x1536xf32> to vector<512x256xf32>
    %slice3A_319 = vector.extract_strided_slice %concatenate3A_313 {offsets = [0, 1280], sizes = [512, 256], strides = [1, 1]} : vector<512x1536xf32> to vector<512x256xf32>
    %min3A_320 = arith.minimumf %slice3A_314, %slice3A_315 : vector<512x256xf32>
    %max3A_321 = arith.maximumf %slice3A_314, %slice3A_315 : vector<512x256xf32>
    %min3A_322 = arith.minimumf %slice3A_316, %slice3A_317 : vector<512x256xf32>
    %max3A_323 = arith.maximumf %slice3A_316, %slice3A_317 : vector<512x256xf32>
    %min3A_324 = arith.minimumf %slice3A_318, %slice3A_319 : vector<512x256xf32>
    %max3A_325 = arith.maximumf %slice3A_318, %slice3A_319 : vector<512x256xf32>
    %broadcast_in_dim3A_326 = arith.constant 3.40282347E+38 : f32
    %broadcast_in_dim3A_327 = vector.broadcast %broadcast_in_dim3A_326 : f32 to vector<512x256xf32>
    %min3A_328 = arith.minimumf %min3A_320, %min3A_322 : vector<512x256xf32>
    %max3A_329 = arith.maximumf %min3A_320, %min3A_322 : vector<512x256xf32>
    %min3A_330 = arith.minimumf %max3A_321, %max3A_323 : vector<512x256xf32>
    %min3A_331 = arith.minimumf %max3A_329, %min3A_330 : vector<512x256xf32>
    %max3A_332 = arith.maximumf %max3A_329, %min3A_330 : vector<512x256xf32>
    %min3A_333 = arith.minimumf %min3A_328, %min3A_324 : vector<512x256xf32>
    %max3A_334 = arith.maximumf %min3A_328, %min3A_324 : vector<512x256xf32>
    %min3A_335 = arith.minimumf %min3A_331, %max3A_325 : vector<512x256xf32>
    %min3A_336 = arith.minimumf %max3A_334, %min3A_335 : vector<512x256xf32>
    %max3A_337 = arith.maximumf %max3A_334, %min3A_335 : vector<512x256xf32>
    %max3A_338 = arith.maximumf %min3A_331, %max3A_325 : vector<512x256xf32>
    %min3A_339 = arith.minimumf %max3A_332, %broadcast_in_dim3A_327 : vector<512x256xf32>
    %min3A_340 = arith.minimumf %max3A_338, %min3A_339 : vector<512x256xf32>
    %min3A_341 = arith.minimumf %max3A_337, %min3A_340 : vector<512x256xf32>
    %concatenate3A_342 = tpu.concatenate %min3A_333, %min3A_336, %min3A_341 in 1 : vector<512x256xf32>, vector<512x256xf32>, vector<512x256xf32> -> vector<512x768xf32>
    %slice3A_343 = vector.extract_strided_slice %concatenate3A_342 {offsets = [0, 0], sizes = [512, 128], strides = [1, 1]} : vector<512x768xf32> to vector<512x128xf32>
    %slice3A_344 = vector.extract_strided_slice %concatenate3A_342 {offsets = [0, 128], sizes = [512, 128], strides = [1, 1]} : vector<512x768xf32> to vector<512x128xf32>
    %slice3A_345 = vector.extract_strided_slice %concatenate3A_342 {offsets = [0, 256], sizes = [512, 128], strides = [1, 1]} : vector<512x768xf32> to vector<512x128xf32>
    %slice3A_346 = vector.extract_strided_slice %concatenate3A_342 {offsets = [0, 384], sizes = [512, 128], strides = [1, 1]} : vector<512x768xf32> to vector<512x128xf32>
    %slice3A_347 = vector.extract_strided_slice %concatenate3A_342 {offsets = [0, 512], sizes = [512, 128], strides = [1, 1]} : vector<512x768xf32> to vector<512x128xf32>
    %slice3A_348 = vector.extract_strided_slice %concatenate3A_342 {offsets = [0, 640], sizes = [512, 128], strides = [1, 1]} : vector<512x768xf32> to vector<512x128xf32>
    %min3A_349 = arith.minimumf %slice3A_343, %slice3A_344 : vector<512x128xf32>
    %max3A_350 = arith.maximumf %slice3A_343, %slice3A_344 : vector<512x128xf32>
    %min3A_351 = arith.minimumf %slice3A_345, %slice3A_346 : vector<512x128xf32>
    %max3A_352 = arith.maximumf %slice3A_345, %slice3A_346 : vector<512x128xf32>
    %min3A_353 = arith.minimumf %slice3A_347, %slice3A_348 : vector<512x128xf32>
    %max3A_354 = arith.maximumf %slice3A_347, %slice3A_348 : vector<512x128xf32>
    %max3A_355 = arith.maximumf %min3A_349, %min3A_351 : vector<512x128xf32>
    %min3A_356 = arith.minimumf %max3A_350, %max3A_352 : vector<512x128xf32>
    %min3A_357 = arith.minimumf %min3A_349, %min3A_351 : vector<512x128xf32>
    %min3A_358 = arith.minimumf %max3A_355, %min3A_356 : vector<512x128xf32>
    %max3A_359 = arith.maximumf %max3A_355, %min3A_356 : vector<512x128xf32>
    %max3A_360 = arith.maximumf %max3A_350, %max3A_352 : vector<512x128xf32>
    %min3A_361 = arith.minimumf %min3A_357, %min3A_353 : vector<512x128xf32>
    %max3A_362 = arith.maximumf %min3A_357, %min3A_353 : vector<512x128xf32>
    %min3A_363 = arith.minimumf %min3A_358, %max3A_354 : vector<512x128xf32>
    %min3A_364 = arith.minimumf %max3A_362, %min3A_363 : vector<512x128xf32>
    %max3A_365 = arith.maximumf %min3A_358, %min3A_353 : vector<512x128xf32>
    %max3A_366 = arith.maximumf %min3A_357, %max3A_354 : vector<512x128xf32>
    %min3A_367 = arith.minimumf %max3A_365, %max3A_366 : vector<512x128xf32>
    %min3A_368 = arith.minimumf %max3A_359, %min3A_367 : vector<512x128xf32>
    %max3A_369 = arith.maximumf %max3A_359, %min3A_353 : vector<512x128xf32>
    %max3A_370 = arith.maximumf %min3A_358, %max3A_354 : vector<512x128xf32>
    %min3A_371 = arith.minimumf %max3A_369, %max3A_370 : vector<512x128xf32>
    %min3A_372 = arith.minimumf %max3A_360, %min3A_371 : vector<512x128xf32>
    %concatenate3A_373 = tpu.concatenate %min3A_361, %min3A_364, %min3A_368, %min3A_372 in 1 : vector<512x128xf32>, vector<512x128xf32>, vector<512x128xf32>, vector<512x128xf32> -> vector<512x512xf32>
    %reduce_min3A = arith.constant dense<0x7F800000> : vector<512xf32>
    %reduce_min3A_374 = vector.multi_reduction <minimumf>, %concatenate3A_373, %reduce_min3A [1] : vector<512x512xf32> to vector<512xf32>
    %broadcast_in_dim3A_375 = vector.shape_cast %reduce_min3A_374 : vector<512xf32> to vector<512x1xf32>
    %eq3A = vector.broadcast %broadcast_in_dim3A_375 : vector<512x1xf32> to vector<512x512xf32>
    %eq3A_376 = arith.cmpf oeq, %concatenate3A_373, %eq3A : vector<512x512xf32>
    %jit3A = arith.constant 3.40282347E+38 : f32
    %broadcast_in_dim3A_377 = vector.broadcast %jit3A : f32 to vector<512x512xf32>
    %select_n3A = arith.select %eq3A_376, %broadcast_in_dim3A_377, %concatenate3A_373 : vector<512x512xi1>, vector<512x512xf32>
    %reduce_min3A_378 = arith.constant dense<0x7F800000> : vector<512xf32>
    %reduce_min3A_379 = vector.multi_reduction <minimumf>, %select_n3A, %reduce_min3A_378 [1] : vector<512x512xf32> to vector<512xf32>
    %broadcast_in_dim3A_380 = vector.shape_cast %reduce_min3A_379 : vector<512xf32> to vector<512x1xf32>
    %eq3A_381 = vector.broadcast %broadcast_in_dim3A_380 : vector<512x1xf32> to vector<512x512xf32>
    %eq3A_382 = arith.cmpf oeq, %select_n3A, %eq3A_381 : vector<512x512xf32>
    %jit3A_383 = arith.constant 3.40282347E+38 : f32
    %broadcast_in_dim3A_384 = vector.broadcast %jit3A_383 : f32 to vector<512x512xf32>
    %select_n3A_385 = arith.select %eq3A_382, %broadcast_in_dim3A_384, %select_n3A : vector<512x512xi1>, vector<512x512xf32>
    %reduce_min3A_386 = arith.constant dense<0x7F800000> : vector<512xf32>
    %reduce_min3A_387 = vector.multi_reduction <minimumf>, %select_n3A_385, %reduce_min3A_386 [1] : vector<512x512xf32> to vector<512xf32>
    %broadcast_in_dim3A_388 = vector.shape_cast %reduce_min3A_387 : vector<512xf32> to vector<512x1xf32>
    %eq3A_389 = vector.broadcast %broadcast_in_dim3A_388 : vector<512x1xf32> to vector<512x512xf32>
    %eq3A_390 = arith.cmpf oeq, %select_n3A_385, %eq3A_389 : vector<512x512xf32>
    %jit3A_391 = arith.constant 3.40282347E+38 : f32
    %broadcast_in_dim3A_392 = vector.broadcast %jit3A_391 : f32 to vector<512x512xf32>
    %select_n3A_393 = arith.select %eq3A_390, %broadcast_in_dim3A_392, %select_n3A_385 : vector<512x512xi1>, vector<512x512xf32>
    %reduce_min3A_394 = arith.constant dense<0x7F800000> : vector<512xf32>
    %reduce_min3A_395 = vector.multi_reduction <minimumf>, %select_n3A_393, %reduce_min3A_394 [1] : vector<512x512xf32> to vector<512xf32>
    %broadcast_in_dim3A_396 = vector.shape_cast %reduce_min3A_395 : vector<512xf32> to vector<512x1xf32>
    %eq3A_397 = vector.broadcast %broadcast_in_dim3A_396 : vector<512x1xf32> to vector<512x512xf32>
    %eq3A_398 = arith.cmpf oeq, %select_n3A_393, %eq3A_397 : vector<512x512xf32>
    %jit3A_399 = arith.constant 3.40282347E+38 : f32
    %broadcast_in_dim3A_400 = vector.broadcast %jit3A_399 : f32 to vector<512x512xf32>
    %select_n3A_401 = arith.select %eq3A_398, %broadcast_in_dim3A_400, %select_n3A_393 : vector<512x512xi1>, vector<512x512xf32>
    %reduce_min3A_402 = arith.constant dense<0x7F800000> : vector<512xf32>
    %reduce_min3A_403 = vector.multi_reduction <minimumf>, %select_n3A_401, %reduce_min3A_402 [1] : vector<512x512xf32> to vector<512xf32>
    %broadcast_in_dim3A_404 = vector.shape_cast %reduce_min3A_403 : vector<512xf32> to vector<512x1xf32>
    %eq3A_405 = vector.broadcast %broadcast_in_dim3A_404 : vector<512x1xf32> to vector<512x512xf32>
    %eq3A_406 = arith.cmpf oeq, %select_n3A_401, %eq3A_405 : vector<512x512xf32>
    %jit3A_407 = arith.constant 3.40282347E+38 : f32
    %broadcast_in_dim3A_408 = vector.broadcast %jit3A_407 : f32 to vector<512x512xf32>
    %select_n3A_409 = arith.select %eq3A_406, %broadcast_in_dim3A_408, %select_n3A_401 : vector<512x512xi1>, vector<512x512xf32>
    %reduce_min3A_410 = arith.constant dense<0x7F800000> : vector<512xf32>
    %reduce_min3A_411 = vector.multi_reduction <minimumf>, %select_n3A_409, %reduce_min3A_410 [1] : vector<512x512xf32> to vector<512xf32>
    %broadcast_in_dim3A_412 = vector.shape_cast %reduce_min3A_411 : vector<512xf32> to vector<512x1xf32>
    %eq3A_413 = vector.broadcast %broadcast_in_dim3A_412 : vector<512x1xf32> to vector<512x512xf32>
    %eq3A_414 = arith.cmpf oeq, %select_n3A_409, %eq3A_413 : vector<512x512xf32>
    %jit3A_415 = arith.constant 3.40282347E+38 : f32
    %broadcast_in_dim3A_416 = vector.broadcast %jit3A_415 : f32 to vector<512x512xf32>
    %select_n3A_417 = arith.select %eq3A_414, %broadcast_in_dim3A_416, %select_n3A_409 : vector<512x512xi1>, vector<512x512xf32>
    %reduce_min3A_418 = arith.constant dense<0x7F800000> : vector<512xf32>
    %reduce_min3A_419 = vector.multi_reduction <minimumf>, %select_n3A_417, %reduce_min3A_418 [1] : vector<512x512xf32> to vector<512xf32>
    %broadcast_in_dim3A_420 = vector.shape_cast %reduce_min3A_419 : vector<512xf32> to vector<512x1xf32>
    %eq3A_421 = vector.broadcast %broadcast_in_dim3A_420 : vector<512x1xf32> to vector<512x512xf32>
    %eq3A_422 = arith.cmpf oeq, %select_n3A_417, %eq3A_421 : vector<512x512xf32>
    %jit3A_423 = arith.constant 3.40282347E+38 : f32
    %broadcast_in_dim3A_424 = vector.broadcast %jit3A_423 : f32 to vector<512x512xf32>
    %select_n3A_425 = arith.select %eq3A_422, %broadcast_in_dim3A_424, %select_n3A_417 : vector<512x512xi1>, vector<512x512xf32>
    %reduce_min3A_426 = arith.constant dense<0x7F800000> : vector<512xf32>
    %reduce_min3A_427 = vector.multi_reduction <minimumf>, %select_n3A_425, %reduce_min3A_426 [1] : vector<512x512xf32> to vector<512xf32>
    %broadcast_in_dim3A_428 = vector.shape_cast %reduce_min3A_427 : vector<512xf32> to vector<512x1xf32>
    %eq3A_429 = vector.broadcast %broadcast_in_dim3A_428 : vector<512x1xf32> to vector<512x512xf32>
    %eq3A_430 = arith.cmpf oeq, %select_n3A_425, %eq3A_429 : vector<512x512xf32>
    %jit3A_431 = arith.constant 3.40282347E+38 : f32
    %broadcast_in_dim3A_432 = vector.broadcast %jit3A_431 : f32 to vector<512x512xf32>
    %select_n3A_433 = arith.select %eq3A_430, %broadcast_in_dim3A_432, %select_n3A_425 : vector<512x512xi1>, vector<512x512xf32>
    %reduce_min3A_434 = arith.constant dense<0x7F800000> : vector<512xf32>
    %reduce_min3A_435 = vector.multi_reduction <minimumf>, %select_n3A_433, %reduce_min3A_434 [1] : vector<512x512xf32> to vector<512xf32>
    %broadcast_in_dim3A_436 = vector.shape_cast %reduce_min3A_435 : vector<512xf32> to vector<512x1xf32>
    %eq3A_437 = vector.broadcast %broadcast_in_dim3A_436 : vector<512x1xf32> to vector<512x512xf32>
    %eq3A_438 = arith.cmpf oeq, %select_n3A_433, %eq3A_437 : vector<512x512xf32>
    %jit3A_439 = arith.constant 3.40282347E+38 : f32
    %broadcast_in_dim3A_440 = vector.broadcast %jit3A_439 : f32 to vector<512x512xf32>
    %select_n3A_441 = arith.select %eq3A_438, %broadcast_in_dim3A_440, %select_n3A_433 : vector<512x512xi1>, vector<512x512xf32>
    %reduce_min3A_442 = arith.constant dense<0x7F800000> : vector<512xf32>
    %reduce_min3A_443 = vector.multi_reduction <minimumf>, %select_n3A_441, %reduce_min3A_442 [1] : vector<512x512xf32> to vector<512xf32>
    %broadcast_in_dim3A_444 = vector.shape_cast %reduce_min3A_443 : vector<512xf32> to vector<512x1xf32>
    %eq3A_445 = vector.broadcast %broadcast_in_dim3A_444 : vector<512x1xf32> to vector<512x512xf32>
    %eq3A_446 = arith.cmpf oeq, %select_n3A_441, %eq3A_445 : vector<512x512xf32>
    %jit3A_447 = arith.constant 3.40282347E+38 : f32
    %broadcast_in_dim3A_448 = vector.broadcast %jit3A_447 : f32 to vector<512x512xf32>
    %select_n3A_449 = arith.select %eq3A_446, %broadcast_in_dim3A_448, %select_n3A_441 : vector<512x512xi1>, vector<512x512xf32>
    %reduce_min3A_450 = arith.constant dense<0x7F800000> : vector<512xf32>
    %reduce_min3A_451 = vector.multi_reduction <minimumf>, %select_n3A_449, %reduce_min3A_450 [1] : vector<512x512xf32> to vector<512xf32>
    %broadcast_in_dim3A_452 = vector.shape_cast %reduce_min3A_451 : vector<512xf32> to vector<512x1xf32>
    %eq3A_453 = vector.broadcast %broadcast_in_dim3A_452 : vector<512x1xf32> to vector<512x512xf32>
    %eq3A_454 = arith.cmpf oeq, %select_n3A_449, %eq3A_453 : vector<512x512xf32>
    %jit3A_455 = arith.constant 3.40282347E+38 : f32
    %broadcast_in_dim3A_456 = vector.broadcast %jit3A_455 : f32 to vector<512x512xf32>
    %select_n3A_457 = arith.select %eq3A_454, %broadcast_in_dim3A_456, %select_n3A_449 : vector<512x512xi1>, vector<512x512xf32>
    %reduce_min3A_458 = arith.constant dense<0x7F800000> : vector<512xf32>
    %reduce_min3A_459 = vector.multi_reduction <minimumf>, %select_n3A_457, %reduce_min3A_458 [1] : vector<512x512xf32> to vector<512xf32>
    %broadcast_in_dim3A_460 = vector.shape_cast %reduce_min3A_459 : vector<512xf32> to vector<512x1xf32>
    %eq3A_461 = vector.broadcast %broadcast_in_dim3A_460 : vector<512x1xf32> to vector<512x512xf32>
    %eq3A_462 = arith.cmpf oeq, %select_n3A_457, %eq3A_461 : vector<512x512xf32>
    %jit3A_463 = arith.constant 3.40282347E+38 : f32
    %broadcast_in_dim3A_464 = vector.broadcast %jit3A_463 : f32 to vector<512x512xf32>
    %select_n3A_465 = arith.select %eq3A_462, %broadcast_in_dim3A_464, %select_n3A_457 : vector<512x512xi1>, vector<512x512xf32>
    %reduce_min3A_466 = arith.constant dense<0x7F800000> : vector<512xf32>
    %reduce_min3A_467 = vector.multi_reduction <minimumf>, %select_n3A_465, %reduce_min3A_466 [1] : vector<512x512xf32> to vector<512xf32>
    %broadcast_in_dim3A_468 = vector.shape_cast %reduce_min3A_467 : vector<512xf32> to vector<512x1xf32>
    %eq3A_469 = vector.broadcast %broadcast_in_dim3A_468 : vector<512x1xf32> to vector<512x512xf32>
    %eq3A_470 = arith.cmpf oeq, %select_n3A_465, %eq3A_469 : vector<512x512xf32>
    %jit3A_471 = arith.constant 3.40282347E+38 : f32
    %broadcast_in_dim3A_472 = vector.broadcast %jit3A_471 : f32 to vector<512x512xf32>
    %select_n3A_473 = arith.select %eq3A_470, %broadcast_in_dim3A_472, %select_n3A_465 : vector<512x512xi1>, vector<512x512xf32>
    %reduce_min3A_474 = arith.constant dense<0x7F800000> : vector<512xf32>
    %reduce_min3A_475 = vector.multi_reduction <minimumf>, %select_n3A_473, %reduce_min3A_474 [1] : vector<512x512xf32> to vector<512xf32>
    %broadcast_in_dim3A_476 = vector.shape_cast %reduce_min3A_475 : vector<512xf32> to vector<512x1xf32>
    %eq3A_477 = vector.broadcast %broadcast_in_dim3A_476 : vector<512x1xf32> to vector<512x512xf32>
    %eq3A_478 = arith.cmpf oeq, %select_n3A_473, %eq3A_477 : vector<512x512xf32>
    %jit3A_479 = arith.constant 3.40282347E+38 : f32
    %broadcast_in_dim3A_480 = vector.broadcast %jit3A_479 : f32 to vector<512x512xf32>
    %select_n3A_481 = arith.select %eq3A_478, %broadcast_in_dim3A_480, %select_n3A_473 : vector<512x512xi1>, vector<512x512xf32>
    %reduce_min3A_482 = arith.constant dense<0x7F800000> : vector<512xf32>
    %reduce_min3A_483 = vector.multi_reduction <minimumf>, %select_n3A_481, %reduce_min3A_482 [1] : vector<512x512xf32> to vector<512xf32>
    %broadcast_in_dim3A_484 = vector.shape_cast %reduce_min3A_483 : vector<512xf32> to vector<512x1xf32>
    %eq3A_485 = vector.broadcast %broadcast_in_dim3A_484 : vector<512x1xf32> to vector<512x512xf32>
    %eq3A_486 = arith.cmpf oeq, %select_n3A_481, %eq3A_485 : vector<512x512xf32>
    %jit3A_487 = arith.constant 3.40282347E+38 : f32
    %broadcast_in_dim3A_488 = vector.broadcast %jit3A_487 : f32 to vector<512x512xf32>
    %select_n3A_489 = arith.select %eq3A_486, %broadcast_in_dim3A_488, %select_n3A_481 : vector<512x512xi1>, vector<512x512xf32>
    %reduce_min3A_490 = arith.constant dense<0x7F800000> : vector<512xf32>
    %reduce_min3A_491 = vector.multi_reduction <minimumf>, %select_n3A_489, %reduce_min3A_490 [1] : vector<512x512xf32> to vector<512xf32>
    %broadcast_in_dim3A_492 = vector.shape_cast %reduce_min3A_491 : vector<512xf32> to vector<512x1xf32>
    %eq3A_493 = vector.broadcast %broadcast_in_dim3A_492 : vector<512x1xf32> to vector<512x512xf32>
    %eq3A_494 = arith.cmpf oeq, %select_n3A_489, %eq3A_493 : vector<512x512xf32>
    %jit3A_495 = arith.constant 3.40282347E+38 : f32
    %broadcast_in_dim3A_496 = vector.broadcast %jit3A_495 : f32 to vector<512x512xf32>
    %select_n3A_497 = arith.select %eq3A_494, %broadcast_in_dim3A_496, %select_n3A_489 : vector<512x512xi1>, vector<512x512xf32>
    %reduce_min3A_498 = arith.constant dense<0x7F800000> : vector<512xf32>
    %reduce_min3A_499 = vector.multi_reduction <minimumf>, %select_n3A_497, %reduce_min3A_498 [1] : vector<512x512xf32> to vector<512xf32>
    %broadcast_in_dim3A_500 = vector.shape_cast %reduce_min3A_499 : vector<512xf32> to vector<512x1xf32>
    %eq3A_501 = vector.broadcast %broadcast_in_dim3A_500 : vector<512x1xf32> to vector<512x512xf32>
    %eq3A_502 = arith.cmpf oeq, %select_n3A_497, %eq3A_501 : vector<512x512xf32>
    %jit3A_503 = arith.constant 3.40282347E+38 : f32
    %broadcast_in_dim3A_504 = vector.broadcast %jit3A_503 : f32 to vector<512x512xf32>
    %select_n3A_505 = arith.select %eq3A_502, %broadcast_in_dim3A_504, %select_n3A_497 : vector<512x512xi1>, vector<512x512xf32>
    %reduce_min3A_506 = arith.constant dense<0x7F800000> : vector<512xf32>
    %reduce_min3A_507 = vector.multi_reduction <minimumf>, %select_n3A_505, %reduce_min3A_506 [1] : vector<512x512xf32> to vector<512xf32>
    %broadcast_in_dim3A_508 = vector.shape_cast %reduce_min3A_507 : vector<512xf32> to vector<512x1xf32>
    %eq3A_509 = vector.broadcast %broadcast_in_dim3A_508 : vector<512x1xf32> to vector<512x512xf32>
    %eq3A_510 = arith.cmpf oeq, %select_n3A_505, %eq3A_509 : vector<512x512xf32>
    %jit3A_511 = arith.constant 3.40282347E+38 : f32
    %broadcast_in_dim3A_512 = vector.broadcast %jit3A_511 : f32 to vector<512x512xf32>
    %select_n3A_513 = arith.select %eq3A_510, %broadcast_in_dim3A_512, %select_n3A_505 : vector<512x512xi1>, vector<512x512xf32>
    %reduce_min3A_514 = arith.constant dense<0x7F800000> : vector<512xf32>
    %reduce_min3A_515 = vector.multi_reduction <minimumf>, %select_n3A_513, %reduce_min3A_514 [1] : vector<512x512xf32> to vector<512xf32>
    %broadcast_in_dim3A_516 = vector.shape_cast %reduce_min3A_515 : vector<512xf32> to vector<512x1xf32>
    %eq3A_517 = vector.broadcast %broadcast_in_dim3A_516 : vector<512x1xf32> to vector<512x512xf32>
    %eq3A_518 = arith.cmpf oeq, %select_n3A_513, %eq3A_517 : vector<512x512xf32>
    %jit3A_519 = arith.constant 3.40282347E+38 : f32
    %broadcast_in_dim3A_520 = vector.broadcast %jit3A_519 : f32 to vector<512x512xf32>
    %select_n3A_521 = arith.select %eq3A_518, %broadcast_in_dim3A_520, %select_n3A_513 : vector<512x512xi1>, vector<512x512xf32>
    %reduce_min3A_522 = arith.constant dense<0x7F800000> : vector<512xf32>
    %reduce_min3A_523 = vector.multi_reduction <minimumf>, %select_n3A_521, %reduce_min3A_522 [1] : vector<512x512xf32> to vector<512xf32>
    %broadcast_in_dim3A_524 = vector.shape_cast %reduce_min3A_523 : vector<512xf32> to vector<512x1xf32>
    %eq3A_525 = vector.broadcast %broadcast_in_dim3A_524 : vector<512x1xf32> to vector<512x512xf32>
    %eq3A_526 = arith.cmpf oeq, %select_n3A_521, %eq3A_525 : vector<512x512xf32>
    %jit3A_527 = arith.constant 3.40282347E+38 : f32
    %broadcast_in_dim3A_528 = vector.broadcast %jit3A_527 : f32 to vector<512x512xf32>
    %select_n3A_529 = arith.select %eq3A_526, %broadcast_in_dim3A_528, %select_n3A_521 : vector<512x512xi1>, vector<512x512xf32>
    %reduce_min3A_530 = arith.constant dense<0x7F800000> : vector<512xf32>
    %reduce_min3A_531 = vector.multi_reduction <minimumf>, %select_n3A_529, %reduce_min3A_530 [1] : vector<512x512xf32> to vector<512xf32>
    %broadcast_in_dim3A_532 = vector.shape_cast %reduce_min3A_531 : vector<512xf32> to vector<512x1xf32>
    %eq3A_533 = vector.broadcast %broadcast_in_dim3A_532 : vector<512x1xf32> to vector<512x512xf32>
    %eq3A_534 = arith.cmpf oeq, %select_n3A_529, %eq3A_533 : vector<512x512xf32>
    %jit3A_535 = arith.constant 3.40282347E+38 : f32
    %broadcast_in_dim3A_536 = vector.broadcast %jit3A_535 : f32 to vector<512x512xf32>
    %select_n3A_537 = arith.select %eq3A_534, %broadcast_in_dim3A_536, %select_n3A_529 : vector<512x512xi1>, vector<512x512xf32>
    %reduce_min3A_538 = arith.constant dense<0x7F800000> : vector<512xf32>
    %reduce_min3A_539 = vector.multi_reduction <minimumf>, %select_n3A_537, %reduce_min3A_538 [1] : vector<512x512xf32> to vector<512xf32>
    %broadcast_in_dim3A_540 = vector.shape_cast %reduce_min3A_539 : vector<512xf32> to vector<512x1xf32>
    %eq3A_541 = vector.broadcast %broadcast_in_dim3A_540 : vector<512x1xf32> to vector<512x512xf32>
    %eq3A_542 = arith.cmpf oeq, %select_n3A_537, %eq3A_541 : vector<512x512xf32>
    %jit3A_543 = arith.constant 3.40282347E+38 : f32
    %broadcast_in_dim3A_544 = vector.broadcast %jit3A_543 : f32 to vector<512x512xf32>
    %select_n3A_545 = arith.select %eq3A_542, %broadcast_in_dim3A_544, %select_n3A_537 : vector<512x512xi1>, vector<512x512xf32>
    %reduce_min3A_546 = arith.constant dense<0x7F800000> : vector<512xf32>
    %reduce_min3A_547 = vector.multi_reduction <minimumf>, %select_n3A_545, %reduce_min3A_546 [1] : vector<512x512xf32> to vector<512xf32>
    %broadcast_in_dim3A_548 = vector.shape_cast %reduce_min3A_547 : vector<512xf32> to vector<512x1xf32>
    %eq3A_549 = vector.broadcast %broadcast_in_dim3A_548 : vector<512x1xf32> to vector<512x512xf32>
    %eq3A_550 = arith.cmpf oeq, %select_n3A_545, %eq3A_549 : vector<512x512xf32>
    %jit3A_551 = arith.constant 3.40282347E+38 : f32
    %broadcast_in_dim3A_552 = vector.broadcast %jit3A_551 : f32 to vector<512x512xf32>
    %select_n3A_553 = arith.select %eq3A_550, %broadcast_in_dim3A_552, %select_n3A_545 : vector<512x512xi1>, vector<512x512xf32>
    %reduce_min3A_554 = arith.constant dense<0x7F800000> : vector<512xf32>
    %reduce_min3A_555 = vector.multi_reduction <minimumf>, %select_n3A_553, %reduce_min3A_554 [1] : vector<512x512xf32> to vector<512xf32>
    %broadcast_in_dim3A_556 = vector.shape_cast %reduce_min3A_555 : vector<512xf32> to vector<512x1xf32>
    %eq3A_557 = vector.broadcast %broadcast_in_dim3A_556 : vector<512x1xf32> to vector<512x512xf32>
    %eq3A_558 = arith.cmpf oeq, %select_n3A_553, %eq3A_557 : vector<512x512xf32>
    %jit3A_559 = arith.constant 3.40282347E+38 : f32
    %broadcast_in_dim3A_560 = vector.broadcast %jit3A_559 : f32 to vector<512x512xf32>
    %select_n3A_561 = arith.select %eq3A_558, %broadcast_in_dim3A_560, %select_n3A_553 : vector<512x512xi1>, vector<512x512xf32>
    %reduce_min3A_562 = arith.constant dense<0x7F800000> : vector<512xf32>
    %reduce_min3A_563 = vector.multi_reduction <minimumf>, %select_n3A_561, %reduce_min3A_562 [1] : vector<512x512xf32> to vector<512xf32>
    %broadcast_in_dim3A_564 = vector.shape_cast %reduce_min3A_563 : vector<512xf32> to vector<512x1xf32>
    %eq3A_565 = vector.broadcast %broadcast_in_dim3A_564 : vector<512x1xf32> to vector<512x512xf32>
    %eq3A_566 = arith.cmpf oeq, %select_n3A_561, %eq3A_565 : vector<512x512xf32>
    %jit3A_567 = arith.constant 3.40282347E+38 : f32
    %broadcast_in_dim3A_568 = vector.broadcast %jit3A_567 : f32 to vector<512x512xf32>
    %select_n3A_569 = arith.select %eq3A_566, %broadcast_in_dim3A_568, %select_n3A_561 : vector<512x512xi1>, vector<512x512xf32>
    %reduce_min3A_570 = arith.constant dense<0x7F800000> : vector<512xf32>
    %reduce_min3A_571 = vector.multi_reduction <minimumf>, %select_n3A_569, %reduce_min3A_570 [1] : vector<512x512xf32> to vector<512xf32>
    %broadcast_in_dim3A_572 = vector.shape_cast %reduce_min3A_571 : vector<512xf32> to vector<512x1xf32>
    %eq3A_573 = vector.broadcast %broadcast_in_dim3A_572 : vector<512x1xf32> to vector<512x512xf32>
    %eq3A_574 = arith.cmpf oeq, %select_n3A_569, %eq3A_573 : vector<512x512xf32>
    %jit3A_575 = arith.constant 3.40282347E+38 : f32
    %broadcast_in_dim3A_576 = vector.broadcast %jit3A_575 : f32 to vector<512x512xf32>
    %select_n3A_577 = arith.select %eq3A_574, %broadcast_in_dim3A_576, %select_n3A_569 : vector<512x512xi1>, vector<512x512xf32>
    %reduce_min3A_578 = arith.constant dense<0x7F800000> : vector<512xf32>
    %reduce_min3A_579 = vector.multi_reduction <minimumf>, %select_n3A_577, %reduce_min3A_578 [1] : vector<512x512xf32> to vector<512xf32>
    %broadcast_in_dim3A_580 = vector.shape_cast %reduce_min3A_579 : vector<512xf32> to vector<512x1xf32>
    %eq3A_581 = vector.broadcast %broadcast_in_dim3A_580 : vector<512x1xf32> to vector<512x512xf32>
    %eq3A_582 = arith.cmpf oeq, %select_n3A_577, %eq3A_581 : vector<512x512xf32>
    %jit3A_583 = arith.constant 3.40282347E+38 : f32
    %broadcast_in_dim3A_584 = vector.broadcast %jit3A_583 : f32 to vector<512x512xf32>
    %select_n3A_585 = arith.select %eq3A_582, %broadcast_in_dim3A_584, %select_n3A_577 : vector<512x512xi1>, vector<512x512xf32>
    %reduce_min3A_586 = arith.constant dense<0x7F800000> : vector<512xf32>
    %reduce_min3A_587 = vector.multi_reduction <minimumf>, %select_n3A_585, %reduce_min3A_586 [1] : vector<512x512xf32> to vector<512xf32>
    %broadcast_in_dim3A_588 = vector.shape_cast %reduce_min3A_587 : vector<512xf32> to vector<512x1xf32>
    %eq3A_589 = vector.broadcast %broadcast_in_dim3A_588 : vector<512x1xf32> to vector<512x512xf32>
    %eq3A_590 = arith.cmpf oeq, %select_n3A_585, %eq3A_589 : vector<512x512xf32>
    %jit3A_591 = arith.constant 3.40282347E+38 : f32
    %broadcast_in_dim3A_592 = vector.broadcast %jit3A_591 : f32 to vector<512x512xf32>
    %select_n3A_593 = arith.select %eq3A_590, %broadcast_in_dim3A_592, %select_n3A_585 : vector<512x512xi1>, vector<512x512xf32>
    %reduce_min3A_594 = arith.constant dense<0x7F800000> : vector<512xf32>
    %reduce_min3A_595 = vector.multi_reduction <minimumf>, %select_n3A_593, %reduce_min3A_594 [1] : vector<512x512xf32> to vector<512xf32>
    %broadcast_in_dim3A_596 = vector.shape_cast %reduce_min3A_595 : vector<512xf32> to vector<512x1xf32>
    %eq3A_597 = vector.broadcast %broadcast_in_dim3A_596 : vector<512x1xf32> to vector<512x512xf32>
    %eq3A_598 = arith.cmpf oeq, %select_n3A_593, %eq3A_597 : vector<512x512xf32>
    %jit3A_599 = arith.constant 3.40282347E+38 : f32
    %broadcast_in_dim3A_600 = vector.broadcast %jit3A_599 : f32 to vector<512x512xf32>
    %select_n3A_601 = arith.select %eq3A_598, %broadcast_in_dim3A_600, %select_n3A_593 : vector<512x512xi1>, vector<512x512xf32>
    %reduce_min3A_602 = arith.constant dense<0x7F800000> : vector<512xf32>
    %reduce_min3A_603 = vector.multi_reduction <minimumf>, %select_n3A_601, %reduce_min3A_602 [1] : vector<512x512xf32> to vector<512xf32>
    %broadcast_in_dim3A_604 = vector.shape_cast %reduce_min3A_603 : vector<512xf32> to vector<512x1xf32>
    %eq3A_605 = vector.broadcast %broadcast_in_dim3A_604 : vector<512x1xf32> to vector<512x512xf32>
    %eq3A_606 = arith.cmpf oeq, %select_n3A_601, %eq3A_605 : vector<512x512xf32>
    %jit3A_607 = arith.constant 3.40282347E+38 : f32
    %broadcast_in_dim3A_608 = vector.broadcast %jit3A_607 : f32 to vector<512x512xf32>
    %select_n3A_609 = arith.select %eq3A_606, %broadcast_in_dim3A_608, %select_n3A_601 : vector<512x512xi1>, vector<512x512xf32>
    %reduce_min3A_610 = arith.constant dense<0x7F800000> : vector<512xf32>
    %reduce_min3A_611 = vector.multi_reduction <minimumf>, %select_n3A_609, %reduce_min3A_610 [1] : vector<512x512xf32> to vector<512xf32>
    %broadcast_in_dim3A_612 = vector.shape_cast %reduce_min3A_611 : vector<512xf32> to vector<512x1xf32>
    %eq3A_613 = vector.broadcast %broadcast_in_dim3A_612 : vector<512x1xf32> to vector<512x512xf32>
    %eq3A_614 = arith.cmpf oeq, %select_n3A_609, %eq3A_613 : vector<512x512xf32>
    %jit3A_615 = arith.constant 3.40282347E+38 : f32
    %broadcast_in_dim3A_616 = vector.broadcast %jit3A_615 : f32 to vector<512x512xf32>
    %select_n3A_617 = arith.select %eq3A_614, %broadcast_in_dim3A_616, %select_n3A_609 : vector<512x512xi1>, vector<512x512xf32>
    %reduce_min3A_618 = arith.constant dense<0x7F800000> : vector<512xf32>
    %reduce_min3A_619 = vector.multi_reduction <minimumf>, %select_n3A_617, %reduce_min3A_618 [1] : vector<512x512xf32> to vector<512xf32>
    %broadcast_in_dim3A_620 = vector.shape_cast %reduce_min3A_619 : vector<512xf32> to vector<512x1xf32>
    %concatenate3A_621 = tpu.concatenate %broadcast_in_dim3A_375, %broadcast_in_dim3A_380, %broadcast_in_dim3A_388, %broadcast_in_dim3A_396, %broadcast_in_dim3A_404, %broadcast_in_dim3A_412, %broadcast_in_dim3A_420, %broadcast_in_dim3A_428, %broadcast_in_dim3A_436, %broadcast_in_dim3A_444, %broadcast_in_dim3A_452, %broadcast_in_dim3A_460, %broadcast_in_dim3A_468, %broadcast_in_dim3A_476, %broadcast_in_dim3A_484, %broadcast_in_dim3A_492, %broadcast_in_dim3A_500, %broadcast_in_dim3A_508, %broadcast_in_dim3A_516, %broadcast_in_dim3A_524, %broadcast_in_dim3A_532, %broadcast_in_dim3A_540, %broadcast_in_dim3A_548, %broadcast_in_dim3A_556, %broadcast_in_dim3A_564, %broadcast_in_dim3A_572, %broadcast_in_dim3A_580, %broadcast_in_dim3A_588, %broadcast_in_dim3A_596, %broadcast_in_dim3A_604, %broadcast_in_dim3A_612, %broadcast_in_dim3A_620 in 1 : vector<512x1xf32>, vector<512x1xf32>, vector<512x1xf32>, vector<512x1xf32>, vector<512x1xf32>, vector<512x1xf32>, vector<512x1xf32>, vector<512x1xf32>, vector<512x1xf32>, vector<512x1xf32>, vector<512x1xf32>, vector<512x1xf32>, vector<512x1xf32>, vector<512x1xf32>, vector<512x1xf32>, vector<512x1xf32>, vector<512x1xf32>, vector<512x1xf32>, vector<512x1xf32>, vector<512x1xf32>, vector<512x1xf32>, vector<512x1xf32>, vector<512x1xf32>, vector<512x1xf32>, vector<512x1xf32>, vector<512x1xf32>, vector<512x1xf32>, vector<512x1xf32>, vector<512x1xf32>, vector<512x1xf32>, vector<512x1xf32>, vector<512x1xf32> -> vector<512x32xf32>
    %bitcast_convert_type3A_622 = tpu.bitcast %concatenate3A_621 : vector<512x32xf32> -> vector<512x32xi32>
    %and3A_623 = arith.constant 4095 : i32
    %and3A_624 = vector.broadcast %and3A_623 : i32 to vector<512x32xi32>
    %and3A_625 = arith.andi %bitcast_convert_type3A_622, %and3A_624 : vector<512x32xi32>
    %mul3A_626 = arith.constant 4096 : i32
    %mul3A_627 = arith.muli %arg0, %mul3A_626 : i32
    %add3A_628 = vector.broadcast %mul3A_627 : i32 to vector<512x32xi32>
    %add3A_629 = arith.addi %and3A_625, %add3A_628 : vector<512x32xi32>
    %swap3A_630 = arith.constant 0 : index
    %swap3A_631 = arith.constant 0 : index
    %swap3A_632 = arith.constant 0 : index
    %swap3A_633 = vector.load %arg5[%swap3A_630, %swap3A_631, %swap3A_632] : memref<1x512x32xi32, #tpu.memory_space<vmem>>, vector<1x512x32xi32>
    %swap3A_634 = vector.shape_cast %swap3A_633 : vector<1x512x32xi32> to vector<512x32xi32>
    %swap3A_635 = vector.shape_cast %add3A_629 : vector<512x32xi32> to vector<1x512x32xi32>
    tpu.vector_store %arg5[%swap3A_630, %swap3A_631, %swap3A_632], %swap3A_635 {strides = array<i32>} : memref<1x512x32xi32, #tpu.memory_space<vmem>>, vector<1x512x32xi32>,
    return
  }
  func.func @transform_0(%arg0: i32, %arg1: i32) -> (i32, i32, i32) {
    %c0_i32 = arith.constant 0 : i32
    %c0_i32_0 = arith.constant 0 : i32
    %c0_i32_1 = arith.constant 0 : i32
    return %arg0, %c0_i32, %c0_i32_0 : i32, i32, i32
  }
  func.func @transform_1(%arg0: i32, %arg1: i32) -> (i32, i32, i32) {
    %c0_i32 = arith.constant 0 : i32
    %c0_i32_0 = arith.constant 0 : i32
    return %arg0, %c0_i32, %arg1 : i32, i32, i32
  }
  func.func @transform_2(%arg0: i32, %arg1: i32) -> (i32, i32) {
    %c0_i32 = arith.constant 0 : i32
    %c0_i32_0 = arith.constant 0 : i32
    %c0_i32_1 = arith.constant 0 : i32
    return %c0_i32, %c0_i32_0 : i32, i32
  }
  func.func @transform_3(%arg0: i32, %arg1: i32) -> (i32, i32, i32) {
    %c0_i32 = arith.constant 0 : i32
    %c0_i32_0 = arith.constant 0 : i32
    return %arg0, %arg1, %c0_i32 : i32, i32, i32
  }
  func.func @transform_4(%arg0: i32, %arg1: i32) -> (i32, i32, i32) {
    %c0_i32 = arith.constant 0 : i32
    %c0_i32_0 = arith.constant 0 : i32
    return %arg0, %arg1, %c0_i32 : i32, i32, i32
  }
}

</mosaic_0001>

<sc_bundles>
// kernel: kernel.5.cloned.1.call-start
scs
__scs_entry_jumppad:
0x0: {  	(pc) =	sbr.rel $0x88, $3  }
0x1: {  	(tag) =	ssettag $0x0;
	lr =	simm.s32 $0x1  }
0x2: {  	[smem:$0x3F9D] =	sst lr;
	_ =	strace $0xD0000000  }
0x3: {  	_ = 	snop  }
0x4: {  	_ = 	snop  }
0x5: {  	_ = 	snop  }
0x6: {  	_ = 	snop  }
0x7: {  	_ = 	snop  }
__scs_overlays_trampoline_lowered:
0x8: {  	[smem:$0x3FAC] =	sst s0  }
0x9: {  	[smem:$0x3FAD] =	sst s1  }
0xa: {  	[smem:$0x3FAE] =	sst s2  }
0xb: {  	[smem:$0x3FAF] =	sst s3  }
0xc: {  	[smem:$0x3FB0] =	sst s4  }
0xd: {  	[smem:$0x3FB1] =	sst s5  }
0xe: {  	[smem:$0x3FB2] =	sst s6  }
0xf: {  	[smem:$0x3FB3] =	sst s7  }
0x10: {  	[smem:$0x3FB4] =	sst s8  }
0x11: {  	[smem:$0x3FB5] =	sst s9;
	s0 =	simm.s32 @!p0 $0x0  }
0x12: {  	s1 =	sld [smem:$0x3F9B];
	s0 =	simm.s32 @p0 $0x1  }
0x13: {  	[smem:$0x3FB6] =	sst s0;
	s0 =	simm.s32 @!p1 $0x0  }
0x14: {  	s2 =	sld [smem:$0x3F9A];
	s0 =	simm.s32 @p1 $0x1  }
0x15: {  	[smem:$0x3FB7] =	sst s0;
	s0 =	simm.s32 @!p2 $0x0  }
0x16: {  	s3 =	sld [smem:$0x3FDB];
	s0 =	simm.s32 @p2 $0x1  }
0x17: {  	s4 =	simm.s32 $0x1BF5;
	[smem:$0x3FB9] =	sst s0  }
0x18: {  	s0 =	sld [smem:$0x3F9C];
	_ =	swait.ge [sflag:s4], $0x0  }
0x19: {  	s7 =	sld [smem:$0x3F9D]  }
0x1a: {  	s8 =	sadd.s32 $0xFFFFE003, lr  }
0x1b: {  	s9 =	sadd.s32 $0xFFFFFEF7, lr;
	s5 =	simm.s32 $0xFFFFFFFF;
	p2 =	slt.u32 s8, $0xFFFFF086  }
0x1c: {  	p1 =	slt.u32 s9, $0xF7A;
	s5 =	simm.s32 @!p2 $0x0  }
0x1d: {  	s5 =	simm.s32 @p1 $0x1;
	p0 =	seq.s32 s7, s2  }
0x1e: {  	s7 =	smul.u32 @!p0 $0xF7A, s2;
	p2 =	seq.s32 @!p0 s5, $0x0  }
0x1f: {  	s9 =	smul.u32 $0xF7A, s1;
	s8 =	simm.s32 @!p0 $0x1BF5;
	p2 =	por !p2, p0  }
0x20: {  	[sflag:s8] =	ssyncset.s32 @!p0 $0xFFFFF086;
	s6 =	sadd.s32 @!p0 s3, s7;
	s7 =	simm.s32 @!p0 $0x108  }
0x21: {  	s3 =	sadd.s32 s3, s9;
	s6 =	sadd.s32 @!p0 $0x88, s6;
	s7 =	simm.s32 @p2 $0x1082  }
0x22: {  	[simem:s7], [sflag:s8] =	dma.local @!p0 [hbm:s6], $0xF7A  }
0x23: {  	s9 =	sor.u32 $0xD0000000, s2;
	s6 =	simm.s32 $0x108;
	_ =	swait.ge @!p0 [sflag:s8], $0x0  }
0x24: {  	s3 =	sadd.s32 $0x88, s3;
	s6 =	simm.s32 @!p1 $0x1082;
	[sflag:s4] =	ssyncset.s32 $0xFFFFF086  }
0x25: {  	[simem:s6], [sflag:s4] =	dma.local [hbm:s3], $0xF7A  }
0x26: {  	[smem:$0x3F9D] =	sst s1;
	(tag) =	ssettag s2;
	_ =	strace s9  }
0x27: {  	s1 =	sld [smem:$0x3FAD]  }
0x28: {  	s2 =	sld [smem:$0x3FAE]  }
0x29: {  	s4 =	sld [smem:$0x3FB0]  }
0x2a: {  	p0 =	seq.s32 s5, $0x0;
	s5 =	sld [smem:$0x3FB1]  }
0x2b: {  	s6 =	sld [smem:$0x3FB2]  }
0x2c: {  	s7 =	sld [smem:$0x3FB3]  }
0x2d: {  	s3 =	simm.s32 $0x108;
	s8 =	sld [smem:$0x3FB4]  }
0x2e: {  	s3 =	simm.s32 @!p0 $0x1082;
	s9 =	sld [smem:$0x3FB5]  }
0x2f: {  	lr =	sadd.s32 s0, s3;
	s0 =	sld [smem:$0x3FAC]  }
0x30: {  	s3 =	sld [smem:$0x3FAF]  }
0x31: {  	[smem:$0x3FB8] =	sst s10  }
0x32: {  	s10 =	sld [smem:$0x3FB6];
	_ =	sdelay $0x3  }
0x33: {  	p0 =	seq.s32 s10, $0x1;
	s10 =	sld [smem:$0x3FB8];
	_ =	sdelay $0x3  }
0x34: {  	[smem:$0x3FB8] =	sst s10  }
0x35: {  	s10 =	sld [smem:$0x3FB7];
	_ =	sdelay $0x3  }
0x36: {  	p1 =	seq.s32 s10, $0x1;
	s10 =	sld [smem:$0x3FB8];
	_ =	sdelay $0x3  }
0x37: {  	[smem:$0x3FB8] =	sst s10  }
0x38: {  	s10 =	sld [smem:$0x3FB9]  }
0x39: {  	_ = 	snop;
	(pc) =	sbr.ind lr, $3  }
0x3a: {  	_ = 	snop  }
0x3b: {  	_ = 	snop  }
0x3c: {  	p2 =	seq.s32 s10, $0x1;
	s10 =	sld [smem:$0x3FB8]  }
0x3d: {  	_ =	shalt  }
0x3e: {  	_ =	shalt  }
0x3f: {  	_ =	shalt  }
0x40: {  	_ =	shalt  }
0x41: {  	_ =	shalt  }
0x42: {  	_ =	shalt  }
0x43: {  	_ =	shalt  }
0x44: {  	_ =	shalt  }
0x45: {  	_ =	shalt  }
0x46: {  	_ =	shalt  }
0x47: {  	_ =	shalt  }
0x48: {  	_ =	shalt  }
0x49: {  	_ =	shalt  }
0x4a: {  	_ =	shalt  }
0x4b: {  	_ =	shalt  }
0x4c: {  	_ =	shalt  }
0x4d: {  	_ =	shalt  }
0x4e: {  	_ =	shalt  }
0x4f: {  	_ =	shalt  }
0x50: {  	_ =	shalt  }
0x51: {  	_ =	shalt  }
0x52: {  	_ =	shalt  }
0x53: {  	_ =	shalt  }
0x54: {  	_ =	shalt  }
0x55: {  	_ =	shalt  }
0x56: {  	_ =	shalt  }
0x57: {  	_ =	shalt  }
0x58: {  	_ =	shalt  }
0x59: {  	_ =	shalt  }
0x5a: {  	_ =	shalt  }
0x5b: {  	_ =	shalt  }
0x5c: {  	_ =	shalt  }
0x5d: {  	_ =	shalt  }
0x5e: {  	_ =	shalt  }
0x5f: {  	_ =	shalt  }
0x60: {  	_ =	shalt  }
0x61: {  	_ =	shalt  }
0x62: {  	_ =	shalt  }
0x63: {  	_ =	shalt  }
0x64: {  	_ =	shalt  }
0x65: {  	_ =	shalt  }
0x66: {  	_ =	shalt  }
0x67: {  	_ =	shalt  }
0x68: {  	_ =	shalt  }
0x69: {  	_ =	shalt  }
0x6a: {  	_ =	shalt  }
0x6b: {  	_ =	shalt  }
0x6c: {  	_ =	shalt  }
0x6d: {  	_ =	shalt  }
0x6e: {  	_ =	shalt  }
0x6f: {  	_ =	shalt  }
0x70: {  	_ =	shalt  }
0x71: {  	_ =	shalt  }
0x72: {  	_ =	shalt  }
0x73: {  	_ =	shalt  }
0x74: {  	_ =	shalt  }
0x75: {  	_ =	shalt  }
0x76: {  	_ =	shalt  }
0x77: {  	_ =	shalt  }
0x78: {  	_ =	shalt  }
0x79: {  	_ =	shalt  }
0x7a: {  	_ =	shalt  }
0x7b: {  	_ =	shalt  }
0x7c: {  	_ =	shalt  }
0x7d: {  	_ =	shalt  }
0x7e: {  	_ =	shalt  }
0x7f: {  	_ =	shalt  }
0x80: {  	_ =	shalt  }
0x81: {  	_ =	shalt  }
0x82: {  	_ =	shalt  }
0x83: {  	_ =	shalt  }
0x84: {  	_ =	shalt  }
0x85: {  	_ =	shalt  }
0x86: {  	_ =	shalt  }
0x87: {  	_ =	shalt  }
.Lfunc_end0:
.L_simem_size_0:
called_computation_lowered:
.L_overlay_start_0:
0x88: {  	s2 =	sld [smem:$0x3FD9]  }
0x89: {  	s3 =	sld [smem:$0x3FFE];
	_ =	sdelay $0x1  }
0x8a: {  	s1 =	srdreg.scid  }
0x8b: {  	s0 =	sand.u32 $0x1, s1  }
0x8c: {  	s17 =	sshll.u32 s0, $0xA;
	s2 =	sadd.s32 s3, s2  }
0x8d: {  	s2 =	sadd.s32 s2, s17  }
0x8e: {  	[smem:$0x3FC4] =	sst s2  }
0x8f: {  	_ = 	snop  }
0x90: {  	s2 =	sld [smem:$0x3FD0];
	(tm) =	ssettm $0x1  }
0x91: {  	s18 =	sld [smem:$0x3FFB];
	_ =	sdelay $0x3  }
0x92: {  	_ =	strace s18  }
0x93: {  	s3 =	sld [smem:$0x3FFC];
	_ =	sdelay $0x3  }
0x94: {  	_ =	strace s3  }
0x95: {  	s3 =	sld [smem:$0x3FFD];
	_ =	sdelay $0x3  }
0x96: {  	_ =	strace s3  }
0x97: {  	_ =	strace $0x8FFFFFFF  }
0x98: {  	s19 =	sld [smem:$0x3FDB];
	_ =	sdelay $0x1  }
0x99: {  	s4 =	simm.s32 $_scs_section_size  }
0x9a: {  	s5 =	simm.s32 $_size__tile_overlayer_lowered;
	s6 =	simm.s32 $_tile_overlayer_lowered  }
0x9b: {  	s22 =	simm.s32 $0x1BFF;
	s21 =	sshll.u32 s6, $0x1;
	s3 =	sadd.s32 s4, s19  }
0x9c: {  	s7 =	simm.s32 $0x0;
	s20 =	sshll.u32 s5, $0x1;
	s5 =	sadd.s32 s21, s3  }
0x9d: {  	[timem:s7], [sflag:s22] =	dma.local [hbm:s5], s20  }
0x9e: {  	_ =	swait.ge [sflag:s22], s20  }
0x9f: {  	s4 =	ssub.s32 $0x0, s20;
	[sflag:s22] =	ssyncset.done $0x0  }
0xa0: {  	[sflag:s22] =	ssyncadd.s32 s4;
	_ =	sdelay $0x1  }
0xa1: {  	s23 =	simm.s32 $0x1B8B  }
0xa2: {  	_ =	swait.ge [sflag:s23], $0x1  }
0xa3: {  	[sflag:s23] =	ssyncset.done $0x0  }
0xa4: {  	s25 =	simm.s32 $0x1B8E;
	s24 =	sld [smem:$0x3FFE];
	[sflag:s23] =	ssyncadd.s32 $0xFFFFFFFF  }
0xa5: {  	s26 =	simm.s32 $execute0_lowered;
	[smem:$0x3FD2] =	sst s25  }
0xa6: {  	s5 =	sshll.u32 s26, $0x1;
	_ =	strace $0x80000046;
	[dreg:$0x1] =	wrdreg $0xFFFFFFFF  }
0xa7: {  	s28 =	simm.s32 $_size_execute0_lowered;
	s3 =	sadd.s32 s3, s5;
	[dreg:$0x0] =	wrdreg $0x0  }
0xa8: {  	s5 =	sshll.u32 s28, $0x1;
	[dreg:$0x2] =	wrdreg s3  }
0xa9: {  	[dreg:$0x3] =	wrdreg s5  }
0xaa: {  	[dreg:$0x4] =	wrdreg $0xC0  }
0xab: {  	_ =	task [dreg:s7], $0x5FFFF  }
0xac: {  	[dreg:$0x1] =	wrdreg $0xFFFFFFFF  }
0xad: {  	[dreg:$0x0] =	wrdreg $0x60  }
0xae: {  	[dreg:$0x2] =	wrdreg s2  }
0xaf: {  	[dreg:$0x3] =	wrdreg s24  }
0xb0: {  	[dreg:$0x4] =	wrdreg $0x9  }
0xb1: {  	_ =	task.clear_ibuf [dreg:s7], $0x5FFFF;
	_ =	strace $0x90000046  }
0xb2: {  	s29 =	simm.s32 $0x9;
	_ =	strace $0x80000048  }
0xb3: {  	_ =	swait.ge [sflag:s29], $0x1  }
0xb4: {  	[sflag:s29] =	ssyncadd.s32 $0xFFFFFFFF  }
0xb5: {  	_ =	strace $0x90000048  }
0xb6: {  	_ =	sfence  }
0xb7: {  	s30 =	sld [smem:$0x0];
	_ =	sdelay $0x2  }
0xb8: {  	s31 =	sshll.u32 s1, $0xD;
	s1 =	sshrl.u32 s1, $0x2  }
0xb9: {  	s3 =	sand.u32 $0x4000, s31;
	s1 =	sadd.s32 s1, s30  }
0xba: {  	s0 =	sor.u32 s3, s0;
	s1 =	sshll.u32 s1, $0x11  }
0xbb: {  	s0 =	sor.u32 s1, s0  }
0xbc: {  	s0 =	sadd.s32 $0x8F2B, s0  }
0xbd: {  	[sflag:s0] =	ssyncadd.remote.s32 $0x1  }
0xbe: {  	_ =	sfence.sel $0xFFFF  }
0xbf: {  	[dreg:$0x0] =	wrdreg $0xFFFFFFFF;
	(pc) =	sbr.abs _section_cstart, $3  }
0xc0: {  	[dreg:$0x1] =	wrdreg $0xFFFFFFFF  }
0xc1: {  	_ =	task.clear_ibuf [dreg:s7], $0x2FFFF;
	_ =	strace $0x9FFFFFFF  }
0xc2: {  	(tm) =	ssettm $0x7FFFFFFF  }
0xc3: {  	_ =	shalt  }
tec
execute0_lowered:
.L_overlay_start_1:
0x0: {  	(tag) =	ssettag $0x1  }
0x1: {  	s1 =	rddreg [dreg:$0x0]  }
0x2: {  	s4 =	rddreg [dreg:$0x1]  }
0x3: {  	s0 =	rddreg [dreg:$0x2];
	s3 =	simm.s32 $0x0;
	s5 =	srdreg.scid  }
0x4: {  	s2 =	stileid.u32;
	s9 =	simm.s32 $0x4000;
	s10 =	simm.s32 $0xC000  }
0x5: {  	s11 =	simm.s32 $0x1;
	s12 =	simm.s32 $0x14000;
	s13 =	simm.s32 $0x2  }
0x6: {  	[smem:$0x7FF] =	sst s3;
	s5 =	sand.u32 $0x1, s5;
	s6 =	sshll.u32 s2, $0x1  }
0x7: {  	s14 =	simm.s32 $0x0;
	_ =	strace $0x80000047;
	s6 =	sor.u32 s5, s6  }
0x8: {  	s5 =	ssub.s32 $0x2, s5;
	s7 =	sshll.u32 s6, $0xB;
	s6 =	sshll.u32 s6, $0xD  }
0x9: {  	s31 =	sshrl.u32 s5, $0x1;
	s7 =	sadd.s32 s7, s4;
	s6 =	sadd.s32 s6, s4  }
0xa: {  	s8 =	ssub.s32 s5, s31;
	s4 =	sadd.s32 $0x1400, s7;
	s5 =	sadd.s32 $0x11400, s6  }
0xb: {  	s6 =	smax.u32 s8, $0x1;
	s7 =	simm.s32 $0x3;
	s8 =	simm.s32 $0x100  }
.LBB2_1:
0xc: {  	[tilespmem:s3], [sflag:$0x3] =	stream.linear.gather [hbm4b:s4+s3], $0x4000, $0x38;
	[tilespmem:$0x14400] =	vst v63  }
0xd: {  	_ =	swait.ge [sflag:s7], $0x4000  }
0xe: {  	[sflag:s7] =	ssyncset.done $0x0  }
0xf: {  	s15 =	simm.s32 $0x0;
	[sflag:s7] =	ssyncadd.s32 $0xFFFFC000  }
0x10: {  	[tilespmem:s9], [sflag:$0x1] =	stream.indirect.gather [hbm4b:s1+s8], $0x80, s3, s8, $0xb8;
	[tilespmem:$0x14400] =	vst v63  }
.LBB2_2:
0x11: {  	s16 =	sshllo.u32 s15, $0x1  }
0x12: {  	s17 =	sshll.u32 s16, $0x8  }
0x13: {  	s17 =	sand.u32 $0x3FFFFF00, s17  }
0x14: {  	[tilespmem:s10], [sflag:$0x2] =	stream.indirect.gather [hbm4b:s1+s8], $0x80, s17, s8, $0xb8;
	[tilespmem:$0x14400] =	vst v63  }
0x15: {  	_ =	swait.ge [sflag:s11], $0x8000  }
0x16: {  	[sflag:s11] =	ssyncset.done $0x0  }
0x17: {  	[sflag:s11] =	ssyncadd.s32 $0xFFFF8000  }
0x18: {  	v8 =	vld [tilespmem:$0x4000]  }
0x19: {  	v11 =	vld [tilespmem:$0x4010]  }
0x1a: {  	v4 =	vld [tilespmem:$0x4020]  }
0x1b: {  	v3 =	vld [tilespmem:$0x4030]  }
0x1c: {  	v2 =	vld [tilespmem:$0x4040]  }
0x1d: {  	v1 =	vld [tilespmem:$0x4050]  }
0x1e: {  	v0 =	vld [tilespmem:$0x4060]  }
0x1f: {  	s19 =	simm.s32 $0x0;
	v5 =	vld [tilespmem:$0x4070]  }
0x20: {  	v10 =	vld [tilespmem:s19+$0x40F0]  }
0x21: {  	v13 =	vld [tilespmem:s19+$0x4080]  }
0x22: {  	v14 =	vld [tilespmem:s19+$0x4090]  }
0x23: {  	v12 =	vld [tilespmem:s19+$0x40A0]  }
0x24: {  	v9 =	vld [tilespmem:s19+$0x40B0]  }
0x25: {  	v7 =	vld [tilespmem:s19+$0x40C0]  }
0x26: {  	v6 =	vld [tilespmem:s19+$0x40D0]  }
0x27: {  	s18 =	simm.s32 $0x400;
	s17 =	simm.s32 $0x80;
	v5 =	vmax.f32 v5, v10;
	v10 =	vmax.f32 v8, v13;
	v11 =	vmax.f32 v11, v14;
	v8 =	vld [tilespmem:s19+$0x40E0]  }
.LBB2_3:
0x28: {  	p0 =	sne.s32 s18, $0x3C00;
	v13 =	vld [tilespmem:s17+$0x40F0];
	v4 =	vmax.f32 v4, v12  }
0x29: {  	v14 =	vld [tilespmem:s17+$0x4080];
	v3 =	vmax.f32 v3, v9  }
0x2a: {  	v15 =	vld [tilespmem:s17+$0x4090];
	v2 =	vmax.f32 v2, v7  }
.Ltmp0:
0x2b: {  	v12 =	vld [tilespmem:s17+$0x40A0];
	v1 =	vmax.f32 v1, v6;
	(pc) =	sbr.rel @p0 .LBB2_3-.Ltmp0, $4  }
0x2c: {  	v9 =	vld [tilespmem:s17+$0x40B0];
	v0 =	vmax.f32 v0, v8  }
0x2d: {  	v7 =	vld [tilespmem:s17+$0x40C0];
	v5 =	vmax.f32 v5, v13  }
0x2e: {  	v10 =	vmax.f32 v10, v14;
	v6 =	vld [tilespmem:s17+$0x40D0]  }
0x2f: {  	v11 =	vmax.f32 v11, v15;
	v8 =	vld [tilespmem:s17+$0x40E0];
	s17 =	sshra.s32 s18, $0x2;
	s18 =	sadd.s32 $0x200, s18  }
0x30: {  	v13 =	vld [tilespmem:s17+$0x40F0]  }
0x31: {  	v14 =	vld [tilespmem:s17+$0x4080]  }
0x32: {  	v15 =	vld [tilespmem:s17+$0x4090]  }
0x33: {  	v16 =	vld [tilespmem:s17+$0x40A0]  }
0x34: {  	v17 =	vld [tilespmem:s17+$0x40B0]  }
0x35: {  	v18 =	vld [tilespmem:s17+$0x40C0]  }
0x36: {  	v19 =	vld [tilespmem:s17+$0x40D0]  }
0x37: {  	v7 =	vmax.f32 v2, v7;
	v2 =	vld [tilespmem:$0x5020];
	v10 =	vmax.f32 v10, v14  }
0x38: {  	v4 =	vmax.f32 v4, v12;
	v14 =	vld [tilespmem:s17+$0x40E0];
	v11 =	vmax.f32 v11, v15;
	[tilespmem:$0x14000] =	vst v10  }
0x39: {  	v3 =	vmax.f32 v3, v9;
	v4 =	vmax.f32 v4, v16;
	v10 =	vld [tilespmem:$0x5000];
	[tilespmem:$0x14010] =	vst v11  }
0x3a: {  	v1 =	vmax.f32 v1, v6;
	v3 =	vmax.f32 v3, v17;
	v11 =	vld [tilespmem:$0x5010];
	[tilespmem:$0x14020] =	vst v4  }
0x3b: {  	v1 =	vmax.f32 v1, v19;
	[tilespmem:$0x14030] =	vst v3;
	v3 =	vld [tilespmem:$0x5030]  }
0x3c: {  	v5 =	vmax.f32 v5, v13;
	[tilespmem:$0x14050] =	vst v1;
	v1 =	vld [tilespmem:$0x5050]  }
0x3d: {  	v0 =	vmax.f32 v0, v8;
	v4 =	vmax.f32 v7, v18;
	[tilespmem:$0x14070] =	vst v5;
	v5 =	vld [tilespmem:$0x5070]  }
0x3e: {  	[tilespmem:$0x14040] =	vst v4;
	v4 =	vld [tilespmem:$0x5040];
	v0 =	vmax.f32 v0, v14  }
0x3f: {  	s19 =	simm.s32 $0x0;
	[tilespmem:$0x14060] =	vst v0;
	v0 =	vld [tilespmem:$0x5060]  }
0x40: {  	v8 =	vld [tilespmem:s19+$0x50F0]  }
0x41: {  	v13 =	vld [tilespmem:s19+$0x5080]  }
0x42: {  	v14 =	vld [tilespmem:s19+$0x5090]  }
0x43: {  	v12 =	vld [tilespmem:s19+$0x50A0]  }
0x44: {  	v9 =	vld [tilespmem:s19+$0x50B0]  }
0x45: {  	v7 =	vld [tilespmem:s19+$0x50C0]  }
0x46: {  	v6 =	vld [tilespmem:s19+$0x50D0]  }
0x47: {  	s18 =	simm.s32 $0x400;
	s17 =	simm.s32 $0x80;
	v5 =	vmax.f32 v5, v8;
	v10 =	vmax.f32 v10, v13;
	v11 =	vmax.f32 v11, v14;
	v8 =	vld [tilespmem:s19+$0x50E0]  }
.LBB2_5:
0x48: {  	p0 =	sne.s32 s18, $0x3C00;
	v13 =	vld [tilespmem:s17+$0x50F0];
	v2 =	vmax.f32 v2, v12  }
0x49: {  	v14 =	vld [tilespmem:s17+$0x5080];
	v3 =	vmax.f32 v3, v9  }
0x4a: {  	v15 =	vld [tilespmem:s17+$0x5090];
	v4 =	vmax.f32 v4, v7  }
.Ltmp1:
0x4b: {  	v12 =	vld [tilespmem:s17+$0x50A0];
	v1 =	vmax.f32 v1, v6;
	(pc) =	sbr.rel @p0 .LBB2_5-.Ltmp1, $4  }
0x4c: {  	v9 =	vld [tilespmem:s17+$0x50B0];
	v0 =	vmax.f32 v0, v8  }
0x4d: {  	v7 =	vld [tilespmem:s17+$0x50C0];
	v5 =	vmax.f32 v5, v13  }
0x4e: {  	v10 =	vmax.f32 v10, v14;
	v6 =	vld [tilespmem:s17+$0x50D0]  }
0x4f: {  	v11 =	vmax.f32 v11, v15;
	v8 =	vld [tilespmem:s17+$0x50E0];
	s17 =	sshra.s32 s18, $0x2;
	s18 =	sadd.s32 $0x200, s18  }
0x50: {  	v13 =	vld [tilespmem:s17+$0x50F0]  }
0x51: {  	v14 =	vld [tilespmem:s17+$0x5080]  }
0x52: {  	v15 =	vld [tilespmem:s17+$0x5090]  }
0x53: {  	v16 =	vld [tilespmem:s17+$0x50A0]  }
0x54: {  	v17 =	vld [tilespmem:s17+$0x50B0]  }
0x55: {  	v18 =	vld [tilespmem:s17+$0x50C0]  }
0x56: {  	v19 =	vld [tilespmem:s17+$0x50D0]  }
0x57: {  	v10 =	vmax.f32 v10, v14;
	v14 =	vld [tilespmem:s17+$0x50E0]  }
0x58: {  	v2 =	vmax.f32 v2, v12;
	v11 =	vmax.f32 v11, v15;
	[tilespmem:$0x14080] =	vst v10;
	v10 =	vld [tilespmem:$0x6000]  }
0x59: {  	v3 =	vmax.f32 v3, v9;
	v2 =	vmax.f32 v2, v16;
	[tilespmem:$0x14090] =	vst v11;
	v11 =	vld [tilespmem:$0x6010]  }
0x5a: {  	v4 =	vmax.f32 v4, v7;
	v3 =	vmax.f32 v3, v17;
	[tilespmem:$0x140A0] =	vst v2;
	v2 =	vld [tilespmem:$0x6020]  }
0x5b: {  	v1 =	vmax.f32 v1, v6;
	v4 =	vmax.f32 v4, v18;
	[tilespmem:$0x140B0] =	vst v3;
	v3 =	vld [tilespmem:$0x6030]  }
0x5c: {  	v1 =	vmax.f32 v1, v19;
	[tilespmem:$0x140C0] =	vst v4;
	v4 =	vld [tilespmem:$0x6040]  }
0x5d: {  	v0 =	vmax.f32 v0, v8;
	v5 =	vmax.f32 v5, v13;
	[tilespmem:$0x140D0] =	vst v1;
	v1 =	vld [tilespmem:$0x6050]  }
0x5e: {  	[tilespmem:$0x140F0] =	vst v5;
	v5 =	vld [tilespmem:$0x6070];
	v0 =	vmax.f32 v0, v14  }
0x5f: {  	s19 =	simm.s32 $0x0;
	[tilespmem:$0x140E0] =	vst v0;
	v0 =	vld [tilespmem:$0x6060]  }
0x60: {  	v8 =	vld [tilespmem:s19+$0x60F0]  }
0x61: {  	v13 =	vld [tilespmem:s19+$0x6080]  }
0x62: {  	v14 =	vld [tilespmem:s19+$0x6090]  }
0x63: {  	v12 =	vld [tilespmem:s19+$0x60A0]  }
0x64: {  	v9 =	vld [tilespmem:s19+$0x60B0]  }
0x65: {  	v7 =	vld [tilespmem:s19+$0x60C0]  }
0x66: {  	v6 =	vld [tilespmem:s19+$0x60D0]  }
0x67: {  	s18 =	simm.s32 $0x400;
	s17 =	simm.s32 $0x80;
	v5 =	vmax.f32 v5, v8;
	v10 =	vmax.f32 v10, v13;
	v11 =	vmax.f32 v11, v14;
	v8 =	vld [tilespmem:s19+$0x60E0]  }
.LBB2_7:
0x68: {  	p0 =	sne.s32 s18, $0x3C00;
	v13 =	vld [tilespmem:s17+$0x60F0];
	v2 =	vmax.f32 v2, v12  }
0x69: {  	v14 =	vld [tilespmem:s17+$0x6080];
	v3 =	vmax.f32 v3, v9  }
0x6a: {  	v15 =	vld [tilespmem:s17+$0x6090];
	v4 =	vmax.f32 v4, v7  }
.Ltmp2:
0x6b: {  	v12 =	vld [tilespmem:s17+$0x60A0];
	v1 =	vmax.f32 v1, v6;
	(pc) =	sbr.rel @p0 .LBB2_7-.Ltmp2, $4  }
0x6c: {  	v9 =	vld [tilespmem:s17+$0x60B0];
	v0 =	vmax.f32 v0, v8  }
0x6d: {  	v7 =	vld [tilespmem:s17+$0x60C0];
	v5 =	vmax.f32 v5, v13  }
0x6e: {  	v10 =	vmax.f32 v10, v14;
	v6 =	vld [tilespmem:s17+$0x60D0]  }
0x6f: {  	v11 =	vmax.f32 v11, v15;
	v8 =	vld [tilespmem:s17+$0x60E0];
	s17 =	sshra.s32 s18, $0x2;
	s18 =	sadd.s32 $0x200, s18  }
0x70: {  	v13 =	vld [tilespmem:s17+$0x60F0]  }
0x71: {  	v14 =	vld [tilespmem:s17+$0x6080]  }
0x72: {  	v15 =	vld [tilespmem:s17+$0x6090]  }
0x73: {  	v16 =	vld [tilespmem:s17+$0x60A0]  }
0x74: {  	v17 =	vld [tilespmem:s17+$0x60B0]  }
0x75: {  	v18 =	vld [tilespmem:s17+$0x60C0]  }
0x76: {  	v19 =	vld [tilespmem:s17+$0x60D0]  }
0x77: {  	v10 =	vmax.f32 v10, v14;
	v14 =	vld [tilespmem:s17+$0x60E0]  }
0x78: {  	v2 =	vmax.f32 v2, v12;
	v11 =	vmax.f32 v11, v15;
	[tilespmem:$0x14100] =	vst v10;
	v10 =	vld [tilespmem:$0x7000]  }
0x79: {  	v3 =	vmax.f32 v3, v9;
	v2 =	vmax.f32 v2, v16;
	[tilespmem:$0x14110] =	vst v11;
	v11 =	vld [tilespmem:$0x7010]  }
0x7a: {  	v4 =	vmax.f32 v4, v7;
	v3 =	vmax.f32 v3, v17;
	[tilespmem:$0x14120] =	vst v2;
	v2 =	vld [tilespmem:$0x7020]  }
0x7b: {  	v1 =	vmax.f32 v1, v6;
	v4 =	vmax.f32 v4, v18;
	[tilespmem:$0x14130] =	vst v3;
	v3 =	vld [tilespmem:$0x7030]  }
0x7c: {  	v1 =	vmax.f32 v1, v19;
	[tilespmem:$0x14140] =	vst v4;
	v4 =	vld [tilespmem:$0x7040]  }
0x7d: {  	v0 =	vmax.f32 v0, v8;
	v5 =	vmax.f32 v5, v13;
	[tilespmem:$0x14150] =	vst v1;
	v1 =	vld [tilespmem:$0x7050]  }
0x7e: {  	[tilespmem:$0x14170] =	vst v5;
	v5 =	vld [tilespmem:$0x7070];
	v0 =	vmax.f32 v0, v14  }
0x7f: {  	s19 =	simm.s32 $0x0;
	[tilespmem:$0x14160] =	vst v0;
	v0 =	vld [tilespmem:$0x7060]  }
0x80: {  	v8 =	vld [tilespmem:s19+$0x70F0]  }
0x81: {  	v13 =	vld [tilespmem:s19+$0x7080]  }
0x82: {  	v14 =	vld [tilespmem:s19+$0x7090]  }
0x83: {  	v12 =	vld [tilespmem:s19+$0x70A0]  }
0x84: {  	v9 =	vld [tilespmem:s19+$0x70B0]  }
0x85: {  	v7 =	vld [tilespmem:s19+$0x70C0]  }
0x86: {  	v6 =	vld [tilespmem:s19+$0x70D0]  }
0x87: {  	s18 =	simm.s32 $0x400;
	s17 =	simm.s32 $0x80;
	v5 =	vmax.f32 v5, v8;
	v10 =	vmax.f32 v10, v13;
	v11 =	vmax.f32 v11, v14;
	v8 =	vld [tilespmem:s19+$0x70E0]  }
.LBB2_9:
0x88: {  	p0 =	sne.s32 s18, $0x3C00;
	v13 =	vld [tilespmem:s17+$0x70F0];
	v2 =	vmax.f32 v2, v12  }
0x89: {  	v14 =	vld [tilespmem:s17+$0x7080];
	v3 =	vmax.f32 v3, v9  }
0x8a: {  	v15 =	vld [tilespmem:s17+$0x7090];
	v4 =	vmax.f32 v4, v7  }
.Ltmp3:
0x8b: {  	v12 =	vld [tilespmem:s17+$0x70A0];
	v1 =	vmax.f32 v1, v6;
	(pc) =	sbr.rel @p0 .LBB2_9-.Ltmp3, $4  }
0x8c: {  	v9 =	vld [tilespmem:s17+$0x70B0];
	v0 =	vmax.f32 v0, v8  }
0x8d: {  	v7 =	vld [tilespmem:s17+$0x70C0];
	v5 =	vmax.f32 v5, v13  }
0x8e: {  	v10 =	vmax.f32 v10, v14;
	v6 =	vld [tilespmem:s17+$0x70D0]  }
0x8f: {  	v11 =	vmax.f32 v11, v15;
	v8 =	vld [tilespmem:s17+$0x70E0];
	s17 =	sshra.s32 s18, $0x2;
	s18 =	sadd.s32 $0x200, s18  }
0x90: {  	v13 =	vld [tilespmem:s17+$0x70F0]  }
0x91: {  	v14 =	vld [tilespmem:s17+$0x7080]  }
0x92: {  	v15 =	vld [tilespmem:s17+$0x7090]  }
0x93: {  	v16 =	vld [tilespmem:s17+$0x70A0]  }
0x94: {  	v17 =	vld [tilespmem:s17+$0x70B0]  }
0x95: {  	v18 =	vld [tilespmem:s17+$0x70C0]  }
0x96: {  	v19 =	vld [tilespmem:s17+$0x70D0]  }
0x97: {  	v10 =	vmax.f32 v10, v14;
	v14 =	vld [tilespmem:s17+$0x70E0]  }
0x98: {  	v2 =	vmax.f32 v2, v12;
	v11 =	vmax.f32 v11, v15;
	[tilespmem:$0x14180] =	vst v10;
	v10 =	vld [tilespmem:$0x8000]  }
0x99: {  	v3 =	vmax.f32 v3, v9;
	v2 =	vmax.f32 v2, v16;
	[tilespmem:$0x14190] =	vst v11;
	v11 =	vld [tilespmem:$0x8010]  }
0x9a: {  	v4 =	vmax.f32 v4, v7;
	v3 =	vmax.f32 v3, v17;
	[tilespmem:$0x141A0] =	vst v2;
	v2 =	vld [tilespmem:$0x8020]  }
0x9b: {  	v1 =	vmax.f32 v1, v6;
	v4 =	vmax.f32 v4, v18;
	[tilespmem:$0x141B0] =	vst v3;
	v3 =	vld [tilespmem:$0x8030]  }
0x9c: {  	v1 =	vmax.f32 v1, v19;
	[tilespmem:$0x141C0] =	vst v4;
	v4 =	vld [tilespmem:$0x8040]  }
0x9d: {  	v0 =	vmax.f32 v0, v8;
	v5 =	vmax.f32 v5, v13;
	[tilespmem:$0x141D0] =	vst v1;
	v1 =	vld [tilespmem:$0x8050]  }
0x9e: {  	[tilespmem:$0x141F0] =	vst v5;
	v5 =	vld [tilespmem:$0x8070];
	v0 =	vmax.f32 v0, v14  }
0x9f: {  	s19 =	simm.s32 $0x0;
	[tilespmem:$0x141E0] =	vst v0;
	v0 =	vld [tilespmem:$0x8060]  }
0xa0: {  	v8 =	vld [tilespmem:s19+$0x80F0]  }
0xa1: {  	v13 =	vld [tilespmem:s19+$0x8080]  }
0xa2: {  	v14 =	vld [tilespmem:s19+$0x8090]  }
0xa3: {  	v12 =	vld [tilespmem:s19+$0x80A0]  }
0xa4: {  	v9 =	vld [tilespmem:s19+$0x80B0]  }
0xa5: {  	v7 =	vld [tilespmem:s19+$0x80C0]  }
0xa6: {  	v6 =	vld [tilespmem:s19+$0x80D0]  }
0xa7: {  	s18 =	simm.s32 $0x400;
	s17 =	simm.s32 $0x80;
	v5 =	vmax.f32 v5, v8;
	v10 =	vmax.f32 v10, v13;
	v11 =	vmax.f32 v11, v14;
	v8 =	vld [tilespmem:s19+$0x80E0]  }
.LBB2_11:
0xa8: {  	p0 =	sne.s32 s18, $0x3C00;
	v13 =	vld [tilespmem:s17+$0x80F0];
	v2 =	vmax.f32 v2, v12  }
0xa9: {  	v14 =	vld [tilespmem:s17+$0x8080];
	v3 =	vmax.f32 v3, v9  }
0xaa: {  	v15 =	vld [tilespmem:s17+$0x8090];
	v4 =	vmax.f32 v4, v7  }
.Ltmp4:
0xab: {  	v12 =	vld [tilespmem:s17+$0x80A0];
	v1 =	vmax.f32 v1, v6;
	(pc) =	sbr.rel @p0 .LBB2_11-.Ltmp4, $4  }
0xac: {  	v9 =	vld [tilespmem:s17+$0x80B0];
	v0 =	vmax.f32 v0, v8  }
0xad: {  	v7 =	vld [tilespmem:s17+$0x80C0];
	v5 =	vmax.f32 v5, v13  }
0xae: {  	v10 =	vmax.f32 v10, v14;
	v6 =	vld [tilespmem:s17+$0x80D0]  }
0xaf: {  	v11 =	vmax.f32 v11, v15;
	v8 =	vld [tilespmem:s17+$0x80E0];
	s17 =	sshra.s32 s18, $0x2;
	s18 =	sadd.s32 $0x200, s18  }
0xb0: {  	v13 =	vld [tilespmem:s17+$0x80F0]  }
0xb1: {  	v14 =	vld [tilespmem:s17+$0x8080]  }
0xb2: {  	v15 =	vld [tilespmem:s17+$0x8090]  }
0xb3: {  	v16 =	vld [tilespmem:s17+$0x80A0]  }
0xb4: {  	v17 =	vld [tilespmem:s17+$0x80B0]  }
0xb5: {  	v18 =	vld [tilespmem:s17+$0x80C0]  }
0xb6: {  	v19 =	vld [tilespmem:s17+$0x80D0]  }
0xb7: {  	v10 =	vmax.f32 v10, v14;
	v14 =	vld [tilespmem:s17+$0x80E0]  }
0xb8: {  	v2 =	vmax.f32 v2, v12;
	v11 =	vmax.f32 v11, v15;
	[tilespmem:$0x14200] =	vst v10;
	v10 =	vld [tilespmem:$0x9000]  }
0xb9: {  	v3 =	vmax.f32 v3, v9;
	v2 =	vmax.f32 v2, v16;
	[tilespmem:$0x14210] =	vst v11;
	v11 =	vld [tilespmem:$0x9010]  }
0xba: {  	v4 =	vmax.f32 v4, v7;
	v3 =	vmax.f32 v3, v17;
	[tilespmem:$0x14220] =	vst v2;
	v2 =	vld [tilespmem:$0x9020]  }
0xbb: {  	v1 =	vmax.f32 v1, v6;
	v4 =	vmax.f32 v4, v18;
	[tilespmem:$0x14230] =	vst v3;
	v3 =	vld [tilespmem:$0x9030]  }
0xbc: {  	v1 =	vmax.f32 v1, v19;
	[tilespmem:$0x14240] =	vst v4;
	v4 =	vld [tilespmem:$0x9040]  }
0xbd: {  	v0 =	vmax.f32 v0, v8;
	v5 =	vmax.f32 v5, v13;
	[tilespmem:$0x14250] =	vst v1;
	v1 =	vld [tilespmem:$0x9050]  }
0xbe: {  	[tilespmem:$0x14270] =	vst v5;
	v5 =	vld [tilespmem:$0x9070];
	v0 =	vmax.f32 v0, v14  }
0xbf: {  	s19 =	simm.s32 $0x0;
	[tilespmem:$0x14260] =	vst v0;
	v0 =	vld [tilespmem:$0x9060]  }
0xc0: {  	v8 =	vld [tilespmem:s19+$0x90F0]  }
0xc1: {  	v13 =	vld [tilespmem:s19+$0x9080]  }
0xc2: {  	v14 =	vld [tilespmem:s19+$0x9090]  }
0xc3: {  	v12 =	vld [tilespmem:s19+$0x90A0]  }
0xc4: {  	v9 =	vld [tilespmem:s19+$0x90B0]  }
0xc5: {  	v7 =	vld [tilespmem:s19+$0x90C0]  }
0xc6: {  	v6 =	vld [tilespmem:s19+$0x90D0]  }
0xc7: {  	s18 =	simm.s32 $0x400;
	s17 =	simm.s32 $0x80;
	v5 =	vmax.f32 v5, v8;
	v10 =	vmax.f32 v10, v13;
	v11 =	vmax.f32 v11, v14;
	v8 =	vld [tilespmem:s19+$0x90E0]  }
.LBB2_13:
0xc8: {  	p0 =	sne.s32 s18, $0x3C00;
	v13 =	vld [tilespmem:s17+$0x90F0];
	v2 =	vmax.f32 v2, v12  }
0xc9: {  	v14 =	vld [tilespmem:s17+$0x9080];
	v3 =	vmax.f32 v3, v9  }
0xca: {  	v15 =	vld [tilespmem:s17+$0x9090];
	v4 =	vmax.f32 v4, v7  }
.Ltmp5:
0xcb: {  	v12 =	vld [tilespmem:s17+$0x90A0];
	v1 =	vmax.f32 v1, v6;
	(pc) =	sbr.rel @p0 .LBB2_13-.Ltmp5, $4  }
0xcc: {  	v9 =	vld [tilespmem:s17+$0x90B0];
	v0 =	vmax.f32 v0, v8  }
0xcd: {  	v7 =	vld [tilespmem:s17+$0x90C0];
	v5 =	vmax.f32 v5, v13  }
0xce: {  	v10 =	vmax.f32 v10, v14;
	v6 =	vld [tilespmem:s17+$0x90D0]  }
0xcf: {  	v11 =	vmax.f32 v11, v15;
	v8 =	vld [tilespmem:s17+$0x90E0];
	s17 =	sshra.s32 s18, $0x2;
	s18 =	sadd.s32 $0x200, s18  }
0xd0: {  	v13 =	vld [tilespmem:s17+$0x90F0]  }
0xd1: {  	v14 =	vld [tilespmem:s17+$0x9080]  }
0xd2: {  	v15 =	vld [tilespmem:s17+$0x9090]  }
0xd3: {  	v16 =	vld [tilespmem:s17+$0x90A0]  }
0xd4: {  	v17 =	vld [tilespmem:s17+$0x90B0]  }
0xd5: {  	v18 =	vld [tilespmem:s17+$0x90C0]  }
0xd6: {  	v19 =	vld [tilespmem:s17+$0x90D0]  }
0xd7: {  	v10 =	vmax.f32 v10, v14;
	v14 =	vld [tilespmem:s17+$0x90E0]  }
0xd8: {  	v2 =	vmax.f32 v2, v12;
	v11 =	vmax.f32 v11, v15;
	[tilespmem:$0x14280] =	vst v10;
	v10 =	vld [tilespmem:$0xA000]  }
0xd9: {  	v3 =	vmax.f32 v3, v9;
	v2 =	vmax.f32 v2, v16;
	[tilespmem:$0x14290] =	vst v11;
	v11 =	vld [tilespmem:$0xA010]  }
0xda: {  	v4 =	vmax.f32 v4, v7;
	v3 =	vmax.f32 v3, v17;
	[tilespmem:$0x142A0] =	vst v2;
	v2 =	vld [tilespmem:$0xA020]  }
0xdb: {  	v1 =	vmax.f32 v1, v6;
	v4 =	vmax.f32 v4, v18;
	[tilespmem:$0x142B0] =	vst v3;
	v3 =	vld [tilespmem:$0xA030]  }
0xdc: {  	v1 =	vmax.f32 v1, v19;
	[tilespmem:$0x142C0] =	vst v4;
	v4 =	vld [tilespmem:$0xA040]  }
0xdd: {  	v0 =	vmax.f32 v0, v8;
	v5 =	vmax.f32 v5, v13;
	[tilespmem:$0x142D0] =	vst v1;
	v1 =	vld [tilespmem:$0xA050]  }
0xde: {  	[tilespmem:$0x142F0] =	vst v5;
	v5 =	vld [tilespmem:$0xA070];
	v0 =	vmax.f32 v0, v14  }
0xdf: {  	s19 =	simm.s32 $0x0;
	[tilespmem:$0x142E0] =	vst v0;
	v0 =	vld [tilespmem:$0xA060]  }
0xe0: {  	v8 =	vld [tilespmem:s19+$0xA0F0]  }
0xe1: {  	v13 =	vld [tilespmem:s19+$0xA080]  }
0xe2: {  	v14 =	vld [tilespmem:s19+$0xA090]  }
0xe3: {  	v12 =	vld [tilespmem:s19+$0xA0A0]  }
0xe4: {  	v9 =	vld [tilespmem:s19+$0xA0B0]  }
0xe5: {  	v7 =	vld [tilespmem:s19+$0xA0C0]  }
0xe6: {  	v6 =	vld [tilespmem:s19+$0xA0D0]  }
0xe7: {  	s18 =	simm.s32 $0x400;
	s17 =	simm.s32 $0x80;
	v5 =	vmax.f32 v5, v8;
	v10 =	vmax.f32 v10, v13;
	v11 =	vmax.f32 v11, v14;
	v8 =	vld [tilespmem:s19+$0xA0E0]  }
.LBB2_15:
0xe8: {  	p0 =	sne.s32 s18, $0x3C00;
	v13 =	vld [tilespmem:s17+$0xA0F0];
	v2 =	vmax.f32 v2, v12  }
0xe9: {  	v14 =	vld [tilespmem:s17+$0xA080];
	v3 =	vmax.f32 v3, v9  }
0xea: {  	v15 =	vld [tilespmem:s17+$0xA090];
	v4 =	vmax.f32 v4, v7  }
.Ltmp6:
0xeb: {  	v12 =	vld [tilespmem:s17+$0xA0A0];
	v1 =	vmax.f32 v1, v6;
	(pc) =	sbr.rel @p0 .LBB2_15-.Ltmp6, $4  }
0xec: {  	v9 =	vld [tilespmem:s17+$0xA0B0];
	v0 =	vmax.f32 v0, v8  }
0xed: {  	v7 =	vld [tilespmem:s17+$0xA0C0];
	v5 =	vmax.f32 v5, v13  }
0xee: {  	v10 =	vmax.f32 v10, v14;
	v6 =	vld [tilespmem:s17+$0xA0D0]  }
0xef: {  	v11 =	vmax.f32 v11, v15;
	v8 =	vld [tilespmem:s17+$0xA0E0];
	s17 =	sshra.s32 s18, $0x2;
	s18 =	sadd.s32 $0x200, s18  }
0xf0: {  	v13 =	vld [tilespmem:s17+$0xA0F0]  }
0xf1: {  	v14 =	vld [tilespmem:s17+$0xA080]  }
0xf2: {  	v15 =	vld [tilespmem:s17+$0xA090]  }
0xf3: {  	v16 =	vld [tilespmem:s17+$0xA0A0]  }
0xf4: {  	v17 =	vld [tilespmem:s17+$0xA0B0]  }
0xf5: {  	v18 =	vld [tilespmem:s17+$0xA0C0]  }
0xf6: {  	v19 =	vld [tilespmem:s17+$0xA0D0]  }
0xf7: {  	v3 =	vmax.f32 v3, v9;
	v9 =	vld [tilespmem:$0xB010];
	v10 =	vmax.f32 v10, v14  }
0xf8: {  	v2 =	vmax.f32 v2, v12;
	v14 =	vld [tilespmem:s17+$0xA0E0];
	v11 =	vmax.f32 v11, v15;
	[tilespmem:$0x14300] =	vst v10  }
0xf9: {  	v6 =	vmax.f32 v1, v6;
	v1 =	vld [tilespmem:$0xB030];
	v2 =	vmax.f32 v2, v16;
	[tilespmem:$0x14310] =	vst v11  }
0xfa: {  	v4 =	vmax.f32 v4, v7;
	v3 =	vmax.f32 v3, v17;
	v10 =	vld [tilespmem:$0xB000];
	[tilespmem:$0x14320] =	vst v2  }
0xfb: {  	v4 =	vmax.f32 v4, v18;
	v2 =	vld [tilespmem:$0xB020];
	[tilespmem:$0x14330] =	vst v3  }
0xfc: {  	v5 =	vmax.f32 v5, v13;
	v3 =	vmax.f32 v0, v8;
	[tilespmem:$0x14340] =	vst v4;
	v0 =	vld [tilespmem:$0xB040]  }
0xfd: {  	v6 =	vmax.f32 v6, v19;
	[tilespmem:$0x14370] =	vst v5;
	v5 =	vld [tilespmem:$0xB070]  }
0xfe: {  	[tilespmem:$0x14350] =	vst v6;
	v4 =	vmax.f32 v3, v14;
	v3 =	vld [tilespmem:$0xB050]  }
0xff: {  	s19 =	simm.s32 $0x0;
	[tilespmem:$0x14360] =	vst v4;
	v4 =	vld [tilespmem:$0xB060]  }
0x100: {  	v11 =	vld [tilespmem:s19+$0xB0F0]  }
0x101: {  	v13 =	vld [tilespmem:s19+$0xB080]  }
0x102: {  	v14 =	vld [tilespmem:s19+$0xB090]  }
0x103: {  	v12 =	vld [tilespmem:s19+$0xB0A0]  }
0x104: {  	v8 =	vld [tilespmem:s19+$0xB0B0]  }
0x105: {  	v7 =	vld [tilespmem:s19+$0xB0C0]  }
0x106: {  	v6 =	vld [tilespmem:s19+$0xB0D0]  }
0x107: {  	s18 =	simm.s32 $0x400;
	s17 =	simm.s32 $0x80;
	v5 =	vmax.f32 v5, v11;
	v10 =	vmax.f32 v10, v13;
	v11 =	vmax.f32 v9, v14;
	v9 =	vld [tilespmem:s19+$0xB0E0]  }
.LBB2_17:
0x108: {  	p0 =	sne.s32 s18, $0x3C00;
	v13 =	vld [tilespmem:s17+$0xB0F0];
	v2 =	vmax.f32 v2, v12  }
0x109: {  	v14 =	vld [tilespmem:s17+$0xB080];
	v1 =	vmax.f32 v1, v8  }
0x10a: {  	v15 =	vld [tilespmem:s17+$0xB090];
	v0 =	vmax.f32 v0, v7  }
.Ltmp7:
0x10b: {  	v12 =	vld [tilespmem:s17+$0xB0A0];
	v3 =	vmax.f32 v3, v6;
	(pc) =	sbr.rel @p0 .LBB2_17-.Ltmp7, $4  }
0x10c: {  	v8 =	vld [tilespmem:s17+$0xB0B0];
	v4 =	vmax.f32 v4, v9  }
0x10d: {  	v7 =	vld [tilespmem:s17+$0xB0C0];
	v5 =	vmax.f32 v5, v13  }
0x10e: {  	v10 =	vmax.f32 v10, v14;
	v6 =	vld [tilespmem:s17+$0xB0D0]  }
0x10f: {  	v11 =	vmax.f32 v11, v15;
	v9 =	vld [tilespmem:s17+$0xB0E0];
	s17 =	sshra.s32 s18, $0x2;
	s18 =	sadd.s32 $0x200, s18  }
0x110: {  	v13 =	vld [tilespmem:s17+$0xB0F0]  }
0x111: {  	v14 =	vld [tilespmem:s17+$0xB080]  }
0x112: {  	v15 =	vld [tilespmem:s17+$0xB090]  }
0x113: {  	v16 =	vld [tilespmem:s17+$0xB0A0]  }
0x114: {  	v17 =	vld [tilespmem:s17+$0xB0B0]  }
0x115: {  	v18 =	vld [tilespmem:s17+$0xB0C0]  }
0x116: {  	v19 =	vld [tilespmem:s17+$0xB0D0];
	v10 =	vmax.f32 v10, v14  }
0x117: {  	v2 =	vmax.f32 v2, v12;
	v14 =	vld [tilespmem:s17+$0xB0E0];
	v11 =	vmax.f32 v11, v15;
	[tilespmem:$0x14380] =	vst v10  }
0x118: {  	v1 =	vmax.f32 v1, v8;
	v2 =	vmax.f32 v2, v16;
	[tilespmem:$0x14390] =	vst v11  }
0x119: {  	v0 =	vmax.f32 v0, v7;
	v1 =	vmax.f32 v1, v17;
	[tilespmem:$0x143A0] =	vst v2  }
0x11a: {  	v0 =	vmax.f32 v0, v18;
	v2 =	vmax.f32 v3, v6;
	[tilespmem:$0x143B0] =	vst v1  }
0x11b: {  	v1 =	vmax.f32 v4, v9;
	[tilespmem:$0x143C0] =	vst v0;
	v2 =	vmax.f32 v2, v19  }
0x11c: {  	[tilespmem:$0x143D0] =	vst v2;
	v0 =	vmax.f32 v1, v14  }
0x11d: {  	s30 =	sshll.u32 s15, $0x8;
	v1 =	vmax.f32 v5, v13;
	[tilespmem:$0x143E0] =	vst v0  }
0x11e: {  	p0 =	seq.s32 s15, $0x1F;
	s17 =	sadd.s32 s30, s5;
	[tilespmem:$0x143F0] =	vst v1  }
0x11f: {  	[hbm4b:s17+s3] =	stream.linear.scatter [tilespmem:s12], [sflag:$0x3], $0x400, $0x38;
	[tilespmem:$0x14400] =	vst v63  }
0x120: {  	s17 =	sshll.u32 @!p0 s15, $0x9;
	_ =	swait.ge [sflag:s7], $0x400  }
0x121: {  	s18 =	simm.s32 @!p0 $0x100;
	s17 =	sand.u32 @!p0 $0x3FFFFE00, s17;
	[sflag:s7] =	ssyncset.done $0x0  }
0x122: {  	s19 =	simm.s32 @!p0 $0x4000;
	s17 =	sadd.s32 @!p0 $0x200, s17;
	[sflag:s7] =	ssyncadd.s32 $0xFFFFFC00  }
0x123: {  	[tilespmem:s19], [sflag:$0x1] =	stream.indirect.gather @!p0 [hbm4b:s1+s18], $0x80, s17, s18, $0xb8;
	[tilespmem:$0x14400] =	vst v63  }
0x124: {  	_ =	swait.ge [sflag:s13], $0x8000  }
0x125: {  	[sflag:s13] =	ssyncset.done $0x0  }
0x126: {  	[sflag:s13] =	ssyncadd.s32 $0xFFFF8000  }
0x127: {  	v8 =	vld [tilespmem:$0xC000]  }
0x128: {  	v11 =	vld [tilespmem:$0xC010]  }
0x129: {  	v4 =	vld [tilespmem:$0xC020]  }
0x12a: {  	v3 =	vld [tilespmem:$0xC030]  }
0x12b: {  	v2 =	vld [tilespmem:$0xC040]  }
0x12c: {  	v1 =	vld [tilespmem:$0xC050]  }
0x12d: {  	v0 =	vld [tilespmem:$0xC060]  }
0x12e: {  	s31 =	simm.s32 $0x0;
	v5 =	vld [tilespmem:$0xC070]  }
0x12f: {  	v10 =	vld [tilespmem:s31+$0xC0F0]  }
0x130: {  	v13 =	vld [tilespmem:s31+$0xC080]  }
0x131: {  	v14 =	vld [tilespmem:s31+$0xC090]  }
0x132: {  	v12 =	vld [tilespmem:s31+$0xC0A0]  }
0x133: {  	v9 =	vld [tilespmem:s31+$0xC0B0]  }
0x134: {  	v7 =	vld [tilespmem:s31+$0xC0C0]  }
0x135: {  	v6 =	vld [tilespmem:s31+$0xC0D0]  }
0x136: {  	s17 =	simm.s32 $0x80;
	s18 =	simm.s32 $0x400;
	v5 =	vmax.f32 v5, v10;
	v10 =	vmax.f32 v8, v13;
	v11 =	vmax.f32 v11, v14;
	v8 =	vld [tilespmem:s31+$0xC0E0]  }
.LBB2_19:
0x137: {  	p0 =	sne.s32 s18, $0x3C00;
	v13 =	vld [tilespmem:s17+$0xC0F0];
	v4 =	vmax.f32 v4, v12  }
0x138: {  	v14 =	vld [tilespmem:s17+$0xC080];
	v3 =	vmax.f32 v3, v9  }
0x139: {  	v15 =	vld [tilespmem:s17+$0xC090];
	v2 =	vmax.f32 v2, v7  }
.Ltmp8:
0x13a: {  	v12 =	vld [tilespmem:s17+$0xC0A0];
	v1 =	vmax.f32 v1, v6;
	(pc) =	sbr.rel @p0 .LBB2_19-.Ltmp8, $4  }
0x13b: {  	v9 =	vld [tilespmem:s17+$0xC0B0];
	v0 =	vmax.f32 v0, v8  }
0x13c: {  	v7 =	vld [tilespmem:s17+$0xC0C0];
	v5 =	vmax.f32 v5, v13  }
0x13d: {  	v10 =	vmax.f32 v10, v14;
	v6 =	vld [tilespmem:s17+$0xC0D0]  }
0x13e: {  	v11 =	vmax.f32 v11, v15;
	v8 =	vld [tilespmem:s17+$0xC0E0];
	s17 =	sshra.s32 s18, $0x2;
	s18 =	sadd.s32 $0x200, s18  }
0x13f: {  	v13 =	vld [tilespmem:s17+$0xC0F0]  }
0x140: {  	v14 =	vld [tilespmem:s17+$0xC080]  }
0x141: {  	v15 =	vld [tilespmem:s17+$0xC090]  }
0x142: {  	v16 =	vld [tilespmem:s17+$0xC0A0]  }
0x143: {  	v17 =	vld [tilespmem:s17+$0xC0B0]  }
0x144: {  	v18 =	vld [tilespmem:s17+$0xC0C0]  }
0x145: {  	v19 =	vld [tilespmem:s17+$0xC0D0]  }
0x146: {  	v7 =	vmax.f32 v2, v7;
	v2 =	vld [tilespmem:$0xD020];
	v10 =	vmax.f32 v10, v14  }
0x147: {  	v4 =	vmax.f32 v4, v12;
	v14 =	vld [tilespmem:s17+$0xC0E0];
	v11 =	vmax.f32 v11, v15;
	[tilespmem:$0x14000] =	vst v10  }
0x148: {  	v3 =	vmax.f32 v3, v9;
	v4 =	vmax.f32 v4, v16;
	v10 =	vld [tilespmem:$0xD000];
	[tilespmem:$0x14010] =	vst v11  }
0x149: {  	v1 =	vmax.f32 v1, v6;
	v3 =	vmax.f32 v3, v17;
	v11 =	vld [tilespmem:$0xD010];
	[tilespmem:$0x14020] =	vst v4  }
0x14a: {  	v1 =	vmax.f32 v1, v19;
	[tilespmem:$0x14030] =	vst v3;
	v3 =	vld [tilespmem:$0xD030]  }
0x14b: {  	v5 =	vmax.f32 v5, v13;
	[tilespmem:$0x14050] =	vst v1;
	v1 =	vld [tilespmem:$0xD050]  }
0x14c: {  	v0 =	vmax.f32 v0, v8;
	v4 =	vmax.f32 v7, v18;
	[tilespmem:$0x14070] =	vst v5;
	v5 =	vld [tilespmem:$0xD070]  }
0x14d: {  	[tilespmem:$0x14040] =	vst v4;
	v4 =	vld [tilespmem:$0xD040];
	v0 =	vmax.f32 v0, v14  }
0x14e: {  	s19 =	simm.s32 $0x0;
	[tilespmem:$0x14060] =	vst v0;
	v0 =	vld [tilespmem:$0xD060]  }
0x14f: {  	v8 =	vld [tilespmem:s19+$0xD0F0]  }
0x150: {  	v13 =	vld [tilespmem:s19+$0xD080]  }
0x151: {  	v14 =	vld [tilespmem:s19+$0xD090]  }
0x152: {  	v12 =	vld [tilespmem:s19+$0xD0A0]  }
0x153: {  	v9 =	vld [tilespmem:s19+$0xD0B0]  }
0x154: {  	v7 =	vld [tilespmem:s19+$0xD0C0]  }
0x155: {  	v6 =	vld [tilespmem:s19+$0xD0D0]  }
0x156: {  	s18 =	simm.s32 $0x400;
	s17 =	simm.s32 $0x80;
	v5 =	vmax.f32 v5, v8;
	v10 =	vmax.f32 v10, v13;
	v11 =	vmax.f32 v11, v14;
	v8 =	vld [tilespmem:s19+$0xD0E0]  }
.LBB2_21:
0x157: {  	p0 =	sne.s32 s18, $0x3C00;
	v13 =	vld [tilespmem:s17+$0xD0F0];
	v2 =	vmax.f32 v2, v12  }
0x158: {  	v14 =	vld [tilespmem:s17+$0xD080];
	v3 =	vmax.f32 v3, v9  }
0x159: {  	v15 =	vld [tilespmem:s17+$0xD090];
	v4 =	vmax.f32 v4, v7  }
.Ltmp9:
0x15a: {  	v12 =	vld [tilespmem:s17+$0xD0A0];
	v1 =	vmax.f32 v1, v6;
	(pc) =	sbr.rel @p0 .LBB2_21-.Ltmp9, $4  }
0x15b: {  	v9 =	vld [tilespmem:s17+$0xD0B0];
	v0 =	vmax.f32 v0, v8  }
0x15c: {  	v7 =	vld [tilespmem:s17+$0xD0C0];
	v5 =	vmax.f32 v5, v13  }
0x15d: {  	v10 =	vmax.f32 v10, v14;
	v6 =	vld [tilespmem:s17+$0xD0D0]  }
0x15e: {  	v11 =	vmax.f32 v11, v15;
	v8 =	vld [tilespmem:s17+$0xD0E0];
	s17 =	sshra.s32 s18, $0x2;
	s18 =	sadd.s32 $0x200, s18  }
0x15f: {  	v13 =	vld [tilespmem:s17+$0xD0F0]  }
0x160: {  	v14 =	vld [tilespmem:s17+$0xD080]  }
0x161: {  	v15 =	vld [tilespmem:s17+$0xD090]  }
0x162: {  	v16 =	vld [tilespmem:s17+$0xD0A0]  }
0x163: {  	v17 =	vld [tilespmem:s17+$0xD0B0]  }
0x164: {  	v18 =	vld [tilespmem:s17+$0xD0C0]  }
0x165: {  	v19 =	vld [tilespmem:s17+$0xD0D0]  }
0x166: {  	v10 =	vmax.f32 v10, v14;
	v14 =	vld [tilespmem:s17+$0xD0E0]  }
0x167: {  	v2 =	vmax.f32 v2, v12;
	v11 =	vmax.f32 v11, v15;
	[tilespmem:$0x14080] =	vst v10;
	v10 =	vld [tilespmem:$0xE000]  }
0x168: {  	v3 =	vmax.f32 v3, v9;
	v2 =	vmax.f32 v2, v16;
	[tilespmem:$0x14090] =	vst v11;
	v11 =	vld [tilespmem:$0xE010]  }
0x169: {  	v4 =	vmax.f32 v4, v7;
	v3 =	vmax.f32 v3, v17;
	[tilespmem:$0x140A0] =	vst v2;
	v2 =	vld [tilespmem:$0xE020]  }
0x16a: {  	v1 =	vmax.f32 v1, v6;
	v4 =	vmax.f32 v4, v18;
	[tilespmem:$0x140B0] =	vst v3;
	v3 =	vld [tilespmem:$0xE030]  }
0x16b: {  	v1 =	vmax.f32 v1, v19;
	[tilespmem:$0x140C0] =	vst v4;
	v4 =	vld [tilespmem:$0xE040]  }
0x16c: {  	v0 =	vmax.f32 v0, v8;
	v5 =	vmax.f32 v5, v13;
	[tilespmem:$0x140D0] =	vst v1;
	v1 =	vld [tilespmem:$0xE050]  }
0x16d: {  	[tilespmem:$0x140F0] =	vst v5;
	v5 =	vld [tilespmem:$0xE070];
	v0 =	vmax.f32 v0, v14  }
0x16e: {  	s19 =	simm.s32 $0x0;
	[tilespmem:$0x140E0] =	vst v0;
	v0 =	vld [tilespmem:$0xE060]  }
0x16f: {  	v8 =	vld [tilespmem:s19+$0xE0F0]  }
0x170: {  	v13 =	vld [tilespmem:s19+$0xE080]  }
0x171: {  	v14 =	vld [tilespmem:s19+$0xE090]  }
0x172: {  	v12 =	vld [tilespmem:s19+$0xE0A0]  }
0x173: {  	v9 =	vld [tilespmem:s19+$0xE0B0]  }
0x174: {  	v7 =	vld [tilespmem:s19+$0xE0C0]  }
0x175: {  	v6 =	vld [tilespmem:s19+$0xE0D0]  }
0x176: {  	s18 =	simm.s32 $0x400;
	s17 =	simm.s32 $0x80;
	v5 =	vmax.f32 v5, v8;
	v10 =	vmax.f32 v10, v13;
	v11 =	vmax.f32 v11, v14;
	v8 =	vld [tilespmem:s19+$0xE0E0]  }
.LBB2_23:
0x177: {  	p0 =	sne.s32 s18, $0x3C00;
	v13 =	vld [tilespmem:s17+$0xE0F0];
	v2 =	vmax.f32 v2, v12  }
0x178: {  	v14 =	vld [tilespmem:s17+$0xE080];
	v3 =	vmax.f32 v3, v9  }
0x179: {  	v15 =	vld [tilespmem:s17+$0xE090];
	v4 =	vmax.f32 v4, v7  }
.Ltmp10:
0x17a: {  	v12 =	vld [tilespmem:s17+$0xE0A0];
	v1 =	vmax.f32 v1, v6;
	(pc) =	sbr.rel @p0 .LBB2_23-.Ltmp10, $4  }
0x17b: {  	v9 =	vld [tilespmem:s17+$0xE0B0];
	v0 =	vmax.f32 v0, v8  }
0x17c: {  	v7 =	vld [tilespmem:s17+$0xE0C0];
	v5 =	vmax.f32 v5, v13  }
0x17d: {  	v10 =	vmax.f32 v10, v14;
	v6 =	vld [tilespmem:s17+$0xE0D0]  }
0x17e: {  	v11 =	vmax.f32 v11, v15;
	v8 =	vld [tilespmem:s17+$0xE0E0];
	s17 =	sshra.s32 s18, $0x2;
	s18 =	sadd.s32 $0x200, s18  }
0x17f: {  	v13 =	vld [tilespmem:s17+$0xE0F0]  }
0x180: {  	v14 =	vld [tilespmem:s17+$0xE080]  }
0x181: {  	v15 =	vld [tilespmem:s17+$0xE090]  }
0x182: {  	v16 =	vld [tilespmem:s17+$0xE0A0]  }
0x183: {  	v17 =	vld [tilespmem:s17+$0xE0B0]  }
0x184: {  	v18 =	vld [tilespmem:s17+$0xE0C0]  }
0x185: {  	v19 =	vld [tilespmem:s17+$0xE0D0]  }
0x186: {  	v10 =	vmax.f32 v10, v14;
	v14 =	vld [tilespmem:s17+$0xE0E0]  }
0x187: {  	v2 =	vmax.f32 v2, v12;
	v11 =	vmax.f32 v11, v15;
	[tilespmem:$0x14100] =	vst v10;
	v10 =	vld [tilespmem:$0xF000]  }
0x188: {  	v3 =	vmax.f32 v3, v9;
	v2 =	vmax.f32 v2, v16;
	[tilespmem:$0x14110] =	vst v11;
	v11 =	vld [tilespmem:$0xF010]  }
0x189: {  	v4 =	vmax.f32 v4, v7;
	v3 =	vmax.f32 v3, v17;
	[tilespmem:$0x14120] =	vst v2;
	v2 =	vld [tilespmem:$0xF020]  }
0x18a: {  	v1 =	vmax.f32 v1, v6;
	v4 =	vmax.f32 v4, v18;
	[tilespmem:$0x14130] =	vst v3;
	v3 =	vld [tilespmem:$0xF030]  }
0x18b: {  	v1 =	vmax.f32 v1, v19;
	[tilespmem:$0x14140] =	vst v4;
	v4 =	vld [tilespmem:$0xF040]  }
0x18c: {  	v0 =	vmax.f32 v0, v8;
	v5 =	vmax.f32 v5, v13;
	[tilespmem:$0x14150] =	vst v1;
	v1 =	vld [tilespmem:$0xF050]  }
0x18d: {  	[tilespmem:$0x14170] =	vst v5;
	v5 =	vld [tilespmem:$0xF070];
	v0 =	vmax.f32 v0, v14  }
0x18e: {  	s19 =	simm.s32 $0x0;
	[tilespmem:$0x14160] =	vst v0;
	v0 =	vld [tilespmem:$0xF060]  }
0x18f: {  	v8 =	vld [tilespmem:s19+$0xF0F0]  }
0x190: {  	v13 =	vld [tilespmem:s19+$0xF080]  }
0x191: {  	v14 =	vld [tilespmem:s19+$0xF090]  }
0x192: {  	v12 =	vld [tilespmem:s19+$0xF0A0]  }
0x193: {  	v9 =	vld [tilespmem:s19+$0xF0B0]  }
0x194: {  	v7 =	vld [tilespmem:s19+$0xF0C0]  }
0x195: {  	v6 =	vld [tilespmem:s19+$0xF0D0]  }
0x196: {  	s18 =	simm.s32 $0x400;
	s17 =	simm.s32 $0x80;
	v5 =	vmax.f32 v5, v8;
	v10 =	vmax.f32 v10, v13;
	v11 =	vmax.f32 v11, v14;
	v8 =	vld [tilespmem:s19+$0xF0E0]  }
.LBB2_25:
0x197: {  	p0 =	sne.s32 s18, $0x3C00;
	v13 =	vld [tilespmem:s17+$0xF0F0];
	v2 =	vmax.f32 v2, v12  }
0x198: {  	v14 =	vld [tilespmem:s17+$0xF080];
	v3 =	vmax.f32 v3, v9  }
0x199: {  	v15 =	vld [tilespmem:s17+$0xF090];
	v4 =	vmax.f32 v4, v7  }
.Ltmp11:
0x19a: {  	v12 =	vld [tilespmem:s17+$0xF0A0];
	v1 =	vmax.f32 v1, v6;
	(pc) =	sbr.rel @p0 .LBB2_25-.Ltmp11, $4  }
0x19b: {  	v9 =	vld [tilespmem:s17+$0xF0B0];
	v0 =	vmax.f32 v0, v8  }
0x19c: {  	v7 =	vld [tilespmem:s17+$0xF0C0];
	v5 =	vmax.f32 v5, v13  }
0x19d: {  	v10 =	vmax.f32 v10, v14;
	v6 =	vld [tilespmem:s17+$0xF0D0]  }
0x19e: {  	v11 =	vmax.f32 v11, v15;
	v8 =	vld [tilespmem:s17+$0xF0E0];
	s17 =	sshra.s32 s18, $0x2;
	s18 =	sadd.s32 $0x200, s18  }
0x19f: {  	v13 =	vld [tilespmem:s17+$0xF0F0]  }
0x1a0: {  	v14 =	vld [tilespmem:s17+$0xF080]  }
0x1a1: {  	v15 =	vld [tilespmem:s17+$0xF090]  }
0x1a2: {  	v16 =	vld [tilespmem:s17+$0xF0A0]  }
0x1a3: {  	v17 =	vld [tilespmem:s17+$0xF0B0]  }
0x1a4: {  	v18 =	vld [tilespmem:s17+$0xF0C0]  }
0x1a5: {  	v19 =	vld [tilespmem:s17+$0xF0D0]  }
0x1a6: {  	v10 =	vmax.f32 v10, v14;
	v14 =	vld [tilespmem:s17+$0xF0E0]  }
0x1a7: {  	v2 =	vmax.f32 v2, v12;
	v11 =	vmax.f32 v11, v15;
	[tilespmem:$0x14180] =	vst v10;
	v10 =	vld [tilespmem:$0x10000]  }
0x1a8: {  	v3 =	vmax.f32 v3, v9;
	v2 =	vmax.f32 v2, v16;
	[tilespmem:$0x14190] =	vst v11;
	v11 =	vld [tilespmem:$0x10010]  }
0x1a9: {  	v4 =	vmax.f32 v4, v7;
	v3 =	vmax.f32 v3, v17;
	[tilespmem:$0x141A0] =	vst v2;
	v2 =	vld [tilespmem:$0x10020]  }
0x1aa: {  	v1 =	vmax.f32 v1, v6;
	v4 =	vmax.f32 v4, v18;
	[tilespmem:$0x141B0] =	vst v3;
	v3 =	vld [tilespmem:$0x10030]  }
0x1ab: {  	v1 =	vmax.f32 v1, v19;
	[tilespmem:$0x141C0] =	vst v4;
	v4 =	vld [tilespmem:$0x10040]  }
0x1ac: {  	v0 =	vmax.f32 v0, v8;
	v5 =	vmax.f32 v5, v13;
	[tilespmem:$0x141D0] =	vst v1;
	v1 =	vld [tilespmem:$0x10050]  }
0x1ad: {  	[tilespmem:$0x141F0] =	vst v5;
	v5 =	vld [tilespmem:$0x10070];
	v0 =	vmax.f32 v0, v14  }
0x1ae: {  	s19 =	simm.s32 $0x0;
	[tilespmem:$0x141E0] =	vst v0;
	v0 =	vld [tilespmem:$0x10060]  }
0x1af: {  	v8 =	vld [tilespmem:s19+$0x100F0]  }
0x1b0: {  	v13 =	vld [tilespmem:s19+$0x10080]  }
0x1b1: {  	v14 =	vld [tilespmem:s19+$0x10090]  }
0x1b2: {  	v12 =	vld [tilespmem:s19+$0x100A0]  }
0x1b3: {  	v9 =	vld [tilespmem:s19+$0x100B0]  }
0x1b4: {  	v7 =	vld [tilespmem:s19+$0x100C0]  }
0x1b5: {  	v6 =	vld [tilespmem:s19+$0x100D0]  }
0x1b6: {  	s18 =	simm.s32 $0x400;
	s17 =	simm.s32 $0x80;
	v5 =	vmax.f32 v5, v8;
	v10 =	vmax.f32 v10, v13;
	v11 =	vmax.f32 v11, v14;
	v8 =	vld [tilespmem:s19+$0x100E0]  }
.LBB2_27:
0x1b7: {  	p0 =	sne.s32 s18, $0x3C00;
	v13 =	vld [tilespmem:s17+$0x100F0];
	v2 =	vmax.f32 v2, v12  }
0x1b8: {  	v14 =	vld [tilespmem:s17+$0x10080];
	v3 =	vmax.f32 v3, v9  }
0x1b9: {  	v15 =	vld [tilespmem:s17+$0x10090];
	v4 =	vmax.f32 v4, v7  }
.Ltmp12:
0x1ba: {  	v12 =	vld [tilespmem:s17+$0x100A0];
	v1 =	vmax.f32 v1, v6;
	(pc) =	sbr.rel @p0 .LBB2_27-.Ltmp12, $4  }
0x1bb: {  	v9 =	vld [tilespmem:s17+$0x100B0];
	v0 =	vmax.f32 v0, v8  }
0x1bc: {  	v7 =	vld [tilespmem:s17+$0x100C0];
	v5 =	vmax.f32 v5, v13  }
0x1bd: {  	v10 =	vmax.f32 v10, v14;
	v6 =	vld [tilespmem:s17+$0x100D0]  }
0x1be: {  	v11 =	vmax.f32 v11, v15;
	v8 =	vld [tilespmem:s17+$0x100E0];
	s17 =	sshra.s32 s18, $0x2;
	s18 =	sadd.s32 $0x200, s18  }
0x1bf: {  	v13 =	vld [tilespmem:s17+$0x100F0]  }
0x1c0: {  	v14 =	vld [tilespmem:s17+$0x10080]  }
0x1c1: {  	v15 =	vld [tilespmem:s17+$0x10090]  }
0x1c2: {  	v16 =	vld [tilespmem:s17+$0x100A0]  }
0x1c3: {  	v17 =	vld [tilespmem:s17+$0x100B0]  }
0x1c4: {  	v18 =	vld [tilespmem:s17+$0x100C0]  }
0x1c5: {  	v19 =	vld [tilespmem:s17+$0x100D0]  }
0x1c6: {  	v10 =	vmax.f32 v10, v14;
	v14 =	vld [tilespmem:s17+$0x100E0]  }
0x1c7: {  	v2 =	vmax.f32 v2, v12;
	v11 =	vmax.f32 v11, v15;
	[tilespmem:$0x14200] =	vst v10;
	v10 =	vld [tilespmem:$0x11000]  }
0x1c8: {  	v3 =	vmax.f32 v3, v9;
	v2 =	vmax.f32 v2, v16;
	[tilespmem:$0x14210] =	vst v11;
	v11 =	vld [tilespmem:$0x11010]  }
0x1c9: {  	v4 =	vmax.f32 v4, v7;
	v3 =	vmax.f32 v3, v17;
	[tilespmem:$0x14220] =	vst v2;
	v2 =	vld [tilespmem:$0x11020]  }
0x1ca: {  	v1 =	vmax.f32 v1, v6;
	v4 =	vmax.f32 v4, v18;
	[tilespmem:$0x14230] =	vst v3;
	v3 =	vld [tilespmem:$0x11030]  }
0x1cb: {  	v1 =	vmax.f32 v1, v19;
	[tilespmem:$0x14240] =	vst v4;
	v4 =	vld [tilespmem:$0x11040]  }
0x1cc: {  	v0 =	vmax.f32 v0, v8;
	v5 =	vmax.f32 v5, v13;
	[tilespmem:$0x14250] =	vst v1;
	v1 =	vld [tilespmem:$0x11050]  }
0x1cd: {  	[tilespmem:$0x14270] =	vst v5;
	v5 =	vld [tilespmem:$0x11070];
	v0 =	vmax.f32 v0, v14  }
0x1ce: {  	s19 =	simm.s32 $0x0;
	[tilespmem:$0x14260] =	vst v0;
	v0 =	vld [tilespmem:$0x11060]  }
0x1cf: {  	v8 =	vld [tilespmem:s19+$0x110F0]  }
0x1d0: {  	v13 =	vld [tilespmem:s19+$0x11080]  }
0x1d1: {  	v14 =	vld [tilespmem:s19+$0x11090]  }
0x1d2: {  	v12 =	vld [tilespmem:s19+$0x110A0]  }
0x1d3: {  	v9 =	vld [tilespmem:s19+$0x110B0]  }
0x1d4: {  	v7 =	vld [tilespmem:s19+$0x110C0]  }
0x1d5: {  	v6 =	vld [tilespmem:s19+$0x110D0]  }
0x1d6: {  	s18 =	simm.s32 $0x400;
	s17 =	simm.s32 $0x80;
	v5 =	vmax.f32 v5, v8;
	v10 =	vmax.f32 v10, v13;
	v11 =	vmax.f32 v11, v14;
	v8 =	vld [tilespmem:s19+$0x110E0]  }
.LBB2_29:
0x1d7: {  	p0 =	sne.s32 s18, $0x3C00;
	v13 =	vld [tilespmem:s17+$0x110F0];
	v2 =	vmax.f32 v2, v12  }
0x1d8: {  	v14 =	vld [tilespmem:s17+$0x11080];
	v3 =	vmax.f32 v3, v9  }
0x1d9: {  	v15 =	vld [tilespmem:s17+$0x11090];
	v4 =	vmax.f32 v4, v7  }
.Ltmp13:
0x1da: {  	v12 =	vld [tilespmem:s17+$0x110A0];
	v1 =	vmax.f32 v1, v6;
	(pc) =	sbr.rel @p0 .LBB2_29-.Ltmp13, $4  }
0x1db: {  	v9 =	vld [tilespmem:s17+$0x110B0];
	v0 =	vmax.f32 v0, v8  }
0x1dc: {  	v7 =	vld [tilespmem:s17+$0x110C0];
	v5 =	vmax.f32 v5, v13  }
0x1dd: {  	v10 =	vmax.f32 v10, v14;
	v6 =	vld [tilespmem:s17+$0x110D0]  }
0x1de: {  	v11 =	vmax.f32 v11, v15;
	v8 =	vld [tilespmem:s17+$0x110E0];
	s17 =	sshra.s32 s18, $0x2;
	s18 =	sadd.s32 $0x200, s18  }
0x1df: {  	v13 =	vld [tilespmem:s17+$0x110F0]  }
0x1e0: {  	v14 =	vld [tilespmem:s17+$0x11080]  }
0x1e1: {  	v15 =	vld [tilespmem:s17+$0x11090]  }
0x1e2: {  	v16 =	vld [tilespmem:s17+$0x110A0]  }
0x1e3: {  	v17 =	vld [tilespmem:s17+$0x110B0]  }
0x1e4: {  	v18 =	vld [tilespmem:s17+$0x110C0]  }
0x1e5: {  	v19 =	vld [tilespmem:s17+$0x110D0]  }
0x1e6: {  	v10 =	vmax.f32 v10, v14;
	v14 =	vld [tilespmem:s17+$0x110E0]  }
0x1e7: {  	v2 =	vmax.f32 v2, v12;
	v11 =	vmax.f32 v11, v15;
	[tilespmem:$0x14280] =	vst v10;
	v10 =	vld [tilespmem:$0x12000]  }
0x1e8: {  	v3 =	vmax.f32 v3, v9;
	v2 =	vmax.f32 v2, v16;
	[tilespmem:$0x14290] =	vst v11;
	v11 =	vld [tilespmem:$0x12010]  }
0x1e9: {  	v4 =	vmax.f32 v4, v7;
	v3 =	vmax.f32 v3, v17;
	[tilespmem:$0x142A0] =	vst v2;
	v2 =	vld [tilespmem:$0x12020]  }
0x1ea: {  	v1 =	vmax.f32 v1, v6;
	v4 =	vmax.f32 v4, v18;
	[tilespmem:$0x142B0] =	vst v3;
	v3 =	vld [tilespmem:$0x12030]  }
0x1eb: {  	v1 =	vmax.f32 v1, v19;
	[tilespmem:$0x142C0] =	vst v4;
	v4 =	vld [tilespmem:$0x12040]  }
0x1ec: {  	v0 =	vmax.f32 v0, v8;
	v5 =	vmax.f32 v5, v13;
	[tilespmem:$0x142D0] =	vst v1;
	v1 =	vld [tilespmem:$0x12050]  }
0x1ed: {  	[tilespmem:$0x142F0] =	vst v5;
	v5 =	vld [tilespmem:$0x12070];
	v0 =	vmax.f32 v0, v14  }
0x1ee: {  	s19 =	simm.s32 $0x0;
	[tilespmem:$0x142E0] =	vst v0;
	v0 =	vld [tilespmem:$0x12060]  }
0x1ef: {  	v8 =	vld [tilespmem:s19+$0x120F0]  }
0x1f0: {  	v13 =	vld [tilespmem:s19+$0x12080]  }
0x1f1: {  	v14 =	vld [tilespmem:s19+$0x12090]  }
0x1f2: {  	v12 =	vld [tilespmem:s19+$0x120A0]  }
0x1f3: {  	v9 =	vld [tilespmem:s19+$0x120B0]  }
0x1f4: {  	v7 =	vld [tilespmem:s19+$0x120C0]  }
0x1f5: {  	v6 =	vld [tilespmem:s19+$0x120D0]  }
0x1f6: {  	s18 =	simm.s32 $0x400;
	s17 =	simm.s32 $0x80;
	v5 =	vmax.f32 v5, v8;
	v10 =	vmax.f32 v10, v13;
	v11 =	vmax.f32 v11, v14;
	v8 =	vld [tilespmem:s19+$0x120E0]  }
.LBB2_31:
0x1f7: {  	p0 =	sne.s32 s18, $0x3C00;
	v13 =	vld [tilespmem:s17+$0x120F0];
	v2 =	vmax.f32 v2, v12  }
0x1f8: {  	v14 =	vld [tilespmem:s17+$0x12080];
	v3 =	vmax.f32 v3, v9  }
0x1f9: {  	v15 =	vld [tilespmem:s17+$0x12090];
	v4 =	vmax.f32 v4, v7  }
.Ltmp14:
0x1fa: {  	v12 =	vld [tilespmem:s17+$0x120A0];
	v1 =	vmax.f32 v1, v6;
	(pc) =	sbr.rel @p0 .LBB2_31-.Ltmp14, $4  }
0x1fb: {  	v9 =	vld [tilespmem:s17+$0x120B0];
	v0 =	vmax.f32 v0, v8  }
0x1fc: {  	v7 =	vld [tilespmem:s17+$0x120C0];
	v5 =	vmax.f32 v5, v13  }
0x1fd: {  	v10 =	vmax.f32 v10, v14;
	v6 =	vld [tilespmem:s17+$0x120D0]  }
0x1fe: {  	v11 =	vmax.f32 v11, v15;
	v8 =	vld [tilespmem:s17+$0x120E0];
	s17 =	sshra.s32 s18, $0x2;
	s18 =	sadd.s32 $0x200, s18  }
0x1ff: {  	v13 =	vld [tilespmem:s17+$0x120F0]  }
0x200: {  	v14 =	vld [tilespmem:s17+$0x12080]  }
0x201: {  	v15 =	vld [tilespmem:s17+$0x12090]  }
0x202: {  	v16 =	vld [tilespmem:s17+$0x120A0]  }
0x203: {  	v17 =	vld [tilespmem:s17+$0x120B0]  }
0x204: {  	v18 =	vld [tilespmem:s17+$0x120C0]  }
0x205: {  	v19 =	vld [tilespmem:s17+$0x120D0]  }
0x206: {  	v3 =	vmax.f32 v3, v9;
	v9 =	vld [tilespmem:$0x13010];
	v10 =	vmax.f32 v10, v14  }
0x207: {  	v2 =	vmax.f32 v2, v12;
	v14 =	vld [tilespmem:s17+$0x120E0];
	v11 =	vmax.f32 v11, v15;
	[tilespmem:$0x14300] =	vst v10  }
0x208: {  	v6 =	vmax.f32 v1, v6;
	v1 =	vld [tilespmem:$0x13030];
	v2 =	vmax.f32 v2, v16;
	[tilespmem:$0x14310] =	vst v11  }
0x209: {  	v4 =	vmax.f32 v4, v7;
	v3 =	vmax.f32 v3, v17;
	v10 =	vld [tilespmem:$0x13000];
	[tilespmem:$0x14320] =	vst v2  }
0x20a: {  	v4 =	vmax.f32 v4, v18;
	v2 =	vld [tilespmem:$0x13020];
	[tilespmem:$0x14330] =	vst v3  }
0x20b: {  	v5 =	vmax.f32 v5, v13;
	v3 =	vmax.f32 v0, v8;
	[tilespmem:$0x14340] =	vst v4;
	v0 =	vld [tilespmem:$0x13040]  }
0x20c: {  	v6 =	vmax.f32 v6, v19;
	[tilespmem:$0x14370] =	vst v5;
	v5 =	vld [tilespmem:$0x13070]  }
0x20d: {  	[tilespmem:$0x14350] =	vst v6;
	v4 =	vmax.f32 v3, v14;
	v3 =	vld [tilespmem:$0x13050]  }
0x20e: {  	s19 =	simm.s32 $0x0;
	[tilespmem:$0x14360] =	vst v4;
	v4 =	vld [tilespmem:$0x13060]  }
0x20f: {  	v11 =	vld [tilespmem:s19+$0x130F0]  }
0x210: {  	v13 =	vld [tilespmem:s19+$0x13080]  }
0x211: {  	v14 =	vld [tilespmem:s19+$0x13090]  }
0x212: {  	v12 =	vld [tilespmem:s19+$0x130A0]  }
0x213: {  	v8 =	vld [tilespmem:s19+$0x130B0]  }
0x214: {  	v7 =	vld [tilespmem:s19+$0x130C0]  }
0x215: {  	v6 =	vld [tilespmem:s19+$0x130D0]  }
0x216: {  	s18 =	simm.s32 $0x400;
	s17 =	simm.s32 $0x80;
	v5 =	vmax.f32 v5, v11;
	v10 =	vmax.f32 v10, v13;
	v11 =	vmax.f32 v9, v14;
	v9 =	vld [tilespmem:s19+$0x130E0]  }
.LBB2_33:
0x217: {  	p0 =	sne.s32 s18, $0x3C00;
	v13 =	vld [tilespmem:s17+$0x130F0];
	v2 =	vmax.f32 v2, v12  }
0x218: {  	v14 =	vld [tilespmem:s17+$0x13080];
	v1 =	vmax.f32 v1, v8  }
0x219: {  	v15 =	vld [tilespmem:s17+$0x13090];
	v0 =	vmax.f32 v0, v7  }
.Ltmp15:
0x21a: {  	v12 =	vld [tilespmem:s17+$0x130A0];
	v3 =	vmax.f32 v3, v6;
	(pc) =	sbr.rel @p0 .LBB2_33-.Ltmp15, $4  }
0x21b: {  	v8 =	vld [tilespmem:s17+$0x130B0];
	v4 =	vmax.f32 v4, v9  }
0x21c: {  	v7 =	vld [tilespmem:s17+$0x130C0];
	v5 =	vmax.f32 v5, v13  }
0x21d: {  	v10 =	vmax.f32 v10, v14;
	v6 =	vld [tilespmem:s17+$0x130D0]  }
0x21e: {  	v11 =	vmax.f32 v11, v15;
	v9 =	vld [tilespmem:s17+$0x130E0];
	s17 =	sshra.s32 s18, $0x2;
	s18 =	sadd.s32 $0x200, s18  }
0x21f: {  	v13 =	vld [tilespmem:s17+$0x130F0]  }
0x220: {  	v14 =	vld [tilespmem:s17+$0x13080]  }
0x221: {  	v15 =	vld [tilespmem:s17+$0x13090]  }
0x222: {  	v16 =	vld [tilespmem:s17+$0x130A0]  }
0x223: {  	v17 =	vld [tilespmem:s17+$0x130B0]  }
0x224: {  	v18 =	vld [tilespmem:s17+$0x130C0]  }
0x225: {  	v59 =	vld [tilespmem:s17+$0x130E0];
	v10 =	vmax.f32 v10, v14  }
0x226: {  	v19 =	vld [tilespmem:s17+$0x130D0];
	v2 =	vmax.f32 v2, v12;
	v11 =	vmax.f32 v11, v15;
	[tilespmem:$0x14380] =	vst v10  }
0x227: {  	v1 =	vmax.f32 v1, v8;
	v2 =	vmax.f32 v2, v16;
	[tilespmem:$0x14390] =	vst v11  }
0x228: {  	v0 =	vmax.f32 v0, v7;
	v1 =	vmax.f32 v1, v17;
	[tilespmem:$0x143A0] =	vst v2  }
0x229: {  	v61 =	vmax.f32 v4, v9;
	v0 =	vmax.f32 v0, v18;
	[tilespmem:$0x143B0] =	vst v1  }
0x22a: {  	v62 =	vmax.f32 v61, v59;
	[tilespmem:$0x143C0] =	vst v0  }
0x22b: {  	s15 =	sadd.s32 $0x1, s15;
	v60 =	vmax.f32 v3, v6;
	v63 =	vmax.f32 v5, v13;
	[tilespmem:$0x143E0] =	vst v62  }
0x22c: {  	s16 =	sshll.u32 s16, $0x7;
	p0 =	sne.s32 s15, $0x20;
	v2 =	vmax.f32 v60, v19;
	[tilespmem:$0x143F0] =	vst v63  }
.Ltmp16:
0x22d: {  	s16 =	sadd.s32 s16, s5;
	[tilespmem:$0x143D0] =	vst v2;
	(pc) =	sbr.rel @p0 .LBB2_2-.Ltmp16, $4  }
0x22e: {  	[hbm4b:s16+s3] =	stream.linear.scatter [tilespmem:s12], [sflag:$0x3], $0x400, $0x38;
	[tilespmem:$0x14400] =	vst v63  }
0x22f: {  	_ =	swait.ge [sflag:s7], $0x400  }
0x230: {  	[sflag:s7] =	ssyncset.done $0x0  }
0x231: {  	[sflag:s7] =	ssyncadd.s32 $0xFFFFFC00  }
0x232: {  	s14 =	sadd.s32 $0x1, s14  }
0x233: {  	p0 =	sne.s32 s14, s6  }
.Ltmp17:
0x234: {  	_ = 	snop;
	(pc) =	sbr.rel @p0 .LBB2_1-.Ltmp17, $1  }
0x235: {  	_ =	sdelay $0x3  }
0x236: {  	_ =	sfence.sel $0x180000  }
0x237: {  	[bflag:$0x0] =	sbarrier.arrive $0xFFFF  }
0x238: {  	p0 =	sne.s32 s2, $0x0;
	_ =	strace $0x90000047  }
0x239: {  	s0 =	sadd.s32 @!p0 $0x100000, s0;
	[bflag:$0x2] =	sbarrier.arrive $0xFFFF  }
0x23a: {  	[sflag:s0] =	ssyncadd.tile.s32 @!p0 $0x1;
	_ =	shalt  }
.Lfunc_end2:
_tile_overlayer_lowered:
.L_overlay_start_2:
0x23b: {  	(tag) =	ssettag $0x2  }
0x23c: {  	s0 =	rddreg [dreg:$0x0];
	s2 =	stileid.u32  }
0x23d: {  	s1 =	rddreg [dreg:$0x1];
	p0 =	sne.s32 s2, $0x0  }
0x23e: {  	s3 =	rddreg [dreg:$0x2];
	[bflag:$0x3] =	sbarrier.arrive $0xFFFF;
	s2 =	simm.s32 @!p0 $0x1C03  }
0x23f: {  	[timem:s3], [sflag:s2] =	dma.local @!p0 [hbm:s0], s1  }
0x240: {  	s0 =	simm.s32 @!p0 $0x3  }
0x241: {  	_ =	swait.ge @!p0 [sflag:s0], s1  }
0x242: {  	s1 =	ssub.s32 @!p0 $0x0, s1;
	[sflag:s0] =	ssyncset.done @!p0 $0x0  }
0x243: {  	[sflag:s0] =	ssyncadd.s32 @!p0 s1  }
0x244: {  	[bflag:$0x3] =	sbarrier.arrive $0xFFFF  }
0x245: {  	_ =	shalt  }

</sc_bundles>
